<compile_context>
chip_gen: v7x
topology: tpu7x:2x2x1
jax: 0.10.2.dev20260603
libtpu: 0.0.44.dev20260713+nightly
codegen_flags: <defaults>
</compile_context>

<pallas_src>
import functools

import jax
import jax.numpy as jnp
from jax import lax
from jax.experimental import pallas as pl
from jax.experimental.pallas import tpu as pltpu
from jax.experimental.pallas import tpu_sc as plsc

N = 10000
E = 320000
D = 128
B = 4096
L = 3
NC = 2
NS = 16
NW = NC * NS
CHUNK = 128
NCHT = E // CHUNK
NCH = 78
NRING = 3
RPT = 640
N_ACC = NS * RPT
NBUF = 2

_MESH = plsc.VectorSubcoreMesh(core_axis_name="c", subcore_axis_name="s")


def _make_edge_pass(compute_deg):
  out_type = [jax.ShapeDtypeStruct((NC, N_ACC, D), jnp.float32)]
  if compute_deg:
    out_type.append(jax.ShapeDtypeStruct((NC * N_ACC,), jnp.float32))
  scratch = [
      pltpu.VMEM((NRING, 2, CHUNK), jnp.int32),
      pltpu.VMEM((NBUF, CHUNK, D), jnp.float32),
      pltpu.VMEM((CHUNK,), jnp.float32),
      pltpu.VMEM((RPT,), jnp.float32),
      pltpu.VMEM_SHARED((N_ACC, D), jnp.float32),
      pltpu.VMEM_SHARED((N_ACC,), jnp.float32),
  ] + [pltpu.SemaphoreType.DMA] * (2 * NBUF + 2 * NRING)

  @functools.partial(
      pl.kernel,
      out_type=tuple(out_type) if compute_deg else out_type[0],
      mesh=_MESH,
      scratch_types=scratch,
  )
  def edge_pass(graph, x, zrows, *rest):
    if compute_deg:
      (acc_out, deg_out, pidx_v, rows_v, ones_v, deg_v, acc_sh,
       deg_sh, *sems) = rest
    else:
      (acc_out, pidx_v, rows_v, ones_v, deg_v, acc_sh,
       deg_sh, *sems) = rest
    gsems, ssems = sems[:NBUF], sems[NBUF:2 * NBUF]
    isems = sems[2 * NBUF:2 * NBUF + NRING]
    dsems = sems[2 * NBUF + NRING:]
    cid = lax.axis_index("c")
    sid = lax.axis_index("s")
    wid = cid * NS + sid

    pltpu.sync_copy(zrows, acc_sh.at[pl.ds(sid * RPT, RPT)])
    if compute_deg:
      for j in range(RPT // 16):
        deg_v[pl.ds(j * 16, 16)] = jnp.zeros((16,), jnp.float32)
      pltpu.sync_copy(deg_v, deg_sh.at[pl.ds(sid * RPT, RPT)])
      for j in range(CHUNK // 16):
        ones_v[pl.ds(j * 16, 16)] = jnp.ones((16,), jnp.float32)
    sc = (625 * wid) // 8
    cnt = (625 * (wid + 1)) // 8 - sc
    plsc.subcore_barrier()

    def stage(i, s):
      c = pl.multiple_of((sc + i) * CHUNK, CHUNK)
      return pltpu.make_async_copy(graph.at[:, pl.ds(c, CHUNK)],
                                   pidx_v.at[s], isems[s])

    def gather(s, rb):
      return pltpu.make_async_copy(x.at[pidx_v.at[s, 0]],
                                   rows_v.at[rb], gsems[rb])

    def scatter(s, rb):
      return pltpu.make_async_copy(rows_v.at[rb],
                                   acc_sh.at[pidx_v.at[s, 1]],
                                   ssems[rb])

    def deg_add(s):
      return pltpu.make_async_copy(ones_v, deg_sh.at[pidx_v.at[s, 1]],
                                   dsems[s])

    for s in range(NRING):
      stage(s, s).start()
    for b in range(NBUF):
      stage(b, b).wait()
      gather(b, b).start()
    if compute_deg:
      deg_add(0).start(add=True)

    def body(g, carry):
      for b in range(6):
        j = g * 6 + b
        rb = b % 2
        ib = b % 3
        gather(ib, rb).wait()
        scatter(ib, rb).start(add=True)
        if compute_deg:
          @pl.when(j + 1 < NCH)
          def _():
            deg_add((b + 1) % 3).start(add=True)

        @pl.when(j + 2 < NCH)
        def _():
          scatter(ib, rb).wait()
          stage(j + 2, (b + 2) % 3).wait()
          gather((b + 2) % 3, rb).start()

        @pl.when(j + 3 < NCH)
        def _():
          if compute_deg:
            deg_add(ib).wait()
          stage(j + 3, ib).start()
      return carry

    lax.fori_loop(0, NCH // 6, body, 0)
    for t in range(NBUF):
      j = NCH - NBUF + t
      scatter(j % 3, j % 2).wait()
    if compute_deg:
      for j in range(NCH - 3, NCH):
        deg_add(j % 3).wait()

    @pl.when(cnt > NCH)
    def _():
      stage(NCH, 0).start()
      stage(NCH, 0).wait()
      gather(0, 0).start()
      gather(0, 0).wait()
      pltpu.sync_copy(rows_v.at[0], acc_sh.at[pidx_v.at[0, 1]], add=True)
      if compute_deg:
        pltpu.sync_copy(ones_v, deg_sh.at[pidx_v.at[0, 1]], add=True)

    plsc.subcore_barrier()

    pltpu.sync_copy(acc_sh.at[pl.ds(sid * RPT, RPT)],
                    acc_out.at[cid, pl.ds(sid * RPT, RPT)])
    if compute_deg:
      pltpu.sync_copy(deg_sh.at[pl.ds(sid * RPT, RPT)], deg_v)
      pltpu.sync_copy(deg_v, deg_out.at[pl.ds(cid * N_ACC + sid * RPT, RPT)])

  return edge_pass


_edge_pass_deg = _make_edge_pass(True)
_edge_pass_nodeg = _make_edge_pass(False)

_KPT = (B * L) // (NW * CHUNK)


@functools.partial(
    pl.kernel,
    out_type=jax.ShapeDtypeStruct((B, L * D), jnp.float32),
    mesh=_MESH,
    scratch_types=[
        pltpu.VMEM((CHUNK,), jnp.int32),
        pltpu.VMEM((CHUNK, D), jnp.float32),
        pltpu.SemaphoreType.DMA,
    ],
)
def _tuple_gather(idx_flat, h, out, idx_v, rows_v, sem):
  cid = lax.axis_index("c")
  sid = lax.axis_index("s")
  wid = cid * NS + sid
  for m in range(_KPT):
    k = wid * _KPT + m
    l = k // 32
    boff = pl.multiple_of((k % 32) * CHUNK, CHUNK)
    pltpu.sync_copy(idx_flat.at[pl.ds(pl.multiple_of(k * CHUNK, CHUNK),
                                      CHUNK)], idx_v)
    pltpu.async_copy(h.at[idx_v], rows_v, sem).wait()
    pltpu.sync_copy(rows_v,
                    out.at[pl.ds(boff, CHUNK),
                           pl.ds(pl.multiple_of(l * D, D), D)])


_LR = 1024


def _layer_body(acc_ref, x_ref, deg_ref, w_ref, b_ref, eye_ref, out_ref, *,
                relu):
  d = deg_ref[0] + deg_ref[1]
  r = 1.0 / (d + 1.0)
  cols = [
      lax.dot_general(eye_ref[...], r[j:j + 1, :], (((1,), (1,)), ((), ())),
                      preferred_element_type=jnp.float32)
      for j in range(_LR // D)
  ]
  rcol = jnp.concatenate(cols, axis=0)
  h = (acc_ref[0] + acc_ref[1] + x_ref[...]) * rcol
  y = jnp.dot(h, w_ref[...], preferred_element_type=jnp.float32) + b_ref[...]
  out_ref[...] = jnp.maximum(y, 0.0) if relu else y


def _sage_layer(acc, x, degp, w, b, eye, relu):
  R = _LR
  return pl.pallas_call(
      functools.partial(_layer_body, relu=relu),
      grid=(N_ACC // R,),
      in_specs=[
          pl.BlockSpec((NC, R, D), lambda i: (0, i, 0)),
          pl.BlockSpec((R, D), lambda i: (i, 0)),
          pl.BlockSpec((NC, R // D, D), lambda i: (0, i, 0)),
          pl.BlockSpec((D, D), lambda i: (0, 0)),
          pl.BlockSpec((1, D), lambda i: (0, 0)),
          pl.BlockSpec((D, D), lambda i: (0, 0)),
      ],
      out_specs=pl.BlockSpec((R, D), lambda i: (i, 0)),
      out_shape=jax.ShapeDtypeStruct((N, D), jnp.float32),
  )(acc, x, degp, w, b, eye)


def _pred_body(g_ref, w1_ref, b1_ref, w2t_ref, b2c_ref, out_ref):
  t = jnp.dot(g_ref[...], w1_ref[...], preferred_element_type=jnp.float32)
  t = jnp.maximum(t + b1_ref[...], 0.0)
  out_ref[...] = lax.dot_general(
      w2t_ref[...], t, (((1,), (1,)), ((), ())),
      preferred_element_type=jnp.float32) + b2c_ref[...]


def _predictor(g, wp1, bp1, wp2, bp2):
  R = 512
  out_t = pl.pallas_call(
      _pred_body,
      grid=(B // R,),
      in_specs=[
          pl.BlockSpec((R, L * D), lambda i: (i, 0)),
          pl.BlockSpec((L * D, 32), lambda i: (0, 0)),
          pl.BlockSpec((1, 32), lambda i: (0, 0)),
          pl.BlockSpec((1000, 32), lambda i: (0, 0)),
          pl.BlockSpec((1000, 1), lambda i: (0, 0)),
      ],
      out_specs=pl.BlockSpec((1000, R), lambda i: (0, i)),
      out_shape=jax.ShapeDtypeStruct((1000, B), jnp.float32),
  )(g, wp1, bp1, wp2.T, bp2.reshape(1000, 1))
  return out_t.T


def kernel(graph, node_features, train_pos_samples, W1, b1, W2, b2,
           Wp1, bp1, Wp2, bp2):
  graph = graph.astype(jnp.int32)
  zrows = jnp.zeros((RPT, D), jnp.float32)

  x = node_features
  acc1, deg = _edge_pass_deg(graph, x, zrows)
  degp = deg.reshape(NC, N_ACC // D, D)
  eye = jnp.eye(D, dtype=jnp.float32)
  h1 = _sage_layer(acc1, x, degp, W1, b1.reshape(1, D), eye, True)
  acc2 = _edge_pass_nodeg(graph, h1, zrows)
  h2 = _sage_layer(acc2, h1, degp, W2, b2.reshape(1, D), eye, False)

  idx_flat = train_pos_samples.astype(jnp.int32).T.reshape(B * L)
  g = _tuple_gather(idx_flat, h2)
  return _predictor(g, Wp1, bp1.reshape(1, 32), Wp2, bp2)

# --- scband reference (transcript-rebuilt; emitter-appended) ---
"""Pipeline reference for scband-grimp-model-53618371723351 (READ-ONLY COPY).

The authoritative reference and input builder live on the scoring server;
editing this copy changes nothing except your own understanding.
"""

import jax, jax.numpy as jnp
import numpy as np

N_NODES = 10000
N_EDGES = 320000
D_IN = 128
D_H = 128
TUPLE_LEN = 3
PRED_H = 32
OUT_FEATS = 1000
BATCH = 4096


def setup_inputs(seed: int = 0) -> dict:
    key = jax.random.key(seed)
    ks = jax.random.split(key, 12)
    graph = jax.random.randint(ks[0], (2, N_EDGES), 0, N_NODES, dtype=jnp.int64)
    node_features = jax.random.normal(ks[1], (N_NODES, D_IN), dtype=jnp.float32)
    train_pos_samples = jax.random.randint(ks[2], (BATCH, TUPLE_LEN), 0, N_NODES, dtype=jnp.int64)
    # GraphSAGE ('gcn' aggregator) layer params
    W1 = jax.random.normal(ks[3], (D_IN, D_H), dtype=jnp.float32) * (1.0 / np.sqrt(D_IN))
    b1 = jnp.zeros((D_H,), dtype=jnp.float32)
    W2 = jax.random.normal(ks[4], (D_H, D_H), dtype=jnp.float32) * (1.0 / np.sqrt(D_H))
    b2 = jnp.zeros((D_H,), dtype=jnp.float32)
    # MultiLabelPredictor (concat aggregation) MLP params
    Wp1 = jax.random.normal(ks[5], (TUPLE_LEN * D_H, PRED_H), dtype=jnp.float32) * (1.0 / np.sqrt(TUPLE_LEN * D_H))
    bp1 = jnp.zeros((PRED_H,), dtype=jnp.float32)
    Wp2 = jax.random.normal(ks[6], (PRED_H, OUT_FEATS), dtype=jnp.float32) * (1.0 / np.sqrt(PRED_H))
    bp2 = jnp.zeros((OUT_FEATS,), dtype=jnp.float32)
    return {
        "graph": graph,
        "node_features": node_features,
        "train_pos_samples": train_pos_samples,
        "W1": W1, "b1": b1, "W2": W2, "b2": b2,
        "Wp1": Wp1, "bp1": bp1, "Wp2": Wp2, "bp2": bp2,
    }


def _sage_gcn_layer(x, src, dst, W, b):
    # DGL SAGEConv with 'gcn' aggregator: mean over neighbors including self
    gathered = jnp.take(x, src, axis=0)                      # gather  [E, d]
    neigh = jax.ops.segment_sum(gathered, dst, num_segments=N_NODES)  # scatter-add
    deg = jax.ops.segment_sum(jnp.ones((src.shape[0],), dtype=x.dtype), dst, num_segments=N_NODES)
    h = (neigh + x) / (deg[:, None] + 1.0)
    return h @ W + b


def reference(graph, node_features, train_pos_samples, W1, b1, W2, b2, Wp1, bp1, Wp2, bp2):
    src = graph[0]
    dst = graph[1]
    # GraphSAGE encoder (2 layers, ReLU between)
    h = _sage_gcn_layer(node_features, src, dst, W1, b1)
    h = jax.nn.relu(h)
    h = _sage_gcn_layer(h, src, dst, W2, b2)
    # MultiLabelPredictor, aggregation='concat'
    g = jnp.take(h, train_pos_samples, axis=0)               # [B, L, d_h]
    g = g.reshape(g.shape[0], -1)                            # [B, L*d_h]
    g = jax.nn.relu(g @ Wp1 + bp1)
    out = g @ Wp2 + bp2                                      # [B, out_feats]
    return out

if __name__ == "__main__":
    import jax
    _d = setup_inputs()
    print(jax.jit(kernel)(*tuple(_d.values())))

</pallas_src>

<mosaic_0001>
#map = affine_map<(d0, d1) -> (0, 0)>
#map1 = affine_map<(d0, d1) -> (0, 0, 0)>
#map2 = affine_map<(d0, d1) -> (0)>
module attributes {stable_mosaic.version = 14 : i64} {
  func.func @edge_pass(%arg0: i32, %arg1: i32, %arg2: memref<2x320000xi32, #tpu.memory_space<hbm>>, %arg3: memref<10000x128xf32, #tpu.memory_space<hbm>>, %arg4: memref<640x128xf32, #tpu.memory_space<hbm>>, %arg5: memref<2x10240x128xf32, #tpu.memory_space<hbm>>, %arg6: memref<20480xf32, #tpu.memory_space<hbm>>, %arg7: memref<3x2x128xi32, #tpu.memory_space<vmem>>, %arg8: memref<2x128x128xf32, #tpu.memory_space<vmem>>, %arg9: memref<128xf32, #tpu.memory_space<vmem>>, %arg10: memref<640xf32, #tpu.memory_space<vmem>>, %arg11: memref<10240x128xf32, #tpu.memory_space<vmem_shared>>, %arg12: memref<10240xf32, #tpu.memory_space<vmem_shared>>, %arg13: memref<!tpu.dma_semaphore, #tpu.memory_space<semaphore_mem>>, %arg14: memref<!tpu.dma_semaphore, #tpu.memory_space<semaphore_mem>>, %arg15: memref<!tpu.dma_semaphore, #tpu.memory_space<semaphore_mem>>, %arg16: memref<!tpu.dma_semaphore, #tpu.memory_space<semaphore_mem>>, %arg17: memref<!tpu.dma_semaphore, #tpu.memory_space<semaphore_mem>>, %arg18: memref<!tpu.dma_semaphore, #tpu.memory_space<semaphore_mem>>, %arg19: memref<!tpu.dma_semaphore, #tpu.memory_space<semaphore_mem>>, %arg20: memref<!tpu.dma_semaphore, #tpu.memory_space<semaphore_mem>>, %arg21: memref<!tpu.dma_semaphore, #tpu.memory_space<semaphore_mem>>, %arg22: memref<!tpu.dma_semaphore, #tpu.memory_space<semaphore_mem>>) attributes {dimension_semantics = [#tpu.dimension_semantics<core_parallel>, #tpu.dimension_semantics<subcore_parallel>], iteration_bounds = array<i64: 2, 16>, scalar_prefetch = 0 : i64, scratch_operands = 16 : i64, tpu.core_type = #tpu.core_type<sc_vector_subcore>, window_params = [{transform_indices = #map}, {transform_indices = #map}, {transform_indices = #map}, {transform_indices = #map1}, {transform_indices = #map2}]} {
    %mul3A = arith.constant 16 : i32
    %mul3A_0 = arith.muli %arg0, %mul3A : i32
    %add3A = arith.addi %mul3A_0, %arg1 : i32
    %mul3A_1 = arith.constant 640 : i32
    %mul3A_2 = arith.muli %arg1, %mul3A_1 : i32
    "tpu.region"() ({
      %run_scoped3A = tpu.sem_alloc : memref<!tpu.dma_semaphore, #tpu.memory_space<semaphore_mem>>
      %dma_start3A_524 = arith.constant 0 : i32
      %dma_start3A_525 = tpu.memref_slice %arg11[%mul3A_2, %dma_start3A_524] : memref<10240x128xf32, #tpu.memory_space<vmem_shared>> -> memref<640x128xf32, #tpu.memory_space<vmem_shared>>
      tpu.enqueue_dma source(%arg4 : memref<640x128xf32, #tpu.memory_space<hbm>>) target(%dma_start3A_525 : memref<640x128xf32, #tpu.memory_space<vmem_shared>>) target_semaphore(%run_scoped3A : memref<!tpu.dma_semaphore, #tpu.memory_space<semaphore_mem>>)
      %dma_wait3A_526 = arith.constant 0 : i32
      %dma_wait3A_527 = tpu.memref_slice %arg11[%mul3A_2, %dma_wait3A_526] : memref<10240x128xf32, #tpu.memory_space<vmem_shared>> -> memref<640x128xf32, #tpu.memory_space<vmem_shared>>
      tpu.wait_dma2 semaphore(%run_scoped3A : memref<!tpu.dma_semaphore, #tpu.memory_space<semaphore_mem>>) src(%arg4 : memref<640x128xf32, #tpu.memory_space<hbm>>) dst(%dma_wait3A_527 : memref<640x128xf32, #tpu.memory_space<vmem_shared>>)
      tpu.yield
    }) : () -> ()
    %broadcast_in_dim3A = arith.constant 0.000000e+00 : f32
    %broadcast_in_dim3A_3 = vector.broadcast %broadcast_in_dim3A : f32 to vector<16xf32>
    %swap3A = arith.constant 0 : index
    %swap3A_4 = tpu.vector_load %arg10[%swap3A] {strides = array<i32>} : memref<640xf32, #tpu.memory_space<vmem>>, vector<16xf32>,
    %swap3A_5 = vector.shape_cast %swap3A_4 : vector<16xf32> to vector<16xf32>
    %swap3A_6 = vector.shape_cast %broadcast_in_dim3A_3 : vector<16xf32> to vector<16xf32>
    tpu.vector_store %arg10[%swap3A], %swap3A_6 {strides = array<i32>} : memref<640xf32, #tpu.memory_space<vmem>>, vector<16xf32>,
    %broadcast_in_dim3A_7 = arith.constant 0.000000e+00 : f32
    %broadcast_in_dim3A_8 = vector.broadcast %broadcast_in_dim3A_7 : f32 to vector<16xf32>
    %swap3A_9 = arith.constant 16 : index
    %swap3A_10 = tpu.vector_load %arg10[%swap3A_9] {strides = array<i32>} : memref<640xf32, #tpu.memory_space<vmem>>, vector<16xf32>,
    %swap3A_11 = vector.shape_cast %swap3A_10 : vector<16xf32> to vector<16xf32>
    %swap3A_12 = vector.shape_cast %broadcast_in_dim3A_8 : vector<16xf32> to vector<16xf32>
    tpu.vector_store %arg10[%swap3A_9], %swap3A_12 {strides = array<i32>} : memref<640xf32, #tpu.memory_space<vmem>>, vector<16xf32>,
    %broadcast_in_dim3A_13 = arith.constant 0.000000e+00 : f32
    %broadcast_in_dim3A_14 = vector.broadcast %broadcast_in_dim3A_13 : f32 to vector<16xf32>
    %swap3A_15 = arith.constant 32 : index
    %swap3A_16 = tpu.vector_load %arg10[%swap3A_15] {strides = array<i32>} : memref<640xf32, #tpu.memory_space<vmem>>, vector<16xf32>,
    %swap3A_17 = vector.shape_cast %swap3A_16 : vector<16xf32> to vector<16xf32>
    %swap3A_18 = vector.shape_cast %broadcast_in_dim3A_14 : vector<16xf32> to vector<16xf32>
    tpu.vector_store %arg10[%swap3A_15], %swap3A_18 {strides = array<i32>} : memref<640xf32, #tpu.memory_space<vmem>>, vector<16xf32>,
    %broadcast_in_dim3A_19 = arith.constant 0.000000e+00 : f32
    %broadcast_in_dim3A_20 = vector.broadcast %broadcast_in_dim3A_19 : f32 to vector<16xf32>
    %swap3A_21 = arith.constant 48 : index
    %swap3A_22 = tpu.vector_load %arg10[%swap3A_21] {strides = array<i32>} : memref<640xf32, #tpu.memory_space<vmem>>, vector<16xf32>,
    %swap3A_23 = vector.shape_cast %swap3A_22 : vector<16xf32> to vector<16xf32>
    %swap3A_24 = vector.shape_cast %broadcast_in_dim3A_20 : vector<16xf32> to vector<16xf32>
    tpu.vector_store %arg10[%swap3A_21], %swap3A_24 {strides = array<i32>} : memref<640xf32, #tpu.memory_space<vmem>>, vector<16xf32>,
    %broadcast_in_dim3A_25 = arith.constant 0.000000e+00 : f32
    %broadcast_in_dim3A_26 = vector.broadcast %broadcast_in_dim3A_25 : f32 to vector<16xf32>
    %swap3A_27 = arith.constant 64 : index
    %swap3A_28 = tpu.vector_load %arg10[%swap3A_27] {strides = array<i32>} : memref<640xf32, #tpu.memory_space<vmem>>, vector<16xf32>,
    %swap3A_29 = vector.shape_cast %swap3A_28 : vector<16xf32> to vector<16xf32>
    %swap3A_30 = vector.shape_cast %broadcast_in_dim3A_26 : vector<16xf32> to vector<16xf32>
    tpu.vector_store %arg10[%swap3A_27], %swap3A_30 {strides = array<i32>} : memref<640xf32, #tpu.memory_space<vmem>>, vector<16xf32>,
    %broadcast_in_dim3A_31 = arith.constant 0.000000e+00 : f32
    %broadcast_in_dim3A_32 = vector.broadcast %broadcast_in_dim3A_31 : f32 to vector<16xf32>
    %swap3A_33 = arith.constant 80 : index
    %swap3A_34 = tpu.vector_load %arg10[%swap3A_33] {strides = array<i32>} : memref<640xf32, #tpu.memory_space<vmem>>, vector<16xf32>,
    %swap3A_35 = vector.shape_cast %swap3A_34 : vector<16xf32> to vector<16xf32>
    %swap3A_36 = vector.shape_cast %broadcast_in_dim3A_32 : vector<16xf32> to vector<16xf32>
    tpu.vector_store %arg10[%swap3A_33], %swap3A_36 {strides = array<i32>} : memref<640xf32, #tpu.memory_space<vmem>>, vector<16xf32>,
    %broadcast_in_dim3A_37 = arith.constant 0.000000e+00 : f32
    %broadcast_in_dim3A_38 = vector.broadcast %broadcast_in_dim3A_37 : f32 to vector<16xf32>
    %swap3A_39 = arith.constant 96 : index
    %swap3A_40 = tpu.vector_load %arg10[%swap3A_39] {strides = array<i32>} : memref<640xf32, #tpu.memory_space<vmem>>, vector<16xf32>,
    %swap3A_41 = vector.shape_cast %swap3A_40 : vector<16xf32> to vector<16xf32>
    %swap3A_42 = vector.shape_cast %broadcast_in_dim3A_38 : vector<16xf32> to vector<16xf32>
    tpu.vector_store %arg10[%swap3A_39], %swap3A_42 {strides = array<i32>} : memref<640xf32, #tpu.memory_space<vmem>>, vector<16xf32>,
    %broadcast_in_dim3A_43 = arith.constant 0.000000e+00 : f32
    %broadcast_in_dim3A_44 = vector.broadcast %broadcast_in_dim3A_43 : f32 to vector<16xf32>
    %swap3A_45 = arith.constant 112 : index
    %swap3A_46 = tpu.vector_load %arg10[%swap3A_45] {strides = array<i32>} : memref<640xf32, #tpu.memory_space<vmem>>, vector<16xf32>,
    %swap3A_47 = vector.shape_cast %swap3A_46 : vector<16xf32> to vector<16xf32>
    %swap3A_48 = vector.shape_cast %broadcast_in_dim3A_44 : vector<16xf32> to vector<16xf32>
    tpu.vector_store %arg10[%swap3A_45], %swap3A_48 {strides = array<i32>} : memref<640xf32, #tpu.memory_space<vmem>>, vector<16xf32>,
    %broadcast_in_dim3A_49 = arith.constant 0.000000e+00 : f32
    %broadcast_in_dim3A_50 = vector.broadcast %broadcast_in_dim3A_49 : f32 to vector<16xf32>
    %swap3A_51 = arith.constant 128 : index
    %swap3A_52 = tpu.vector_load %arg10[%swap3A_51] {strides = array<i32>} : memref<640xf32, #tpu.memory_space<vmem>>, vector<16xf32>,
    %swap3A_53 = vector.shape_cast %swap3A_52 : vector<16xf32> to vector<16xf32>
    %swap3A_54 = vector.shape_cast %broadcast_in_dim3A_50 : vector<16xf32> to vector<16xf32>
    tpu.vector_store %arg10[%swap3A_51], %swap3A_54 {strides = array<i32>} : memref<640xf32, #tpu.memory_space<vmem>>, vector<16xf32>,
    %broadcast_in_dim3A_55 = arith.constant 0.000000e+00 : f32
    %broadcast_in_dim3A_56 = vector.broadcast %broadcast_in_dim3A_55 : f32 to vector<16xf32>
    %swap3A_57 = arith.constant 144 : index
    %swap3A_58 = tpu.vector_load %arg10[%swap3A_57] {strides = array<i32>} : memref<640xf32, #tpu.memory_space<vmem>>, vector<16xf32>,
    %swap3A_59 = vector.shape_cast %swap3A_58 : vector<16xf32> to vector<16xf32>
    %swap3A_60 = vector.shape_cast %broadcast_in_dim3A_56 : vector<16xf32> to vector<16xf32>
    tpu.vector_store %arg10[%swap3A_57], %swap3A_60 {strides = array<i32>} : memref<640xf32, #tpu.memory_space<vmem>>, vector<16xf32>,
    %broadcast_in_dim3A_61 = arith.constant 0.000000e+00 : f32
    %broadcast_in_dim3A_62 = vector.broadcast %broadcast_in_dim3A_61 : f32 to vector<16xf32>
    %swap3A_63 = arith.constant 160 : index
    %swap3A_64 = tpu.vector_load %arg10[%swap3A_63] {strides = array<i32>} : memref<640xf32, #tpu.memory_space<vmem>>, vector<16xf32>,
    %swap3A_65 = vector.shape_cast %swap3A_64 : vector<16xf32> to vector<16xf32>
    %swap3A_66 = vector.shape_cast %broadcast_in_dim3A_62 : vector<16xf32> to vector<16xf32>
    tpu.vector_store %arg10[%swap3A_63], %swap3A_66 {strides = array<i32>} : memref<640xf32, #tpu.memory_space<vmem>>, vector<16xf32>,
    %broadcast_in_dim3A_67 = arith.constant 0.000000e+00 : f32
    %broadcast_in_dim3A_68 = vector.broadcast %broadcast_in_dim3A_67 : f32 to vector<16xf32>
    %swap3A_69 = arith.constant 176 : index
    %swap3A_70 = tpu.vector_load %arg10[%swap3A_69] {strides = array<i32>} : memref<640xf32, #tpu.memory_space<vmem>>, vector<16xf32>,
    %swap3A_71 = vector.shape_cast %swap3A_70 : vector<16xf32> to vector<16xf32>
    %swap3A_72 = vector.shape_cast %broadcast_in_dim3A_68 : vector<16xf32> to vector<16xf32>
    tpu.vector_store %arg10[%swap3A_69], %swap3A_72 {strides = array<i32>} : memref<640xf32, #tpu.memory_space<vmem>>, vector<16xf32>,
    %broadcast_in_dim3A_73 = arith.constant 0.000000e+00 : f32
    %broadcast_in_dim3A_74 = vector.broadcast %broadcast_in_dim3A_73 : f32 to vector<16xf32>
    %swap3A_75 = arith.constant 192 : index
    %swap3A_76 = tpu.vector_load %arg10[%swap3A_75] {strides = array<i32>} : memref<640xf32, #tpu.memory_space<vmem>>, vector<16xf32>,
    %swap3A_77 = vector.shape_cast %swap3A_76 : vector<16xf32> to vector<16xf32>
    %swap3A_78 = vector.shape_cast %broadcast_in_dim3A_74 : vector<16xf32> to vector<16xf32>
    tpu.vector_store %arg10[%swap3A_75], %swap3A_78 {strides = array<i32>} : memref<640xf32, #tpu.memory_space<vmem>>, vector<16xf32>,
    %broadcast_in_dim3A_79 = arith.constant 0.000000e+00 : f32
    %broadcast_in_dim3A_80 = vector.broadcast %broadcast_in_dim3A_79 : f32 to vector<16xf32>
    %swap3A_81 = arith.constant 208 : index
    %swap3A_82 = tpu.vector_load %arg10[%swap3A_81] {strides = array<i32>} : memref<640xf32, #tpu.memory_space<vmem>>, vector<16xf32>,
    %swap3A_83 = vector.shape_cast %swap3A_82 : vector<16xf32> to vector<16xf32>
    %swap3A_84 = vector.shape_cast %broadcast_in_dim3A_80 : vector<16xf32> to vector<16xf32>
    tpu.vector_store %arg10[%swap3A_81], %swap3A_84 {strides = array<i32>} : memref<640xf32, #tpu.memory_space<vmem>>, vector<16xf32>,
    %broadcast_in_dim3A_85 = arith.constant 0.000000e+00 : f32
    %broadcast_in_dim3A_86 = vector.broadcast %broadcast_in_dim3A_85 : f32 to vector<16xf32>
    %swap3A_87 = arith.constant 224 : index
    %swap3A_88 = tpu.vector_load %arg10[%swap3A_87] {strides = array<i32>} : memref<640xf32, #tpu.memory_space<vmem>>, vector<16xf32>,
    %swap3A_89 = vector.shape_cast %swap3A_88 : vector<16xf32> to vector<16xf32>
    %swap3A_90 = vector.shape_cast %broadcast_in_dim3A_86 : vector<16xf32> to vector<16xf32>
    tpu.vector_store %arg10[%swap3A_87], %swap3A_90 {strides = array<i32>} : memref<640xf32, #tpu.memory_space<vmem>>, vector<16xf32>,
    %broadcast_in_dim3A_91 = arith.constant 0.000000e+00 : f32
    %broadcast_in_dim3A_92 = vector.broadcast %broadcast_in_dim3A_91 : f32 to vector<16xf32>
    %swap3A_93 = arith.constant 240 : index
    %swap3A_94 = tpu.vector_load %arg10[%swap3A_93] {strides = array<i32>} : memref<640xf32, #tpu.memory_space<vmem>>, vector<16xf32>,
    %swap3A_95 = vector.shape_cast %swap3A_94 : vector<16xf32> to vector<16xf32>
    %swap3A_96 = vector.shape_cast %broadcast_in_dim3A_92 : vector<16xf32> to vector<16xf32>
    tpu.vector_store %arg10[%swap3A_93], %swap3A_96 {strides = array<i32>} : memref<640xf32, #tpu.memory_space<vmem>>, vector<16xf32>,
    %broadcast_in_dim3A_97 = arith.constant 0.000000e+00 : f32
    %broadcast_in_dim3A_98 = vector.broadcast %broadcast_in_dim3A_97 : f32 to vector<16xf32>
    %swap3A_99 = arith.constant 256 : index
    %swap3A_100 = tpu.vector_load %arg10[%swap3A_99] {strides = array<i32>} : memref<640xf32, #tpu.memory_space<vmem>>, vector<16xf32>,
    %swap3A_101 = vector.shape_cast %swap3A_100 : vector<16xf32> to vector<16xf32>
    %swap3A_102 = vector.shape_cast %broadcast_in_dim3A_98 : vector<16xf32> to vector<16xf32>
    tpu.vector_store %arg10[%swap3A_99], %swap3A_102 {strides = array<i32>} : memref<640xf32, #tpu.memory_space<vmem>>, vector<16xf32>,
    %broadcast_in_dim3A_103 = arith.constant 0.000000e+00 : f32
    %broadcast_in_dim3A_104 = vector.broadcast %broadcast_in_dim3A_103 : f32 to vector<16xf32>
    %swap3A_105 = arith.constant 272 : index
    %swap3A_106 = tpu.vector_load %arg10[%swap3A_105] {strides = array<i32>} : memref<640xf32, #tpu.memory_space<vmem>>, vector<16xf32>,
    %swap3A_107 = vector.shape_cast %swap3A_106 : vector<16xf32> to vector<16xf32>
    %swap3A_108 = vector.shape_cast %broadcast_in_dim3A_104 : vector<16xf32> to vector<16xf32>
    tpu.vector_store %arg10[%swap3A_105], %swap3A_108 {strides = array<i32>} : memref<640xf32, #tpu.memory_space<vmem>>, vector<16xf32>,
    %broadcast_in_dim3A_109 = arith.constant 0.000000e+00 : f32
    %broadcast_in_dim3A_110 = vector.broadcast %broadcast_in_dim3A_109 : f32 to vector<16xf32>
    %swap3A_111 = arith.constant 288 : index
    %swap3A_112 = tpu.vector_load %arg10[%swap3A_111] {strides = array<i32>} : memref<640xf32, #tpu.memory_space<vmem>>, vector<16xf32>,
    %swap3A_113 = vector.shape_cast %swap3A_112 : vector<16xf32> to vector<16xf32>
    %swap3A_114 = vector.shape_cast %broadcast_in_dim3A_110 : vector<16xf32> to vector<16xf32>
    tpu.vector_store %arg10[%swap3A_111], %swap3A_114 {strides = array<i32>} : memref<640xf32, #tpu.memory_space<vmem>>, vector<16xf32>,
    %broadcast_in_dim3A_115 = arith.constant 0.000000e+00 : f32
    %broadcast_in_dim3A_116 = vector.broadcast %broadcast_in_dim3A_115 : f32 to vector<16xf32>
    %swap3A_117 = arith.constant 304 : index
    %swap3A_118 = tpu.vector_load %arg10[%swap3A_117] {strides = array<i32>} : memref<640xf32, #tpu.memory_space<vmem>>, vector<16xf32>,
    %swap3A_119 = vector.shape_cast %swap3A_118 : vector<16xf32> to vector<16xf32>
    %swap3A_120 = vector.shape_cast %broadcast_in_dim3A_116 : vector<16xf32> to vector<16xf32>
    tpu.vector_store %arg10[%swap3A_117], %swap3A_120 {strides = array<i32>} : memref<640xf32, #tpu.memory_space<vmem>>, vector<16xf32>,
    %broadcast_in_dim3A_121 = arith.constant 0.000000e+00 : f32
    %broadcast_in_dim3A_122 = vector.broadcast %broadcast_in_dim3A_121 : f32 to vector<16xf32>
    %swap3A_123 = arith.constant 320 : index
    %swap3A_124 = tpu.vector_load %arg10[%swap3A_123] {strides = array<i32>} : memref<640xf32, #tpu.memory_space<vmem>>, vector<16xf32>,
    %swap3A_125 = vector.shape_cast %swap3A_124 : vector<16xf32> to vector<16xf32>
    %swap3A_126 = vector.shape_cast %broadcast_in_dim3A_122 : vector<16xf32> to vector<16xf32>
    tpu.vector_store %arg10[%swap3A_123], %swap3A_126 {strides = array<i32>} : memref<640xf32, #tpu.memory_space<vmem>>, vector<16xf32>,
    %broadcast_in_dim3A_127 = arith.constant 0.000000e+00 : f32
    %broadcast_in_dim3A_128 = vector.broadcast %broadcast_in_dim3A_127 : f32 to vector<16xf32>
    %swap3A_129 = arith.constant 336 : index
    %swap3A_130 = tpu.vector_load %arg10[%swap3A_129] {strides = array<i32>} : memref<640xf32, #tpu.memory_space<vmem>>, vector<16xf32>,
    %swap3A_131 = vector.shape_cast %swap3A_130 : vector<16xf32> to vector<16xf32>
    %swap3A_132 = vector.shape_cast %broadcast_in_dim3A_128 : vector<16xf32> to vector<16xf32>
    tpu.vector_store %arg10[%swap3A_129], %swap3A_132 {strides = array<i32>} : memref<640xf32, #tpu.memory_space<vmem>>, vector<16xf32>,
    %broadcast_in_dim3A_133 = arith.constant 0.000000e+00 : f32
    %broadcast_in_dim3A_134 = vector.broadcast %broadcast_in_dim3A_133 : f32 to vector<16xf32>
    %swap3A_135 = arith.constant 352 : index
    %swap3A_136 = tpu.vector_load %arg10[%swap3A_135] {strides = array<i32>} : memref<640xf32, #tpu.memory_space<vmem>>, vector<16xf32>,
    %swap3A_137 = vector.shape_cast %swap3A_136 : vector<16xf32> to vector<16xf32>
    %swap3A_138 = vector.shape_cast %broadcast_in_dim3A_134 : vector<16xf32> to vector<16xf32>
    tpu.vector_store %arg10[%swap3A_135], %swap3A_138 {strides = array<i32>} : memref<640xf32, #tpu.memory_space<vmem>>, vector<16xf32>,
    %broadcast_in_dim3A_139 = arith.constant 0.000000e+00 : f32
    %broadcast_in_dim3A_140 = vector.broadcast %broadcast_in_dim3A_139 : f32 to vector<16xf32>
    %swap3A_141 = arith.constant 368 : index
    %swap3A_142 = tpu.vector_load %arg10[%swap3A_141] {strides = array<i32>} : memref<640xf32, #tpu.memory_space<vmem>>, vector<16xf32>,
    %swap3A_143 = vector.shape_cast %swap3A_142 : vector<16xf32> to vector<16xf32>
    %swap3A_144 = vector.shape_cast %broadcast_in_dim3A_140 : vector<16xf32> to vector<16xf32>
    tpu.vector_store %arg10[%swap3A_141], %swap3A_144 {strides = array<i32>} : memref<640xf32, #tpu.memory_space<vmem>>, vector<16xf32>,
    %broadcast_in_dim3A_145 = arith.constant 0.000000e+00 : f32
    %broadcast_in_dim3A_146 = vector.broadcast %broadcast_in_dim3A_145 : f32 to vector<16xf32>
    %swap3A_147 = arith.constant 384 : index
    %swap3A_148 = tpu.vector_load %arg10[%swap3A_147] {strides = array<i32>} : memref<640xf32, #tpu.memory_space<vmem>>, vector<16xf32>,
    %swap3A_149 = vector.shape_cast %swap3A_148 : vector<16xf32> to vector<16xf32>
    %swap3A_150 = vector.shape_cast %broadcast_in_dim3A_146 : vector<16xf32> to vector<16xf32>
    tpu.vector_store %arg10[%swap3A_147], %swap3A_150 {strides = array<i32>} : memref<640xf32, #tpu.memory_space<vmem>>, vector<16xf32>,
    %broadcast_in_dim3A_151 = arith.constant 0.000000e+00 : f32
    %broadcast_in_dim3A_152 = vector.broadcast %broadcast_in_dim3A_151 : f32 to vector<16xf32>
    %swap3A_153 = arith.constant 400 : index
    %swap3A_154 = tpu.vector_load %arg10[%swap3A_153] {strides = array<i32>} : memref<640xf32, #tpu.memory_space<vmem>>, vector<16xf32>,
    %swap3A_155 = vector.shape_cast %swap3A_154 : vector<16xf32> to vector<16xf32>
    %swap3A_156 = vector.shape_cast %broadcast_in_dim3A_152 : vector<16xf32> to vector<16xf32>
    tpu.vector_store %arg10[%swap3A_153], %swap3A_156 {strides = array<i32>} : memref<640xf32, #tpu.memory_space<vmem>>, vector<16xf32>,
    %broadcast_in_dim3A_157 = arith.constant 0.000000e+00 : f32
    %broadcast_in_dim3A_158 = vector.broadcast %broadcast_in_dim3A_157 : f32 to vector<16xf32>
    %swap3A_159 = arith.constant 416 : index
    %swap3A_160 = tpu.vector_load %arg10[%swap3A_159] {strides = array<i32>} : memref<640xf32, #tpu.memory_space<vmem>>, vector<16xf32>,
    %swap3A_161 = vector.shape_cast %swap3A_160 : vector<16xf32> to vector<16xf32>
    %swap3A_162 = vector.shape_cast %broadcast_in_dim3A_158 : vector<16xf32> to vector<16xf32>
    tpu.vector_store %arg10[%swap3A_159], %swap3A_162 {strides = array<i32>} : memref<640xf32, #tpu.memory_space<vmem>>, vector<16xf32>,
    %broadcast_in_dim3A_163 = arith.constant 0.000000e+00 : f32
    %broadcast_in_dim3A_164 = vector.broadcast %broadcast_in_dim3A_163 : f32 to vector<16xf32>
    %swap3A_165 = arith.constant 432 : index
    %swap3A_166 = tpu.vector_load %arg10[%swap3A_165] {strides = array<i32>} : memref<640xf32, #tpu.memory_space<vmem>>, vector<16xf32>,
    %swap3A_167 = vector.shape_cast %swap3A_166 : vector<16xf32> to vector<16xf32>
    %swap3A_168 = vector.shape_cast %broadcast_in_dim3A_164 : vector<16xf32> to vector<16xf32>
    tpu.vector_store %arg10[%swap3A_165], %swap3A_168 {strides = array<i32>} : memref<640xf32, #tpu.memory_space<vmem>>, vector<16xf32>,
    %broadcast_in_dim3A_169 = arith.constant 0.000000e+00 : f32
    %broadcast_in_dim3A_170 = vector.broadcast %broadcast_in_dim3A_169 : f32 to vector<16xf32>
    %swap3A_171 = arith.constant 448 : index
    %swap3A_172 = tpu.vector_load %arg10[%swap3A_171] {strides = array<i32>} : memref<640xf32, #tpu.memory_space<vmem>>, vector<16xf32>,
    %swap3A_173 = vector.shape_cast %swap3A_172 : vector<16xf32> to vector<16xf32>
    %swap3A_174 = vector.shape_cast %broadcast_in_dim3A_170 : vector<16xf32> to vector<16xf32>
    tpu.vector_store %arg10[%swap3A_171], %swap3A_174 {strides = array<i32>} : memref<640xf32, #tpu.memory_space<vmem>>, vector<16xf32>,
    %broadcast_in_dim3A_175 = arith.constant 0.000000e+00 : f32
    %broadcast_in_dim3A_176 = vector.broadcast %broadcast_in_dim3A_175 : f32 to vector<16xf32>
    %swap3A_177 = arith.constant 464 : index
    %swap3A_178 = tpu.vector_load %arg10[%swap3A_177] {strides = array<i32>} : memref<640xf32, #tpu.memory_space<vmem>>, vector<16xf32>,
    %swap3A_179 = vector.shape_cast %swap3A_178 : vector<16xf32> to vector<16xf32>
    %swap3A_180 = vector.shape_cast %broadcast_in_dim3A_176 : vector<16xf32> to vector<16xf32>
    tpu.vector_store %arg10[%swap3A_177], %swap3A_180 {strides = array<i32>} : memref<640xf32, #tpu.memory_space<vmem>>, vector<16xf32>,
    %broadcast_in_dim3A_181 = arith.constant 0.000000e+00 : f32
    %broadcast_in_dim3A_182 = vector.broadcast %broadcast_in_dim3A_181 : f32 to vector<16xf32>
    %swap3A_183 = arith.constant 480 : index
    %swap3A_184 = tpu.vector_load %arg10[%swap3A_183] {strides = array<i32>} : memref<640xf32, #tpu.memory_space<vmem>>, vector<16xf32>,
    %swap3A_185 = vector.shape_cast %swap3A_184 : vector<16xf32> to vector<16xf32>
    %swap3A_186 = vector.shape_cast %broadcast_in_dim3A_182 : vector<16xf32> to vector<16xf32>
    tpu.vector_store %arg10[%swap3A_183], %swap3A_186 {strides = array<i32>} : memref<640xf32, #tpu.memory_space<vmem>>, vector<16xf32>,
    %broadcast_in_dim3A_187 = arith.constant 0.000000e+00 : f32
    %broadcast_in_dim3A_188 = vector.broadcast %broadcast_in_dim3A_187 : f32 to vector<16xf32>
    %swap3A_189 = arith.constant 496 : index
    %swap3A_190 = tpu.vector_load %arg10[%swap3A_189] {strides = array<i32>} : memref<640xf32, #tpu.memory_space<vmem>>, vector<16xf32>,
    %swap3A_191 = vector.shape_cast %swap3A_190 : vector<16xf32> to vector<16xf32>
    %swap3A_192 = vector.shape_cast %broadcast_in_dim3A_188 : vector<16xf32> to vector<16xf32>
    tpu.vector_store %arg10[%swap3A_189], %swap3A_192 {strides = array<i32>} : memref<640xf32, #tpu.memory_space<vmem>>, vector<16xf32>,
    %broadcast_in_dim3A_193 = arith.constant 0.000000e+00 : f32
    %broadcast_in_dim3A_194 = vector.broadcast %broadcast_in_dim3A_193 : f32 to vector<16xf32>
    %swap3A_195 = arith.constant 512 : index
    %swap3A_196 = tpu.vector_load %arg10[%swap3A_195] {strides = array<i32>} : memref<640xf32, #tpu.memory_space<vmem>>, vector<16xf32>,
    %swap3A_197 = vector.shape_cast %swap3A_196 : vector<16xf32> to vector<16xf32>
    %swap3A_198 = vector.shape_cast %broadcast_in_dim3A_194 : vector<16xf32> to vector<16xf32>
    tpu.vector_store %arg10[%swap3A_195], %swap3A_198 {strides = array<i32>} : memref<640xf32, #tpu.memory_space<vmem>>, vector<16xf32>,
    %broadcast_in_dim3A_199 = arith.constant 0.000000e+00 : f32
    %broadcast_in_dim3A_200 = vector.broadcast %broadcast_in_dim3A_199 : f32 to vector<16xf32>
    %swap3A_201 = arith.constant 528 : index
    %swap3A_202 = tpu.vector_load %arg10[%swap3A_201] {strides = array<i32>} : memref<640xf32, #tpu.memory_space<vmem>>, vector<16xf32>,
    %swap3A_203 = vector.shape_cast %swap3A_202 : vector<16xf32> to vector<16xf32>
    %swap3A_204 = vector.shape_cast %broadcast_in_dim3A_200 : vector<16xf32> to vector<16xf32>
    tpu.vector_store %arg10[%swap3A_201], %swap3A_204 {strides = array<i32>} : memref<640xf32, #tpu.memory_space<vmem>>, vector<16xf32>,
    %broadcast_in_dim3A_205 = arith.constant 0.000000e+00 : f32
    %broadcast_in_dim3A_206 = vector.broadcast %broadcast_in_dim3A_205 : f32 to vector<16xf32>
    %swap3A_207 = arith.constant 544 : index
    %swap3A_208 = tpu.vector_load %arg10[%swap3A_207] {strides = array<i32>} : memref<640xf32, #tpu.memory_space<vmem>>, vector<16xf32>,
    %swap3A_209 = vector.shape_cast %swap3A_208 : vector<16xf32> to vector<16xf32>
    %swap3A_210 = vector.shape_cast %broadcast_in_dim3A_206 : vector<16xf32> to vector<16xf32>
    tpu.vector_store %arg10[%swap3A_207], %swap3A_210 {strides = array<i32>} : memref<640xf32, #tpu.memory_space<vmem>>, vector<16xf32>,
    %broadcast_in_dim3A_211 = arith.constant 0.000000e+00 : f32
    %broadcast_in_dim3A_212 = vector.broadcast %broadcast_in_dim3A_211 : f32 to vector<16xf32>
    %swap3A_213 = arith.constant 560 : index
    %swap3A_214 = tpu.vector_load %arg10[%swap3A_213] {strides = array<i32>} : memref<640xf32, #tpu.memory_space<vmem>>, vector<16xf32>,
    %swap3A_215 = vector.shape_cast %swap3A_214 : vector<16xf32> to vector<16xf32>
    %swap3A_216 = vector.shape_cast %broadcast_in_dim3A_212 : vector<16xf32> to vector<16xf32>
    tpu.vector_store %arg10[%swap3A_213], %swap3A_216 {strides = array<i32>} : memref<640xf32, #tpu.memory_space<vmem>>, vector<16xf32>,
    %broadcast_in_dim3A_217 = arith.constant 0.000000e+00 : f32
    %broadcast_in_dim3A_218 = vector.broadcast %broadcast_in_dim3A_217 : f32 to vector<16xf32>
    %swap3A_219 = arith.constant 576 : index
    %swap3A_220 = tpu.vector_load %arg10[%swap3A_219] {strides = array<i32>} : memref<640xf32, #tpu.memory_space<vmem>>, vector<16xf32>,
    %swap3A_221 = vector.shape_cast %swap3A_220 : vector<16xf32> to vector<16xf32>
    %swap3A_222 = vector.shape_cast %broadcast_in_dim3A_218 : vector<16xf32> to vector<16xf32>
    tpu.vector_store %arg10[%swap3A_219], %swap3A_222 {strides = array<i32>} : memref<640xf32, #tpu.memory_space<vmem>>, vector<16xf32>,
    %broadcast_in_dim3A_223 = arith.constant 0.000000e+00 : f32
    %broadcast_in_dim3A_224 = vector.broadcast %broadcast_in_dim3A_223 : f32 to vector<16xf32>
    %swap3A_225 = arith.constant 592 : index
    %swap3A_226 = tpu.vector_load %arg10[%swap3A_225] {strides = array<i32>} : memref<640xf32, #tpu.memory_space<vmem>>, vector<16xf32>,
    %swap3A_227 = vector.shape_cast %swap3A_226 : vector<16xf32> to vector<16xf32>
    %swap3A_228 = vector.shape_cast %broadcast_in_dim3A_224 : vector<16xf32> to vector<16xf32>
    tpu.vector_store %arg10[%swap3A_225], %swap3A_228 {strides = array<i32>} : memref<640xf32, #tpu.memory_space<vmem>>, vector<16xf32>,
    %broadcast_in_dim3A_229 = arith.constant 0.000000e+00 : f32
    %broadcast_in_dim3A_230 = vector.broadcast %broadcast_in_dim3A_229 : f32 to vector<16xf32>
    %swap3A_231 = arith.constant 608 : index
    %swap3A_232 = tpu.vector_load %arg10[%swap3A_231] {strides = array<i32>} : memref<640xf32, #tpu.memory_space<vmem>>, vector<16xf32>,
    %swap3A_233 = vector.shape_cast %swap3A_232 : vector<16xf32> to vector<16xf32>
    %swap3A_234 = vector.shape_cast %broadcast_in_dim3A_230 : vector<16xf32> to vector<16xf32>
    tpu.vector_store %arg10[%swap3A_231], %swap3A_234 {strides = array<i32>} : memref<640xf32, #tpu.memory_space<vmem>>, vector<16xf32>,
    %broadcast_in_dim3A_235 = arith.constant 0.000000e+00 : f32
    %broadcast_in_dim3A_236 = vector.broadcast %broadcast_in_dim3A_235 : f32 to vector<16xf32>
    %swap3A_237 = arith.constant 624 : index
    %swap3A_238 = tpu.vector_load %arg10[%swap3A_237] {strides = array<i32>} : memref<640xf32, #tpu.memory_space<vmem>>, vector<16xf32>,
    %swap3A_239 = vector.shape_cast %swap3A_238 : vector<16xf32> to vector<16xf32>
    %swap3A_240 = vector.shape_cast %broadcast_in_dim3A_236 : vector<16xf32> to vector<16xf32>
    tpu.vector_store %arg10[%swap3A_237], %swap3A_240 {strides = array<i32>} : memref<640xf32, #tpu.memory_space<vmem>>, vector<16xf32>,
    %mul3A_241 = arith.constant 640 : i32
    %mul3A_242 = arith.muli %arg1, %mul3A_241 : i32
    "tpu.region"() ({
      %run_scoped3A = tpu.sem_alloc : memref<!tpu.dma_semaphore, #tpu.memory_space<semaphore_mem>>
      %dma_start3A_524 = tpu.memref_slice %arg12[%mul3A_242] : memref<10240xf32, #tpu.memory_space<vmem_shared>> -> memref<640xf32, #tpu.memory_space<vmem_shared>>
      %dma_start3A_525 = tpu.memref_slice %arg12[%mul3A_242] : memref<10240xf32, #tpu.memory_space<vmem_shared>> -> memref<640xf32, #tpu.memory_space<vmem_shared>>
      tpu.enqueue_dma source(%arg10 : memref<640xf32, #tpu.memory_space<vmem>>) target(%dma_start3A_525 : memref<640xf32, #tpu.memory_space<vmem_shared>>) target_semaphore(%run_scoped3A : memref<!tpu.dma_semaphore, #tpu.memory_space<semaphore_mem>>)
      %dma_wait3A_526 = tpu.memref_slice %arg12[%mul3A_242] : memref<10240xf32, #tpu.memory_space<vmem_shared>> -> memref<640xf32, #tpu.memory_space<vmem_shared>>
      %dma_wait3A_527 = tpu.memref_slice %arg12[%mul3A_242] : memref<10240xf32, #tpu.memory_space<vmem_shared>> -> memref<640xf32, #tpu.memory_space<vmem_shared>>
      tpu.wait_dma2 semaphore(%run_scoped3A : memref<!tpu.dma_semaphore, #tpu.memory_space<semaphore_mem>>) src(%arg10 : memref<640xf32, #tpu.memory_space<vmem>>) dst(%dma_wait3A_527 : memref<640xf32, #tpu.memory_space<vmem_shared>>)
      tpu.yield
    }) : () -> ()
    %broadcast_in_dim3A_243 = arith.constant 1.000000e+00 : f32
    %broadcast_in_dim3A_244 = vector.broadcast %broadcast_in_dim3A_243 : f32 to vector<16xf32>
    %swap3A_245 = arith.constant 0 : index
    %swap3A_246 = tpu.vector_load %arg9[%swap3A_245] {strides = array<i32>} : memref<128xf32, #tpu.memory_space<vmem>>, vector<16xf32>,
    %swap3A_247 = vector.shape_cast %swap3A_246 : vector<16xf32> to vector<16xf32>
    %swap3A_248 = vector.shape_cast %broadcast_in_dim3A_244 : vector<16xf32> to vector<16xf32>
    tpu.vector_store %arg9[%swap3A_245], %swap3A_248 {strides = array<i32>} : memref<128xf32, #tpu.memory_space<vmem>>, vector<16xf32>,
    %broadcast_in_dim3A_249 = arith.constant 1.000000e+00 : f32
    %broadcast_in_dim3A_250 = vector.broadcast %broadcast_in_dim3A_249 : f32 to vector<16xf32>
    %swap3A_251 = arith.constant 16 : index
    %swap3A_252 = tpu.vector_load %arg9[%swap3A_251] {strides = array<i32>} : memref<128xf32, #tpu.memory_space<vmem>>, vector<16xf32>,
    %swap3A_253 = vector.shape_cast %swap3A_252 : vector<16xf32> to vector<16xf32>
    %swap3A_254 = vector.shape_cast %broadcast_in_dim3A_250 : vector<16xf32> to vector<16xf32>
    tpu.vector_store %arg9[%swap3A_251], %swap3A_254 {strides = array<i32>} : memref<128xf32, #tpu.memory_space<vmem>>, vector<16xf32>,
    %broadcast_in_dim3A_255 = arith.constant 1.000000e+00 : f32
    %broadcast_in_dim3A_256 = vector.broadcast %broadcast_in_dim3A_255 : f32 to vector<16xf32>
    %swap3A_257 = arith.constant 32 : index
    %swap3A_258 = tpu.vector_load %arg9[%swap3A_257] {strides = array<i32>} : memref<128xf32, #tpu.memory_space<vmem>>, vector<16xf32>,
    %swap3A_259 = vector.shape_cast %swap3A_258 : vector<16xf32> to vector<16xf32>
    %swap3A_260 = vector.shape_cast %broadcast_in_dim3A_256 : vector<16xf32> to vector<16xf32>
    tpu.vector_store %arg9[%swap3A_257], %swap3A_260 {strides = array<i32>} : memref<128xf32, #tpu.memory_space<vmem>>, vector<16xf32>,
    %broadcast_in_dim3A_261 = arith.constant 1.000000e+00 : f32
    %broadcast_in_dim3A_262 = vector.broadcast %broadcast_in_dim3A_261 : f32 to vector<16xf32>
    %swap3A_263 = arith.constant 48 : index
    %swap3A_264 = tpu.vector_load %arg9[%swap3A_263] {strides = array<i32>} : memref<128xf32, #tpu.memory_space<vmem>>, vector<16xf32>,
    %swap3A_265 = vector.shape_cast %swap3A_264 : vector<16xf32> to vector<16xf32>
    %swap3A_266 = vector.shape_cast %broadcast_in_dim3A_262 : vector<16xf32> to vector<16xf32>
    tpu.vector_store %arg9[%swap3A_263], %swap3A_266 {strides = array<i32>} : memref<128xf32, #tpu.memory_space<vmem>>, vector<16xf32>,
    %broadcast_in_dim3A_267 = arith.constant 1.000000e+00 : f32
    %broadcast_in_dim3A_268 = vector.broadcast %broadcast_in_dim3A_267 : f32 to vector<16xf32>
    %swap3A_269 = arith.constant 64 : index
    %swap3A_270 = tpu.vector_load %arg9[%swap3A_269] {strides = array<i32>} : memref<128xf32, #tpu.memory_space<vmem>>, vector<16xf32>,
    %swap3A_271 = vector.shape_cast %swap3A_270 : vector<16xf32> to vector<16xf32>
    %swap3A_272 = vector.shape_cast %broadcast_in_dim3A_268 : vector<16xf32> to vector<16xf32>
    tpu.vector_store %arg9[%swap3A_269], %swap3A_272 {strides = array<i32>} : memref<128xf32, #tpu.memory_space<vmem>>, vector<16xf32>,
    %broadcast_in_dim3A_273 = arith.constant 1.000000e+00 : f32
    %broadcast_in_dim3A_274 = vector.broadcast %broadcast_in_dim3A_273 : f32 to vector<16xf32>
    %swap3A_275 = arith.constant 80 : index
    %swap3A_276 = tpu.vector_load %arg9[%swap3A_275] {strides = array<i32>} : memref<128xf32, #tpu.memory_space<vmem>>, vector<16xf32>,
    %swap3A_277 = vector.shape_cast %swap3A_276 : vector<16xf32> to vector<16xf32>
    %swap3A_278 = vector.shape_cast %broadcast_in_dim3A_274 : vector<16xf32> to vector<16xf32>
    tpu.vector_store %arg9[%swap3A_275], %swap3A_278 {strides = array<i32>} : memref<128xf32, #tpu.memory_space<vmem>>, vector<16xf32>,
    %broadcast_in_dim3A_279 = arith.constant 1.000000e+00 : f32
    %broadcast_in_dim3A_280 = vector.broadcast %broadcast_in_dim3A_279 : f32 to vector<16xf32>
    %swap3A_281 = arith.constant 96 : index
    %swap3A_282 = tpu.vector_load %arg9[%swap3A_281] {strides = array<i32>} : memref<128xf32, #tpu.memory_space<vmem>>, vector<16xf32>,
    %swap3A_283 = vector.shape_cast %swap3A_282 : vector<16xf32> to vector<16xf32>
    %swap3A_284 = vector.shape_cast %broadcast_in_dim3A_280 : vector<16xf32> to vector<16xf32>
    tpu.vector_store %arg9[%swap3A_281], %swap3A_284 {strides = array<i32>} : memref<128xf32, #tpu.memory_space<vmem>>, vector<16xf32>,
    %broadcast_in_dim3A_285 = arith.constant 1.000000e+00 : f32
    %broadcast_in_dim3A_286 = vector.broadcast %broadcast_in_dim3A_285 : f32 to vector<16xf32>
    %swap3A_287 = arith.constant 112 : index
    %swap3A_288 = tpu.vector_load %arg9[%swap3A_287] {strides = array<i32>} : memref<128xf32, #tpu.memory_space<vmem>>, vector<16xf32>,
    %swap3A_289 = vector.shape_cast %swap3A_288 : vector<16xf32> to vector<16xf32>
    %swap3A_290 = vector.shape_cast %broadcast_in_dim3A_286 : vector<16xf32> to vector<16xf32>
    tpu.vector_store %arg9[%swap3A_287], %swap3A_290 {strides = array<i32>} : memref<128xf32, #tpu.memory_space<vmem>>, vector<16xf32>,
    %mul3A_291 = arith.constant 625 : i32
    %mul3A_292 = arith.muli %mul3A_291, %add3A : i32
    %jit3A = arith.constant 8 : i32
    %div3A = arith.divsi %mul3A_292, %jit3A : i32
    %sign3A = arith.constant 0 : i32
    %sign3A_293 = arith.cmpi sgt, %mul3A_292, %sign3A : i32
    %sign3A_294 = arith.extui %sign3A_293 : i1 to i32
    %sign3A_295 = arith.constant 0 : i32
    %sign3A_296 = arith.cmpi slt, %mul3A_292, %sign3A_295 : i32
    %sign3A_297 = arith.extui %sign3A_296 : i1 to i32
    %sign3A_298 = arith.subi %sign3A_294, %sign3A_297 : i32
    %sign3A_299 = arith.constant 0 : i32
    %sign3A_300 = arith.cmpi sgt, %jit3A, %sign3A_299 : i32
    %sign3A_301 = arith.extui %sign3A_300 : i1 to i32
    %sign3A_302 = arith.constant 0 : i32
    %sign3A_303 = arith.cmpi slt, %jit3A, %sign3A_302 : i32
    %sign3A_304 = arith.extui %sign3A_303 : i1 to i32
    %sign3A_305 = arith.subi %sign3A_301, %sign3A_304 : i32
    %ne3A = arith.cmpi ne, %sign3A_298, %sign3A_305 : i32
    %rem3A = arith.remsi %mul3A_292, %jit3A : i32
    %ne3A_306 = arith.constant 0 : i32
    %ne3A_307 = arith.cmpi ne, %rem3A, %ne3A_306 : i32
    %and3A = arith.andi %ne3A, %ne3A_307 : i1
    %sub3A = arith.constant 1 : i32
    %sub3A_308 = arith.subi %div3A, %sub3A : i32
    %select_n3A = arith.select %and3A, %sub3A_308, %div3A : i32
    %add3A_309 = arith.constant 1 : i32
    %add3A_310 = arith.addi %add3A, %add3A_309 : i32
    %mul3A_311 = arith.constant 625 : i32
    %mul3A_312 = arith.muli %mul3A_311, %add3A_310 : i32
    %jit3A_313 = arith.constant 8 : i32
    %div3A_314 = arith.divsi %mul3A_312, %jit3A_313 : i32
    %sign3A_315 = arith.constant 0 : i32
    %sign3A_316 = arith.cmpi sgt, %mul3A_312, %sign3A_315 : i32
    %sign3A_317 = arith.extui %sign3A_316 : i1 to i32
    %sign3A_318 = arith.constant 0 : i32
    %sign3A_319 = arith.cmpi slt, %mul3A_312, %sign3A_318 : i32
    %sign3A_320 = arith.extui %sign3A_319 : i1 to i32
    %sign3A_321 = arith.subi %sign3A_317, %sign3A_320 : i32
    %sign3A_322 = arith.constant 0 : i32
    %sign3A_323 = arith.cmpi sgt, %jit3A_313, %sign3A_322 : i32
    %sign3A_324 = arith.extui %sign3A_323 : i1 to i32
    %sign3A_325 = arith.constant 0 : i32
    %sign3A_326 = arith.cmpi slt, %jit3A_313, %sign3A_325 : i32
    %sign3A_327 = arith.extui %sign3A_326 : i1 to i32
    %sign3A_328 = arith.subi %sign3A_324, %sign3A_327 : i32
    %ne3A_329 = arith.cmpi ne, %sign3A_321, %sign3A_328 : i32
    %rem3A_330 = arith.remsi %mul3A_312, %jit3A_313 : i32
    %ne3A_331 = arith.constant 0 : i32
    %ne3A_332 = arith.cmpi ne, %rem3A_330, %ne3A_331 : i32
    %and3A_333 = arith.andi %ne3A_329, %ne3A_332 : i1
    %sub3A_334 = arith.constant 1 : i32
    %sub3A_335 = arith.subi %div3A_314, %sub3A_334 : i32
    %select_n3A_336 = arith.select %and3A_333, %sub3A_335, %div3A_314 : i32
    %sub3A_337 = arith.subi %select_n3A_336, %select_n3A : i32
    %barrier3A = arith.constant 0 : index
    tpu.barrier barrier_id(%barrier3A)
    %add3A_338 = arith.constant 0 : i32
    %add3A_339 = arith.addi %select_n3A, %add3A_338 : i32
    %mul3A_340 = arith.constant 128 : i32
    %mul3A_341 = arith.muli %add3A_339, %mul3A_340 : i32
    %multiple_of3A = tpu.assume_multiple %mul3A_341, 128 : i32
    %dma_start3A = arith.constant 0 : i32
    %dma_start3A_342 = arith.constant 0 : i32
    %dma_start3A_343 = arith.constant 0 : i32
    %dma_start3A_344 = tpu.memref_slice %arg7[%dma_start3A, %dma_start3A_342, %dma_start3A_343] : memref<3x2x128xi32, #tpu.memory_space<vmem>> -> memref<1x2x128xi32, #tpu.memory_space<vmem>>
    %dma_start3A_345 = tpu.memref_squeeze %dma_start3A_344 : memref<1x2x128xi32, #tpu.memory_space<vmem>> -> memref<2x128xi32, #tpu.memory_space<vmem>>
    %dma_start3A_346 = arith.constant 0 : i32
    %dma_start3A_347 = tpu.memref_slice %arg2[%dma_start3A_346, %multiple_of3A] : memref<2x320000xi32, #tpu.memory_space<hbm>> -> memref<2x128xi32, #tpu.memory_space<hbm>>
    %dma_start3A_348 = arith.constant 0 : i32
    %dma_start3A_349 = arith.constant 0 : i32
    %dma_start3A_350 = tpu.memref_slice %arg7[%dma_start3A, %dma_start3A_348, %dma_start3A_349] : memref<3x2x128xi32, #tpu.memory_space<vmem>> -> memref<1x2x128xi32, #tpu.memory_space<vmem>>
    %dma_start3A_351 = tpu.memref_squeeze %dma_start3A_350 : memref<1x2x128xi32, #tpu.memory_space<vmem>> -> memref<2x128xi32, #tpu.memory_space<vmem>>
    %dma_start3A_352 = arith.constant 0 : i32
    %dma_start3A_353 = tpu.memref_slice %arg2[%dma_start3A_352, %multiple_of3A] : memref<2x320000xi32, #tpu.memory_space<hbm>> -> memref<2x128xi32, #tpu.memory_space<hbm>>
    tpu.enqueue_dma source(%dma_start3A_353 : memref<2x128xi32, #tpu.memory_space<hbm>>) target(%dma_start3A_351 : memref<2x128xi32, #tpu.memory_space<vmem>>) target_semaphore(%arg17 : memref<!tpu.dma_semaphore, #tpu.memory_space<semaphore_mem>>)
    %add3A_354 = arith.constant 1 : i32
    %add3A_355 = arith.addi %select_n3A, %add3A_354 : i32
    %mul3A_356 = arith.constant 128 : i32
    %mul3A_357 = arith.muli %add3A_355, %mul3A_356 : i32
    %multiple_of3A_358 = tpu.assume_multiple %mul3A_357, 128 : i32
    %dma_start3A_359 = arith.constant 1 : i32
    %dma_start3A_360 = arith.constant 0 : i32
    %dma_start3A_361 = arith.constant 0 : i32
    %dma_start3A_362 = tpu.memref_slice %arg7[%dma_start3A_359, %dma_start3A_360, %dma_start3A_361] : memref<3x2x128xi32, #tpu.memory_space<vmem>> -> memref<1x2x128xi32, #tpu.memory_space<vmem>>
    %dma_start3A_363 = tpu.memref_squeeze %dma_start3A_362 : memref<1x2x128xi32, #tpu.memory_space<vmem>> -> memref<2x128xi32, #tpu.memory_space<vmem>>
    %dma_start3A_364 = arith.constant 0 : i32
    %dma_start3A_365 = tpu.memref_slice %arg2[%dma_start3A_364, %multiple_of3A_358] : memref<2x320000xi32, #tpu.memory_space<hbm>> -> memref<2x128xi32, #tpu.memory_space<hbm>>
    %dma_start3A_366 = arith.constant 0 : i32
    %dma_start3A_367 = arith.constant 0 : i32
    %dma_start3A_368 = tpu.memref_slice %arg7[%dma_start3A_359, %dma_start3A_366, %dma_start3A_367] : memref<3x2x128xi32, #tpu.memory_space<vmem>> -> memref<1x2x128xi32, #tpu.memory_space<vmem>>
    %dma_start3A_369 = tpu.memref_squeeze %dma_start3A_368 : memref<1x2x128xi32, #tpu.memory_space<vmem>> -> memref<2x128xi32, #tpu.memory_space<vmem>>
    %dma_start3A_370 = arith.constant 0 : i32
    %dma_start3A_371 = tpu.memref_slice %arg2[%dma_start3A_370, %multiple_of3A_358] : memref<2x320000xi32, #tpu.memory_space<hbm>> -> memref<2x128xi32, #tpu.memory_space<hbm>>
    tpu.enqueue_dma source(%dma_start3A_371 : memref<2x128xi32, #tpu.memory_space<hbm>>) target(%dma_start3A_369 : memref<2x128xi32, #tpu.memory_space<vmem>>) target_semaphore(%arg18 : memref<!tpu.dma_semaphore, #tpu.memory_space<semaphore_mem>>)
    %add3A_372 = arith.constant 2 : i32
    %add3A_373 = arith.addi %select_n3A, %add3A_372 : i32
    %mul3A_374 = arith.constant 128 : i32
    %mul3A_375 = arith.muli %add3A_373, %mul3A_374 : i32
    %multiple_of3A_376 = tpu.assume_multiple %mul3A_375, 128 : i32
    %dma_start3A_377 = arith.constant 2 : i32
    %dma_start3A_378 = arith.constant 0 : i32
    %dma_start3A_379 = arith.constant 0 : i32
    %dma_start3A_380 = tpu.memref_slice %arg7[%dma_start3A_377, %dma_start3A_378, %dma_start3A_379] : memref<3x2x128xi32, #tpu.memory_space<vmem>> -> memref<1x2x128xi32, #tpu.memory_space<vmem>>
    %dma_start3A_381 = tpu.memref_squeeze %dma_start3A_380 : memref<1x2x128xi32, #tpu.memory_space<vmem>> -> memref<2x128xi32, #tpu.memory_space<vmem>>
    %dma_start3A_382 = arith.constant 0 : i32
    %dma_start3A_383 = tpu.memref_slice %arg2[%dma_start3A_382, %multiple_of3A_376] : memref<2x320000xi32, #tpu.memory_space<hbm>> -> memref<2x128xi32, #tpu.memory_space<hbm>>
    %dma_start3A_384 = arith.constant 0 : i32
    %dma_start3A_385 = arith.constant 0 : i32
    %dma_start3A_386 = tpu.memref_slice %arg7[%dma_start3A_377, %dma_start3A_384, %dma_start3A_385] : memref<3x2x128xi32, #tpu.memory_space<vmem>> -> memref<1x2x128xi32, #tpu.memory_space<vmem>>
    %dma_start3A_387 = tpu.memref_squeeze %dma_start3A_386 : memref<1x2x128xi32, #tpu.memory_space<vmem>> -> memref<2x128xi32, #tpu.memory_space<vmem>>
    %dma_start3A_388 = arith.constant 0 : i32
    %dma_start3A_389 = tpu.memref_slice %arg2[%dma_start3A_388, %multiple_of3A_376] : memref<2x320000xi32, #tpu.memory_space<hbm>> -> memref<2x128xi32, #tpu.memory_space<hbm>>
    tpu.enqueue_dma source(%dma_start3A_389 : memref<2x128xi32, #tpu.memory_space<hbm>>) target(%dma_start3A_387 : memref<2x128xi32, #tpu.memory_space<vmem>>) target_semaphore(%arg19 : memref<!tpu.dma_semaphore, #tpu.memory_space<semaphore_mem>>)
    %add3A_390 = arith.constant 0 : i32
    %add3A_391 = arith.addi %select_n3A, %add3A_390 : i32
    %mul3A_392 = arith.constant 128 : i32
    %mul3A_393 = arith.muli %add3A_391, %mul3A_392 : i32
    %multiple_of3A_394 = tpu.assume_multiple %mul3A_393, 128 : i32
    %dma_wait3A = arith.constant 0 : i32
    %dma_wait3A_395 = arith.constant 0 : i32
    %dma_wait3A_396 = arith.constant 0 : i32
    %dma_wait3A_397 = tpu.memref_slice %arg7[%dma_wait3A, %dma_wait3A_395, %dma_wait3A_396] : memref<3x2x128xi32, #tpu.memory_space<vmem>> -> memref<1x2x128xi32, #tpu.memory_space<vmem>>
    %dma_wait3A_398 = tpu.memref_squeeze %dma_wait3A_397 : memref<1x2x128xi32, #tpu.memory_space<vmem>> -> memref<2x128xi32, #tpu.memory_space<vmem>>
    %dma_wait3A_399 = arith.constant 0 : i32
    %dma_wait3A_400 = tpu.memref_slice %arg2[%dma_wait3A_399, %multiple_of3A_394] : memref<2x320000xi32, #tpu.memory_space<hbm>> -> memref<2x128xi32, #tpu.memory_space<hbm>>
    %dma_wait3A_401 = arith.constant 0 : i32
    %dma_wait3A_402 = arith.constant 0 : i32
    %dma_wait3A_403 = tpu.memref_slice %arg7[%dma_wait3A, %dma_wait3A_401, %dma_wait3A_402] : memref<3x2x128xi32, #tpu.memory_space<vmem>> -> memref<1x2x128xi32, #tpu.memory_space<vmem>>
    %dma_wait3A_404 = tpu.memref_squeeze %dma_wait3A_403 : memref<1x2x128xi32, #tpu.memory_space<vmem>> -> memref<2x128xi32, #tpu.memory_space<vmem>>
    %dma_wait3A_405 = arith.constant 0 : i32
    %dma_wait3A_406 = tpu.memref_slice %arg2[%dma_wait3A_405, %multiple_of3A_394] : memref<2x320000xi32, #tpu.memory_space<hbm>> -> memref<2x128xi32, #tpu.memory_space<hbm>>
    tpu.wait_dma2 semaphore(%arg17 : memref<!tpu.dma_semaphore, #tpu.memory_space<semaphore_mem>>) src(%dma_wait3A_406 : memref<2x128xi32, #tpu.memory_space<hbm>>) dst(%dma_wait3A_404 : memref<2x128xi32, #tpu.memory_space<vmem>>)
    %dma_start3A_407 = arith.constant 0 : i32
    %dma_start3A_408 = arith.constant 0 : i32
    %dma_start3A_409 = arith.constant 0 : i32
    %dma_start3A_410 = arith.constant 0 : i32
    %dma_start3A_411 = arith.constant 0 : i32
    %dma_start3A_412 = tpu.memref_slice %arg8[%dma_start3A_409, %dma_start3A_410, %dma_start3A_411] : memref<2x128x128xf32, #tpu.memory_space<vmem>> -> memref<1x128x128xf32, #tpu.memory_space<vmem>>
    %dma_start3A_413 = tpu.memref_squeeze %dma_start3A_412 : memref<1x128x128xf32, #tpu.memory_space<vmem>> -> memref<128x128xf32, #tpu.memory_space<vmem>>
    %dma_start3A_414 = arith.constant 0 : i32
    %dma_start3A_415 = tpu.memref_slice %arg7[%dma_start3A_407, %dma_start3A_408, %dma_start3A_414] : memref<3x2x128xi32, #tpu.memory_space<vmem>> -> memref<1x1x128xi32, #tpu.memory_space<vmem>>
    %dma_start3A_416 = tpu.memref_squeeze %dma_start3A_415 : memref<1x1x128xi32, #tpu.memory_space<vmem>> -> memref<128xi32, #tpu.memory_space<vmem>>
    %dma_start3A_417 = arith.constant 0 : i32
    %dma_start3A_418 = arith.constant 0 : i32
    %dma_start3A_419 = tpu.memref_slice %arg3[%dma_start3A_417, %dma_start3A_418] : memref<10000x128xf32, #tpu.memory_space<hbm>> -> memref<10000x128xf32, #tpu.memory_space<hbm>>
    tpu.enqueue_indirect_dma source(%dma_start3A_419 : memref<10000x128xf32, #tpu.memory_space<hbm>>) target(%dma_start3A_413 : memref<128x128xf32, #tpu.memory_space<vmem>>) offsets(%dma_start3A_416 : memref<128xi32, #tpu.memory_space<vmem>>) semaphore(%arg13 : memref<!tpu.dma_semaphore, #tpu.memory_space<semaphore_mem>>)
    %add3A_420 = arith.constant 1 : i32
    %add3A_421 = arith.addi %select_n3A, %add3A_420 : i32
    %mul3A_422 = arith.constant 128 : i32
    %mul3A_423 = arith.muli %add3A_421, %mul3A_422 : i32
    %multiple_of3A_424 = tpu.assume_multiple %mul3A_423, 128 : i32
    %dma_wait3A_425 = arith.constant 1 : i32
    %dma_wait3A_426 = arith.constant 0 : i32
    %dma_wait3A_427 = arith.constant 0 : i32
    %dma_wait3A_428 = tpu.memref_slice %arg7[%dma_wait3A_425, %dma_wait3A_426, %dma_wait3A_427] : memref<3x2x128xi32, #tpu.memory_space<vmem>> -> memref<1x2x128xi32, #tpu.memory_space<vmem>>
    %dma_wait3A_429 = tpu.memref_squeeze %dma_wait3A_428 : memref<1x2x128xi32, #tpu.memory_space<vmem>> -> memref<2x128xi32, #tpu.memory_space<vmem>>
    %dma_wait3A_430 = arith.constant 0 : i32
    %dma_wait3A_431 = tpu.memref_slice %arg2[%dma_wait3A_430, %multiple_of3A_424] : memref<2x320000xi32, #tpu.memory_space<hbm>> -> memref<2x128xi32, #tpu.memory_space<hbm>>
    %dma_wait3A_432 = arith.constant 0 : i32
    %dma_wait3A_433 = arith.constant 0 : i32
    %dma_wait3A_434 = tpu.memref_slice %arg7[%dma_wait3A_425, %dma_wait3A_432, %dma_wait3A_433] : memref<3x2x128xi32, #tpu.memory_space<vmem>> -> memref<1x2x128xi32, #tpu.memory_space<vmem>>
    %dma_wait3A_435 = tpu.memref_squeeze %dma_wait3A_434 : memref<1x2x128xi32, #tpu.memory_space<vmem>> -> memref<2x128xi32, #tpu.memory_space<vmem>>
    %dma_wait3A_436 = arith.constant 0 : i32
    %dma_wait3A_437 = tpu.memref_slice %arg2[%dma_wait3A_436, %multiple_of3A_424] : memref<2x320000xi32, #tpu.memory_space<hbm>> -> memref<2x128xi32, #tpu.memory_space<hbm>>
    tpu.wait_dma2 semaphore(%arg18 : memref<!tpu.dma_semaphore, #tpu.memory_space<semaphore_mem>>) src(%dma_wait3A_437 : memref<2x128xi32, #tpu.memory_space<hbm>>) dst(%dma_wait3A_435 : memref<2x128xi32, #tpu.memory_space<vmem>>)
    %dma_start3A_438 = arith.constant 1 : i32
    %dma_start3A_439 = arith.constant 0 : i32
    %dma_start3A_440 = arith.constant 1 : i32
    %dma_start3A_441 = arith.constant 0 : i32
    %dma_start3A_442 = arith.constant 0 : i32
    %dma_start3A_443 = tpu.memref_slice %arg8[%dma_start3A_440, %dma_start3A_441, %dma_start3A_442] : memref<2x128x128xf32, #tpu.memory_space<vmem>> -> memref<1x128x128xf32, #tpu.memory_space<vmem>>
    %dma_start3A_444 = tpu.memref_squeeze %dma_start3A_443 : memref<1x128x128xf32, #tpu.memory_space<vmem>> -> memref<128x128xf32, #tpu.memory_space<vmem>>
    %dma_start3A_445 = arith.constant 0 : i32
    %dma_start3A_446 = tpu.memref_slice %arg7[%dma_start3A_438, %dma_start3A_439, %dma_start3A_445] : memref<3x2x128xi32, #tpu.memory_space<vmem>> -> memref<1x1x128xi32, #tpu.memory_space<vmem>>
    %dma_start3A_447 = tpu.memref_squeeze %dma_start3A_446 : memref<1x1x128xi32, #tpu.memory_space<vmem>> -> memref<128xi32, #tpu.memory_space<vmem>>
    %dma_start3A_448 = arith.constant 0 : i32
    %dma_start3A_449 = arith.constant 0 : i32
    %dma_start3A_450 = tpu.memref_slice %arg3[%dma_start3A_448, %dma_start3A_449] : memref<10000x128xf32, #tpu.memory_space<hbm>> -> memref<10000x128xf32, #tpu.memory_space<hbm>>
    tpu.enqueue_indirect_dma source(%dma_start3A_450 : memref<10000x128xf32, #tpu.memory_space<hbm>>) target(%dma_start3A_444 : memref<128x128xf32, #tpu.memory_space<vmem>>) offsets(%dma_start3A_447 : memref<128xi32, #tpu.memory_space<vmem>>) semaphore(%arg14 : memref<!tpu.dma_semaphore, #tpu.memory_space<semaphore_mem>>)
    %dma_start3A_451 = arith.constant 0 : i32
    %dma_start3A_452 = arith.constant 1 : i32
    %dma_start3A_453 = arith.constant 0 : i32
    %dma_start3A_454 = tpu.memref_slice %arg7[%dma_start3A_451, %dma_start3A_452, %dma_start3A_453] : memref<3x2x128xi32, #tpu.memory_space<vmem>> -> memref<1x1x128xi32, #tpu.memory_space<vmem>>
    %dma_start3A_455 = tpu.memref_squeeze %dma_start3A_454 : memref<1x1x128xi32, #tpu.memory_space<vmem>> -> memref<128xi32, #tpu.memory_space<vmem>>
    %dma_start3A_456 = arith.constant 0 : i32
    %dma_start3A_457 = tpu.memref_slice %arg12[%dma_start3A_456] : memref<10240xf32, #tpu.memory_space<vmem_shared>> -> memref<10240xf32, #tpu.memory_space<vmem_shared>>
    tpu.enqueue_indirect_dma source(%arg9 : memref<128xf32, #tpu.memory_space<vmem>>) target(%dma_start3A_457 : memref<10240xf32, #tpu.memory_space<vmem_shared>>) offsets(%dma_start3A_455 : memref<128xi32, #tpu.memory_space<vmem>>) semaphore(%arg20 : memref<!tpu.dma_semaphore, #tpu.memory_space<semaphore_mem>>) {add = true}
    %scan3A = arith.constant 0 : i32
    %scan3A_458 = arith.constant 0 : i32
    %scan3A_459 = arith.constant 13 : i32
    %scan3A_460 = arith.addi %scan3A_458, %scan3A_459 : i32
    %scan3A_461 = arith.constant 1 : i32
    scf.for %scan3A_524 = %scan3A_458 to %scan3A_460 step %scan3A_461  : i32 {
      %mul3A_525 = arith.constant 6 : i32
      %mul3A_526 = arith.muli %scan3A_524, %mul3A_525 : i32
      %add3A_527 = arith.constant 0 : i32
      %add3A_528 = arith.addi %mul3A_526, %add3A_527 : i32
      %dma_wait3A_529 = arith.constant 0 : i32
      %dma_wait3A_530 = arith.constant 0 : i32
      %dma_wait3A_531 = arith.constant 0 : i32
      %dma_wait3A_532 = arith.constant 0 : i32
      %dma_wait3A_533 = arith.constant 0 : i32
      %dma_wait3A_534 = tpu.memref_slice %arg8[%dma_wait3A_531, %dma_wait3A_532, %dma_wait3A_533] : memref<2x128x128xf32, #tpu.memory_space<vmem>> -> memref<1x128x128xf32, #tpu.memory_space<vmem>>
      %dma_wait3A_535 = tpu.memref_squeeze %dma_wait3A_534 : memref<1x128x128xf32, #tpu.memory_space<vmem>> -> memref<128x128xf32, #tpu.memory_space<vmem>>
      %dma_wait3A_536 = arith.constant 0 : i32
      %dma_wait3A_537 = tpu.memref_slice %arg7[%dma_wait3A_529, %dma_wait3A_530, %dma_wait3A_536] : memref<3x2x128xi32, #tpu.memory_space<vmem>> -> memref<1x1x128xi32, #tpu.memory_space<vmem>>
      %dma_wait3A_538 = tpu.memref_squeeze %dma_wait3A_537 : memref<1x1x128xi32, #tpu.memory_space<vmem>> -> memref<128xi32, #tpu.memory_space<vmem>>
      %dma_wait3A_539 = arith.constant 0 : i32
      %dma_wait3A_540 = arith.constant 0 : i32
      %dma_wait3A_541 = tpu.memref_slice %arg3[%dma_wait3A_539, %dma_wait3A_540] : memref<10000x128xf32, #tpu.memory_space<hbm>> -> memref<10000x128xf32, #tpu.memory_space<hbm>>
      tpu.wait_indirect_dma semaphore(%arg13 : memref<!tpu.dma_semaphore, #tpu.memory_space<semaphore_mem>>) src(%dma_wait3A_541 : memref<10000x128xf32, #tpu.memory_space<hbm>>) dst(%dma_wait3A_535 : memref<128x128xf32, #tpu.memory_space<vmem>>)
      %dma_start3A_542 = arith.constant 0 : i32
      %dma_start3A_543 = arith.constant 0 : i32
      %dma_start3A_544 = arith.constant 1 : i32
      %dma_start3A_545 = arith.constant 0 : i32
      %dma_start3A_546 = arith.constant 0 : i32
      %dma_start3A_547 = tpu.memref_slice %arg8[%dma_start3A_542, %dma_start3A_545, %dma_start3A_546] : memref<2x128x128xf32, #tpu.memory_space<vmem>> -> memref<1x128x128xf32, #tpu.memory_space<vmem>>
      %dma_start3A_548 = tpu.memref_squeeze %dma_start3A_547 : memref<1x128x128xf32, #tpu.memory_space<vmem>> -> memref<128x128xf32, #tpu.memory_space<vmem>>
      %dma_start3A_549 = arith.constant 0 : i32
      %dma_start3A_550 = tpu.memref_slice %arg7[%dma_start3A_543, %dma_start3A_544, %dma_start3A_549] : memref<3x2x128xi32, #tpu.memory_space<vmem>> -> memref<1x1x128xi32, #tpu.memory_space<vmem>>
      %dma_start3A_551 = tpu.memref_squeeze %dma_start3A_550 : memref<1x1x128xi32, #tpu.memory_space<vmem>> -> memref<128xi32, #tpu.memory_space<vmem>>
      %dma_start3A_552 = arith.constant 0 : i32
      %dma_start3A_553 = arith.constant 0 : i32
      %dma_start3A_554 = tpu.memref_slice %arg11[%dma_start3A_552, %dma_start3A_553] : memref<10240x128xf32, #tpu.memory_space<vmem_shared>> -> memref<10240x128xf32, #tpu.memory_space<vmem_shared>>
      tpu.enqueue_indirect_dma source(%dma_start3A_548 : memref<128x128xf32, #tpu.memory_space<vmem>>) target(%dma_start3A_554 : memref<10240x128xf32, #tpu.memory_space<vmem_shared>>) offsets(%dma_start3A_551 : memref<128xi32, #tpu.memory_space<vmem>>) semaphore(%arg15 : memref<!tpu.dma_semaphore, #tpu.memory_space<semaphore_mem>>) {add = true}
      %add3A_555 = arith.constant 1 : i32
      %add3A_556 = arith.addi %add3A_528, %add3A_555 : i32
      %lt3A = arith.constant 78 : i32
      %lt3A_557 = arith.cmpi slt, %add3A_556, %lt3A : i32
      %convert_element_type3A_558 = arith.extui %lt3A_557 : i1 to i32
      %cond3A_559 = arith.constant 0 : i32
      %cond3A_560 = arith.cmpi ne, %convert_element_type3A_558, %cond3A_559 : i32
      scf.if %cond3A_560 {
        %dma_start3A_830 = arith.constant 1 : i32
        %dma_start3A_831 = arith.constant 1 : i32
        %dma_start3A_832 = arith.constant 0 : i32
        %dma_start3A_833 = tpu.memref_slice %arg7[%dma_start3A_830, %dma_start3A_831, %dma_start3A_832] : memref<3x2x128xi32, #tpu.memory_space<vmem>> -> memref<1x1x128xi32, #tpu.memory_space<vmem>>
        %dma_start3A_834 = tpu.memref_squeeze %dma_start3A_833 : memref<1x1x128xi32, #tpu.memory_space<vmem>> -> memref<128xi32, #tpu.memory_space<vmem>>
        %dma_start3A_835 = arith.constant 0 : i32
        %dma_start3A_836 = tpu.memref_slice %arg12[%dma_start3A_835] : memref<10240xf32, #tpu.memory_space<vmem_shared>> -> memref<10240xf32, #tpu.memory_space<vmem_shared>>
        tpu.enqueue_indirect_dma source(%arg9 : memref<128xf32, #tpu.memory_space<vmem>>) target(%dma_start3A_836 : memref<10240xf32, #tpu.memory_space<vmem_shared>>) offsets(%dma_start3A_834 : memref<128xi32, #tpu.memory_space<vmem>>) semaphore(%arg21 : memref<!tpu.dma_semaphore, #tpu.memory_space<semaphore_mem>>) {add = true}
      } else {
      }
      %add3A_561 = arith.constant 2 : i32
      %add3A_562 = arith.addi %add3A_528, %add3A_561 : i32
      %lt3A_563 = arith.constant 78 : i32
      %lt3A_564 = arith.cmpi slt, %add3A_562, %lt3A_563 : i32
      %convert_element_type3A_565 = arith.extui %lt3A_564 : i1 to i32
      %cond3A_566 = arith.constant 0 : i32
      %cond3A_567 = arith.cmpi ne, %convert_element_type3A_565, %cond3A_566 : i32
      scf.if %cond3A_567 {
        %dma_wait3A_830 = arith.constant 0 : i32
        %dma_wait3A_831 = arith.constant 0 : i32
        %dma_wait3A_832 = arith.constant 1 : i32
        %dma_wait3A_833 = arith.constant 0 : i32
        %dma_wait3A_834 = arith.constant 0 : i32
        %dma_wait3A_835 = tpu.memref_slice %arg8[%dma_wait3A_830, %dma_wait3A_833, %dma_wait3A_834] : memref<2x128x128xf32, #tpu.memory_space<vmem>> -> memref<1x128x128xf32, #tpu.memory_space<vmem>>
        %dma_wait3A_836 = tpu.memref_squeeze %dma_wait3A_835 : memref<1x128x128xf32, #tpu.memory_space<vmem>> -> memref<128x128xf32, #tpu.memory_space<vmem>>
        %dma_wait3A_837 = arith.constant 0 : i32
        %dma_wait3A_838 = tpu.memref_slice %arg7[%dma_wait3A_831, %dma_wait3A_832, %dma_wait3A_837] : memref<3x2x128xi32, #tpu.memory_space<vmem>> -> memref<1x1x128xi32, #tpu.memory_space<vmem>>
        %dma_wait3A_839 = tpu.memref_squeeze %dma_wait3A_838 : memref<1x1x128xi32, #tpu.memory_space<vmem>> -> memref<128xi32, #tpu.memory_space<vmem>>
        %dma_wait3A_840 = arith.constant 0 : i32
        %dma_wait3A_841 = arith.constant 0 : i32
        %dma_wait3A_842 = tpu.memref_slice %arg11[%dma_wait3A_840, %dma_wait3A_841] : memref<10240x128xf32, #tpu.memory_space<vmem_shared>> -> memref<10240x128xf32, #tpu.memory_space<vmem_shared>>
        tpu.wait_indirect_dma semaphore(%arg15 : memref<!tpu.dma_semaphore, #tpu.memory_space<semaphore_mem>>) src(%dma_wait3A_836 : memref<128x128xf32, #tpu.memory_space<vmem>>) dst(%dma_wait3A_842 : memref<10240x128xf32, #tpu.memory_space<vmem_shared>>)
        %add3A_843 = arith.constant 2 : i32
        %add3A_844 = arith.addi %add3A_528, %add3A_843 : i32
        %add3A_845 = arith.addi %select_n3A, %add3A_844 : i32
        %mul3A_846 = arith.constant 128 : i32
        %mul3A_847 = arith.muli %add3A_845, %mul3A_846 : i32
        %multiple_of3A_848 = tpu.assume_multiple %mul3A_847, 128 : i32
        %dma_wait3A_849 = arith.constant 2 : i32
        %dma_wait3A_850 = arith.constant 0 : i32
        %dma_wait3A_851 = arith.constant 0 : i32
        %dma_wait3A_852 = tpu.memref_slice %arg7[%dma_wait3A_849, %dma_wait3A_850, %dma_wait3A_851] : memref<3x2x128xi32, #tpu.memory_space<vmem>> -> memref<1x2x128xi32, #tpu.memory_space<vmem>>
        %dma_wait3A_853 = tpu.memref_squeeze %dma_wait3A_852 : memref<1x2x128xi32, #tpu.memory_space<vmem>> -> memref<2x128xi32, #tpu.memory_space<vmem>>
        %dma_wait3A_854 = arith.constant 0 : i32
        %dma_wait3A_855 = tpu.memref_slice %arg2[%dma_wait3A_854, %multiple_of3A_848] : memref<2x320000xi32, #tpu.memory_space<hbm>> -> memref<2x128xi32, #tpu.memory_space<hbm>>
        %dma_wait3A_856 = arith.constant 0 : i32
        %dma_wait3A_857 = arith.constant 0 : i32
        %dma_wait3A_858 = tpu.memref_slice %arg7[%dma_wait3A_849, %dma_wait3A_856, %dma_wait3A_857] : memref<3x2x128xi32, #tpu.memory_space<vmem>> -> memref<1x2x128xi32, #tpu.memory_space<vmem>>
        %dma_wait3A_859 = tpu.memref_squeeze %dma_wait3A_858 : memref<1x2x128xi32, #tpu.memory_space<vmem>> -> memref<2x128xi32, #tpu.memory_space<vmem>>
        %dma_wait3A_860 = arith.constant 0 : i32
        %dma_wait3A_861 = tpu.memref_slice %arg2[%dma_wait3A_860, %multiple_of3A_848] : memref<2x320000xi32, #tpu.memory_space<hbm>> -> memref<2x128xi32, #tpu.memory_space<hbm>>
        tpu.wait_dma2 semaphore(%arg19 : memref<!tpu.dma_semaphore, #tpu.memory_space<semaphore_mem>>) src(%dma_wait3A_861 : memref<2x128xi32, #tpu.memory_space<hbm>>) dst(%dma_wait3A_859 : memref<2x128xi32, #tpu.memory_space<vmem>>)
        %dma_start3A_862 = arith.constant 2 : i32
        %dma_start3A_863 = arith.constant 0 : i32
        %dma_start3A_864 = arith.constant 0 : i32
        %dma_start3A_865 = arith.constant 0 : i32
        %dma_start3A_866 = arith.constant 0 : i32
        %dma_start3A_867 = tpu.memref_slice %arg8[%dma_start3A_864, %dma_start3A_865, %dma_start3A_866] : memref<2x128x128xf32, #tpu.memory_space<vmem>> -> memref<1x128x128xf32, #tpu.memory_space<vmem>>
        %dma_start3A_868 = tpu.memref_squeeze %dma_start3A_867 : memref<1x128x128xf32, #tpu.memory_space<vmem>> -> memref<128x128xf32, #tpu.memory_space<vmem>>
        %dma_start3A_869 = arith.constant 0 : i32
        %dma_start3A_870 = tpu.memref_slice %arg7[%dma_start3A_862, %dma_start3A_863, %dma_start3A_869] : memref<3x2x128xi32, #tpu.memory_space<vmem>> -> memref<1x1x128xi32, #tpu.memory_space<vmem>>
        %dma_start3A_871 = tpu.memref_squeeze %dma_start3A_870 : memref<1x1x128xi32, #tpu.memory_space<vmem>> -> memref<128xi32, #tpu.memory_space<vmem>>
        %dma_start3A_872 = arith.constant 0 : i32
        %dma_start3A_873 = arith.constant 0 : i32
        %dma_start3A_874 = tpu.memref_slice %arg3[%dma_start3A_872, %dma_start3A_873] : memref<10000x128xf32, #tpu.memory_space<hbm>> -> memref<10000x128xf32, #tpu.memory_space<hbm>>
        tpu.enqueue_indirect_dma source(%dma_start3A_874 : memref<10000x128xf32, #tpu.memory_space<hbm>>) target(%dma_start3A_868 : memref<128x128xf32, #tpu.memory_space<vmem>>) offsets(%dma_start3A_871 : memref<128xi32, #tpu.memory_space<vmem>>) semaphore(%arg13 : memref<!tpu.dma_semaphore, #tpu.memory_space<semaphore_mem>>)
      } else {
      }
      %add3A_568 = arith.constant 3 : i32
      %add3A_569 = arith.addi %add3A_528, %add3A_568 : i32
      %lt3A_570 = arith.constant 78 : i32
      %lt3A_571 = arith.cmpi slt, %add3A_569, %lt3A_570 : i32
      %convert_element_type3A_572 = arith.extui %lt3A_571 : i1 to i32
      %cond3A_573 = arith.constant 0 : i32
      %cond3A_574 = arith.cmpi ne, %convert_element_type3A_572, %cond3A_573 : i32
      scf.if %cond3A_574 {
        %dma_wait3A_830 = arith.constant 0 : i32
        %dma_wait3A_831 = arith.constant 1 : i32
        %dma_wait3A_832 = arith.constant 0 : i32
        %dma_wait3A_833 = tpu.memref_slice %arg7[%dma_wait3A_830, %dma_wait3A_831, %dma_wait3A_832] : memref<3x2x128xi32, #tpu.memory_space<vmem>> -> memref<1x1x128xi32, #tpu.memory_space<vmem>>
        %dma_wait3A_834 = tpu.memref_squeeze %dma_wait3A_833 : memref<1x1x128xi32, #tpu.memory_space<vmem>> -> memref<128xi32, #tpu.memory_space<vmem>>
        %dma_wait3A_835 = arith.constant 0 : i32
        %dma_wait3A_836 = tpu.memref_slice %arg12[%dma_wait3A_835] : memref<10240xf32, #tpu.memory_space<vmem_shared>> -> memref<10240xf32, #tpu.memory_space<vmem_shared>>
        tpu.wait_indirect_dma semaphore(%arg20 : memref<!tpu.dma_semaphore, #tpu.memory_space<semaphore_mem>>) src(%arg9 : memref<128xf32, #tpu.memory_space<vmem>>) dst(%dma_wait3A_836 : memref<10240xf32, #tpu.memory_space<vmem_shared>>)
        %add3A_837 = arith.constant 3 : i32
        %add3A_838 = arith.addi %add3A_528, %add3A_837 : i32
        %add3A_839 = arith.addi %select_n3A, %add3A_838 : i32
        %mul3A_840 = arith.constant 128 : i32
        %mul3A_841 = arith.muli %add3A_839, %mul3A_840 : i32
        %multiple_of3A_842 = tpu.assume_multiple %mul3A_841, 128 : i32
        %dma_start3A_843 = arith.constant 0 : i32
        %dma_start3A_844 = arith.constant 0 : i32
        %dma_start3A_845 = arith.constant 0 : i32
        %dma_start3A_846 = tpu.memref_slice %arg7[%dma_start3A_843, %dma_start3A_844, %dma_start3A_845] : memref<3x2x128xi32, #tpu.memory_space<vmem>> -> memref<1x2x128xi32, #tpu.memory_space<vmem>>
        %dma_start3A_847 = tpu.memref_squeeze %dma_start3A_846 : memref<1x2x128xi32, #tpu.memory_space<vmem>> -> memref<2x128xi32, #tpu.memory_space<vmem>>
        %dma_start3A_848 = arith.constant 0 : i32
        %dma_start3A_849 = tpu.memref_slice %arg2[%dma_start3A_848, %multiple_of3A_842] : memref<2x320000xi32, #tpu.memory_space<hbm>> -> memref<2x128xi32, #tpu.memory_space<hbm>>
        %dma_start3A_850 = arith.constant 0 : i32
        %dma_start3A_851 = arith.constant 0 : i32
        %dma_start3A_852 = tpu.memref_slice %arg7[%dma_start3A_843, %dma_start3A_850, %dma_start3A_851] : memref<3x2x128xi32, #tpu.memory_space<vmem>> -> memref<1x2x128xi32, #tpu.memory_space<vmem>>
        %dma_start3A_853 = tpu.memref_squeeze %dma_start3A_852 : memref<1x2x128xi32, #tpu.memory_space<vmem>> -> memref<2x128xi32, #tpu.memory_space<vmem>>
        %dma_start3A_854 = arith.constant 0 : i32
        %dma_start3A_855 = tpu.memref_slice %arg2[%dma_start3A_854, %multiple_of3A_842] : memref<2x320000xi32, #tpu.memory_space<hbm>> -> memref<2x128xi32, #tpu.memory_space<hbm>>
        tpu.enqueue_dma source(%dma_start3A_855 : memref<2x128xi32, #tpu.memory_space<hbm>>) target(%dma_start3A_853 : memref<2x128xi32, #tpu.memory_space<vmem>>) target_semaphore(%arg17 : memref<!tpu.dma_semaphore, #tpu.memory_space<semaphore_mem>>)
      } else {
      }
      %mul3A_575 = arith.constant 6 : i32
      %mul3A_576 = arith.muli %scan3A_524, %mul3A_575 : i32
      %add3A_577 = arith.constant 1 : i32
      %add3A_578 = arith.addi %mul3A_576, %add3A_577 : i32
      %dma_wait3A_579 = arith.constant 1 : i32
      %dma_wait3A_580 = arith.constant 0 : i32
      %dma_wait3A_581 = arith.constant 1 : i32
      %dma_wait3A_582 = arith.constant 0 : i32
      %dma_wait3A_583 = arith.constant 0 : i32
      %dma_wait3A_584 = tpu.memref_slice %arg8[%dma_wait3A_581, %dma_wait3A_582, %dma_wait3A_583] : memref<2x128x128xf32, #tpu.memory_space<vmem>> -> memref<1x128x128xf32, #tpu.memory_space<vmem>>
      %dma_wait3A_585 = tpu.memref_squeeze %dma_wait3A_584 : memref<1x128x128xf32, #tpu.memory_space<vmem>> -> memref<128x128xf32, #tpu.memory_space<vmem>>
      %dma_wait3A_586 = arith.constant 0 : i32
      %dma_wait3A_587 = tpu.memref_slice %arg7[%dma_wait3A_579, %dma_wait3A_580, %dma_wait3A_586] : memref<3x2x128xi32, #tpu.memory_space<vmem>> -> memref<1x1x128xi32, #tpu.memory_space<vmem>>
      %dma_wait3A_588 = tpu.memref_squeeze %dma_wait3A_587 : memref<1x1x128xi32, #tpu.memory_space<vmem>> -> memref<128xi32, #tpu.memory_space<vmem>>
      %dma_wait3A_589 = arith.constant 0 : i32
      %dma_wait3A_590 = arith.constant 0 : i32
      %dma_wait3A_591 = tpu.memref_slice %arg3[%dma_wait3A_589, %dma_wait3A_590] : memref<10000x128xf32, #tpu.memory_space<hbm>> -> memref<10000x128xf32, #tpu.memory_space<hbm>>
      tpu.wait_indirect_dma semaphore(%arg14 : memref<!tpu.dma_semaphore, #tpu.memory_space<semaphore_mem>>) src(%dma_wait3A_591 : memref<10000x128xf32, #tpu.memory_space<hbm>>) dst(%dma_wait3A_585 : memref<128x128xf32, #tpu.memory_space<vmem>>)
      %dma_start3A_592 = arith.constant 1 : i32
      %dma_start3A_593 = arith.constant 1 : i32
      %dma_start3A_594 = arith.constant 1 : i32
      %dma_start3A_595 = arith.constant 0 : i32
      %dma_start3A_596 = arith.constant 0 : i32
      %dma_start3A_597 = tpu.memref_slice %arg8[%dma_start3A_592, %dma_start3A_595, %dma_start3A_596] : memref<2x128x128xf32, #tpu.memory_space<vmem>> -> memref<1x128x128xf32, #tpu.memory_space<vmem>>
      %dma_start3A_598 = tpu.memref_squeeze %dma_start3A_597 : memref<1x128x128xf32, #tpu.memory_space<vmem>> -> memref<128x128xf32, #tpu.memory_space<vmem>>
      %dma_start3A_599 = arith.constant 0 : i32
      %dma_start3A_600 = tpu.memref_slice %arg7[%dma_start3A_593, %dma_start3A_594, %dma_start3A_599] : memref<3x2x128xi32, #tpu.memory_space<vmem>> -> memref<1x1x128xi32, #tpu.memory_space<vmem>>
      %dma_start3A_601 = tpu.memref_squeeze %dma_start3A_600 : memref<1x1x128xi32, #tpu.memory_space<vmem>> -> memref<128xi32, #tpu.memory_space<vmem>>
      %dma_start3A_602 = arith.constant 0 : i32
      %dma_start3A_603 = arith.constant 0 : i32
      %dma_start3A_604 = tpu.memref_slice %arg11[%dma_start3A_602, %dma_start3A_603] : memref<10240x128xf32, #tpu.memory_space<vmem_shared>> -> memref<10240x128xf32, #tpu.memory_space<vmem_shared>>
      tpu.enqueue_indirect_dma source(%dma_start3A_598 : memref<128x128xf32, #tpu.memory_space<vmem>>) target(%dma_start3A_604 : memref<10240x128xf32, #tpu.memory_space<vmem_shared>>) offsets(%dma_start3A_601 : memref<128xi32, #tpu.memory_space<vmem>>) semaphore(%arg16 : memref<!tpu.dma_semaphore, #tpu.memory_space<semaphore_mem>>) {add = true}
      %add3A_605 = arith.constant 1 : i32
      %add3A_606 = arith.addi %add3A_578, %add3A_605 : i32
      %lt3A_607 = arith.constant 78 : i32
      %lt3A_608 = arith.cmpi slt, %add3A_606, %lt3A_607 : i32
      %convert_element_type3A_609 = arith.extui %lt3A_608 : i1 to i32
      %cond3A_610 = arith.constant 0 : i32
      %cond3A_611 = arith.cmpi ne, %convert_element_type3A_609, %cond3A_610 : i32
      scf.if %cond3A_611 {
        %dma_start3A_830 = arith.constant 2 : i32
        %dma_start3A_831 = arith.constant 1 : i32
        %dma_start3A_832 = arith.constant 0 : i32
        %dma_start3A_833 = tpu.memref_slice %arg7[%dma_start3A_830, %dma_start3A_831, %dma_start3A_832] : memref<3x2x128xi32, #tpu.memory_space<vmem>> -> memref<1x1x128xi32, #tpu.memory_space<vmem>>
        %dma_start3A_834 = tpu.memref_squeeze %dma_start3A_833 : memref<1x1x128xi32, #tpu.memory_space<vmem>> -> memref<128xi32, #tpu.memory_space<vmem>>
        %dma_start3A_835 = arith.constant 0 : i32
        %dma_start3A_836 = tpu.memref_slice %arg12[%dma_start3A_835] : memref<10240xf32, #tpu.memory_space<vmem_shared>> -> memref<10240xf32, #tpu.memory_space<vmem_shared>>
        tpu.enqueue_indirect_dma source(%arg9 : memref<128xf32, #tpu.memory_space<vmem>>) target(%dma_start3A_836 : memref<10240xf32, #tpu.memory_space<vmem_shared>>) offsets(%dma_start3A_834 : memref<128xi32, #tpu.memory_space<vmem>>) semaphore(%arg22 : memref<!tpu.dma_semaphore, #tpu.memory_space<semaphore_mem>>) {add = true}
      } else {
      }
      %add3A_612 = arith.constant 2 : i32
      %add3A_613 = arith.addi %add3A_578, %add3A_612 : i32
      %lt3A_614 = arith.constant 78 : i32
      %lt3A_615 = arith.cmpi slt, %add3A_613, %lt3A_614 : i32
      %convert_element_type3A_616 = arith.extui %lt3A_615 : i1 to i32
      %cond3A_617 = arith.constant 0 : i32
      %cond3A_618 = arith.cmpi ne, %convert_element_type3A_616, %cond3A_617 : i32
      scf.if %cond3A_618 {
        %dma_wait3A_830 = arith.constant 1 : i32
        %dma_wait3A_831 = arith.constant 1 : i32
        %dma_wait3A_832 = arith.constant 1 : i32
        %dma_wait3A_833 = arith.constant 0 : i32
        %dma_wait3A_834 = arith.constant 0 : i32
        %dma_wait3A_835 = tpu.memref_slice %arg8[%dma_wait3A_830, %dma_wait3A_833, %dma_wait3A_834] : memref<2x128x128xf32, #tpu.memory_space<vmem>> -> memref<1x128x128xf32, #tpu.memory_space<vmem>>
        %dma_wait3A_836 = tpu.memref_squeeze %dma_wait3A_835 : memref<1x128x128xf32, #tpu.memory_space<vmem>> -> memref<128x128xf32, #tpu.memory_space<vmem>>
        %dma_wait3A_837 = arith.constant 0 : i32
        %dma_wait3A_838 = tpu.memref_slice %arg7[%dma_wait3A_831, %dma_wait3A_832, %dma_wait3A_837] : memref<3x2x128xi32, #tpu.memory_space<vmem>> -> memref<1x1x128xi32, #tpu.memory_space<vmem>>
        %dma_wait3A_839 = tpu.memref_squeeze %dma_wait3A_838 : memref<1x1x128xi32, #tpu.memory_space<vmem>> -> memref<128xi32, #tpu.memory_space<vmem>>
        %dma_wait3A_840 = arith.constant 0 : i32
        %dma_wait3A_841 = arith.constant 0 : i32
        %dma_wait3A_842 = tpu.memref_slice %arg11[%dma_wait3A_840, %dma_wait3A_841] : memref<10240x128xf32, #tpu.memory_space<vmem_shared>> -> memref<10240x128xf32, #tpu.memory_space<vmem_shared>>
        tpu.wait_indirect_dma semaphore(%arg16 : memref<!tpu.dma_semaphore, #tpu.memory_space<semaphore_mem>>) src(%dma_wait3A_836 : memref<128x128xf32, #tpu.memory_space<vmem>>) dst(%dma_wait3A_842 : memref<10240x128xf32, #tpu.memory_space<vmem_shared>>)
        %add3A_843 = arith.constant 2 : i32
        %add3A_844 = arith.addi %add3A_578, %add3A_843 : i32
        %add3A_845 = arith.addi %select_n3A, %add3A_844 : i32
        %mul3A_846 = arith.constant 128 : i32
        %mul3A_847 = arith.muli %add3A_845, %mul3A_846 : i32
        %multiple_of3A_848 = tpu.assume_multiple %mul3A_847, 128 : i32
        %dma_wait3A_849 = arith.constant 0 : i32
        %dma_wait3A_850 = arith.constant 0 : i32
        %dma_wait3A_851 = arith.constant 0 : i32
        %dma_wait3A_852 = tpu.memref_slice %arg7[%dma_wait3A_849, %dma_wait3A_850, %dma_wait3A_851] : memref<3x2x128xi32, #tpu.memory_space<vmem>> -> memref<1x2x128xi32, #tpu.memory_space<vmem>>
        %dma_wait3A_853 = tpu.memref_squeeze %dma_wait3A_852 : memref<1x2x128xi32, #tpu.memory_space<vmem>> -> memref<2x128xi32, #tpu.memory_space<vmem>>
        %dma_wait3A_854 = arith.constant 0 : i32
        %dma_wait3A_855 = tpu.memref_slice %arg2[%dma_wait3A_854, %multiple_of3A_848] : memref<2x320000xi32, #tpu.memory_space<hbm>> -> memref<2x128xi32, #tpu.memory_space<hbm>>
        %dma_wait3A_856 = arith.constant 0 : i32
        %dma_wait3A_857 = arith.constant 0 : i32
        %dma_wait3A_858 = tpu.memref_slice %arg7[%dma_wait3A_849, %dma_wait3A_856, %dma_wait3A_857] : memref<3x2x128xi32, #tpu.memory_space<vmem>> -> memref<1x2x128xi32, #tpu.memory_space<vmem>>
        %dma_wait3A_859 = tpu.memref_squeeze %dma_wait3A_858 : memref<1x2x128xi32, #tpu.memory_space<vmem>> -> memref<2x128xi32, #tpu.memory_space<vmem>>
        %dma_wait3A_860 = arith.constant 0 : i32
        %dma_wait3A_861 = tpu.memref_slice %arg2[%dma_wait3A_860, %multiple_of3A_848] : memref<2x320000xi32, #tpu.memory_space<hbm>> -> memref<2x128xi32, #tpu.memory_space<hbm>>
        tpu.wait_dma2 semaphore(%arg17 : memref<!tpu.dma_semaphore, #tpu.memory_space<semaphore_mem>>) src(%dma_wait3A_861 : memref<2x128xi32, #tpu.memory_space<hbm>>) dst(%dma_wait3A_859 : memref<2x128xi32, #tpu.memory_space<vmem>>)
        %dma_start3A_862 = arith.constant 0 : i32
        %dma_start3A_863 = arith.constant 0 : i32
        %dma_start3A_864 = arith.constant 1 : i32
        %dma_start3A_865 = arith.constant 0 : i32
        %dma_start3A_866 = arith.constant 0 : i32
        %dma_start3A_867 = tpu.memref_slice %arg8[%dma_start3A_864, %dma_start3A_865, %dma_start3A_866] : memref<2x128x128xf32, #tpu.memory_space<vmem>> -> memref<1x128x128xf32, #tpu.memory_space<vmem>>
        %dma_start3A_868 = tpu.memref_squeeze %dma_start3A_867 : memref<1x128x128xf32, #tpu.memory_space<vmem>> -> memref<128x128xf32, #tpu.memory_space<vmem>>
        %dma_start3A_869 = arith.constant 0 : i32
        %dma_start3A_870 = tpu.memref_slice %arg7[%dma_start3A_862, %dma_start3A_863, %dma_start3A_869] : memref<3x2x128xi32, #tpu.memory_space<vmem>> -> memref<1x1x128xi32, #tpu.memory_space<vmem>>
        %dma_start3A_871 = tpu.memref_squeeze %dma_start3A_870 : memref<1x1x128xi32, #tpu.memory_space<vmem>> -> memref<128xi32, #tpu.memory_space<vmem>>
        %dma_start3A_872 = arith.constant 0 : i32
        %dma_start3A_873 = arith.constant 0 : i32
        %dma_start3A_874 = tpu.memref_slice %arg3[%dma_start3A_872, %dma_start3A_873] : memref<10000x128xf32, #tpu.memory_space<hbm>> -> memref<10000x128xf32, #tpu.memory_space<hbm>>
        tpu.enqueue_indirect_dma source(%dma_start3A_874 : memref<10000x128xf32, #tpu.memory_space<hbm>>) target(%dma_start3A_868 : memref<128x128xf32, #tpu.memory_space<vmem>>) offsets(%dma_start3A_871 : memref<128xi32, #tpu.memory_space<vmem>>) semaphore(%arg14 : memref<!tpu.dma_semaphore, #tpu.memory_space<semaphore_mem>>)
      } else {
      }
      %add3A_619 = arith.constant 3 : i32
      %add3A_620 = arith.addi %add3A_578, %add3A_619 : i32
      %lt3A_621 = arith.constant 78 : i32
      %lt3A_622 = arith.cmpi slt, %add3A_620, %lt3A_621 : i32
      %convert_element_type3A_623 = arith.extui %lt3A_622 : i1 to i32
      %cond3A_624 = arith.constant 0 : i32
      %cond3A_625 = arith.cmpi ne, %convert_element_type3A_623, %cond3A_624 : i32
      scf.if %cond3A_625 {
        %dma_wait3A_830 = arith.constant 1 : i32
        %dma_wait3A_831 = arith.constant 1 : i32
        %dma_wait3A_832 = arith.constant 0 : i32
        %dma_wait3A_833 = tpu.memref_slice %arg7[%dma_wait3A_830, %dma_wait3A_831, %dma_wait3A_832] : memref<3x2x128xi32, #tpu.memory_space<vmem>> -> memref<1x1x128xi32, #tpu.memory_space<vmem>>
        %dma_wait3A_834 = tpu.memref_squeeze %dma_wait3A_833 : memref<1x1x128xi32, #tpu.memory_space<vmem>> -> memref<128xi32, #tpu.memory_space<vmem>>
        %dma_wait3A_835 = arith.constant 0 : i32
        %dma_wait3A_836 = tpu.memref_slice %arg12[%dma_wait3A_835] : memref<10240xf32, #tpu.memory_space<vmem_shared>> -> memref<10240xf32, #tpu.memory_space<vmem_shared>>
        tpu.wait_indirect_dma semaphore(%arg21 : memref<!tpu.dma_semaphore, #tpu.memory_space<semaphore_mem>>) src(%arg9 : memref<128xf32, #tpu.memory_space<vmem>>) dst(%dma_wait3A_836 : memref<10240xf32, #tpu.memory_space<vmem_shared>>)
        %add3A_837 = arith.constant 3 : i32
        %add3A_838 = arith.addi %add3A_578, %add3A_837 : i32
        %add3A_839 = arith.addi %select_n3A, %add3A_838 : i32
        %mul3A_840 = arith.constant 128 : i32
        %mul3A_841 = arith.muli %add3A_839, %mul3A_840 : i32
        %multiple_of3A_842 = tpu.assume_multiple %mul3A_841, 128 : i32
        %dma_start3A_843 = arith.constant 1 : i32
        %dma_start3A_844 = arith.constant 0 : i32
        %dma_start3A_845 = arith.constant 0 : i32
        %dma_start3A_846 = tpu.memref_slice %arg7[%dma_start3A_843, %dma_start3A_844, %dma_start3A_845] : memref<3x2x128xi32, #tpu.memory_space<vmem>> -> memref<1x2x128xi32, #tpu.memory_space<vmem>>
        %dma_start3A_847 = tpu.memref_squeeze %dma_start3A_846 : memref<1x2x128xi32, #tpu.memory_space<vmem>> -> memref<2x128xi32, #tpu.memory_space<vmem>>
        %dma_start3A_848 = arith.constant 0 : i32
        %dma_start3A_849 = tpu.memref_slice %arg2[%dma_start3A_848, %multiple_of3A_842] : memref<2x320000xi32, #tpu.memory_space<hbm>> -> memref<2x128xi32, #tpu.memory_space<hbm>>
        %dma_start3A_850 = arith.constant 0 : i32
        %dma_start3A_851 = arith.constant 0 : i32
        %dma_start3A_852 = tpu.memref_slice %arg7[%dma_start3A_843, %dma_start3A_850, %dma_start3A_851] : memref<3x2x128xi32, #tpu.memory_space<vmem>> -> memref<1x2x128xi32, #tpu.memory_space<vmem>>
        %dma_start3A_853 = tpu.memref_squeeze %dma_start3A_852 : memref<1x2x128xi32, #tpu.memory_space<vmem>> -> memref<2x128xi32, #tpu.memory_space<vmem>>
        %dma_start3A_854 = arith.constant 0 : i32
        %dma_start3A_855 = tpu.memref_slice %arg2[%dma_start3A_854, %multiple_of3A_842] : memref<2x320000xi32, #tpu.memory_space<hbm>> -> memref<2x128xi32, #tpu.memory_space<hbm>>
        tpu.enqueue_dma source(%dma_start3A_855 : memref<2x128xi32, #tpu.memory_space<hbm>>) target(%dma_start3A_853 : memref<2x128xi32, #tpu.memory_space<vmem>>) target_semaphore(%arg18 : memref<!tpu.dma_semaphore, #tpu.memory_space<semaphore_mem>>)
      } else {
      }
      %mul3A_626 = arith.constant 6 : i32
      %mul3A_627 = arith.muli %scan3A_524, %mul3A_626 : i32
      %add3A_628 = arith.constant 2 : i32
      %add3A_629 = arith.addi %mul3A_627, %add3A_628 : i32
      %dma_wait3A_630 = arith.constant 2 : i32
      %dma_wait3A_631 = arith.constant 0 : i32
      %dma_wait3A_632 = arith.constant 0 : i32
      %dma_wait3A_633 = arith.constant 0 : i32
      %dma_wait3A_634 = arith.constant 0 : i32
      %dma_wait3A_635 = tpu.memref_slice %arg8[%dma_wait3A_632, %dma_wait3A_633, %dma_wait3A_634] : memref<2x128x128xf32, #tpu.memory_space<vmem>> -> memref<1x128x128xf32, #tpu.memory_space<vmem>>
      %dma_wait3A_636 = tpu.memref_squeeze %dma_wait3A_635 : memref<1x128x128xf32, #tpu.memory_space<vmem>> -> memref<128x128xf32, #tpu.memory_space<vmem>>
      %dma_wait3A_637 = arith.constant 0 : i32
      %dma_wait3A_638 = tpu.memref_slice %arg7[%dma_wait3A_630, %dma_wait3A_631, %dma_wait3A_637] : memref<3x2x128xi32, #tpu.memory_space<vmem>> -> memref<1x1x128xi32, #tpu.memory_space<vmem>>
      %dma_wait3A_639 = tpu.memref_squeeze %dma_wait3A_638 : memref<1x1x128xi32, #tpu.memory_space<vmem>> -> memref<128xi32, #tpu.memory_space<vmem>>
      %dma_wait3A_640 = arith.constant 0 : i32
      %dma_wait3A_641 = arith.constant 0 : i32
      %dma_wait3A_642 = tpu.memref_slice %arg3[%dma_wait3A_640, %dma_wait3A_641] : memref<10000x128xf32, #tpu.memory_space<hbm>> -> memref<10000x128xf32, #tpu.memory_space<hbm>>
      tpu.wait_indirect_dma semaphore(%arg13 : memref<!tpu.dma_semaphore, #tpu.memory_space<semaphore_mem>>) src(%dma_wait3A_642 : memref<10000x128xf32, #tpu.memory_space<hbm>>) dst(%dma_wait3A_636 : memref<128x128xf32, #tpu.memory_space<vmem>>)
      %dma_start3A_643 = arith.constant 0 : i32
      %dma_start3A_644 = arith.constant 2 : i32
      %dma_start3A_645 = arith.constant 1 : i32
      %dma_start3A_646 = arith.constant 0 : i32
      %dma_start3A_647 = arith.constant 0 : i32
      %dma_start3A_648 = tpu.memref_slice %arg8[%dma_start3A_643, %dma_start3A_646, %dma_start3A_647] : memref<2x128x128xf32, #tpu.memory_space<vmem>> -> memref<1x128x128xf32, #tpu.memory_space<vmem>>
      %dma_start3A_649 = tpu.memref_squeeze %dma_start3A_648 : memref<1x128x128xf32, #tpu.memory_space<vmem>> -> memref<128x128xf32, #tpu.memory_space<vmem>>
      %dma_start3A_650 = arith.constant 0 : i32
      %dma_start3A_651 = tpu.memref_slice %arg7[%dma_start3A_644, %dma_start3A_645, %dma_start3A_650] : memref<3x2x128xi32, #tpu.memory_space<vmem>> -> memref<1x1x128xi32, #tpu.memory_space<vmem>>
      %dma_start3A_652 = tpu.memref_squeeze %dma_start3A_651 : memref<1x1x128xi32, #tpu.memory_space<vmem>> -> memref<128xi32, #tpu.memory_space<vmem>>
      %dma_start3A_653 = arith.constant 0 : i32
      %dma_start3A_654 = arith.constant 0 : i32
      %dma_start3A_655 = tpu.memref_slice %arg11[%dma_start3A_653, %dma_start3A_654] : memref<10240x128xf32, #tpu.memory_space<vmem_shared>> -> memref<10240x128xf32, #tpu.memory_space<vmem_shared>>
      tpu.enqueue_indirect_dma source(%dma_start3A_649 : memref<128x128xf32, #tpu.memory_space<vmem>>) target(%dma_start3A_655 : memref<10240x128xf32, #tpu.memory_space<vmem_shared>>) offsets(%dma_start3A_652 : memref<128xi32, #tpu.memory_space<vmem>>) semaphore(%arg15 : memref<!tpu.dma_semaphore, #tpu.memory_space<semaphore_mem>>) {add = true}
      %add3A_656 = arith.constant 1 : i32
      %add3A_657 = arith.addi %add3A_629, %add3A_656 : i32
      %lt3A_658 = arith.constant 78 : i32
      %lt3A_659 = arith.cmpi slt, %add3A_657, %lt3A_658 : i32
      %convert_element_type3A_660 = arith.extui %lt3A_659 : i1 to i32
      %cond3A_661 = arith.constant 0 : i32
      %cond3A_662 = arith.cmpi ne, %convert_element_type3A_660, %cond3A_661 : i32
      scf.if %cond3A_662 {
        %dma_start3A_830 = arith.constant 0 : i32
        %dma_start3A_831 = arith.constant 1 : i32
        %dma_start3A_832 = arith.constant 0 : i32
        %dma_start3A_833 = tpu.memref_slice %arg7[%dma_start3A_830, %dma_start3A_831, %dma_start3A_832] : memref<3x2x128xi32, #tpu.memory_space<vmem>> -> memref<1x1x128xi32, #tpu.memory_space<vmem>>
        %dma_start3A_834 = tpu.memref_squeeze %dma_start3A_833 : memref<1x1x128xi32, #tpu.memory_space<vmem>> -> memref<128xi32, #tpu.memory_space<vmem>>
        %dma_start3A_835 = arith.constant 0 : i32
        %dma_start3A_836 = tpu.memref_slice %arg12[%dma_start3A_835] : memref<10240xf32, #tpu.memory_space<vmem_shared>> -> memref<10240xf32, #tpu.memory_space<vmem_shared>>
        tpu.enqueue_indirect_dma source(%arg9 : memref<128xf32, #tpu.memory_space<vmem>>) target(%dma_start3A_836 : memref<10240xf32, #tpu.memory_space<vmem_shared>>) offsets(%dma_start3A_834 : memref<128xi32, #tpu.memory_space<vmem>>) semaphore(%arg20 : memref<!tpu.dma_semaphore, #tpu.memory_space<semaphore_mem>>) {add = true}
      } else {
      }
      %add3A_663 = arith.constant 2 : i32
      %add3A_664 = arith.addi %add3A_629, %add3A_663 : i32
      %lt3A_665 = arith.constant 78 : i32
      %lt3A_666 = arith.cmpi slt, %add3A_664, %lt3A_665 : i32
      %convert_element_type3A_667 = arith.extui %lt3A_666 : i1 to i32
      %cond3A_668 = arith.constant 0 : i32
      %cond3A_669 = arith.cmpi ne, %convert_element_type3A_667, %cond3A_668 : i32
      scf.if %cond3A_669 {
        %dma_wait3A_830 = arith.constant 0 : i32
        %dma_wait3A_831 = arith.constant 2 : i32
        %dma_wait3A_832 = arith.constant 1 : i32
        %dma_wait3A_833 = arith.constant 0 : i32
        %dma_wait3A_834 = arith.constant 0 : i32
        %dma_wait3A_835 = tpu.memref_slice %arg8[%dma_wait3A_830, %dma_wait3A_833, %dma_wait3A_834] : memref<2x128x128xf32, #tpu.memory_space<vmem>> -> memref<1x128x128xf32, #tpu.memory_space<vmem>>
        %dma_wait3A_836 = tpu.memref_squeeze %dma_wait3A_835 : memref<1x128x128xf32, #tpu.memory_space<vmem>> -> memref<128x128xf32, #tpu.memory_space<vmem>>
        %dma_wait3A_837 = arith.constant 0 : i32
        %dma_wait3A_838 = tpu.memref_slice %arg7[%dma_wait3A_831, %dma_wait3A_832, %dma_wait3A_837] : memref<3x2x128xi32, #tpu.memory_space<vmem>> -> memref<1x1x128xi32, #tpu.memory_space<vmem>>
        %dma_wait3A_839 = tpu.memref_squeeze %dma_wait3A_838 : memref<1x1x128xi32, #tpu.memory_space<vmem>> -> memref<128xi32, #tpu.memory_space<vmem>>
        %dma_wait3A_840 = arith.constant 0 : i32
        %dma_wait3A_841 = arith.constant 0 : i32
        %dma_wait3A_842 = tpu.memref_slice %arg11[%dma_wait3A_840, %dma_wait3A_841] : memref<10240x128xf32, #tpu.memory_space<vmem_shared>> -> memref<10240x128xf32, #tpu.memory_space<vmem_shared>>
        tpu.wait_indirect_dma semaphore(%arg15 : memref<!tpu.dma_semaphore, #tpu.memory_space<semaphore_mem>>) src(%dma_wait3A_836 : memref<128x128xf32, #tpu.memory_space<vmem>>) dst(%dma_wait3A_842 : memref<10240x128xf32, #tpu.memory_space<vmem_shared>>)
        %add3A_843 = arith.constant 2 : i32
        %add3A_844 = arith.addi %add3A_629, %add3A_843 : i32
        %add3A_845 = arith.addi %select_n3A, %add3A_844 : i32
        %mul3A_846 = arith.constant 128 : i32
        %mul3A_847 = arith.muli %add3A_845, %mul3A_846 : i32
        %multiple_of3A_848 = tpu.assume_multiple %mul3A_847, 128 : i32
        %dma_wait3A_849 = arith.constant 1 : i32
        %dma_wait3A_850 = arith.constant 0 : i32
        %dma_wait3A_851 = arith.constant 0 : i32
        %dma_wait3A_852 = tpu.memref_slice %arg7[%dma_wait3A_849, %dma_wait3A_850, %dma_wait3A_851] : memref<3x2x128xi32, #tpu.memory_space<vmem>> -> memref<1x2x128xi32, #tpu.memory_space<vmem>>
        %dma_wait3A_853 = tpu.memref_squeeze %dma_wait3A_852 : memref<1x2x128xi32, #tpu.memory_space<vmem>> -> memref<2x128xi32, #tpu.memory_space<vmem>>
        %dma_wait3A_854 = arith.constant 0 : i32
        %dma_wait3A_855 = tpu.memref_slice %arg2[%dma_wait3A_854, %multiple_of3A_848] : memref<2x320000xi32, #tpu.memory_space<hbm>> -> memref<2x128xi32, #tpu.memory_space<hbm>>
        %dma_wait3A_856 = arith.constant 0 : i32
        %dma_wait3A_857 = arith.constant 0 : i32
        %dma_wait3A_858 = tpu.memref_slice %arg7[%dma_wait3A_849, %dma_wait3A_856, %dma_wait3A_857] : memref<3x2x128xi32, #tpu.memory_space<vmem>> -> memref<1x2x128xi32, #tpu.memory_space<vmem>>
        %dma_wait3A_859 = tpu.memref_squeeze %dma_wait3A_858 : memref<1x2x128xi32, #tpu.memory_space<vmem>> -> memref<2x128xi32, #tpu.memory_space<vmem>>
        %dma_wait3A_860 = arith.constant 0 : i32
        %dma_wait3A_861 = tpu.memref_slice %arg2[%dma_wait3A_860, %multiple_of3A_848] : memref<2x320000xi32, #tpu.memory_space<hbm>> -> memref<2x128xi32, #tpu.memory_space<hbm>>
        tpu.wait_dma2 semaphore(%arg18 : memref<!tpu.dma_semaphore, #tpu.memory_space<semaphore_mem>>) src(%dma_wait3A_861 : memref<2x128xi32, #tpu.memory_space<hbm>>) dst(%dma_wait3A_859 : memref<2x128xi32, #tpu.memory_space<vmem>>)
        %dma_start3A_862 = arith.constant 1 : i32
        %dma_start3A_863 = arith.constant 0 : i32
        %dma_start3A_864 = arith.constant 0 : i32
        %dma_start3A_865 = arith.constant 0 : i32
        %dma_start3A_866 = arith.constant 0 : i32
        %dma_start3A_867 = tpu.memref_slice %arg8[%dma_start3A_864, %dma_start3A_865, %dma_start3A_866] : memref<2x128x128xf32, #tpu.memory_space<vmem>> -> memref<1x128x128xf32, #tpu.memory_space<vmem>>
        %dma_start3A_868 = tpu.memref_squeeze %dma_start3A_867 : memref<1x128x128xf32, #tpu.memory_space<vmem>> -> memref<128x128xf32, #tpu.memory_space<vmem>>
        %dma_start3A_869 = arith.constant 0 : i32
        %dma_start3A_870 = tpu.memref_slice %arg7[%dma_start3A_862, %dma_start3A_863, %dma_start3A_869] : memref<3x2x128xi32, #tpu.memory_space<vmem>> -> memref<1x1x128xi32, #tpu.memory_space<vmem>>
        %dma_start3A_871 = tpu.memref_squeeze %dma_start3A_870 : memref<1x1x128xi32, #tpu.memory_space<vmem>> -> memref<128xi32, #tpu.memory_space<vmem>>
        %dma_start3A_872 = arith.constant 0 : i32
        %dma_start3A_873 = arith.constant 0 : i32
        %dma_start3A_874 = tpu.memref_slice %arg3[%dma_start3A_872, %dma_start3A_873] : memref<10000x128xf32, #tpu.memory_space<hbm>> -> memref<10000x128xf32, #tpu.memory_space<hbm>>
        tpu.enqueue_indirect_dma source(%dma_start3A_874 : memref<10000x128xf32, #tpu.memory_space<hbm>>) target(%dma_start3A_868 : memref<128x128xf32, #tpu.memory_space<vmem>>) offsets(%dma_start3A_871 : memref<128xi32, #tpu.memory_space<vmem>>) semaphore(%arg13 : memref<!tpu.dma_semaphore, #tpu.memory_space<semaphore_mem>>)
      } else {
      }
      %add3A_670 = arith.constant 3 : i32
      %add3A_671 = arith.addi %add3A_629, %add3A_670 : i32
      %lt3A_672 = arith.constant 78 : i32
      %lt3A_673 = arith.cmpi slt, %add3A_671, %lt3A_672 : i32
      %convert_element_type3A_674 = arith.extui %lt3A_673 : i1 to i32
      %cond3A_675 = arith.constant 0 : i32
      %cond3A_676 = arith.cmpi ne, %convert_element_type3A_674, %cond3A_675 : i32
      scf.if %cond3A_676 {
        %dma_wait3A_830 = arith.constant 2 : i32
        %dma_wait3A_831 = arith.constant 1 : i32
        %dma_wait3A_832 = arith.constant 0 : i32
        %dma_wait3A_833 = tpu.memref_slice %arg7[%dma_wait3A_830, %dma_wait3A_831, %dma_wait3A_832] : memref<3x2x128xi32, #tpu.memory_space<vmem>> -> memref<1x1x128xi32, #tpu.memory_space<vmem>>
        %dma_wait3A_834 = tpu.memref_squeeze %dma_wait3A_833 : memref<1x1x128xi32, #tpu.memory_space<vmem>> -> memref<128xi32, #tpu.memory_space<vmem>>
        %dma_wait3A_835 = arith.constant 0 : i32
        %dma_wait3A_836 = tpu.memref_slice %arg12[%dma_wait3A_835] : memref<10240xf32, #tpu.memory_space<vmem_shared>> -> memref<10240xf32, #tpu.memory_space<vmem_shared>>
        tpu.wait_indirect_dma semaphore(%arg22 : memref<!tpu.dma_semaphore, #tpu.memory_space<semaphore_mem>>) src(%arg9 : memref<128xf32, #tpu.memory_space<vmem>>) dst(%dma_wait3A_836 : memref<10240xf32, #tpu.memory_space<vmem_shared>>)
        %add3A_837 = arith.constant 3 : i32
        %add3A_838 = arith.addi %add3A_629, %add3A_837 : i32
        %add3A_839 = arith.addi %select_n3A, %add3A_838 : i32
        %mul3A_840 = arith.constant 128 : i32
        %mul3A_841 = arith.muli %add3A_839, %mul3A_840 : i32
        %multiple_of3A_842 = tpu.assume_multiple %mul3A_841, 128 : i32
        %dma_start3A_843 = arith.constant 2 : i32
        %dma_start3A_844 = arith.constant 0 : i32
        %dma_start3A_845 = arith.constant 0 : i32
        %dma_start3A_846 = tpu.memref_slice %arg7[%dma_start3A_843, %dma_start3A_844, %dma_start3A_845] : memref<3x2x128xi32, #tpu.memory_space<vmem>> -> memref<1x2x128xi32, #tpu.memory_space<vmem>>
        %dma_start3A_847 = tpu.memref_squeeze %dma_start3A_846 : memref<1x2x128xi32, #tpu.memory_space<vmem>> -> memref<2x128xi32, #tpu.memory_space<vmem>>
        %dma_start3A_848 = arith.constant 0 : i32
        %dma_start3A_849 = tpu.memref_slice %arg2[%dma_start3A_848, %multiple_of3A_842] : memref<2x320000xi32, #tpu.memory_space<hbm>> -> memref<2x128xi32, #tpu.memory_space<hbm>>
        %dma_start3A_850 = arith.constant 0 : i32
        %dma_start3A_851 = arith.constant 0 : i32
        %dma_start3A_852 = tpu.memref_slice %arg7[%dma_start3A_843, %dma_start3A_850, %dma_start3A_851] : memref<3x2x128xi32, #tpu.memory_space<vmem>> -> memref<1x2x128xi32, #tpu.memory_space<vmem>>
        %dma_start3A_853 = tpu.memref_squeeze %dma_start3A_852 : memref<1x2x128xi32, #tpu.memory_space<vmem>> -> memref<2x128xi32, #tpu.memory_space<vmem>>
        %dma_start3A_854 = arith.constant 0 : i32
        %dma_start3A_855 = tpu.memref_slice %arg2[%dma_start3A_854, %multiple_of3A_842] : memref<2x320000xi32, #tpu.memory_space<hbm>> -> memref<2x128xi32, #tpu.memory_space<hbm>>
        tpu.enqueue_dma source(%dma_start3A_855 : memref<2x128xi32, #tpu.memory_space<hbm>>) target(%dma_start3A_853 : memref<2x128xi32, #tpu.memory_space<vmem>>) target_semaphore(%arg19 : memref<!tpu.dma_semaphore, #tpu.memory_space<semaphore_mem>>)
      } else {
      }
      %mul3A_677 = arith.constant 6 : i32
      %mul3A_678 = arith.muli %scan3A_524, %mul3A_677 : i32
      %add3A_679 = arith.constant 3 : i32
      %add3A_680 = arith.addi %mul3A_678, %add3A_679 : i32
      %dma_wait3A_681 = arith.constant 0 : i32
      %dma_wait3A_682 = arith.constant 0 : i32
      %dma_wait3A_683 = arith.constant 1 : i32
      %dma_wait3A_684 = arith.constant 0 : i32
      %dma_wait3A_685 = arith.constant 0 : i32
      %dma_wait3A_686 = tpu.memref_slice %arg8[%dma_wait3A_683, %dma_wait3A_684, %dma_wait3A_685] : memref<2x128x128xf32, #tpu.memory_space<vmem>> -> memref<1x128x128xf32, #tpu.memory_space<vmem>>
      %dma_wait3A_687 = tpu.memref_squeeze %dma_wait3A_686 : memref<1x128x128xf32, #tpu.memory_space<vmem>> -> memref<128x128xf32, #tpu.memory_space<vmem>>
      %dma_wait3A_688 = arith.constant 0 : i32
      %dma_wait3A_689 = tpu.memref_slice %arg7[%dma_wait3A_681, %dma_wait3A_682, %dma_wait3A_688] : memref<3x2x128xi32, #tpu.memory_space<vmem>> -> memref<1x1x128xi32, #tpu.memory_space<vmem>>
      %dma_wait3A_690 = tpu.memref_squeeze %dma_wait3A_689 : memref<1x1x128xi32, #tpu.memory_space<vmem>> -> memref<128xi32, #tpu.memory_space<vmem>>
      %dma_wait3A_691 = arith.constant 0 : i32
      %dma_wait3A_692 = arith.constant 0 : i32
      %dma_wait3A_693 = tpu.memref_slice %arg3[%dma_wait3A_691, %dma_wait3A_692] : memref<10000x128xf32, #tpu.memory_space<hbm>> -> memref<10000x128xf32, #tpu.memory_space<hbm>>
      tpu.wait_indirect_dma semaphore(%arg14 : memref<!tpu.dma_semaphore, #tpu.memory_space<semaphore_mem>>) src(%dma_wait3A_693 : memref<10000x128xf32, #tpu.memory_space<hbm>>) dst(%dma_wait3A_687 : memref<128x128xf32, #tpu.memory_space<vmem>>)
      %dma_start3A_694 = arith.constant 1 : i32
      %dma_start3A_695 = arith.constant 0 : i32
      %dma_start3A_696 = arith.constant 1 : i32
      %dma_start3A_697 = arith.constant 0 : i32
      %dma_start3A_698 = arith.constant 0 : i32
      %dma_start3A_699 = tpu.memref_slice %arg8[%dma_start3A_694, %dma_start3A_697, %dma_start3A_698] : memref<2x128x128xf32, #tpu.memory_space<vmem>> -> memref<1x128x128xf32, #tpu.memory_space<vmem>>
      %dma_start3A_700 = tpu.memref_squeeze %dma_start3A_699 : memref<1x128x128xf32, #tpu.memory_space<vmem>> -> memref<128x128xf32, #tpu.memory_space<vmem>>
      %dma_start3A_701 = arith.constant 0 : i32
      %dma_start3A_702 = tpu.memref_slice %arg7[%dma_start3A_695, %dma_start3A_696, %dma_start3A_701] : memref<3x2x128xi32, #tpu.memory_space<vmem>> -> memref<1x1x128xi32, #tpu.memory_space<vmem>>
      %dma_start3A_703 = tpu.memref_squeeze %dma_start3A_702 : memref<1x1x128xi32, #tpu.memory_space<vmem>> -> memref<128xi32, #tpu.memory_space<vmem>>
      %dma_start3A_704 = arith.constant 0 : i32
      %dma_start3A_705 = arith.constant 0 : i32
      %dma_start3A_706 = tpu.memref_slice %arg11[%dma_start3A_704, %dma_start3A_705] : memref<10240x128xf32, #tpu.memory_space<vmem_shared>> -> memref<10240x128xf32, #tpu.memory_space<vmem_shared>>
      tpu.enqueue_indirect_dma source(%dma_start3A_700 : memref<128x128xf32, #tpu.memory_space<vmem>>) target(%dma_start3A_706 : memref<10240x128xf32, #tpu.memory_space<vmem_shared>>) offsets(%dma_start3A_703 : memref<128xi32, #tpu.memory_space<vmem>>) semaphore(%arg16 : memref<!tpu.dma_semaphore, #tpu.memory_space<semaphore_mem>>) {add = true}
      %add3A_707 = arith.constant 1 : i32
      %add3A_708 = arith.addi %add3A_680, %add3A_707 : i32
      %lt3A_709 = arith.constant 78 : i32
      %lt3A_710 = arith.cmpi slt, %add3A_708, %lt3A_709 : i32
      %convert_element_type3A_711 = arith.extui %lt3A_710 : i1 to i32
      %cond3A_712 = arith.constant 0 : i32
      %cond3A_713 = arith.cmpi ne, %convert_element_type3A_711, %cond3A_712 : i32
      scf.if %cond3A_713 {
        %dma_start3A_830 = arith.constant 1 : i32
        %dma_start3A_831 = arith.constant 1 : i32
        %dma_start3A_832 = arith.constant 0 : i32
        %dma_start3A_833 = tpu.memref_slice %arg7[%dma_start3A_830, %dma_start3A_831, %dma_start3A_832] : memref<3x2x128xi32, #tpu.memory_space<vmem>> -> memref<1x1x128xi32, #tpu.memory_space<vmem>>
        %dma_start3A_834 = tpu.memref_squeeze %dma_start3A_833 : memref<1x1x128xi32, #tpu.memory_space<vmem>> -> memref<128xi32, #tpu.memory_space<vmem>>
        %dma_start3A_835 = arith.constant 0 : i32
        %dma_start3A_836 = tpu.memref_slice %arg12[%dma_start3A_835] : memref<10240xf32, #tpu.memory_space<vmem_shared>> -> memref<10240xf32, #tpu.memory_space<vmem_shared>>
        tpu.enqueue_indirect_dma source(%arg9 : memref<128xf32, #tpu.memory_space<vmem>>) target(%dma_start3A_836 : memref<10240xf32, #tpu.memory_space<vmem_shared>>) offsets(%dma_start3A_834 : memref<128xi32, #tpu.memory_space<vmem>>) semaphore(%arg21 : memref<!tpu.dma_semaphore, #tpu.memory_space<semaphore_mem>>) {add = true}
      } else {
      }
      %add3A_714 = arith.constant 2 : i32
      %add3A_715 = arith.addi %add3A_680, %add3A_714 : i32
      %lt3A_716 = arith.constant 78 : i32
      %lt3A_717 = arith.cmpi slt, %add3A_715, %lt3A_716 : i32
      %convert_element_type3A_718 = arith.extui %lt3A_717 : i1 to i32
      %cond3A_719 = arith.constant 0 : i32
      %cond3A_720 = arith.cmpi ne, %convert_element_type3A_718, %cond3A_719 : i32
      scf.if %cond3A_720 {
        %dma_wait3A_830 = arith.constant 1 : i32
        %dma_wait3A_831 = arith.constant 0 : i32
        %dma_wait3A_832 = arith.constant 1 : i32
        %dma_wait3A_833 = arith.constant 0 : i32
        %dma_wait3A_834 = arith.constant 0 : i32
        %dma_wait3A_835 = tpu.memref_slice %arg8[%dma_wait3A_830, %dma_wait3A_833, %dma_wait3A_834] : memref<2x128x128xf32, #tpu.memory_space<vmem>> -> memref<1x128x128xf32, #tpu.memory_space<vmem>>
        %dma_wait3A_836 = tpu.memref_squeeze %dma_wait3A_835 : memref<1x128x128xf32, #tpu.memory_space<vmem>> -> memref<128x128xf32, #tpu.memory_space<vmem>>
        %dma_wait3A_837 = arith.constant 0 : i32
        %dma_wait3A_838 = tpu.memref_slice %arg7[%dma_wait3A_831, %dma_wait3A_832, %dma_wait3A_837] : memref<3x2x128xi32, #tpu.memory_space<vmem>> -> memref<1x1x128xi32, #tpu.memory_space<vmem>>
        %dma_wait3A_839 = tpu.memref_squeeze %dma_wait3A_838 : memref<1x1x128xi32, #tpu.memory_space<vmem>> -> memref<128xi32, #tpu.memory_space<vmem>>
        %dma_wait3A_840 = arith.constant 0 : i32
        %dma_wait3A_841 = arith.constant 0 : i32
        %dma_wait3A_842 = tpu.memref_slice %arg11[%dma_wait3A_840, %dma_wait3A_841] : memref<10240x128xf32, #tpu.memory_space<vmem_shared>> -> memref<10240x128xf32, #tpu.memory_space<vmem_shared>>
        tpu.wait_indirect_dma semaphore(%arg16 : memref<!tpu.dma_semaphore, #tpu.memory_space<semaphore_mem>>) src(%dma_wait3A_836 : memref<128x128xf32, #tpu.memory_space<vmem>>) dst(%dma_wait3A_842 : memref<10240x128xf32, #tpu.memory_space<vmem_shared>>)
        %add3A_843 = arith.constant 2 : i32
        %add3A_844 = arith.addi %add3A_680, %add3A_843 : i32
        %add3A_845 = arith.addi %select_n3A, %add3A_844 : i32
        %mul3A_846 = arith.constant 128 : i32
        %mul3A_847 = arith.muli %add3A_845, %mul3A_846 : i32
        %multiple_of3A_848 = tpu.assume_multiple %mul3A_847, 128 : i32
        %dma_wait3A_849 = arith.constant 2 : i32
        %dma_wait3A_850 = arith.constant 0 : i32
        %dma_wait3A_851 = arith.constant 0 : i32
        %dma_wait3A_852 = tpu.memref_slice %arg7[%dma_wait3A_849, %dma_wait3A_850, %dma_wait3A_851] : memref<3x2x128xi32, #tpu.memory_space<vmem>> -> memref<1x2x128xi32, #tpu.memory_space<vmem>>
        %dma_wait3A_853 = tpu.memref_squeeze %dma_wait3A_852 : memref<1x2x128xi32, #tpu.memory_space<vmem>> -> memref<2x128xi32, #tpu.memory_space<vmem>>
        %dma_wait3A_854 = arith.constant 0 : i32
        %dma_wait3A_855 = tpu.memref_slice %arg2[%dma_wait3A_854, %multiple_of3A_848] : memref<2x320000xi32, #tpu.memory_space<hbm>> -> memref<2x128xi32, #tpu.memory_space<hbm>>
        %dma_wait3A_856 = arith.constant 0 : i32
        %dma_wait3A_857 = arith.constant 0 : i32
        %dma_wait3A_858 = tpu.memref_slice %arg7[%dma_wait3A_849, %dma_wait3A_856, %dma_wait3A_857] : memref<3x2x128xi32, #tpu.memory_space<vmem>> -> memref<1x2x128xi32, #tpu.memory_space<vmem>>
        %dma_wait3A_859 = tpu.memref_squeeze %dma_wait3A_858 : memref<1x2x128xi32, #tpu.memory_space<vmem>> -> memref<2x128xi32, #tpu.memory_space<vmem>>
        %dma_wait3A_860 = arith.constant 0 : i32
        %dma_wait3A_861 = tpu.memref_slice %arg2[%dma_wait3A_860, %multiple_of3A_848] : memref<2x320000xi32, #tpu.memory_space<hbm>> -> memref<2x128xi32, #tpu.memory_space<hbm>>
        tpu.wait_dma2 semaphore(%arg19 : memref<!tpu.dma_semaphore, #tpu.memory_space<semaphore_mem>>) src(%dma_wait3A_861 : memref<2x128xi32, #tpu.memory_space<hbm>>) dst(%dma_wait3A_859 : memref<2x128xi32, #tpu.memory_space<vmem>>)
        %dma_start3A_862 = arith.constant 2 : i32
        %dma_start3A_863 = arith.constant 0 : i32
        %dma_start3A_864 = arith.constant 1 : i32
        %dma_start3A_865 = arith.constant 0 : i32
        %dma_start3A_866 = arith.constant 0 : i32
        %dma_start3A_867 = tpu.memref_slice %arg8[%dma_start3A_864, %dma_start3A_865, %dma_start3A_866] : memref<2x128x128xf32, #tpu.memory_space<vmem>> -> memref<1x128x128xf32, #tpu.memory_space<vmem>>
        %dma_start3A_868 = tpu.memref_squeeze %dma_start3A_867 : memref<1x128x128xf32, #tpu.memory_space<vmem>> -> memref<128x128xf32, #tpu.memory_space<vmem>>
        %dma_start3A_869 = arith.constant 0 : i32
        %dma_start3A_870 = tpu.memref_slice %arg7[%dma_start3A_862, %dma_start3A_863, %dma_start3A_869] : memref<3x2x128xi32, #tpu.memory_space<vmem>> -> memref<1x1x128xi32, #tpu.memory_space<vmem>>
        %dma_start3A_871 = tpu.memref_squeeze %dma_start3A_870 : memref<1x1x128xi32, #tpu.memory_space<vmem>> -> memref<128xi32, #tpu.memory_space<vmem>>
        %dma_start3A_872 = arith.constant 0 : i32
        %dma_start3A_873 = arith.constant 0 : i32
        %dma_start3A_874 = tpu.memref_slice %arg3[%dma_start3A_872, %dma_start3A_873] : memref<10000x128xf32, #tpu.memory_space<hbm>> -> memref<10000x128xf32, #tpu.memory_space<hbm>>
        tpu.enqueue_indirect_dma source(%dma_start3A_874 : memref<10000x128xf32, #tpu.memory_space<hbm>>) target(%dma_start3A_868 : memref<128x128xf32, #tpu.memory_space<vmem>>) offsets(%dma_start3A_871 : memref<128xi32, #tpu.memory_space<vmem>>) semaphore(%arg14 : memref<!tpu.dma_semaphore, #tpu.memory_space<semaphore_mem>>)
      } else {
      }
      %add3A_721 = arith.constant 3 : i32
      %add3A_722 = arith.addi %add3A_680, %add3A_721 : i32
      %lt3A_723 = arith.constant 78 : i32
      %lt3A_724 = arith.cmpi slt, %add3A_722, %lt3A_723 : i32
      %convert_element_type3A_725 = arith.extui %lt3A_724 : i1 to i32
      %cond3A_726 = arith.constant 0 : i32
      %cond3A_727 = arith.cmpi ne, %convert_element_type3A_725, %cond3A_726 : i32
      scf.if %cond3A_727 {
        %dma_wait3A_830 = arith.constant 0 : i32
        %dma_wait3A_831 = arith.constant 1 : i32
        %dma_wait3A_832 = arith.constant 0 : i32
        %dma_wait3A_833 = tpu.memref_slice %arg7[%dma_wait3A_830, %dma_wait3A_831, %dma_wait3A_832] : memref<3x2x128xi32, #tpu.memory_space<vmem>> -> memref<1x1x128xi32, #tpu.memory_space<vmem>>
        %dma_wait3A_834 = tpu.memref_squeeze %dma_wait3A_833 : memref<1x1x128xi32, #tpu.memory_space<vmem>> -> memref<128xi32, #tpu.memory_space<vmem>>
        %dma_wait3A_835 = arith.constant 0 : i32
        %dma_wait3A_836 = tpu.memref_slice %arg12[%dma_wait3A_835] : memref<10240xf32, #tpu.memory_space<vmem_shared>> -> memref<10240xf32, #tpu.memory_space<vmem_shared>>
        tpu.wait_indirect_dma semaphore(%arg20 : memref<!tpu.dma_semaphore, #tpu.memory_space<semaphore_mem>>) src(%arg9 : memref<128xf32, #tpu.memory_space<vmem>>) dst(%dma_wait3A_836 : memref<10240xf32, #tpu.memory_space<vmem_shared>>)
        %add3A_837 = arith.constant 3 : i32
        %add3A_838 = arith.addi %add3A_680, %add3A_837 : i32
        %add3A_839 = arith.addi %select_n3A, %add3A_838 : i32
        %mul3A_840 = arith.constant 128 : i32
        %mul3A_841 = arith.muli %add3A_839, %mul3A_840 : i32
        %multiple_of3A_842 = tpu.assume_multiple %mul3A_841, 128 : i32
        %dma_start3A_843 = arith.constant 0 : i32
        %dma_start3A_844 = arith.constant 0 : i32
        %dma_start3A_845 = arith.constant 0 : i32
        %dma_start3A_846 = tpu.memref_slice %arg7[%dma_start3A_843, %dma_start3A_844, %dma_start3A_845] : memref<3x2x128xi32, #tpu.memory_space<vmem>> -> memref<1x2x128xi32, #tpu.memory_space<vmem>>
        %dma_start3A_847 = tpu.memref_squeeze %dma_start3A_846 : memref<1x2x128xi32, #tpu.memory_space<vmem>> -> memref<2x128xi32, #tpu.memory_space<vmem>>
        %dma_start3A_848 = arith.constant 0 : i32
        %dma_start3A_849 = tpu.memref_slice %arg2[%dma_start3A_848, %multiple_of3A_842] : memref<2x320000xi32, #tpu.memory_space<hbm>> -> memref<2x128xi32, #tpu.memory_space<hbm>>
        %dma_start3A_850 = arith.constant 0 : i32
        %dma_start3A_851 = arith.constant 0 : i32
        %dma_start3A_852 = tpu.memref_slice %arg7[%dma_start3A_843, %dma_start3A_850, %dma_start3A_851] : memref<3x2x128xi32, #tpu.memory_space<vmem>> -> memref<1x2x128xi32, #tpu.memory_space<vmem>>
        %dma_start3A_853 = tpu.memref_squeeze %dma_start3A_852 : memref<1x2x128xi32, #tpu.memory_space<vmem>> -> memref<2x128xi32, #tpu.memory_space<vmem>>
        %dma_start3A_854 = arith.constant 0 : i32
        %dma_start3A_855 = tpu.memref_slice %arg2[%dma_start3A_854, %multiple_of3A_842] : memref<2x320000xi32, #tpu.memory_space<hbm>> -> memref<2x128xi32, #tpu.memory_space<hbm>>
        tpu.enqueue_dma source(%dma_start3A_855 : memref<2x128xi32, #tpu.memory_space<hbm>>) target(%dma_start3A_853 : memref<2x128xi32, #tpu.memory_space<vmem>>) target_semaphore(%arg17 : memref<!tpu.dma_semaphore, #tpu.memory_space<semaphore_mem>>)
      } else {
      }
      %mul3A_728 = arith.constant 6 : i32
      %mul3A_729 = arith.muli %scan3A_524, %mul3A_728 : i32
      %add3A_730 = arith.constant 4 : i32
      %add3A_731 = arith.addi %mul3A_729, %add3A_730 : i32
      %dma_wait3A_732 = arith.constant 1 : i32
      %dma_wait3A_733 = arith.constant 0 : i32
      %dma_wait3A_734 = arith.constant 0 : i32
      %dma_wait3A_735 = arith.constant 0 : i32
      %dma_wait3A_736 = arith.constant 0 : i32
      %dma_wait3A_737 = tpu.memref_slice %arg8[%dma_wait3A_734, %dma_wait3A_735, %dma_wait3A_736] : memref<2x128x128xf32, #tpu.memory_space<vmem>> -> memref<1x128x128xf32, #tpu.memory_space<vmem>>
      %dma_wait3A_738 = tpu.memref_squeeze %dma_wait3A_737 : memref<1x128x128xf32, #tpu.memory_space<vmem>> -> memref<128x128xf32, #tpu.memory_space<vmem>>
      %dma_wait3A_739 = arith.constant 0 : i32
      %dma_wait3A_740 = tpu.memref_slice %arg7[%dma_wait3A_732, %dma_wait3A_733, %dma_wait3A_739] : memref<3x2x128xi32, #tpu.memory_space<vmem>> -> memref<1x1x128xi32, #tpu.memory_space<vmem>>
      %dma_wait3A_741 = tpu.memref_squeeze %dma_wait3A_740 : memref<1x1x128xi32, #tpu.memory_space<vmem>> -> memref<128xi32, #tpu.memory_space<vmem>>
      %dma_wait3A_742 = arith.constant 0 : i32
      %dma_wait3A_743 = arith.constant 0 : i32
      %dma_wait3A_744 = tpu.memref_slice %arg3[%dma_wait3A_742, %dma_wait3A_743] : memref<10000x128xf32, #tpu.memory_space<hbm>> -> memref<10000x128xf32, #tpu.memory_space<hbm>>
      tpu.wait_indirect_dma semaphore(%arg13 : memref<!tpu.dma_semaphore, #tpu.memory_space<semaphore_mem>>) src(%dma_wait3A_744 : memref<10000x128xf32, #tpu.memory_space<hbm>>) dst(%dma_wait3A_738 : memref<128x128xf32, #tpu.memory_space<vmem>>)
      %dma_start3A_745 = arith.constant 0 : i32
      %dma_start3A_746 = arith.constant 1 : i32
      %dma_start3A_747 = arith.constant 1 : i32
      %dma_start3A_748 = arith.constant 0 : i32
      %dma_start3A_749 = arith.constant 0 : i32
      %dma_start3A_750 = tpu.memref_slice %arg8[%dma_start3A_745, %dma_start3A_748, %dma_start3A_749] : memref<2x128x128xf32, #tpu.memory_space<vmem>> -> memref<1x128x128xf32, #tpu.memory_space<vmem>>
      %dma_start3A_751 = tpu.memref_squeeze %dma_start3A_750 : memref<1x128x128xf32, #tpu.memory_space<vmem>> -> memref<128x128xf32, #tpu.memory_space<vmem>>
      %dma_start3A_752 = arith.constant 0 : i32
      %dma_start3A_753 = tpu.memref_slice %arg7[%dma_start3A_746, %dma_start3A_747, %dma_start3A_752] : memref<3x2x128xi32, #tpu.memory_space<vmem>> -> memref<1x1x128xi32, #tpu.memory_space<vmem>>
      %dma_start3A_754 = tpu.memref_squeeze %dma_start3A_753 : memref<1x1x128xi32, #tpu.memory_space<vmem>> -> memref<128xi32, #tpu.memory_space<vmem>>
      %dma_start3A_755 = arith.constant 0 : i32
      %dma_start3A_756 = arith.constant 0 : i32
      %dma_start3A_757 = tpu.memref_slice %arg11[%dma_start3A_755, %dma_start3A_756] : memref<10240x128xf32, #tpu.memory_space<vmem_shared>> -> memref<10240x128xf32, #tpu.memory_space<vmem_shared>>
      tpu.enqueue_indirect_dma source(%dma_start3A_751 : memref<128x128xf32, #tpu.memory_space<vmem>>) target(%dma_start3A_757 : memref<10240x128xf32, #tpu.memory_space<vmem_shared>>) offsets(%dma_start3A_754 : memref<128xi32, #tpu.memory_space<vmem>>) semaphore(%arg15 : memref<!tpu.dma_semaphore, #tpu.memory_space<semaphore_mem>>) {add = true}
      %add3A_758 = arith.constant 1 : i32
      %add3A_759 = arith.addi %add3A_731, %add3A_758 : i32
      %lt3A_760 = arith.constant 78 : i32
      %lt3A_761 = arith.cmpi slt, %add3A_759, %lt3A_760 : i32
      %convert_element_type3A_762 = arith.extui %lt3A_761 : i1 to i32
      %cond3A_763 = arith.constant 0 : i32
      %cond3A_764 = arith.cmpi ne, %convert_element_type3A_762, %cond3A_763 : i32
      scf.if %cond3A_764 {
        %dma_start3A_830 = arith.constant 2 : i32
        %dma_start3A_831 = arith.constant 1 : i32
        %dma_start3A_832 = arith.constant 0 : i32
        %dma_start3A_833 = tpu.memref_slice %arg7[%dma_start3A_830, %dma_start3A_831, %dma_start3A_832] : memref<3x2x128xi32, #tpu.memory_space<vmem>> -> memref<1x1x128xi32, #tpu.memory_space<vmem>>
        %dma_start3A_834 = tpu.memref_squeeze %dma_start3A_833 : memref<1x1x128xi32, #tpu.memory_space<vmem>> -> memref<128xi32, #tpu.memory_space<vmem>>
        %dma_start3A_835 = arith.constant 0 : i32
        %dma_start3A_836 = tpu.memref_slice %arg12[%dma_start3A_835] : memref<10240xf32, #tpu.memory_space<vmem_shared>> -> memref<10240xf32, #tpu.memory_space<vmem_shared>>
        tpu.enqueue_indirect_dma source(%arg9 : memref<128xf32, #tpu.memory_space<vmem>>) target(%dma_start3A_836 : memref<10240xf32, #tpu.memory_space<vmem_shared>>) offsets(%dma_start3A_834 : memref<128xi32, #tpu.memory_space<vmem>>) semaphore(%arg22 : memref<!tpu.dma_semaphore, #tpu.memory_space<semaphore_mem>>) {add = true}
      } else {
      }
      %add3A_765 = arith.constant 2 : i32
      %add3A_766 = arith.addi %add3A_731, %add3A_765 : i32
      %lt3A_767 = arith.constant 78 : i32
      %lt3A_768 = arith.cmpi slt, %add3A_766, %lt3A_767 : i32
      %convert_element_type3A_769 = arith.extui %lt3A_768 : i1 to i32
      %cond3A_770 = arith.constant 0 : i32
      %cond3A_771 = arith.cmpi ne, %convert_element_type3A_769, %cond3A_770 : i32
      scf.if %cond3A_771 {
        %dma_wait3A_830 = arith.constant 0 : i32
        %dma_wait3A_831 = arith.constant 1 : i32
        %dma_wait3A_832 = arith.constant 1 : i32
        %dma_wait3A_833 = arith.constant 0 : i32
        %dma_wait3A_834 = arith.constant 0 : i32
        %dma_wait3A_835 = tpu.memref_slice %arg8[%dma_wait3A_830, %dma_wait3A_833, %dma_wait3A_834] : memref<2x128x128xf32, #tpu.memory_space<vmem>> -> memref<1x128x128xf32, #tpu.memory_space<vmem>>
        %dma_wait3A_836 = tpu.memref_squeeze %dma_wait3A_835 : memref<1x128x128xf32, #tpu.memory_space<vmem>> -> memref<128x128xf32, #tpu.memory_space<vmem>>
        %dma_wait3A_837 = arith.constant 0 : i32
        %dma_wait3A_838 = tpu.memref_slice %arg7[%dma_wait3A_831, %dma_wait3A_832, %dma_wait3A_837] : memref<3x2x128xi32, #tpu.memory_space<vmem>> -> memref<1x1x128xi32, #tpu.memory_space<vmem>>
        %dma_wait3A_839 = tpu.memref_squeeze %dma_wait3A_838 : memref<1x1x128xi32, #tpu.memory_space<vmem>> -> memref<128xi32, #tpu.memory_space<vmem>>
        %dma_wait3A_840 = arith.constant 0 : i32
        %dma_wait3A_841 = arith.constant 0 : i32
        %dma_wait3A_842 = tpu.memref_slice %arg11[%dma_wait3A_840, %dma_wait3A_841] : memref<10240x128xf32, #tpu.memory_space<vmem_shared>> -> memref<10240x128xf32, #tpu.memory_space<vmem_shared>>
        tpu.wait_indirect_dma semaphore(%arg15 : memref<!tpu.dma_semaphore, #tpu.memory_space<semaphore_mem>>) src(%dma_wait3A_836 : memref<128x128xf32, #tpu.memory_space<vmem>>) dst(%dma_wait3A_842 : memref<10240x128xf32, #tpu.memory_space<vmem_shared>>)
        %add3A_843 = arith.constant 2 : i32
        %add3A_844 = arith.addi %add3A_731, %add3A_843 : i32
        %add3A_845 = arith.addi %select_n3A, %add3A_844 : i32
        %mul3A_846 = arith.constant 128 : i32
        %mul3A_847 = arith.muli %add3A_845, %mul3A_846 : i32
        %multiple_of3A_848 = tpu.assume_multiple %mul3A_847, 128 : i32
        %dma_wait3A_849 = arith.constant 0 : i32
        %dma_wait3A_850 = arith.constant 0 : i32
        %dma_wait3A_851 = arith.constant 0 : i32
        %dma_wait3A_852 = tpu.memref_slice %arg7[%dma_wait3A_849, %dma_wait3A_850, %dma_wait3A_851] : memref<3x2x128xi32, #tpu.memory_space<vmem>> -> memref<1x2x128xi32, #tpu.memory_space<vmem>>
        %dma_wait3A_853 = tpu.memref_squeeze %dma_wait3A_852 : memref<1x2x128xi32, #tpu.memory_space<vmem>> -> memref<2x128xi32, #tpu.memory_space<vmem>>
        %dma_wait3A_854 = arith.constant 0 : i32
        %dma_wait3A_855 = tpu.memref_slice %arg2[%dma_wait3A_854, %multiple_of3A_848] : memref<2x320000xi32, #tpu.memory_space<hbm>> -> memref<2x128xi32, #tpu.memory_space<hbm>>
        %dma_wait3A_856 = arith.constant 0 : i32
        %dma_wait3A_857 = arith.constant 0 : i32
        %dma_wait3A_858 = tpu.memref_slice %arg7[%dma_wait3A_849, %dma_wait3A_856, %dma_wait3A_857] : memref<3x2x128xi32, #tpu.memory_space<vmem>> -> memref<1x2x128xi32, #tpu.memory_space<vmem>>
        %dma_wait3A_859 = tpu.memref_squeeze %dma_wait3A_858 : memref<1x2x128xi32, #tpu.memory_space<vmem>> -> memref<2x128xi32, #tpu.memory_space<vmem>>
        %dma_wait3A_860 = arith.constant 0 : i32
        %dma_wait3A_861 = tpu.memref_slice %arg2[%dma_wait3A_860, %multiple_of3A_848] : memref<2x320000xi32, #tpu.memory_space<hbm>> -> memref<2x128xi32, #tpu.memory_space<hbm>>
        tpu.wait_dma2 semaphore(%arg17 : memref<!tpu.dma_semaphore, #tpu.memory_space<semaphore_mem>>) src(%dma_wait3A_861 : memref<2x128xi32, #tpu.memory_space<hbm>>) dst(%dma_wait3A_859 : memref<2x128xi32, #tpu.memory_space<vmem>>)
        %dma_start3A_862 = arith.constant 0 : i32
        %dma_start3A_863 = arith.constant 0 : i32
        %dma_start3A_864 = arith.constant 0 : i32
        %dma_start3A_865 = arith.constant 0 : i32
        %dma_start3A_866 = arith.constant 0 : i32
        %dma_start3A_867 = tpu.memref_slice %arg8[%dma_start3A_864, %dma_start3A_865, %dma_start3A_866] : memref<2x128x128xf32, #tpu.memory_space<vmem>> -> memref<1x128x128xf32, #tpu.memory_space<vmem>>
        %dma_start3A_868 = tpu.memref_squeeze %dma_start3A_867 : memref<1x128x128xf32, #tpu.memory_space<vmem>> -> memref<128x128xf32, #tpu.memory_space<vmem>>
        %dma_start3A_869 = arith.constant 0 : i32
        %dma_start3A_870 = tpu.memref_slice %arg7[%dma_start3A_862, %dma_start3A_863, %dma_start3A_869] : memref<3x2x128xi32, #tpu.memory_space<vmem>> -> memref<1x1x128xi32, #tpu.memory_space<vmem>>
        %dma_start3A_871 = tpu.memref_squeeze %dma_start3A_870 : memref<1x1x128xi32, #tpu.memory_space<vmem>> -> memref<128xi32, #tpu.memory_space<vmem>>
        %dma_start3A_872 = arith.constant 0 : i32
        %dma_start3A_873 = arith.constant 0 : i32
        %dma_start3A_874 = tpu.memref_slice %arg3[%dma_start3A_872, %dma_start3A_873] : memref<10000x128xf32, #tpu.memory_space<hbm>> -> memref<10000x128xf32, #tpu.memory_space<hbm>>
        tpu.enqueue_indirect_dma source(%dma_start3A_874 : memref<10000x128xf32, #tpu.memory_space<hbm>>) target(%dma_start3A_868 : memref<128x128xf32, #tpu.memory_space<vmem>>) offsets(%dma_start3A_871 : memref<128xi32, #tpu.memory_space<vmem>>) semaphore(%arg13 : memref<!tpu.dma_semaphore, #tpu.memory_space<semaphore_mem>>)
      } else {
      }
      %add3A_772 = arith.constant 3 : i32
      %add3A_773 = arith.addi %add3A_731, %add3A_772 : i32
      %lt3A_774 = arith.constant 78 : i32
      %lt3A_775 = arith.cmpi slt, %add3A_773, %lt3A_774 : i32
      %convert_element_type3A_776 = arith.extui %lt3A_775 : i1 to i32
      %cond3A_777 = arith.constant 0 : i32
      %cond3A_778 = arith.cmpi ne, %convert_element_type3A_776, %cond3A_777 : i32
      scf.if %cond3A_778 {
        %dma_wait3A_830 = arith.constant 1 : i32
        %dma_wait3A_831 = arith.constant 1 : i32
        %dma_wait3A_832 = arith.constant 0 : i32
        %dma_wait3A_833 = tpu.memref_slice %arg7[%dma_wait3A_830, %dma_wait3A_831, %dma_wait3A_832] : memref<3x2x128xi32, #tpu.memory_space<vmem>> -> memref<1x1x128xi32, #tpu.memory_space<vmem>>
        %dma_wait3A_834 = tpu.memref_squeeze %dma_wait3A_833 : memref<1x1x128xi32, #tpu.memory_space<vmem>> -> memref<128xi32, #tpu.memory_space<vmem>>
        %dma_wait3A_835 = arith.constant 0 : i32
        %dma_wait3A_836 = tpu.memref_slice %arg12[%dma_wait3A_835] : memref<10240xf32, #tpu.memory_space<vmem_shared>> -> memref<10240xf32, #tpu.memory_space<vmem_shared>>
        tpu.wait_indirect_dma semaphore(%arg21 : memref<!tpu.dma_semaphore, #tpu.memory_space<semaphore_mem>>) src(%arg9 : memref<128xf32, #tpu.memory_space<vmem>>) dst(%dma_wait3A_836 : memref<10240xf32, #tpu.memory_space<vmem_shared>>)
        %add3A_837 = arith.constant 3 : i32
        %add3A_838 = arith.addi %add3A_731, %add3A_837 : i32
        %add3A_839 = arith.addi %select_n3A, %add3A_838 : i32
        %mul3A_840 = arith.constant 128 : i32
        %mul3A_841 = arith.muli %add3A_839, %mul3A_840 : i32
        %multiple_of3A_842 = tpu.assume_multiple %mul3A_841, 128 : i32
        %dma_start3A_843 = arith.constant 1 : i32
        %dma_start3A_844 = arith.constant 0 : i32
        %dma_start3A_845 = arith.constant 0 : i32
        %dma_start3A_846 = tpu.memref_slice %arg7[%dma_start3A_843, %dma_start3A_844, %dma_start3A_845] : memref<3x2x128xi32, #tpu.memory_space<vmem>> -> memref<1x2x128xi32, #tpu.memory_space<vmem>>
        %dma_start3A_847 = tpu.memref_squeeze %dma_start3A_846 : memref<1x2x128xi32, #tpu.memory_space<vmem>> -> memref<2x128xi32, #tpu.memory_space<vmem>>
        %dma_start3A_848 = arith.constant 0 : i32
        %dma_start3A_849 = tpu.memref_slice %arg2[%dma_start3A_848, %multiple_of3A_842] : memref<2x320000xi32, #tpu.memory_space<hbm>> -> memref<2x128xi32, #tpu.memory_space<hbm>>
        %dma_start3A_850 = arith.constant 0 : i32
        %dma_start3A_851 = arith.constant 0 : i32
        %dma_start3A_852 = tpu.memref_slice %arg7[%dma_start3A_843, %dma_start3A_850, %dma_start3A_851] : memref<3x2x128xi32, #tpu.memory_space<vmem>> -> memref<1x2x128xi32, #tpu.memory_space<vmem>>
        %dma_start3A_853 = tpu.memref_squeeze %dma_start3A_852 : memref<1x2x128xi32, #tpu.memory_space<vmem>> -> memref<2x128xi32, #tpu.memory_space<vmem>>
        %dma_start3A_854 = arith.constant 0 : i32
        %dma_start3A_855 = tpu.memref_slice %arg2[%dma_start3A_854, %multiple_of3A_842] : memref<2x320000xi32, #tpu.memory_space<hbm>> -> memref<2x128xi32, #tpu.memory_space<hbm>>
        tpu.enqueue_dma source(%dma_start3A_855 : memref<2x128xi32, #tpu.memory_space<hbm>>) target(%dma_start3A_853 : memref<2x128xi32, #tpu.memory_space<vmem>>) target_semaphore(%arg18 : memref<!tpu.dma_semaphore, #tpu.memory_space<semaphore_mem>>)
      } else {
      }
      %mul3A_779 = arith.constant 6 : i32
      %mul3A_780 = arith.muli %scan3A_524, %mul3A_779 : i32
      %add3A_781 = arith.constant 5 : i32
      %add3A_782 = arith.addi %mul3A_780, %add3A_781 : i32
      %dma_wait3A_783 = arith.constant 2 : i32
      %dma_wait3A_784 = arith.constant 0 : i32
      %dma_wait3A_785 = arith.constant 1 : i32
      %dma_wait3A_786 = arith.constant 0 : i32
      %dma_wait3A_787 = arith.constant 0 : i32
      %dma_wait3A_788 = tpu.memref_slice %arg8[%dma_wait3A_785, %dma_wait3A_786, %dma_wait3A_787] : memref<2x128x128xf32, #tpu.memory_space<vmem>> -> memref<1x128x128xf32, #tpu.memory_space<vmem>>
      %dma_wait3A_789 = tpu.memref_squeeze %dma_wait3A_788 : memref<1x128x128xf32, #tpu.memory_space<vmem>> -> memref<128x128xf32, #tpu.memory_space<vmem>>
      %dma_wait3A_790 = arith.constant 0 : i32
      %dma_wait3A_791 = tpu.memref_slice %arg7[%dma_wait3A_783, %dma_wait3A_784, %dma_wait3A_790] : memref<3x2x128xi32, #tpu.memory_space<vmem>> -> memref<1x1x128xi32, #tpu.memory_space<vmem>>
      %dma_wait3A_792 = tpu.memref_squeeze %dma_wait3A_791 : memref<1x1x128xi32, #tpu.memory_space<vmem>> -> memref<128xi32, #tpu.memory_space<vmem>>
      %dma_wait3A_793 = arith.constant 0 : i32
      %dma_wait3A_794 = arith.constant 0 : i32
      %dma_wait3A_795 = tpu.memref_slice %arg3[%dma_wait3A_793, %dma_wait3A_794] : memref<10000x128xf32, #tpu.memory_space<hbm>> -> memref<10000x128xf32, #tpu.memory_space<hbm>>
      tpu.wait_indirect_dma semaphore(%arg14 : memref<!tpu.dma_semaphore, #tpu.memory_space<semaphore_mem>>) src(%dma_wait3A_795 : memref<10000x128xf32, #tpu.memory_space<hbm>>) dst(%dma_wait3A_789 : memref<128x128xf32, #tpu.memory_space<vmem>>)
      %dma_start3A_796 = arith.constant 1 : i32
      %dma_start3A_797 = arith.constant 2 : i32
      %dma_start3A_798 = arith.constant 1 : i32
      %dma_start3A_799 = arith.constant 0 : i32
      %dma_start3A_800 = arith.constant 0 : i32
      %dma_start3A_801 = tpu.memref_slice %arg8[%dma_start3A_796, %dma_start3A_799, %dma_start3A_800] : memref<2x128x128xf32, #tpu.memory_space<vmem>> -> memref<1x128x128xf32, #tpu.memory_space<vmem>>
      %dma_start3A_802 = tpu.memref_squeeze %dma_start3A_801 : memref<1x128x128xf32, #tpu.memory_space<vmem>> -> memref<128x128xf32, #tpu.memory_space<vmem>>
      %dma_start3A_803 = arith.constant 0 : i32
      %dma_start3A_804 = tpu.memref_slice %arg7[%dma_start3A_797, %dma_start3A_798, %dma_start3A_803] : memref<3x2x128xi32, #tpu.memory_space<vmem>> -> memref<1x1x128xi32, #tpu.memory_space<vmem>>
      %dma_start3A_805 = tpu.memref_squeeze %dma_start3A_804 : memref<1x1x128xi32, #tpu.memory_space<vmem>> -> memref<128xi32, #tpu.memory_space<vmem>>
      %dma_start3A_806 = arith.constant 0 : i32
      %dma_start3A_807 = arith.constant 0 : i32
      %dma_start3A_808 = tpu.memref_slice %arg11[%dma_start3A_806, %dma_start3A_807] : memref<10240x128xf32, #tpu.memory_space<vmem_shared>> -> memref<10240x128xf32, #tpu.memory_space<vmem_shared>>
      tpu.enqueue_indirect_dma source(%dma_start3A_802 : memref<128x128xf32, #tpu.memory_space<vmem>>) target(%dma_start3A_808 : memref<10240x128xf32, #tpu.memory_space<vmem_shared>>) offsets(%dma_start3A_805 : memref<128xi32, #tpu.memory_space<vmem>>) semaphore(%arg16 : memref<!tpu.dma_semaphore, #tpu.memory_space<semaphore_mem>>) {add = true}
      %add3A_809 = arith.constant 1 : i32
      %add3A_810 = arith.addi %add3A_782, %add3A_809 : i32
      %lt3A_811 = arith.constant 78 : i32
      %lt3A_812 = arith.cmpi slt, %add3A_810, %lt3A_811 : i32
      %convert_element_type3A_813 = arith.extui %lt3A_812 : i1 to i32
      %cond3A_814 = arith.constant 0 : i32
      %cond3A_815 = arith.cmpi ne, %convert_element_type3A_813, %cond3A_814 : i32
      scf.if %cond3A_815 {
        %dma_start3A_830 = arith.constant 0 : i32
        %dma_start3A_831 = arith.constant 1 : i32
        %dma_start3A_832 = arith.constant 0 : i32
        %dma_start3A_833 = tpu.memref_slice %arg7[%dma_start3A_830, %dma_start3A_831, %dma_start3A_832] : memref<3x2x128xi32, #tpu.memory_space<vmem>> -> memref<1x1x128xi32, #tpu.memory_space<vmem>>
        %dma_start3A_834 = tpu.memref_squeeze %dma_start3A_833 : memref<1x1x128xi32, #tpu.memory_space<vmem>> -> memref<128xi32, #tpu.memory_space<vmem>>
        %dma_start3A_835 = arith.constant 0 : i32
        %dma_start3A_836 = tpu.memref_slice %arg12[%dma_start3A_835] : memref<10240xf32, #tpu.memory_space<vmem_shared>> -> memref<10240xf32, #tpu.memory_space<vmem_shared>>
        tpu.enqueue_indirect_dma source(%arg9 : memref<128xf32, #tpu.memory_space<vmem>>) target(%dma_start3A_836 : memref<10240xf32, #tpu.memory_space<vmem_shared>>) offsets(%dma_start3A_834 : memref<128xi32, #tpu.memory_space<vmem>>) semaphore(%arg20 : memref<!tpu.dma_semaphore, #tpu.memory_space<semaphore_mem>>) {add = true}
      } else {
      }
      %add3A_816 = arith.constant 2 : i32
      %add3A_817 = arith.addi %add3A_782, %add3A_816 : i32
      %lt3A_818 = arith.constant 78 : i32
      %lt3A_819 = arith.cmpi slt, %add3A_817, %lt3A_818 : i32
      %convert_element_type3A_820 = arith.extui %lt3A_819 : i1 to i32
      %cond3A_821 = arith.constant 0 : i32
      %cond3A_822 = arith.cmpi ne, %convert_element_type3A_820, %cond3A_821 : i32
      scf.if %cond3A_822 {
        %dma_wait3A_830 = arith.constant 1 : i32
        %dma_wait3A_831 = arith.constant 2 : i32
        %dma_wait3A_832 = arith.constant 1 : i32
        %dma_wait3A_833 = arith.constant 0 : i32
        %dma_wait3A_834 = arith.constant 0 : i32
        %dma_wait3A_835 = tpu.memref_slice %arg8[%dma_wait3A_830, %dma_wait3A_833, %dma_wait3A_834] : memref<2x128x128xf32, #tpu.memory_space<vmem>> -> memref<1x128x128xf32, #tpu.memory_space<vmem>>
        %dma_wait3A_836 = tpu.memref_squeeze %dma_wait3A_835 : memref<1x128x128xf32, #tpu.memory_space<vmem>> -> memref<128x128xf32, #tpu.memory_space<vmem>>
        %dma_wait3A_837 = arith.constant 0 : i32
        %dma_wait3A_838 = tpu.memref_slice %arg7[%dma_wait3A_831, %dma_wait3A_832, %dma_wait3A_837] : memref<3x2x128xi32, #tpu.memory_space<vmem>> -> memref<1x1x128xi32, #tpu.memory_space<vmem>>
        %dma_wait3A_839 = tpu.memref_squeeze %dma_wait3A_838 : memref<1x1x128xi32, #tpu.memory_space<vmem>> -> memref<128xi32, #tpu.memory_space<vmem>>
        %dma_wait3A_840 = arith.constant 0 : i32
        %dma_wait3A_841 = arith.constant 0 : i32
        %dma_wait3A_842 = tpu.memref_slice %arg11[%dma_wait3A_840, %dma_wait3A_841] : memref<10240x128xf32, #tpu.memory_space<vmem_shared>> -> memref<10240x128xf32, #tpu.memory_space<vmem_shared>>
        tpu.wait_indirect_dma semaphore(%arg16 : memref<!tpu.dma_semaphore, #tpu.memory_space<semaphore_mem>>) src(%dma_wait3A_836 : memref<128x128xf32, #tpu.memory_space<vmem>>) dst(%dma_wait3A_842 : memref<10240x128xf32, #tpu.memory_space<vmem_shared>>)
        %add3A_843 = arith.constant 2 : i32
        %add3A_844 = arith.addi %add3A_782, %add3A_843 : i32
        %add3A_845 = arith.addi %select_n3A, %add3A_844 : i32
        %mul3A_846 = arith.constant 128 : i32
        %mul3A_847 = arith.muli %add3A_845, %mul3A_846 : i32
        %multiple_of3A_848 = tpu.assume_multiple %mul3A_847, 128 : i32
        %dma_wait3A_849 = arith.constant 1 : i32
        %dma_wait3A_850 = arith.constant 0 : i32
        %dma_wait3A_851 = arith.constant 0 : i32
        %dma_wait3A_852 = tpu.memref_slice %arg7[%dma_wait3A_849, %dma_wait3A_850, %dma_wait3A_851] : memref<3x2x128xi32, #tpu.memory_space<vmem>> -> memref<1x2x128xi32, #tpu.memory_space<vmem>>
        %dma_wait3A_853 = tpu.memref_squeeze %dma_wait3A_852 : memref<1x2x128xi32, #tpu.memory_space<vmem>> -> memref<2x128xi32, #tpu.memory_space<vmem>>
        %dma_wait3A_854 = arith.constant 0 : i32
        %dma_wait3A_855 = tpu.memref_slice %arg2[%dma_wait3A_854, %multiple_of3A_848] : memref<2x320000xi32, #tpu.memory_space<hbm>> -> memref<2x128xi32, #tpu.memory_space<hbm>>
        %dma_wait3A_856 = arith.constant 0 : i32
        %dma_wait3A_857 = arith.constant 0 : i32
        %dma_wait3A_858 = tpu.memref_slice %arg7[%dma_wait3A_849, %dma_wait3A_856, %dma_wait3A_857] : memref<3x2x128xi32, #tpu.memory_space<vmem>> -> memref<1x2x128xi32, #tpu.memory_space<vmem>>
        %dma_wait3A_859 = tpu.memref_squeeze %dma_wait3A_858 : memref<1x2x128xi32, #tpu.memory_space<vmem>> -> memref<2x128xi32, #tpu.memory_space<vmem>>
        %dma_wait3A_860 = arith.constant 0 : i32
        %dma_wait3A_861 = tpu.memref_slice %arg2[%dma_wait3A_860, %multiple_of3A_848] : memref<2x320000xi32, #tpu.memory_space<hbm>> -> memref<2x128xi32, #tpu.memory_space<hbm>>
        tpu.wait_dma2 semaphore(%arg18 : memref<!tpu.dma_semaphore, #tpu.memory_space<semaphore_mem>>) src(%dma_wait3A_861 : memref<2x128xi32, #tpu.memory_space<hbm>>) dst(%dma_wait3A_859 : memref<2x128xi32, #tpu.memory_space<vmem>>)
        %dma_start3A_862 = arith.constant 1 : i32
        %dma_start3A_863 = arith.constant 0 : i32
        %dma_start3A_864 = arith.constant 1 : i32
        %dma_start3A_865 = arith.constant 0 : i32
        %dma_start3A_866 = arith.constant 0 : i32
        %dma_start3A_867 = tpu.memref_slice %arg8[%dma_start3A_864, %dma_start3A_865, %dma_start3A_866] : memref<2x128x128xf32, #tpu.memory_space<vmem>> -> memref<1x128x128xf32, #tpu.memory_space<vmem>>
        %dma_start3A_868 = tpu.memref_squeeze %dma_start3A_867 : memref<1x128x128xf32, #tpu.memory_space<vmem>> -> memref<128x128xf32, #tpu.memory_space<vmem>>
        %dma_start3A_869 = arith.constant 0 : i32
        %dma_start3A_870 = tpu.memref_slice %arg7[%dma_start3A_862, %dma_start3A_863, %dma_start3A_869] : memref<3x2x128xi32, #tpu.memory_space<vmem>> -> memref<1x1x128xi32, #tpu.memory_space<vmem>>
        %dma_start3A_871 = tpu.memref_squeeze %dma_start3A_870 : memref<1x1x128xi32, #tpu.memory_space<vmem>> -> memref<128xi32, #tpu.memory_space<vmem>>
        %dma_start3A_872 = arith.constant 0 : i32
        %dma_start3A_873 = arith.constant 0 : i32
        %dma_start3A_874 = tpu.memref_slice %arg3[%dma_start3A_872, %dma_start3A_873] : memref<10000x128xf32, #tpu.memory_space<hbm>> -> memref<10000x128xf32, #tpu.memory_space<hbm>>
        tpu.enqueue_indirect_dma source(%dma_start3A_874 : memref<10000x128xf32, #tpu.memory_space<hbm>>) target(%dma_start3A_868 : memref<128x128xf32, #tpu.memory_space<vmem>>) offsets(%dma_start3A_871 : memref<128xi32, #tpu.memory_space<vmem>>) semaphore(%arg14 : memref<!tpu.dma_semaphore, #tpu.memory_space<semaphore_mem>>)
      } else {
      }
      %add3A_823 = arith.constant 3 : i32
      %add3A_824 = arith.addi %add3A_782, %add3A_823 : i32
      %lt3A_825 = arith.constant 78 : i32
      %lt3A_826 = arith.cmpi slt, %add3A_824, %lt3A_825 : i32
      %convert_element_type3A_827 = arith.extui %lt3A_826 : i1 to i32
      %cond3A_828 = arith.constant 0 : i32
      %cond3A_829 = arith.cmpi ne, %convert_element_type3A_827, %cond3A_828 : i32
      scf.if %cond3A_829 {
        %dma_wait3A_830 = arith.constant 2 : i32
        %dma_wait3A_831 = arith.constant 1 : i32
        %dma_wait3A_832 = arith.constant 0 : i32
        %dma_wait3A_833 = tpu.memref_slice %arg7[%dma_wait3A_830, %dma_wait3A_831, %dma_wait3A_832] : memref<3x2x128xi32, #tpu.memory_space<vmem>> -> memref<1x1x128xi32, #tpu.memory_space<vmem>>
        %dma_wait3A_834 = tpu.memref_squeeze %dma_wait3A_833 : memref<1x1x128xi32, #tpu.memory_space<vmem>> -> memref<128xi32, #tpu.memory_space<vmem>>
        %dma_wait3A_835 = arith.constant 0 : i32
        %dma_wait3A_836 = tpu.memref_slice %arg12[%dma_wait3A_835] : memref<10240xf32, #tpu.memory_space<vmem_shared>> -> memref<10240xf32, #tpu.memory_space<vmem_shared>>
        tpu.wait_indirect_dma semaphore(%arg22 : memref<!tpu.dma_semaphore, #tpu.memory_space<semaphore_mem>>) src(%arg9 : memref<128xf32, #tpu.memory_space<vmem>>) dst(%dma_wait3A_836 : memref<10240xf32, #tpu.memory_space<vmem_shared>>)
        %add3A_837 = arith.constant 3 : i32
        %add3A_838 = arith.addi %add3A_782, %add3A_837 : i32
        %add3A_839 = arith.addi %select_n3A, %add3A_838 : i32
        %mul3A_840 = arith.constant 128 : i32
        %mul3A_841 = arith.muli %add3A_839, %mul3A_840 : i32
        %multiple_of3A_842 = tpu.assume_multiple %mul3A_841, 128 : i32
        %dma_start3A_843 = arith.constant 2 : i32
        %dma_start3A_844 = arith.constant 0 : i32
        %dma_start3A_845 = arith.constant 0 : i32
        %dma_start3A_846 = tpu.memref_slice %arg7[%dma_start3A_843, %dma_start3A_844, %dma_start3A_845] : memref<3x2x128xi32, #tpu.memory_space<vmem>> -> memref<1x2x128xi32, #tpu.memory_space<vmem>>
        %dma_start3A_847 = tpu.memref_squeeze %dma_start3A_846 : memref<1x2x128xi32, #tpu.memory_space<vmem>> -> memref<2x128xi32, #tpu.memory_space<vmem>>
        %dma_start3A_848 = arith.constant 0 : i32
        %dma_start3A_849 = tpu.memref_slice %arg2[%dma_start3A_848, %multiple_of3A_842] : memref<2x320000xi32, #tpu.memory_space<hbm>> -> memref<2x128xi32, #tpu.memory_space<hbm>>
        %dma_start3A_850 = arith.constant 0 : i32
        %dma_start3A_851 = arith.constant 0 : i32
        %dma_start3A_852 = tpu.memref_slice %arg7[%dma_start3A_843, %dma_start3A_850, %dma_start3A_851] : memref<3x2x128xi32, #tpu.memory_space<vmem>> -> memref<1x2x128xi32, #tpu.memory_space<vmem>>
        %dma_start3A_853 = tpu.memref_squeeze %dma_start3A_852 : memref<1x2x128xi32, #tpu.memory_space<vmem>> -> memref<2x128xi32, #tpu.memory_space<vmem>>
        %dma_start3A_854 = arith.constant 0 : i32
        %dma_start3A_855 = tpu.memref_slice %arg2[%dma_start3A_854, %multiple_of3A_842] : memref<2x320000xi32, #tpu.memory_space<hbm>> -> memref<2x128xi32, #tpu.memory_space<hbm>>
        tpu.enqueue_dma source(%dma_start3A_855 : memref<2x128xi32, #tpu.memory_space<hbm>>) target(%dma_start3A_853 : memref<2x128xi32, #tpu.memory_space<vmem>>) target_semaphore(%arg19 : memref<!tpu.dma_semaphore, #tpu.memory_space<semaphore_mem>>)
      } else {
      }
    }
    %scan3A_462 = arith.constant 13 : i32
    %dma_wait3A_463 = arith.constant 0 : i32
    %dma_wait3A_464 = arith.constant 1 : i32
    %dma_wait3A_465 = arith.constant 1 : i32
    %dma_wait3A_466 = arith.constant 0 : i32
    %dma_wait3A_467 = arith.constant 0 : i32
    %dma_wait3A_468 = tpu.memref_slice %arg8[%dma_wait3A_463, %dma_wait3A_466, %dma_wait3A_467] : memref<2x128x128xf32, #tpu.memory_space<vmem>> -> memref<1x128x128xf32, #tpu.memory_space<vmem>>
    %dma_wait3A_469 = tpu.memref_squeeze %dma_wait3A_468 : memref<1x128x128xf32, #tpu.memory_space<vmem>> -> memref<128x128xf32, #tpu.memory_space<vmem>>
    %dma_wait3A_470 = arith.constant 0 : i32
    %dma_wait3A_471 = tpu.memref_slice %arg7[%dma_wait3A_464, %dma_wait3A_465, %dma_wait3A_470] : memref<3x2x128xi32, #tpu.memory_space<vmem>> -> memref<1x1x128xi32, #tpu.memory_space<vmem>>
    %dma_wait3A_472 = tpu.memref_squeeze %dma_wait3A_471 : memref<1x1x128xi32, #tpu.memory_space<vmem>> -> memref<128xi32, #tpu.memory_space<vmem>>
    %dma_wait3A_473 = arith.constant 0 : i32
    %dma_wait3A_474 = arith.constant 0 : i32
    %dma_wait3A_475 = tpu.memref_slice %arg11[%dma_wait3A_473, %dma_wait3A_474] : memref<10240x128xf32, #tpu.memory_space<vmem_shared>> -> memref<10240x128xf32, #tpu.memory_space<vmem_shared>>
    tpu.wait_indirect_dma semaphore(%arg15 : memref<!tpu.dma_semaphore, #tpu.memory_space<semaphore_mem>>) src(%dma_wait3A_469 : memref<128x128xf32, #tpu.memory_space<vmem>>) dst(%dma_wait3A_475 : memref<10240x128xf32, #tpu.memory_space<vmem_shared>>)
    %dma_wait3A_476 = arith.constant 1 : i32
    %dma_wait3A_477 = arith.constant 2 : i32
    %dma_wait3A_478 = arith.constant 1 : i32
    %dma_wait3A_479 = arith.constant 0 : i32
    %dma_wait3A_480 = arith.constant 0 : i32
    %dma_wait3A_481 = tpu.memref_slice %arg8[%dma_wait3A_476, %dma_wait3A_479, %dma_wait3A_480] : memref<2x128x128xf32, #tpu.memory_space<vmem>> -> memref<1x128x128xf32, #tpu.memory_space<vmem>>
    %dma_wait3A_482 = tpu.memref_squeeze %dma_wait3A_481 : memref<1x128x128xf32, #tpu.memory_space<vmem>> -> memref<128x128xf32, #tpu.memory_space<vmem>>
    %dma_wait3A_483 = arith.constant 0 : i32
    %dma_wait3A_484 = tpu.memref_slice %arg7[%dma_wait3A_477, %dma_wait3A_478, %dma_wait3A_483] : memref<3x2x128xi32, #tpu.memory_space<vmem>> -> memref<1x1x128xi32, #tpu.memory_space<vmem>>
    %dma_wait3A_485 = tpu.memref_squeeze %dma_wait3A_484 : memref<1x1x128xi32, #tpu.memory_space<vmem>> -> memref<128xi32, #tpu.memory_space<vmem>>
    %dma_wait3A_486 = arith.constant 0 : i32
    %dma_wait3A_487 = arith.constant 0 : i32
    %dma_wait3A_488 = tpu.memref_slice %arg11[%dma_wait3A_486, %dma_wait3A_487] : memref<10240x128xf32, #tpu.memory_space<vmem_shared>> -> memref<10240x128xf32, #tpu.memory_space<vmem_shared>>
    tpu.wait_indirect_dma semaphore(%arg16 : memref<!tpu.dma_semaphore, #tpu.memory_space<semaphore_mem>>) src(%dma_wait3A_482 : memref<128x128xf32, #tpu.memory_space<vmem>>) dst(%dma_wait3A_488 : memref<10240x128xf32, #tpu.memory_space<vmem_shared>>)
    %dma_wait3A_489 = arith.constant 0 : i32
    %dma_wait3A_490 = arith.constant 1 : i32
    %dma_wait3A_491 = arith.constant 0 : i32
    %dma_wait3A_492 = tpu.memref_slice %arg7[%dma_wait3A_489, %dma_wait3A_490, %dma_wait3A_491] : memref<3x2x128xi32, #tpu.memory_space<vmem>> -> memref<1x1x128xi32, #tpu.memory_space<vmem>>
    %dma_wait3A_493 = tpu.memref_squeeze %dma_wait3A_492 : memref<1x1x128xi32, #tpu.memory_space<vmem>> -> memref<128xi32, #tpu.memory_space<vmem>>
    %dma_wait3A_494 = arith.constant 0 : i32
    %dma_wait3A_495 = tpu.memref_slice %arg12[%dma_wait3A_494] : memref<10240xf32, #tpu.memory_space<vmem_shared>> -> memref<10240xf32, #tpu.memory_space<vmem_shared>>
    tpu.wait_indirect_dma semaphore(%arg20 : memref<!tpu.dma_semaphore, #tpu.memory_space<semaphore_mem>>) src(%arg9 : memref<128xf32, #tpu.memory_space<vmem>>) dst(%dma_wait3A_495 : memref<10240xf32, #tpu.memory_space<vmem_shared>>)
    %dma_wait3A_496 = arith.constant 1 : i32
    %dma_wait3A_497 = arith.constant 1 : i32
    %dma_wait3A_498 = arith.constant 0 : i32
    %dma_wait3A_499 = tpu.memref_slice %arg7[%dma_wait3A_496, %dma_wait3A_497, %dma_wait3A_498] : memref<3x2x128xi32, #tpu.memory_space<vmem>> -> memref<1x1x128xi32, #tpu.memory_space<vmem>>
    %dma_wait3A_500 = tpu.memref_squeeze %dma_wait3A_499 : memref<1x1x128xi32, #tpu.memory_space<vmem>> -> memref<128xi32, #tpu.memory_space<vmem>>
    %dma_wait3A_501 = arith.constant 0 : i32
    %dma_wait3A_502 = tpu.memref_slice %arg12[%dma_wait3A_501] : memref<10240xf32, #tpu.memory_space<vmem_shared>> -> memref<10240xf32, #tpu.memory_space<vmem_shared>>
    tpu.wait_indirect_dma semaphore(%arg21 : memref<!tpu.dma_semaphore, #tpu.memory_space<semaphore_mem>>) src(%arg9 : memref<128xf32, #tpu.memory_space<vmem>>) dst(%dma_wait3A_502 : memref<10240xf32, #tpu.memory_space<vmem_shared>>)
    %dma_wait3A_503 = arith.constant 2 : i32
    %dma_wait3A_504 = arith.constant 1 : i32
    %dma_wait3A_505 = arith.constant 0 : i32
    %dma_wait3A_506 = tpu.memref_slice %arg7[%dma_wait3A_503, %dma_wait3A_504, %dma_wait3A_505] : memref<3x2x128xi32, #tpu.memory_space<vmem>> -> memref<1x1x128xi32, #tpu.memory_space<vmem>>
    %dma_wait3A_507 = tpu.memref_squeeze %dma_wait3A_506 : memref<1x1x128xi32, #tpu.memory_space<vmem>> -> memref<128xi32, #tpu.memory_space<vmem>>
    %dma_wait3A_508 = arith.constant 0 : i32
    %dma_wait3A_509 = tpu.memref_slice %arg12[%dma_wait3A_508] : memref<10240xf32, #tpu.memory_space<vmem_shared>> -> memref<10240xf32, #tpu.memory_space<vmem_shared>>
    tpu.wait_indirect_dma semaphore(%arg22 : memref<!tpu.dma_semaphore, #tpu.memory_space<semaphore_mem>>) src(%arg9 : memref<128xf32, #tpu.memory_space<vmem>>) dst(%dma_wait3A_509 : memref<10240xf32, #tpu.memory_space<vmem_shared>>)
    %gt3A = arith.constant 78 : i32
    %gt3A_510 = arith.cmpi sgt, %sub3A_337, %gt3A : i32
    %convert_element_type3A = arith.extui %gt3A_510 : i1 to i32
    %cond3A = arith.constant 0 : i32
    %cond3A_511 = arith.cmpi ne, %convert_element_type3A, %cond3A : i32
    scf.if %cond3A_511 {
      %add3A_524 = arith.constant 78 : i32
      %add3A_525 = arith.addi %select_n3A, %add3A_524 : i32
      %mul3A_526 = arith.constant 128 : i32
      %mul3A_527 = arith.muli %add3A_525, %mul3A_526 : i32
      %multiple_of3A_528 = tpu.assume_multiple %mul3A_527, 128 : i32
      %dma_start3A_529 = arith.constant 0 : i32
      %dma_start3A_530 = arith.constant 0 : i32
      %dma_start3A_531 = arith.constant 0 : i32
      %dma_start3A_532 = tpu.memref_slice %arg7[%dma_start3A_529, %dma_start3A_530, %dma_start3A_531] : memref<3x2x128xi32, #tpu.memory_space<vmem>> -> memref<1x2x128xi32, #tpu.memory_space<vmem>>
      %dma_start3A_533 = tpu.memref_squeeze %dma_start3A_532 : memref<1x2x128xi32, #tpu.memory_space<vmem>> -> memref<2x128xi32, #tpu.memory_space<vmem>>
      %dma_start3A_534 = arith.constant 0 : i32
      %dma_start3A_535 = tpu.memref_slice %arg2[%dma_start3A_534, %multiple_of3A_528] : memref<2x320000xi32, #tpu.memory_space<hbm>> -> memref<2x128xi32, #tpu.memory_space<hbm>>
      %dma_start3A_536 = arith.constant 0 : i32
      %dma_start3A_537 = arith.constant 0 : i32
      %dma_start3A_538 = tpu.memref_slice %arg7[%dma_start3A_529, %dma_start3A_536, %dma_start3A_537] : memref<3x2x128xi32, #tpu.memory_space<vmem>> -> memref<1x2x128xi32, #tpu.memory_space<vmem>>
      %dma_start3A_539 = tpu.memref_squeeze %dma_start3A_538 : memref<1x2x128xi32, #tpu.memory_space<vmem>> -> memref<2x128xi32, #tpu.memory_space<vmem>>
      %dma_start3A_540 = arith.constant 0 : i32
      %dma_start3A_541 = tpu.memref_slice %arg2[%dma_start3A_540, %multiple_of3A_528] : memref<2x320000xi32, #tpu.memory_space<hbm>> -> memref<2x128xi32, #tpu.memory_space<hbm>>
      tpu.enqueue_dma source(%dma_start3A_541 : memref<2x128xi32, #tpu.memory_space<hbm>>) target(%dma_start3A_539 : memref<2x128xi32, #tpu.memory_space<vmem>>) target_semaphore(%arg17 : memref<!tpu.dma_semaphore, #tpu.memory_space<semaphore_mem>>)
      %add3A_542 = arith.constant 78 : i32
      %add3A_543 = arith.addi %select_n3A, %add3A_542 : i32
      %mul3A_544 = arith.constant 128 : i32
      %mul3A_545 = arith.muli %add3A_543, %mul3A_544 : i32
      %multiple_of3A_546 = tpu.assume_multiple %mul3A_545, 128 : i32
      %dma_wait3A_547 = arith.constant 0 : i32
      %dma_wait3A_548 = arith.constant 0 : i32
      %dma_wait3A_549 = arith.constant 0 : i32
      %dma_wait3A_550 = tpu.memref_slice %arg7[%dma_wait3A_547, %dma_wait3A_548, %dma_wait3A_549] : memref<3x2x128xi32, #tpu.memory_space<vmem>> -> memref<1x2x128xi32, #tpu.memory_space<vmem>>
      %dma_wait3A_551 = tpu.memref_squeeze %dma_wait3A_550 : memref<1x2x128xi32, #tpu.memory_space<vmem>> -> memref<2x128xi32, #tpu.memory_space<vmem>>
      %dma_wait3A_552 = arith.constant 0 : i32
      %dma_wait3A_553 = tpu.memref_slice %arg2[%dma_wait3A_552, %multiple_of3A_546] : memref<2x320000xi32, #tpu.memory_space<hbm>> -> memref<2x128xi32, #tpu.memory_space<hbm>>
      %dma_wait3A_554 = arith.constant 0 : i32
      %dma_wait3A_555 = arith.constant 0 : i32
      %dma_wait3A_556 = tpu.memref_slice %arg7[%dma_wait3A_547, %dma_wait3A_554, %dma_wait3A_555] : memref<3x2x128xi32, #tpu.memory_space<vmem>> -> memref<1x2x128xi32, #tpu.memory_space<vmem>>
      %dma_wait3A_557 = tpu.memref_squeeze %dma_wait3A_556 : memref<1x2x128xi32, #tpu.memory_space<vmem>> -> memref<2x128xi32, #tpu.memory_space<vmem>>
      %dma_wait3A_558 = arith.constant 0 : i32
      %dma_wait3A_559 = tpu.memref_slice %arg2[%dma_wait3A_558, %multiple_of3A_546] : memref<2x320000xi32, #tpu.memory_space<hbm>> -> memref<2x128xi32, #tpu.memory_space<hbm>>
      tpu.wait_dma2 semaphore(%arg17 : memref<!tpu.dma_semaphore, #tpu.memory_space<semaphore_mem>>) src(%dma_wait3A_559 : memref<2x128xi32, #tpu.memory_space<hbm>>) dst(%dma_wait3A_557 : memref<2x128xi32, #tpu.memory_space<vmem>>)
      %dma_start3A_560 = arith.constant 0 : i32
      %dma_start3A_561 = arith.constant 0 : i32
      %dma_start3A_562 = arith.constant 0 : i32
      %dma_start3A_563 = arith.constant 0 : i32
      %dma_start3A_564 = arith.constant 0 : i32
      %dma_start3A_565 = tpu.memref_slice %arg8[%dma_start3A_562, %dma_start3A_563, %dma_start3A_564] : memref<2x128x128xf32, #tpu.memory_space<vmem>> -> memref<1x128x128xf32, #tpu.memory_space<vmem>>
      %dma_start3A_566 = tpu.memref_squeeze %dma_start3A_565 : memref<1x128x128xf32, #tpu.memory_space<vmem>> -> memref<128x128xf32, #tpu.memory_space<vmem>>
      %dma_start3A_567 = arith.constant 0 : i32
      %dma_start3A_568 = tpu.memref_slice %arg7[%dma_start3A_560, %dma_start3A_561, %dma_start3A_567] : memref<3x2x128xi32, #tpu.memory_space<vmem>> -> memref<1x1x128xi32, #tpu.memory_space<vmem>>
      %dma_start3A_569 = tpu.memref_squeeze %dma_start3A_568 : memref<1x1x128xi32, #tpu.memory_space<vmem>> -> memref<128xi32, #tpu.memory_space<vmem>>
      %dma_start3A_570 = arith.constant 0 : i32
      %dma_start3A_571 = arith.constant 0 : i32
      %dma_start3A_572 = tpu.memref_slice %arg3[%dma_start3A_570, %dma_start3A_571] : memref<10000x128xf32, #tpu.memory_space<hbm>> -> memref<10000x128xf32, #tpu.memory_space<hbm>>
      tpu.enqueue_indirect_dma source(%dma_start3A_572 : memref<10000x128xf32, #tpu.memory_space<hbm>>) target(%dma_start3A_566 : memref<128x128xf32, #tpu.memory_space<vmem>>) offsets(%dma_start3A_569 : memref<128xi32, #tpu.memory_space<vmem>>) semaphore(%arg13 : memref<!tpu.dma_semaphore, #tpu.memory_space<semaphore_mem>>)
      %dma_wait3A_573 = arith.constant 0 : i32
      %dma_wait3A_574 = arith.constant 0 : i32
      %dma_wait3A_575 = arith.constant 0 : i32
      %dma_wait3A_576 = arith.constant 0 : i32
      %dma_wait3A_577 = arith.constant 0 : i32
      %dma_wait3A_578 = tpu.memref_slice %arg8[%dma_wait3A_575, %dma_wait3A_576, %dma_wait3A_577] : memref<2x128x128xf32, #tpu.memory_space<vmem>> -> memref<1x128x128xf32, #tpu.memory_space<vmem>>
      %dma_wait3A_579 = tpu.memref_squeeze %dma_wait3A_578 : memref<1x128x128xf32, #tpu.memory_space<vmem>> -> memref<128x128xf32, #tpu.memory_space<vmem>>
      %dma_wait3A_580 = arith.constant 0 : i32
      %dma_wait3A_581 = tpu.memref_slice %arg7[%dma_wait3A_573, %dma_wait3A_574, %dma_wait3A_580] : memref<3x2x128xi32, #tpu.memory_space<vmem>> -> memref<1x1x128xi32, #tpu.memory_space<vmem>>
      %dma_wait3A_582 = tpu.memref_squeeze %dma_wait3A_581 : memref<1x1x128xi32, #tpu.memory_space<vmem>> -> memref<128xi32, #tpu.memory_space<vmem>>
      %dma_wait3A_583 = arith.constant 0 : i32
      %dma_wait3A_584 = arith.constant 0 : i32
      %dma_wait3A_585 = tpu.memref_slice %arg3[%dma_wait3A_583, %dma_wait3A_584] : memref<10000x128xf32, #tpu.memory_space<hbm>> -> memref<10000x128xf32, #tpu.memory_space<hbm>>
      tpu.wait_indirect_dma semaphore(%arg13 : memref<!tpu.dma_semaphore, #tpu.memory_space<semaphore_mem>>) src(%dma_wait3A_585 : memref<10000x128xf32, #tpu.memory_space<hbm>>) dst(%dma_wait3A_579 : memref<128x128xf32, #tpu.memory_space<vmem>>)
      %run_scoped3A = arith.constant 0 : i32
      %run_scoped3A_586 = arith.constant 0 : i32
      %run_scoped3A_587 = arith.constant 1 : i32
      "tpu.region"() ({
        %run_scoped3A_590 = tpu.sem_alloc : memref<!tpu.dma_semaphore, #tpu.memory_space<semaphore_mem>>
        %dma_start3A_591 = arith.constant 0 : i32
        %dma_start3A_592 = arith.constant 0 : i32
        %dma_start3A_593 = tpu.memref_slice %arg8[%run_scoped3A, %dma_start3A_591, %dma_start3A_592] : memref<2x128x128xf32, #tpu.memory_space<vmem>> -> memref<1x128x128xf32, #tpu.memory_space<vmem>>
        %dma_start3A_594 = tpu.memref_squeeze %dma_start3A_593 : memref<1x128x128xf32, #tpu.memory_space<vmem>> -> memref<128x128xf32, #tpu.memory_space<vmem>>
        %dma_start3A_595 = arith.constant 0 : i32
        %dma_start3A_596 = tpu.memref_slice %arg7[%run_scoped3A_586, %run_scoped3A_587, %dma_start3A_595] : memref<3x2x128xi32, #tpu.memory_space<vmem>> -> memref<1x1x128xi32, #tpu.memory_space<vmem>>
        %dma_start3A_597 = tpu.memref_squeeze %dma_start3A_596 : memref<1x1x128xi32, #tpu.memory_space<vmem>> -> memref<128xi32, #tpu.memory_space<vmem>>
        %dma_start3A_598 = arith.constant 0 : i32
        %dma_start3A_599 = arith.constant 0 : i32
        %dma_start3A_600 = tpu.memref_slice %arg11[%dma_start3A_598, %dma_start3A_599] : memref<10240x128xf32, #tpu.memory_space<vmem_shared>> -> memref<10240x128xf32, #tpu.memory_space<vmem_shared>>
        tpu.enqueue_indirect_dma source(%dma_start3A_594 : memref<128x128xf32, #tpu.memory_space<vmem>>) target(%dma_start3A_600 : memref<10240x128xf32, #tpu.memory_space<vmem_shared>>) offsets(%dma_start3A_597 : memref<128xi32, #tpu.memory_space<vmem>>) semaphore(%run_scoped3A_590 : memref<!tpu.dma_semaphore, #tpu.memory_space<semaphore_mem>>) {add = true}
        %dma_wait3A_601 = arith.constant 0 : i32
        %dma_wait3A_602 = arith.constant 0 : i32
        %dma_wait3A_603 = tpu.memref_slice %arg8[%run_scoped3A, %dma_wait3A_601, %dma_wait3A_602] : memref<2x128x128xf32, #tpu.memory_space<vmem>> -> memref<1x128x128xf32, #tpu.memory_space<vmem>>
        %dma_wait3A_604 = tpu.memref_squeeze %dma_wait3A_603 : memref<1x128x128xf32, #tpu.memory_space<vmem>> -> memref<128x128xf32, #tpu.memory_space<vmem>>
        %dma_wait3A_605 = arith.constant 0 : i32
        %dma_wait3A_606 = tpu.memref_slice %arg7[%run_scoped3A_586, %run_scoped3A_587, %dma_wait3A_605] : memref<3x2x128xi32, #tpu.memory_space<vmem>> -> memref<1x1x128xi32, #tpu.memory_space<vmem>>
        %dma_wait3A_607 = tpu.memref_squeeze %dma_wait3A_606 : memref<1x1x128xi32, #tpu.memory_space<vmem>> -> memref<128xi32, #tpu.memory_space<vmem>>
        %dma_wait3A_608 = arith.constant 0 : i32
        %dma_wait3A_609 = arith.constant 0 : i32
        %dma_wait3A_610 = tpu.memref_slice %arg11[%dma_wait3A_608, %dma_wait3A_609] : memref<10240x128xf32, #tpu.memory_space<vmem_shared>> -> memref<10240x128xf32, #tpu.memory_space<vmem_shared>>
        tpu.wait_indirect_dma semaphore(%run_scoped3A_590 : memref<!tpu.dma_semaphore, #tpu.memory_space<semaphore_mem>>) src(%dma_wait3A_604 : memref<128x128xf32, #tpu.memory_space<vmem>>) dst(%dma_wait3A_610 : memref<10240x128xf32, #tpu.memory_space<vmem_shared>>)
        tpu.yield
      }) : () -> ()
      %run_scoped3A_588 = arith.constant 0 : i32
      %run_scoped3A_589 = arith.constant 1 : i32
      "tpu.region"() ({
        %run_scoped3A_590 = tpu.sem_alloc : memref<!tpu.dma_semaphore, #tpu.memory_space<semaphore_mem>>
        %dma_start3A_591 = arith.constant 0 : i32
        %dma_start3A_592 = tpu.memref_slice %arg7[%run_scoped3A_588, %run_scoped3A_589, %dma_start3A_591] : memref<3x2x128xi32, #tpu.memory_space<vmem>> -> memref<1x1x128xi32, #tpu.memory_space<vmem>>
        %dma_start3A_593 = tpu.memref_squeeze %dma_start3A_592 : memref<1x1x128xi32, #tpu.memory_space<vmem>> -> memref<128xi32, #tpu.memory_space<vmem>>
        %dma_start3A_594 = arith.constant 0 : i32
        %dma_start3A_595 = tpu.memref_slice %arg12[%dma_start3A_594] : memref<10240xf32, #tpu.memory_space<vmem_shared>> -> memref<10240xf32, #tpu.memory_space<vmem_shared>>
        tpu.enqueue_indirect_dma source(%arg9 : memref<128xf32, #tpu.memory_space<vmem>>) target(%dma_start3A_595 : memref<10240xf32, #tpu.memory_space<vmem_shared>>) offsets(%dma_start3A_593 : memref<128xi32, #tpu.memory_space<vmem>>) semaphore(%run_scoped3A_590 : memref<!tpu.dma_semaphore, #tpu.memory_space<semaphore_mem>>) {add = true}
        %dma_wait3A_596 = arith.constant 0 : i32
        %dma_wait3A_597 = tpu.memref_slice %arg7[%run_scoped3A_588, %run_scoped3A_589, %dma_wait3A_596] : memref<3x2x128xi32, #tpu.memory_space<vmem>> -> memref<1x1x128xi32, #tpu.memory_space<vmem>>
        %dma_wait3A_598 = tpu.memref_squeeze %dma_wait3A_597 : memref<1x1x128xi32, #tpu.memory_space<vmem>> -> memref<128xi32, #tpu.memory_space<vmem>>
        %dma_wait3A_599 = arith.constant 0 : i32
        %dma_wait3A_600 = tpu.memref_slice %arg12[%dma_wait3A_599] : memref<10240xf32, #tpu.memory_space<vmem_shared>> -> memref<10240xf32, #tpu.memory_space<vmem_shared>>
        tpu.wait_indirect_dma semaphore(%run_scoped3A_590 : memref<!tpu.dma_semaphore, #tpu.memory_space<semaphore_mem>>) src(%arg9 : memref<128xf32, #tpu.memory_space<vmem>>) dst(%dma_wait3A_600 : memref<10240xf32, #tpu.memory_space<vmem_shared>>)
        tpu.yield
      }) : () -> ()
    } else {
    }
    %barrier3A_512 = arith.constant 0 : index
    tpu.barrier barrier_id(%barrier3A_512)
    %mul3A_513 = arith.constant 640 : i32
    %mul3A_514 = arith.muli %arg1, %mul3A_513 : i32
    %mul3A_515 = arith.constant 640 : i32
    %mul3A_516 = arith.muli %arg1, %mul3A_515 : i32
    "tpu.region"() ({
      %run_scoped3A = tpu.sem_alloc : memref<!tpu.dma_semaphore, #tpu.memory_space<semaphore_mem>>
      %dma_start3A_524 = arith.constant 0 : i32
      %dma_start3A_525 = tpu.memref_slice %arg5[%arg0, %mul3A_516, %dma_start3A_524] : memref<2x10240x128xf32, #tpu.memory_space<hbm>> -> memref<1x640x128xf32, #tpu.memory_space<hbm>>
      %dma_start3A_526 = tpu.memref_squeeze %dma_start3A_525 : memref<1x640x128xf32, #tpu.memory_space<hbm>> -> memref<640x128xf32, #tpu.memory_space<hbm>>
      %dma_start3A_527 = arith.constant 0 : i32
      %dma_start3A_528 = tpu.memref_slice %arg11[%mul3A_514, %dma_start3A_527] : memref<10240x128xf32, #tpu.memory_space<vmem_shared>> -> memref<640x128xf32, #tpu.memory_space<vmem_shared>>
      tpu.enqueue_dma source(%dma_start3A_528 : memref<640x128xf32, #tpu.memory_space<vmem_shared>>) target(%dma_start3A_526 : memref<640x128xf32, #tpu.memory_space<hbm>>) target_semaphore(%run_scoped3A : memref<!tpu.dma_semaphore, #tpu.memory_space<semaphore_mem>>)
      %dma_wait3A_529 = arith.constant 0 : i32
      %dma_wait3A_530 = tpu.memref_slice %arg5[%arg0, %mul3A_516, %dma_wait3A_529] : memref<2x10240x128xf32, #tpu.memory_space<hbm>> -> memref<1x640x128xf32, #tpu.memory_space<hbm>>
      %dma_wait3A_531 = tpu.memref_squeeze %dma_wait3A_530 : memref<1x640x128xf32, #tpu.memory_space<hbm>> -> memref<640x128xf32, #tpu.memory_space<hbm>>
      %dma_wait3A_532 = arith.constant 0 : i32
      %dma_wait3A_533 = tpu.memref_slice %arg11[%mul3A_514, %dma_wait3A_532] : memref<10240x128xf32, #tpu.memory_space<vmem_shared>> -> memref<640x128xf32, #tpu.memory_space<vmem_shared>>
      tpu.wait_dma2 semaphore(%run_scoped3A : memref<!tpu.dma_semaphore, #tpu.memory_space<semaphore_mem>>) src(%dma_wait3A_533 : memref<640x128xf32, #tpu.memory_space<vmem_shared>>) dst(%dma_wait3A_531 : memref<640x128xf32, #tpu.memory_space<hbm>>)
      tpu.yield
    }) : () -> ()
    %mul3A_517 = arith.constant 640 : i32
    %mul3A_518 = arith.muli %arg1, %mul3A_517 : i32
    "tpu.region"() ({
      %run_scoped3A = tpu.sem_alloc : memref<!tpu.dma_semaphore, #tpu.memory_space<semaphore_mem>>
      %dma_start3A_524 = tpu.memref_slice %arg12[%mul3A_518] : memref<10240xf32, #tpu.memory_space<vmem_shared>> -> memref<640xf32, #tpu.memory_space<vmem_shared>>
      %dma_start3A_525 = tpu.memref_slice %arg12[%mul3A_518] : memref<10240xf32, #tpu.memory_space<vmem_shared>> -> memref<640xf32, #tpu.memory_space<vmem_shared>>
      tpu.enqueue_dma source(%dma_start3A_525 : memref<640xf32, #tpu.memory_space<vmem_shared>>) target(%arg10 : memref<640xf32, #tpu.memory_space<vmem>>) target_semaphore(%run_scoped3A : memref<!tpu.dma_semaphore, #tpu.memory_space<semaphore_mem>>)
      %dma_wait3A_526 = tpu.memref_slice %arg12[%mul3A_518] : memref<10240xf32, #tpu.memory_space<vmem_shared>> -> memref<640xf32, #tpu.memory_space<vmem_shared>>
      %dma_wait3A_527 = tpu.memref_slice %arg12[%mul3A_518] : memref<10240xf32, #tpu.memory_space<vmem_shared>> -> memref<640xf32, #tpu.memory_space<vmem_shared>>
      tpu.wait_dma2 semaphore(%run_scoped3A : memref<!tpu.dma_semaphore, #tpu.memory_space<semaphore_mem>>) src(%dma_wait3A_527 : memref<640xf32, #tpu.memory_space<vmem_shared>>) dst(%arg10 : memref<640xf32, #tpu.memory_space<vmem>>)
      tpu.yield
    }) : () -> ()
    %mul3A_519 = arith.constant 10240 : i32
    %mul3A_520 = arith.muli %arg0, %mul3A_519 : i32
    %mul3A_521 = arith.constant 640 : i32
    %mul3A_522 = arith.muli %arg1, %mul3A_521 : i32
    %add3A_523 = arith.addi %mul3A_520, %mul3A_522 : i32
    "tpu.region"() ({
      %run_scoped3A = tpu.sem_alloc : memref<!tpu.dma_semaphore, #tpu.memory_space<semaphore_mem>>
      %dma_start3A_524 = tpu.memref_slice %arg6[%add3A_523] : memref<20480xf32, #tpu.memory_space<hbm>> -> memref<640xf32, #tpu.memory_space<hbm>>
      %dma_start3A_525 = tpu.memref_slice %arg6[%add3A_523] : memref<20480xf32, #tpu.memory_space<hbm>> -> memref<640xf32, #tpu.memory_space<hbm>>
      tpu.enqueue_dma source(%arg10 : memref<640xf32, #tpu.memory_space<vmem>>) target(%dma_start3A_525 : memref<640xf32, #tpu.memory_space<hbm>>) target_semaphore(%run_scoped3A : memref<!tpu.dma_semaphore, #tpu.memory_space<semaphore_mem>>)
      %dma_wait3A_526 = tpu.memref_slice %arg6[%add3A_523] : memref<20480xf32, #tpu.memory_space<hbm>> -> memref<640xf32, #tpu.memory_space<hbm>>
      %dma_wait3A_527 = tpu.memref_slice %arg6[%add3A_523] : memref<20480xf32, #tpu.memory_space<hbm>> -> memref<640xf32, #tpu.memory_space<hbm>>
      tpu.wait_dma2 semaphore(%run_scoped3A : memref<!tpu.dma_semaphore, #tpu.memory_space<semaphore_mem>>) src(%arg10 : memref<640xf32, #tpu.memory_space<vmem>>) dst(%dma_wait3A_527 : memref<640xf32, #tpu.memory_space<hbm>>)
      tpu.yield
    }) : () -> ()
    return
  }
}

#map = affine_map<(d0, d1) -> (0)>
#map1 = affine_map<(d0, d1) -> (0, 0)>
module attributes {stable_mosaic.version = 14 : i64} {
  func.func @_tuple_gather(%arg0: i32, %arg1: i32, %arg2: memref<12288xi32, #tpu.memory_space<hbm>>, %arg3: memref<10000x128xf32, #tpu.memory_space<hbm>>, %arg4: memref<4096x384xf32, #tpu.memory_space<hbm>>, %arg5: memref<128xi32, #tpu.memory_space<vmem>>, %arg6: memref<128x128xf32, #tpu.memory_space<vmem>>, %arg7: memref<!tpu.dma_semaphore, #tpu.memory_space<semaphore_mem>>) attributes {dimension_semantics = [#tpu.dimension_semantics<core_parallel>, #tpu.dimension_semantics<subcore_parallel>], iteration_bounds = array<i64: 2, 16>, scalar_prefetch = 0 : i64, scratch_operands = 3 : i64, tpu.core_type = #tpu.core_type<sc_vector_subcore>, window_params = [{transform_indices = #map}, {transform_indices = #map1}, {transform_indices = #map1}]} {
    %mul3A = arith.constant 16 : i32
    %mul3A_0 = arith.muli %arg0, %mul3A : i32
    %add3A = arith.addi %mul3A_0, %arg1 : i32
    %mul3A_1 = arith.constant 3 : i32
    %mul3A_2 = arith.muli %add3A, %mul3A_1 : i32
    %add3A_3 = arith.constant 0 : i32
    %add3A_4 = arith.addi %mul3A_2, %add3A_3 : i32
    %jit3A = arith.constant 32 : i32
    %div3A = arith.divsi %add3A_4, %jit3A : i32
    %sign3A = arith.constant 0 : i32
    %sign3A_5 = arith.cmpi sgt, %add3A_4, %sign3A : i32
    %sign3A_6 = arith.extui %sign3A_5 : i1 to i32
    %sign3A_7 = arith.constant 0 : i32
    %sign3A_8 = arith.cmpi slt, %add3A_4, %sign3A_7 : i32
    %sign3A_9 = arith.extui %sign3A_8 : i1 to i32
    %sign3A_10 = arith.subi %sign3A_6, %sign3A_9 : i32
    %sign3A_11 = arith.constant 0 : i32
    %sign3A_12 = arith.cmpi sgt, %jit3A, %sign3A_11 : i32
    %sign3A_13 = arith.extui %sign3A_12 : i1 to i32
    %sign3A_14 = arith.constant 0 : i32
    %sign3A_15 = arith.cmpi slt, %jit3A, %sign3A_14 : i32
    %sign3A_16 = arith.extui %sign3A_15 : i1 to i32
    %sign3A_17 = arith.subi %sign3A_13, %sign3A_16 : i32
    %ne3A = arith.cmpi ne, %sign3A_10, %sign3A_17 : i32
    %rem3A = arith.remsi %add3A_4, %jit3A : i32
    %ne3A_18 = arith.constant 0 : i32
    %ne3A_19 = arith.cmpi ne, %rem3A, %ne3A_18 : i32
    %and3A = arith.andi %ne3A, %ne3A_19 : i1
    %sub3A = arith.constant 1 : i32
    %sub3A_20 = arith.subi %div3A, %sub3A : i32
    %select_n3A = arith.select %and3A, %sub3A_20, %div3A : i32
    %jit3A_21 = arith.constant 32 : i32
    %eq3A = arith.constant 0 : i32
    %eq3A_22 = arith.cmpi eq, %jit3A_21, %eq3A : i32
    %jit3A_23 = arith.constant 1 : i32
    %select_n3A_24 = arith.select %eq3A_22, %jit3A_23, %jit3A_21 : i32
    %rem3A_25 = arith.remsi %add3A_4, %select_n3A_24 : i32
    %ne3A_26 = arith.constant 0 : i32
    %ne3A_27 = arith.cmpi ne, %rem3A_25, %ne3A_26 : i32
    %lt3A = arith.constant 0 : i32
    %lt3A_28 = arith.cmpi slt, %rem3A_25, %lt3A : i32
    %lt3A_29 = arith.constant 0 : i32
    %lt3A_30 = arith.cmpi slt, %select_n3A_24, %lt3A_29 : i32
    %ne3A_31 = arith.xori %lt3A_28, %lt3A_30 : i1
    %and3A_32 = arith.andi %ne3A_31, %ne3A_27 : i1
    %add3A_33 = arith.addi %rem3A_25, %select_n3A_24 : i32
    %select_n3A_34 = arith.select %and3A_32, %add3A_33, %rem3A_25 : i32
    %mul3A_35 = arith.constant 128 : i32
    %mul3A_36 = arith.muli %select_n3A_34, %mul3A_35 : i32
    %multiple_of3A = tpu.assume_multiple %mul3A_36, 128 : i32
    %mul3A_37 = arith.constant 128 : i32
    %mul3A_38 = arith.muli %add3A_4, %mul3A_37 : i32
    %multiple_of3A_39 = tpu.assume_multiple %mul3A_38, 128 : i32
    "tpu.region"() ({
      %run_scoped3A = tpu.sem_alloc : memref<!tpu.dma_semaphore, #tpu.memory_space<semaphore_mem>>
      %dma_start3A_165 = tpu.memref_slice %arg2[%multiple_of3A_39] : memref<12288xi32, #tpu.memory_space<hbm>> -> memref<128xi32, #tpu.memory_space<hbm>>
      %dma_start3A_166 = tpu.memref_slice %arg2[%multiple_of3A_39] : memref<12288xi32, #tpu.memory_space<hbm>> -> memref<128xi32, #tpu.memory_space<hbm>>
      tpu.enqueue_dma source(%dma_start3A_166 : memref<128xi32, #tpu.memory_space<hbm>>) target(%arg5 : memref<128xi32, #tpu.memory_space<vmem>>) target_semaphore(%run_scoped3A : memref<!tpu.dma_semaphore, #tpu.memory_space<semaphore_mem>>)
      %dma_wait3A_167 = tpu.memref_slice %arg2[%multiple_of3A_39] : memref<12288xi32, #tpu.memory_space<hbm>> -> memref<128xi32, #tpu.memory_space<hbm>>
      %dma_wait3A_168 = tpu.memref_slice %arg2[%multiple_of3A_39] : memref<12288xi32, #tpu.memory_space<hbm>> -> memref<128xi32, #tpu.memory_space<hbm>>
      tpu.wait_dma2 semaphore(%run_scoped3A : memref<!tpu.dma_semaphore, #tpu.memory_space<semaphore_mem>>) src(%dma_wait3A_168 : memref<128xi32, #tpu.memory_space<hbm>>) dst(%arg5 : memref<128xi32, #tpu.memory_space<vmem>>)
      tpu.yield
    }) : () -> ()
    %dma_start3A = arith.constant 0 : i32
    %dma_start3A_40 = arith.constant 0 : i32
    %dma_start3A_41 = tpu.memref_slice %arg3[%dma_start3A, %dma_start3A_40] : memref<10000x128xf32, #tpu.memory_space<hbm>> -> memref<10000x128xf32, #tpu.memory_space<hbm>>
    tpu.enqueue_indirect_dma source(%dma_start3A_41 : memref<10000x128xf32, #tpu.memory_space<hbm>>) target(%arg6 : memref<128x128xf32, #tpu.memory_space<vmem>>) offsets(%arg5 : memref<128xi32, #tpu.memory_space<vmem>>) semaphore(%arg7 : memref<!tpu.dma_semaphore, #tpu.memory_space<semaphore_mem>>)
    %dma_wait3A = arith.constant 0 : i32
    %dma_wait3A_42 = arith.constant 0 : i32
    %dma_wait3A_43 = tpu.memref_slice %arg3[%dma_wait3A, %dma_wait3A_42] : memref<10000x128xf32, #tpu.memory_space<hbm>> -> memref<10000x128xf32, #tpu.memory_space<hbm>>
    tpu.wait_indirect_dma semaphore(%arg7 : memref<!tpu.dma_semaphore, #tpu.memory_space<semaphore_mem>>) src(%dma_wait3A_43 : memref<10000x128xf32, #tpu.memory_space<hbm>>) dst(%arg6 : memref<128x128xf32, #tpu.memory_space<vmem>>)
    %mul3A_44 = arith.constant 128 : i32
    %mul3A_45 = arith.muli %select_n3A, %mul3A_44 : i32
    %multiple_of3A_46 = tpu.assume_multiple %mul3A_45, 128 : i32
    "tpu.region"() ({
      %run_scoped3A = tpu.sem_alloc : memref<!tpu.dma_semaphore, #tpu.memory_space<semaphore_mem>>
      %dma_start3A_165 = tpu.memref_slice %arg4[%multiple_of3A, %multiple_of3A_46] : memref<4096x384xf32, #tpu.memory_space<hbm>> -> memref<128x128xf32, #tpu.memory_space<hbm>>
      %dma_start3A_166 = tpu.memref_slice %arg4[%multiple_of3A, %multiple_of3A_46] : memref<4096x384xf32, #tpu.memory_space<hbm>> -> memref<128x128xf32, #tpu.memory_space<hbm>>
      tpu.enqueue_dma source(%arg6 : memref<128x128xf32, #tpu.memory_space<vmem>>) target(%dma_start3A_166 : memref<128x128xf32, #tpu.memory_space<hbm>>) target_semaphore(%run_scoped3A : memref<!tpu.dma_semaphore, #tpu.memory_space<semaphore_mem>>)
      %dma_wait3A_167 = tpu.memref_slice %arg4[%multiple_of3A, %multiple_of3A_46] : memref<4096x384xf32, #tpu.memory_space<hbm>> -> memref<128x128xf32, #tpu.memory_space<hbm>>
      %dma_wait3A_168 = tpu.memref_slice %arg4[%multiple_of3A, %multiple_of3A_46] : memref<4096x384xf32, #tpu.memory_space<hbm>> -> memref<128x128xf32, #tpu.memory_space<hbm>>
      tpu.wait_dma2 semaphore(%run_scoped3A : memref<!tpu.dma_semaphore, #tpu.memory_space<semaphore_mem>>) src(%arg6 : memref<128x128xf32, #tpu.memory_space<vmem>>) dst(%dma_wait3A_168 : memref<128x128xf32, #tpu.memory_space<hbm>>)
      tpu.yield
    }) : () -> ()
    %mul3A_47 = arith.constant 3 : i32
    %mul3A_48 = arith.muli %add3A, %mul3A_47 : i32
    %add3A_49 = arith.constant 1 : i32
    %add3A_50 = arith.addi %mul3A_48, %add3A_49 : i32
    %jit3A_51 = arith.constant 32 : i32
    %div3A_52 = arith.divsi %add3A_50, %jit3A_51 : i32
    %sign3A_53 = arith.constant 0 : i32
    %sign3A_54 = arith.cmpi sgt, %add3A_50, %sign3A_53 : i32
    %sign3A_55 = arith.extui %sign3A_54 : i1 to i32
    %sign3A_56 = arith.constant 0 : i32
    %sign3A_57 = arith.cmpi slt, %add3A_50, %sign3A_56 : i32
    %sign3A_58 = arith.extui %sign3A_57 : i1 to i32
    %sign3A_59 = arith.subi %sign3A_55, %sign3A_58 : i32
    %sign3A_60 = arith.constant 0 : i32
    %sign3A_61 = arith.cmpi sgt, %jit3A_51, %sign3A_60 : i32
    %sign3A_62 = arith.extui %sign3A_61 : i1 to i32
    %sign3A_63 = arith.constant 0 : i32
    %sign3A_64 = arith.cmpi slt, %jit3A_51, %sign3A_63 : i32
    %sign3A_65 = arith.extui %sign3A_64 : i1 to i32
    %sign3A_66 = arith.subi %sign3A_62, %sign3A_65 : i32
    %ne3A_67 = arith.cmpi ne, %sign3A_59, %sign3A_66 : i32
    %rem3A_68 = arith.remsi %add3A_50, %jit3A_51 : i32
    %ne3A_69 = arith.constant 0 : i32
    %ne3A_70 = arith.cmpi ne, %rem3A_68, %ne3A_69 : i32
    %and3A_71 = arith.andi %ne3A_67, %ne3A_70 : i1
    %sub3A_72 = arith.constant 1 : i32
    %sub3A_73 = arith.subi %div3A_52, %sub3A_72 : i32
    %select_n3A_74 = arith.select %and3A_71, %sub3A_73, %div3A_52 : i32
    %jit3A_75 = arith.constant 32 : i32
    %eq3A_76 = arith.constant 0 : i32
    %eq3A_77 = arith.cmpi eq, %jit3A_75, %eq3A_76 : i32
    %jit3A_78 = arith.constant 1 : i32
    %select_n3A_79 = arith.select %eq3A_77, %jit3A_78, %jit3A_75 : i32
    %rem3A_80 = arith.remsi %add3A_50, %select_n3A_79 : i32
    %ne3A_81 = arith.constant 0 : i32
    %ne3A_82 = arith.cmpi ne, %rem3A_80, %ne3A_81 : i32
    %lt3A_83 = arith.constant 0 : i32
    %lt3A_84 = arith.cmpi slt, %rem3A_80, %lt3A_83 : i32
    %lt3A_85 = arith.constant 0 : i32
    %lt3A_86 = arith.cmpi slt, %select_n3A_79, %lt3A_85 : i32
    %ne3A_87 = arith.xori %lt3A_84, %lt3A_86 : i1
    %and3A_88 = arith.andi %ne3A_87, %ne3A_82 : i1
    %add3A_89 = arith.addi %rem3A_80, %select_n3A_79 : i32
    %select_n3A_90 = arith.select %and3A_88, %add3A_89, %rem3A_80 : i32
    %mul3A_91 = arith.constant 128 : i32
    %mul3A_92 = arith.muli %select_n3A_90, %mul3A_91 : i32
    %multiple_of3A_93 = tpu.assume_multiple %mul3A_92, 128 : i32
    %mul3A_94 = arith.constant 128 : i32
    %mul3A_95 = arith.muli %add3A_50, %mul3A_94 : i32
    %multiple_of3A_96 = tpu.assume_multiple %mul3A_95, 128 : i32
    "tpu.region"() ({
      %run_scoped3A = tpu.sem_alloc : memref<!tpu.dma_semaphore, #tpu.memory_space<semaphore_mem>>
      %dma_start3A_165 = tpu.memref_slice %arg2[%multiple_of3A_96] : memref<12288xi32, #tpu.memory_space<hbm>> -> memref<128xi32, #tpu.memory_space<hbm>>
      %dma_start3A_166 = tpu.memref_slice %arg2[%multiple_of3A_96] : memref<12288xi32, #tpu.memory_space<hbm>> -> memref<128xi32, #tpu.memory_space<hbm>>
      tpu.enqueue_dma source(%dma_start3A_166 : memref<128xi32, #tpu.memory_space<hbm>>) target(%arg5 : memref<128xi32, #tpu.memory_space<vmem>>) target_semaphore(%run_scoped3A : memref<!tpu.dma_semaphore, #tpu.memory_space<semaphore_mem>>)
      %dma_wait3A_167 = tpu.memref_slice %arg2[%multiple_of3A_96] : memref<12288xi32, #tpu.memory_space<hbm>> -> memref<128xi32, #tpu.memory_space<hbm>>
      %dma_wait3A_168 = tpu.memref_slice %arg2[%multiple_of3A_96] : memref<12288xi32, #tpu.memory_space<hbm>> -> memref<128xi32, #tpu.memory_space<hbm>>
      tpu.wait_dma2 semaphore(%run_scoped3A : memref<!tpu.dma_semaphore, #tpu.memory_space<semaphore_mem>>) src(%dma_wait3A_168 : memref<128xi32, #tpu.memory_space<hbm>>) dst(%arg5 : memref<128xi32, #tpu.memory_space<vmem>>)
      tpu.yield
    }) : () -> ()
    %dma_start3A_97 = arith.constant 0 : i32
    %dma_start3A_98 = arith.constant 0 : i32
    %dma_start3A_99 = tpu.memref_slice %arg3[%dma_start3A_97, %dma_start3A_98] : memref<10000x128xf32, #tpu.memory_space<hbm>> -> memref<10000x128xf32, #tpu.memory_space<hbm>>
    tpu.enqueue_indirect_dma source(%dma_start3A_99 : memref<10000x128xf32, #tpu.memory_space<hbm>>) target(%arg6 : memref<128x128xf32, #tpu.memory_space<vmem>>) offsets(%arg5 : memref<128xi32, #tpu.memory_space<vmem>>) semaphore(%arg7 : memref<!tpu.dma_semaphore, #tpu.memory_space<semaphore_mem>>)
    %dma_wait3A_100 = arith.constant 0 : i32
    %dma_wait3A_101 = arith.constant 0 : i32
    %dma_wait3A_102 = tpu.memref_slice %arg3[%dma_wait3A_100, %dma_wait3A_101] : memref<10000x128xf32, #tpu.memory_space<hbm>> -> memref<10000x128xf32, #tpu.memory_space<hbm>>
    tpu.wait_indirect_dma semaphore(%arg7 : memref<!tpu.dma_semaphore, #tpu.memory_space<semaphore_mem>>) src(%dma_wait3A_102 : memref<10000x128xf32, #tpu.memory_space<hbm>>) dst(%arg6 : memref<128x128xf32, #tpu.memory_space<vmem>>)
    %mul3A_103 = arith.constant 128 : i32
    %mul3A_104 = arith.muli %select_n3A_74, %mul3A_103 : i32
    %multiple_of3A_105 = tpu.assume_multiple %mul3A_104, 128 : i32
    "tpu.region"() ({
      %run_scoped3A = tpu.sem_alloc : memref<!tpu.dma_semaphore, #tpu.memory_space<semaphore_mem>>
      %dma_start3A_165 = tpu.memref_slice %arg4[%multiple_of3A_93, %multiple_of3A_105] : memref<4096x384xf32, #tpu.memory_space<hbm>> -> memref<128x128xf32, #tpu.memory_space<hbm>>
      %dma_start3A_166 = tpu.memref_slice %arg4[%multiple_of3A_93, %multiple_of3A_105] : memref<4096x384xf32, #tpu.memory_space<hbm>> -> memref<128x128xf32, #tpu.memory_space<hbm>>
      tpu.enqueue_dma source(%arg6 : memref<128x128xf32, #tpu.memory_space<vmem>>) target(%dma_start3A_166 : memref<128x128xf32, #tpu.memory_space<hbm>>) target_semaphore(%run_scoped3A : memref<!tpu.dma_semaphore, #tpu.memory_space<semaphore_mem>>)
      %dma_wait3A_167 = tpu.memref_slice %arg4[%multiple_of3A_93, %multiple_of3A_105] : memref<4096x384xf32, #tpu.memory_space<hbm>> -> memref<128x128xf32, #tpu.memory_space<hbm>>
      %dma_wait3A_168 = tpu.memref_slice %arg4[%multiple_of3A_93, %multiple_of3A_105] : memref<4096x384xf32, #tpu.memory_space<hbm>> -> memref<128x128xf32, #tpu.memory_space<hbm>>
      tpu.wait_dma2 semaphore(%run_scoped3A : memref<!tpu.dma_semaphore, #tpu.memory_space<semaphore_mem>>) src(%arg6 : memref<128x128xf32, #tpu.memory_space<vmem>>) dst(%dma_wait3A_168 : memref<128x128xf32, #tpu.memory_space<hbm>>)
      tpu.yield
    }) : () -> ()
    %mul3A_106 = arith.constant 3 : i32
    %mul3A_107 = arith.muli %add3A, %mul3A_106 : i32
    %add3A_108 = arith.constant 2 : i32
    %add3A_109 = arith.addi %mul3A_107, %add3A_108 : i32
    %jit3A_110 = arith.constant 32 : i32
    %div3A_111 = arith.divsi %add3A_109, %jit3A_110 : i32
    %sign3A_112 = arith.constant 0 : i32
    %sign3A_113 = arith.cmpi sgt, %add3A_109, %sign3A_112 : i32
    %sign3A_114 = arith.extui %sign3A_113 : i1 to i32
    %sign3A_115 = arith.constant 0 : i32
    %sign3A_116 = arith.cmpi slt, %add3A_109, %sign3A_115 : i32
    %sign3A_117 = arith.extui %sign3A_116 : i1 to i32
    %sign3A_118 = arith.subi %sign3A_114, %sign3A_117 : i32
    %sign3A_119 = arith.constant 0 : i32
    %sign3A_120 = arith.cmpi sgt, %jit3A_110, %sign3A_119 : i32
    %sign3A_121 = arith.extui %sign3A_120 : i1 to i32
    %sign3A_122 = arith.constant 0 : i32
    %sign3A_123 = arith.cmpi slt, %jit3A_110, %sign3A_122 : i32
    %sign3A_124 = arith.extui %sign3A_123 : i1 to i32
    %sign3A_125 = arith.subi %sign3A_121, %sign3A_124 : i32
    %ne3A_126 = arith.cmpi ne, %sign3A_118, %sign3A_125 : i32
    %rem3A_127 = arith.remsi %add3A_109, %jit3A_110 : i32
    %ne3A_128 = arith.constant 0 : i32
    %ne3A_129 = arith.cmpi ne, %rem3A_127, %ne3A_128 : i32
    %and3A_130 = arith.andi %ne3A_126, %ne3A_129 : i1
    %sub3A_131 = arith.constant 1 : i32
    %sub3A_132 = arith.subi %div3A_111, %sub3A_131 : i32
    %select_n3A_133 = arith.select %and3A_130, %sub3A_132, %div3A_111 : i32
    %jit3A_134 = arith.constant 32 : i32
    %eq3A_135 = arith.constant 0 : i32
    %eq3A_136 = arith.cmpi eq, %jit3A_134, %eq3A_135 : i32
    %jit3A_137 = arith.constant 1 : i32
    %select_n3A_138 = arith.select %eq3A_136, %jit3A_137, %jit3A_134 : i32
    %rem3A_139 = arith.remsi %add3A_109, %select_n3A_138 : i32
    %ne3A_140 = arith.constant 0 : i32
    %ne3A_141 = arith.cmpi ne, %rem3A_139, %ne3A_140 : i32
    %lt3A_142 = arith.constant 0 : i32
    %lt3A_143 = arith.cmpi slt, %rem3A_139, %lt3A_142 : i32
    %lt3A_144 = arith.constant 0 : i32
    %lt3A_145 = arith.cmpi slt, %select_n3A_138, %lt3A_144 : i32
    %ne3A_146 = arith.xori %lt3A_143, %lt3A_145 : i1
    %and3A_147 = arith.andi %ne3A_146, %ne3A_141 : i1
    %add3A_148 = arith.addi %rem3A_139, %select_n3A_138 : i32
    %select_n3A_149 = arith.select %and3A_147, %add3A_148, %rem3A_139 : i32
    %mul3A_150 = arith.constant 128 : i32
    %mul3A_151 = arith.muli %select_n3A_149, %mul3A_150 : i32
    %multiple_of3A_152 = tpu.assume_multiple %mul3A_151, 128 : i32
    %mul3A_153 = arith.constant 128 : i32
    %mul3A_154 = arith.muli %add3A_109, %mul3A_153 : i32
    %multiple_of3A_155 = tpu.assume_multiple %mul3A_154, 128 : i32
    "tpu.region"() ({
      %run_scoped3A = tpu.sem_alloc : memref<!tpu.dma_semaphore, #tpu.memory_space<semaphore_mem>>
      %dma_start3A_165 = tpu.memref_slice %arg2[%multiple_of3A_155] : memref<12288xi32, #tpu.memory_space<hbm>> -> memref<128xi32, #tpu.memory_space<hbm>>
      %dma_start3A_166 = tpu.memref_slice %arg2[%multiple_of3A_155] : memref<12288xi32, #tpu.memory_space<hbm>> -> memref<128xi32, #tpu.memory_space<hbm>>
      tpu.enqueue_dma source(%dma_start3A_166 : memref<128xi32, #tpu.memory_space<hbm>>) target(%arg5 : memref<128xi32, #tpu.memory_space<vmem>>) target_semaphore(%run_scoped3A : memref<!tpu.dma_semaphore, #tpu.memory_space<semaphore_mem>>)
      %dma_wait3A_167 = tpu.memref_slice %arg2[%multiple_of3A_155] : memref<12288xi32, #tpu.memory_space<hbm>> -> memref<128xi32, #tpu.memory_space<hbm>>
      %dma_wait3A_168 = tpu.memref_slice %arg2[%multiple_of3A_155] : memref<12288xi32, #tpu.memory_space<hbm>> -> memref<128xi32, #tpu.memory_space<hbm>>
      tpu.wait_dma2 semaphore(%run_scoped3A : memref<!tpu.dma_semaphore, #tpu.memory_space<semaphore_mem>>) src(%dma_wait3A_168 : memref<128xi32, #tpu.memory_space<hbm>>) dst(%arg5 : memref<128xi32, #tpu.memory_space<vmem>>)
      tpu.yield
    }) : () -> ()
    %dma_start3A_156 = arith.constant 0 : i32
    %dma_start3A_157 = arith.constant 0 : i32
    %dma_start3A_158 = tpu.memref_slice %arg3[%dma_start3A_156, %dma_start3A_157] : memref<10000x128xf32, #tpu.memory_space<hbm>> -> memref<10000x128xf32, #tpu.memory_space<hbm>>
    tpu.enqueue_indirect_dma source(%dma_start3A_158 : memref<10000x128xf32, #tpu.memory_space<hbm>>) target(%arg6 : memref<128x128xf32, #tpu.memory_space<vmem>>) offsets(%arg5 : memref<128xi32, #tpu.memory_space<vmem>>) semaphore(%arg7 : memref<!tpu.dma_semaphore, #tpu.memory_space<semaphore_mem>>)
    %dma_wait3A_159 = arith.constant 0 : i32
    %dma_wait3A_160 = arith.constant 0 : i32
    %dma_wait3A_161 = tpu.memref_slice %arg3[%dma_wait3A_159, %dma_wait3A_160] : memref<10000x128xf32, #tpu.memory_space<hbm>> -> memref<10000x128xf32, #tpu.memory_space<hbm>>
    tpu.wait_indirect_dma semaphore(%arg7 : memref<!tpu.dma_semaphore, #tpu.memory_space<semaphore_mem>>) src(%dma_wait3A_161 : memref<10000x128xf32, #tpu.memory_space<hbm>>) dst(%arg6 : memref<128x128xf32, #tpu.memory_space<vmem>>)
    %mul3A_162 = arith.constant 128 : i32
    %mul3A_163 = arith.muli %select_n3A_133, %mul3A_162 : i32
    %multiple_of3A_164 = tpu.assume_multiple %mul3A_163, 128 : i32
    "tpu.region"() ({
      %run_scoped3A = tpu.sem_alloc : memref<!tpu.dma_semaphore, #tpu.memory_space<semaphore_mem>>
      %dma_start3A_165 = tpu.memref_slice %arg4[%multiple_of3A_152, %multiple_of3A_164] : memref<4096x384xf32, #tpu.memory_space<hbm>> -> memref<128x128xf32, #tpu.memory_space<hbm>>
      %dma_start3A_166 = tpu.memref_slice %arg4[%multiple_of3A_152, %multiple_of3A_164] : memref<4096x384xf32, #tpu.memory_space<hbm>> -> memref<128x128xf32, #tpu.memory_space<hbm>>
      tpu.enqueue_dma source(%arg6 : memref<128x128xf32, #tpu.memory_space<vmem>>) target(%dma_start3A_166 : memref<128x128xf32, #tpu.memory_space<hbm>>) target_semaphore(%run_scoped3A : memref<!tpu.dma_semaphore, #tpu.memory_space<semaphore_mem>>)
      %dma_wait3A_167 = tpu.memref_slice %arg4[%multiple_of3A_152, %multiple_of3A_164] : memref<4096x384xf32, #tpu.memory_space<hbm>> -> memref<128x128xf32, #tpu.memory_space<hbm>>
      %dma_wait3A_168 = tpu.memref_slice %arg4[%multiple_of3A_152, %multiple_of3A_164] : memref<4096x384xf32, #tpu.memory_space<hbm>> -> memref<128x128xf32, #tpu.memory_space<hbm>>
      tpu.wait_dma2 semaphore(%run_scoped3A : memref<!tpu.dma_semaphore, #tpu.memory_space<semaphore_mem>>) src(%arg6 : memref<128x128xf32, #tpu.memory_space<vmem>>) dst(%dma_wait3A_168 : memref<128x128xf32, #tpu.memory_space<hbm>>)
      tpu.yield
    }) : () -> ()
    return
  }
}

#map = affine_map<(d0, d1) -> (0, 0)>
#map1 = affine_map<(d0, d1) -> (0, 0, 0)>
module attributes {stable_mosaic.version = 14 : i64} {
  func.func @edge_pass(%arg0: i32, %arg1: i32, %arg2: memref<2x320000xi32, #tpu.memory_space<hbm>>, %arg3: memref<10000x128xf32, #tpu.memory_space<hbm>>, %arg4: memref<640x128xf32, #tpu.memory_space<hbm>>, %arg5: memref<2x10240x128xf32, #tpu.memory_space<hbm>>, %arg6: memref<3x2x128xi32, #tpu.memory_space<vmem>>, %arg7: memref<2x128x128xf32, #tpu.memory_space<vmem>>, %arg8: memref<128xf32, #tpu.memory_space<vmem>>, %arg9: memref<640xf32, #tpu.memory_space<vmem>>, %arg10: memref<10240x128xf32, #tpu.memory_space<vmem_shared>>, %arg11: memref<10240xf32, #tpu.memory_space<vmem_shared>>, %arg12: memref<!tpu.dma_semaphore, #tpu.memory_space<semaphore_mem>>, %arg13: memref<!tpu.dma_semaphore, #tpu.memory_space<semaphore_mem>>, %arg14: memref<!tpu.dma_semaphore, #tpu.memory_space<semaphore_mem>>, %arg15: memref<!tpu.dma_semaphore, #tpu.memory_space<semaphore_mem>>, %arg16: memref<!tpu.dma_semaphore, #tpu.memory_space<semaphore_mem>>, %arg17: memref<!tpu.dma_semaphore, #tpu.memory_space<semaphore_mem>>, %arg18: memref<!tpu.dma_semaphore, #tpu.memory_space<semaphore_mem>>, %arg19: memref<!tpu.dma_semaphore, #tpu.memory_space<semaphore_mem>>, %arg20: memref<!tpu.dma_semaphore, #tpu.memory_space<semaphore_mem>>, %arg21: memref<!tpu.dma_semaphore, #tpu.memory_space<semaphore_mem>>) attributes {dimension_semantics = [#tpu.dimension_semantics<core_parallel>, #tpu.dimension_semantics<subcore_parallel>], iteration_bounds = array<i64: 2, 16>, scalar_prefetch = 0 : i64, scratch_operands = 16 : i64, tpu.core_type = #tpu.core_type<sc_vector_subcore>, window_params = [{transform_indices = #map}, {transform_indices = #map}, {transform_indices = #map}, {transform_indices = #map1}]} {
    %mul3A = arith.constant 16 : i32
    %mul3A_0 = arith.muli %arg0, %mul3A : i32
    %add3A = arith.addi %mul3A_0, %arg1 : i32
    %mul3A_1 = arith.constant 640 : i32
    %mul3A_2 = arith.muli %arg1, %mul3A_1 : i32
    "tpu.region"() ({
      %run_scoped3A = tpu.sem_alloc : memref<!tpu.dma_semaphore, #tpu.memory_space<semaphore_mem>>
      %dma_start3A_201 = arith.constant 0 : i32
      %dma_start3A_202 = tpu.memref_slice %arg10[%mul3A_2, %dma_start3A_201] : memref<10240x128xf32, #tpu.memory_space<vmem_shared>> -> memref<640x128xf32, #tpu.memory_space<vmem_shared>>
      tpu.enqueue_dma source(%arg4 : memref<640x128xf32, #tpu.memory_space<hbm>>) target(%dma_start3A_202 : memref<640x128xf32, #tpu.memory_space<vmem_shared>>) target_semaphore(%run_scoped3A : memref<!tpu.dma_semaphore, #tpu.memory_space<semaphore_mem>>)
      %dma_wait3A_203 = arith.constant 0 : i32
      %dma_wait3A_204 = tpu.memref_slice %arg10[%mul3A_2, %dma_wait3A_203] : memref<10240x128xf32, #tpu.memory_space<vmem_shared>> -> memref<640x128xf32, #tpu.memory_space<vmem_shared>>
      tpu.wait_dma2 semaphore(%run_scoped3A : memref<!tpu.dma_semaphore, #tpu.memory_space<semaphore_mem>>) src(%arg4 : memref<640x128xf32, #tpu.memory_space<hbm>>) dst(%dma_wait3A_204 : memref<640x128xf32, #tpu.memory_space<vmem_shared>>)
      tpu.yield
    }) : () -> ()
    %mul3A_3 = arith.constant 625 : i32
    %mul3A_4 = arith.muli %mul3A_3, %add3A : i32
    %jit3A = arith.constant 8 : i32
    %div3A = arith.divsi %mul3A_4, %jit3A : i32
    %sign3A = arith.constant 0 : i32
    %sign3A_5 = arith.cmpi sgt, %mul3A_4, %sign3A : i32
    %sign3A_6 = arith.extui %sign3A_5 : i1 to i32
    %sign3A_7 = arith.constant 0 : i32
    %sign3A_8 = arith.cmpi slt, %mul3A_4, %sign3A_7 : i32
    %sign3A_9 = arith.extui %sign3A_8 : i1 to i32
    %sign3A_10 = arith.subi %sign3A_6, %sign3A_9 : i32
    %sign3A_11 = arith.constant 0 : i32
    %sign3A_12 = arith.cmpi sgt, %jit3A, %sign3A_11 : i32
    %sign3A_13 = arith.extui %sign3A_12 : i1 to i32
    %sign3A_14 = arith.constant 0 : i32
    %sign3A_15 = arith.cmpi slt, %jit3A, %sign3A_14 : i32
    %sign3A_16 = arith.extui %sign3A_15 : i1 to i32
    %sign3A_17 = arith.subi %sign3A_13, %sign3A_16 : i32
    %ne3A = arith.cmpi ne, %sign3A_10, %sign3A_17 : i32
    %rem3A = arith.remsi %mul3A_4, %jit3A : i32
    %ne3A_18 = arith.constant 0 : i32
    %ne3A_19 = arith.cmpi ne, %rem3A, %ne3A_18 : i32
    %and3A = arith.andi %ne3A, %ne3A_19 : i1
    %sub3A = arith.constant 1 : i32
    %sub3A_20 = arith.subi %div3A, %sub3A : i32
    %select_n3A = arith.select %and3A, %sub3A_20, %div3A : i32
    %add3A_21 = arith.constant 1 : i32
    %add3A_22 = arith.addi %add3A, %add3A_21 : i32
    %mul3A_23 = arith.constant 625 : i32
    %mul3A_24 = arith.muli %mul3A_23, %add3A_22 : i32
    %jit3A_25 = arith.constant 8 : i32
    %div3A_26 = arith.divsi %mul3A_24, %jit3A_25 : i32
    %sign3A_27 = arith.constant 0 : i32
    %sign3A_28 = arith.cmpi sgt, %mul3A_24, %sign3A_27 : i32
    %sign3A_29 = arith.extui %sign3A_28 : i1 to i32
    %sign3A_30 = arith.constant 0 : i32
    %sign3A_31 = arith.cmpi slt, %mul3A_24, %sign3A_30 : i32
    %sign3A_32 = arith.extui %sign3A_31 : i1 to i32
    %sign3A_33 = arith.subi %sign3A_29, %sign3A_32 : i32
    %sign3A_34 = arith.constant 0 : i32
    %sign3A_35 = arith.cmpi sgt, %jit3A_25, %sign3A_34 : i32
    %sign3A_36 = arith.extui %sign3A_35 : i1 to i32
    %sign3A_37 = arith.constant 0 : i32
    %sign3A_38 = arith.cmpi slt, %jit3A_25, %sign3A_37 : i32
    %sign3A_39 = arith.extui %sign3A_38 : i1 to i32
    %sign3A_40 = arith.subi %sign3A_36, %sign3A_39 : i32
    %ne3A_41 = arith.cmpi ne, %sign3A_33, %sign3A_40 : i32
    %rem3A_42 = arith.remsi %mul3A_24, %jit3A_25 : i32
    %ne3A_43 = arith.constant 0 : i32
    %ne3A_44 = arith.cmpi ne, %rem3A_42, %ne3A_43 : i32
    %and3A_45 = arith.andi %ne3A_41, %ne3A_44 : i1
    %sub3A_46 = arith.constant 1 : i32
    %sub3A_47 = arith.subi %div3A_26, %sub3A_46 : i32
    %select_n3A_48 = arith.select %and3A_45, %sub3A_47, %div3A_26 : i32
    %sub3A_49 = arith.subi %select_n3A_48, %select_n3A : i32
    %barrier3A = arith.constant 0 : index
    tpu.barrier barrier_id(%barrier3A)
    %add3A_50 = arith.constant 0 : i32
    %add3A_51 = arith.addi %select_n3A, %add3A_50 : i32
    %mul3A_52 = arith.constant 128 : i32
    %mul3A_53 = arith.muli %add3A_51, %mul3A_52 : i32
    %multiple_of3A = tpu.assume_multiple %mul3A_53, 128 : i32
    %dma_start3A = arith.constant 0 : i32
    %dma_start3A_54 = arith.constant 0 : i32
    %dma_start3A_55 = arith.constant 0 : i32
    %dma_start3A_56 = tpu.memref_slice %arg6[%dma_start3A, %dma_start3A_54, %dma_start3A_55] : memref<3x2x128xi32, #tpu.memory_space<vmem>> -> memref<1x2x128xi32, #tpu.memory_space<vmem>>
    %dma_start3A_57 = tpu.memref_squeeze %dma_start3A_56 : memref<1x2x128xi32, #tpu.memory_space<vmem>> -> memref<2x128xi32, #tpu.memory_space<vmem>>
    %dma_start3A_58 = arith.constant 0 : i32
    %dma_start3A_59 = tpu.memref_slice %arg2[%dma_start3A_58, %multiple_of3A] : memref<2x320000xi32, #tpu.memory_space<hbm>> -> memref<2x128xi32, #tpu.memory_space<hbm>>
    %dma_start3A_60 = arith.constant 0 : i32
    %dma_start3A_61 = arith.constant 0 : i32
    %dma_start3A_62 = tpu.memref_slice %arg6[%dma_start3A, %dma_start3A_60, %dma_start3A_61] : memref<3x2x128xi32, #tpu.memory_space<vmem>> -> memref<1x2x128xi32, #tpu.memory_space<vmem>>
    %dma_start3A_63 = tpu.memref_squeeze %dma_start3A_62 : memref<1x2x128xi32, #tpu.memory_space<vmem>> -> memref<2x128xi32, #tpu.memory_space<vmem>>
    %dma_start3A_64 = arith.constant 0 : i32
    %dma_start3A_65 = tpu.memref_slice %arg2[%dma_start3A_64, %multiple_of3A] : memref<2x320000xi32, #tpu.memory_space<hbm>> -> memref<2x128xi32, #tpu.memory_space<hbm>>
    tpu.enqueue_dma source(%dma_start3A_65 : memref<2x128xi32, #tpu.memory_space<hbm>>) target(%dma_start3A_63 : memref<2x128xi32, #tpu.memory_space<vmem>>) target_semaphore(%arg16 : memref<!tpu.dma_semaphore, #tpu.memory_space<semaphore_mem>>)
    %add3A_66 = arith.constant 1 : i32
    %add3A_67 = arith.addi %select_n3A, %add3A_66 : i32
    %mul3A_68 = arith.constant 128 : i32
    %mul3A_69 = arith.muli %add3A_67, %mul3A_68 : i32
    %multiple_of3A_70 = tpu.assume_multiple %mul3A_69, 128 : i32
    %dma_start3A_71 = arith.constant 1 : i32
    %dma_start3A_72 = arith.constant 0 : i32
    %dma_start3A_73 = arith.constant 0 : i32
    %dma_start3A_74 = tpu.memref_slice %arg6[%dma_start3A_71, %dma_start3A_72, %dma_start3A_73] : memref<3x2x128xi32, #tpu.memory_space<vmem>> -> memref<1x2x128xi32, #tpu.memory_space<vmem>>
    %dma_start3A_75 = tpu.memref_squeeze %dma_start3A_74 : memref<1x2x128xi32, #tpu.memory_space<vmem>> -> memref<2x128xi32, #tpu.memory_space<vmem>>
    %dma_start3A_76 = arith.constant 0 : i32
    %dma_start3A_77 = tpu.memref_slice %arg2[%dma_start3A_76, %multiple_of3A_70] : memref<2x320000xi32, #tpu.memory_space<hbm>> -> memref<2x128xi32, #tpu.memory_space<hbm>>
    %dma_start3A_78 = arith.constant 0 : i32
    %dma_start3A_79 = arith.constant 0 : i32
    %dma_start3A_80 = tpu.memref_slice %arg6[%dma_start3A_71, %dma_start3A_78, %dma_start3A_79] : memref<3x2x128xi32, #tpu.memory_space<vmem>> -> memref<1x2x128xi32, #tpu.memory_space<vmem>>
    %dma_start3A_81 = tpu.memref_squeeze %dma_start3A_80 : memref<1x2x128xi32, #tpu.memory_space<vmem>> -> memref<2x128xi32, #tpu.memory_space<vmem>>
    %dma_start3A_82 = arith.constant 0 : i32
    %dma_start3A_83 = tpu.memref_slice %arg2[%dma_start3A_82, %multiple_of3A_70] : memref<2x320000xi32, #tpu.memory_space<hbm>> -> memref<2x128xi32, #tpu.memory_space<hbm>>
    tpu.enqueue_dma source(%dma_start3A_83 : memref<2x128xi32, #tpu.memory_space<hbm>>) target(%dma_start3A_81 : memref<2x128xi32, #tpu.memory_space<vmem>>) target_semaphore(%arg17 : memref<!tpu.dma_semaphore, #tpu.memory_space<semaphore_mem>>)
    %add3A_84 = arith.constant 2 : i32
    %add3A_85 = arith.addi %select_n3A, %add3A_84 : i32
    %mul3A_86 = arith.constant 128 : i32
    %mul3A_87 = arith.muli %add3A_85, %mul3A_86 : i32
    %multiple_of3A_88 = tpu.assume_multiple %mul3A_87, 128 : i32
    %dma_start3A_89 = arith.constant 2 : i32
    %dma_start3A_90 = arith.constant 0 : i32
    %dma_start3A_91 = arith.constant 0 : i32
    %dma_start3A_92 = tpu.memref_slice %arg6[%dma_start3A_89, %dma_start3A_90, %dma_start3A_91] : memref<3x2x128xi32, #tpu.memory_space<vmem>> -> memref<1x2x128xi32, #tpu.memory_space<vmem>>
    %dma_start3A_93 = tpu.memref_squeeze %dma_start3A_92 : memref<1x2x128xi32, #tpu.memory_space<vmem>> -> memref<2x128xi32, #tpu.memory_space<vmem>>
    %dma_start3A_94 = arith.constant 0 : i32
    %dma_start3A_95 = tpu.memref_slice %arg2[%dma_start3A_94, %multiple_of3A_88] : memref<2x320000xi32, #tpu.memory_space<hbm>> -> memref<2x128xi32, #tpu.memory_space<hbm>>
    %dma_start3A_96 = arith.constant 0 : i32
    %dma_start3A_97 = arith.constant 0 : i32
    %dma_start3A_98 = tpu.memref_slice %arg6[%dma_start3A_89, %dma_start3A_96, %dma_start3A_97] : memref<3x2x128xi32, #tpu.memory_space<vmem>> -> memref<1x2x128xi32, #tpu.memory_space<vmem>>
    %dma_start3A_99 = tpu.memref_squeeze %dma_start3A_98 : memref<1x2x128xi32, #tpu.memory_space<vmem>> -> memref<2x128xi32, #tpu.memory_space<vmem>>
    %dma_start3A_100 = arith.constant 0 : i32
    %dma_start3A_101 = tpu.memref_slice %arg2[%dma_start3A_100, %multiple_of3A_88] : memref<2x320000xi32, #tpu.memory_space<hbm>> -> memref<2x128xi32, #tpu.memory_space<hbm>>
    tpu.enqueue_dma source(%dma_start3A_101 : memref<2x128xi32, #tpu.memory_space<hbm>>) target(%dma_start3A_99 : memref<2x128xi32, #tpu.memory_space<vmem>>) target_semaphore(%arg18 : memref<!tpu.dma_semaphore, #tpu.memory_space<semaphore_mem>>)
    %add3A_102 = arith.constant 0 : i32
    %add3A_103 = arith.addi %select_n3A, %add3A_102 : i32
    %mul3A_104 = arith.constant 128 : i32
    %mul3A_105 = arith.muli %add3A_103, %mul3A_104 : i32
    %multiple_of3A_106 = tpu.assume_multiple %mul3A_105, 128 : i32
    %dma_wait3A = arith.constant 0 : i32
    %dma_wait3A_107 = arith.constant 0 : i32
    %dma_wait3A_108 = arith.constant 0 : i32
    %dma_wait3A_109 = tpu.memref_slice %arg6[%dma_wait3A, %dma_wait3A_107, %dma_wait3A_108] : memref<3x2x128xi32, #tpu.memory_space<vmem>> -> memref<1x2x128xi32, #tpu.memory_space<vmem>>
    %dma_wait3A_110 = tpu.memref_squeeze %dma_wait3A_109 : memref<1x2x128xi32, #tpu.memory_space<vmem>> -> memref<2x128xi32, #tpu.memory_space<vmem>>
    %dma_wait3A_111 = arith.constant 0 : i32
    %dma_wait3A_112 = tpu.memref_slice %arg2[%dma_wait3A_111, %multiple_of3A_106] : memref<2x320000xi32, #tpu.memory_space<hbm>> -> memref<2x128xi32, #tpu.memory_space<hbm>>
    %dma_wait3A_113 = arith.constant 0 : i32
    %dma_wait3A_114 = arith.constant 0 : i32
    %dma_wait3A_115 = tpu.memref_slice %arg6[%dma_wait3A, %dma_wait3A_113, %dma_wait3A_114] : memref<3x2x128xi32, #tpu.memory_space<vmem>> -> memref<1x2x128xi32, #tpu.memory_space<vmem>>
    %dma_wait3A_116 = tpu.memref_squeeze %dma_wait3A_115 : memref<1x2x128xi32, #tpu.memory_space<vmem>> -> memref<2x128xi32, #tpu.memory_space<vmem>>
    %dma_wait3A_117 = arith.constant 0 : i32
    %dma_wait3A_118 = tpu.memref_slice %arg2[%dma_wait3A_117, %multiple_of3A_106] : memref<2x320000xi32, #tpu.memory_space<hbm>> -> memref<2x128xi32, #tpu.memory_space<hbm>>
    tpu.wait_dma2 semaphore(%arg16 : memref<!tpu.dma_semaphore, #tpu.memory_space<semaphore_mem>>) src(%dma_wait3A_118 : memref<2x128xi32, #tpu.memory_space<hbm>>) dst(%dma_wait3A_116 : memref<2x128xi32, #tpu.memory_space<vmem>>)
    %dma_start3A_119 = arith.constant 0 : i32
    %dma_start3A_120 = arith.constant 0 : i32
    %dma_start3A_121 = arith.constant 0 : i32
    %dma_start3A_122 = arith.constant 0 : i32
    %dma_start3A_123 = arith.constant 0 : i32
    %dma_start3A_124 = tpu.memref_slice %arg7[%dma_start3A_121, %dma_start3A_122, %dma_start3A_123] : memref<2x128x128xf32, #tpu.memory_space<vmem>> -> memref<1x128x128xf32, #tpu.memory_space<vmem>>
    %dma_start3A_125 = tpu.memref_squeeze %dma_start3A_124 : memref<1x128x128xf32, #tpu.memory_space<vmem>> -> memref<128x128xf32, #tpu.memory_space<vmem>>
    %dma_start3A_126 = arith.constant 0 : i32
    %dma_start3A_127 = tpu.memref_slice %arg6[%dma_start3A_119, %dma_start3A_120, %dma_start3A_126] : memref<3x2x128xi32, #tpu.memory_space<vmem>> -> memref<1x1x128xi32, #tpu.memory_space<vmem>>
    %dma_start3A_128 = tpu.memref_squeeze %dma_start3A_127 : memref<1x1x128xi32, #tpu.memory_space<vmem>> -> memref<128xi32, #tpu.memory_space<vmem>>
    %dma_start3A_129 = arith.constant 0 : i32
    %dma_start3A_130 = arith.constant 0 : i32
    %dma_start3A_131 = tpu.memref_slice %arg3[%dma_start3A_129, %dma_start3A_130] : memref<10000x128xf32, #tpu.memory_space<hbm>> -> memref<10000x128xf32, #tpu.memory_space<hbm>>
    tpu.enqueue_indirect_dma source(%dma_start3A_131 : memref<10000x128xf32, #tpu.memory_space<hbm>>) target(%dma_start3A_125 : memref<128x128xf32, #tpu.memory_space<vmem>>) offsets(%dma_start3A_128 : memref<128xi32, #tpu.memory_space<vmem>>) semaphore(%arg12 : memref<!tpu.dma_semaphore, #tpu.memory_space<semaphore_mem>>)
    %add3A_132 = arith.constant 1 : i32
    %add3A_133 = arith.addi %select_n3A, %add3A_132 : i32
    %mul3A_134 = arith.constant 128 : i32
    %mul3A_135 = arith.muli %add3A_133, %mul3A_134 : i32
    %multiple_of3A_136 = tpu.assume_multiple %mul3A_135, 128 : i32
    %dma_wait3A_137 = arith.constant 1 : i32
    %dma_wait3A_138 = arith.constant 0 : i32
    %dma_wait3A_139 = arith.constant 0 : i32
    %dma_wait3A_140 = tpu.memref_slice %arg6[%dma_wait3A_137, %dma_wait3A_138, %dma_wait3A_139] : memref<3x2x128xi32, #tpu.memory_space<vmem>> -> memref<1x2x128xi32, #tpu.memory_space<vmem>>
    %dma_wait3A_141 = tpu.memref_squeeze %dma_wait3A_140 : memref<1x2x128xi32, #tpu.memory_space<vmem>> -> memref<2x128xi32, #tpu.memory_space<vmem>>
    %dma_wait3A_142 = arith.constant 0 : i32
    %dma_wait3A_143 = tpu.memref_slice %arg2[%dma_wait3A_142, %multiple_of3A_136] : memref<2x320000xi32, #tpu.memory_space<hbm>> -> memref<2x128xi32, #tpu.memory_space<hbm>>
    %dma_wait3A_144 = arith.constant 0 : i32
    %dma_wait3A_145 = arith.constant 0 : i32
    %dma_wait3A_146 = tpu.memref_slice %arg6[%dma_wait3A_137, %dma_wait3A_144, %dma_wait3A_145] : memref<3x2x128xi32, #tpu.memory_space<vmem>> -> memref<1x2x128xi32, #tpu.memory_space<vmem>>
    %dma_wait3A_147 = tpu.memref_squeeze %dma_wait3A_146 : memref<1x2x128xi32, #tpu.memory_space<vmem>> -> memref<2x128xi32, #tpu.memory_space<vmem>>
    %dma_wait3A_148 = arith.constant 0 : i32
    %dma_wait3A_149 = tpu.memref_slice %arg2[%dma_wait3A_148, %multiple_of3A_136] : memref<2x320000xi32, #tpu.memory_space<hbm>> -> memref<2x128xi32, #tpu.memory_space<hbm>>
    tpu.wait_dma2 semaphore(%arg17 : memref<!tpu.dma_semaphore, #tpu.memory_space<semaphore_mem>>) src(%dma_wait3A_149 : memref<2x128xi32, #tpu.memory_space<hbm>>) dst(%dma_wait3A_147 : memref<2x128xi32, #tpu.memory_space<vmem>>)
    %dma_start3A_150 = arith.constant 1 : i32
    %dma_start3A_151 = arith.constant 0 : i32
    %dma_start3A_152 = arith.constant 1 : i32
    %dma_start3A_153 = arith.constant 0 : i32
    %dma_start3A_154 = arith.constant 0 : i32
    %dma_start3A_155 = tpu.memref_slice %arg7[%dma_start3A_152, %dma_start3A_153, %dma_start3A_154] : memref<2x128x128xf32, #tpu.memory_space<vmem>> -> memref<1x128x128xf32, #tpu.memory_space<vmem>>
    %dma_start3A_156 = tpu.memref_squeeze %dma_start3A_155 : memref<1x128x128xf32, #tpu.memory_space<vmem>> -> memref<128x128xf32, #tpu.memory_space<vmem>>
    %dma_start3A_157 = arith.constant 0 : i32
    %dma_start3A_158 = tpu.memref_slice %arg6[%dma_start3A_150, %dma_start3A_151, %dma_start3A_157] : memref<3x2x128xi32, #tpu.memory_space<vmem>> -> memref<1x1x128xi32, #tpu.memory_space<vmem>>
    %dma_start3A_159 = tpu.memref_squeeze %dma_start3A_158 : memref<1x1x128xi32, #tpu.memory_space<vmem>> -> memref<128xi32, #tpu.memory_space<vmem>>
    %dma_start3A_160 = arith.constant 0 : i32
    %dma_start3A_161 = arith.constant 0 : i32
    %dma_start3A_162 = tpu.memref_slice %arg3[%dma_start3A_160, %dma_start3A_161] : memref<10000x128xf32, #tpu.memory_space<hbm>> -> memref<10000x128xf32, #tpu.memory_space<hbm>>
    tpu.enqueue_indirect_dma source(%dma_start3A_162 : memref<10000x128xf32, #tpu.memory_space<hbm>>) target(%dma_start3A_156 : memref<128x128xf32, #tpu.memory_space<vmem>>) offsets(%dma_start3A_159 : memref<128xi32, #tpu.memory_space<vmem>>) semaphore(%arg13 : memref<!tpu.dma_semaphore, #tpu.memory_space<semaphore_mem>>)
    %scan3A = arith.constant 0 : i32
    %scan3A_163 = arith.constant 0 : i32
    %scan3A_164 = arith.constant 13 : i32
    %scan3A_165 = arith.addi %scan3A_163, %scan3A_164 : i32
    %scan3A_166 = arith.constant 1 : i32
    scf.for %scan3A_201 = %scan3A_163 to %scan3A_165 step %scan3A_166  : i32 {
      %mul3A_202 = arith.constant 6 : i32
      %mul3A_203 = arith.muli %scan3A_201, %mul3A_202 : i32
      %add3A_204 = arith.constant 0 : i32
      %add3A_205 = arith.addi %mul3A_203, %add3A_204 : i32
      %dma_wait3A_206 = arith.constant 0 : i32
      %dma_wait3A_207 = arith.constant 0 : i32
      %dma_wait3A_208 = arith.constant 0 : i32
      %dma_wait3A_209 = arith.constant 0 : i32
      %dma_wait3A_210 = arith.constant 0 : i32
      %dma_wait3A_211 = tpu.memref_slice %arg7[%dma_wait3A_208, %dma_wait3A_209, %dma_wait3A_210] : memref<2x128x128xf32, #tpu.memory_space<vmem>> -> memref<1x128x128xf32, #tpu.memory_space<vmem>>
      %dma_wait3A_212 = tpu.memref_squeeze %dma_wait3A_211 : memref<1x128x128xf32, #tpu.memory_space<vmem>> -> memref<128x128xf32, #tpu.memory_space<vmem>>
      %dma_wait3A_213 = arith.constant 0 : i32
      %dma_wait3A_214 = tpu.memref_slice %arg6[%dma_wait3A_206, %dma_wait3A_207, %dma_wait3A_213] : memref<3x2x128xi32, #tpu.memory_space<vmem>> -> memref<1x1x128xi32, #tpu.memory_space<vmem>>
      %dma_wait3A_215 = tpu.memref_squeeze %dma_wait3A_214 : memref<1x1x128xi32, #tpu.memory_space<vmem>> -> memref<128xi32, #tpu.memory_space<vmem>>
      %dma_wait3A_216 = arith.constant 0 : i32
      %dma_wait3A_217 = arith.constant 0 : i32
      %dma_wait3A_218 = tpu.memref_slice %arg3[%dma_wait3A_216, %dma_wait3A_217] : memref<10000x128xf32, #tpu.memory_space<hbm>> -> memref<10000x128xf32, #tpu.memory_space<hbm>>
      tpu.wait_indirect_dma semaphore(%arg12 : memref<!tpu.dma_semaphore, #tpu.memory_space<semaphore_mem>>) src(%dma_wait3A_218 : memref<10000x128xf32, #tpu.memory_space<hbm>>) dst(%dma_wait3A_212 : memref<128x128xf32, #tpu.memory_space<vmem>>)
      %dma_start3A_219 = arith.constant 0 : i32
      %dma_start3A_220 = arith.constant 0 : i32
      %dma_start3A_221 = arith.constant 1 : i32
      %dma_start3A_222 = arith.constant 0 : i32
      %dma_start3A_223 = arith.constant 0 : i32
      %dma_start3A_224 = tpu.memref_slice %arg7[%dma_start3A_219, %dma_start3A_222, %dma_start3A_223] : memref<2x128x128xf32, #tpu.memory_space<vmem>> -> memref<1x128x128xf32, #tpu.memory_space<vmem>>
      %dma_start3A_225 = tpu.memref_squeeze %dma_start3A_224 : memref<1x128x128xf32, #tpu.memory_space<vmem>> -> memref<128x128xf32, #tpu.memory_space<vmem>>
      %dma_start3A_226 = arith.constant 0 : i32
      %dma_start3A_227 = tpu.memref_slice %arg6[%dma_start3A_220, %dma_start3A_221, %dma_start3A_226] : memref<3x2x128xi32, #tpu.memory_space<vmem>> -> memref<1x1x128xi32, #tpu.memory_space<vmem>>
      %dma_start3A_228 = tpu.memref_squeeze %dma_start3A_227 : memref<1x1x128xi32, #tpu.memory_space<vmem>> -> memref<128xi32, #tpu.memory_space<vmem>>
      %dma_start3A_229 = arith.constant 0 : i32
      %dma_start3A_230 = arith.constant 0 : i32
      %dma_start3A_231 = tpu.memref_slice %arg10[%dma_start3A_229, %dma_start3A_230] : memref<10240x128xf32, #tpu.memory_space<vmem_shared>> -> memref<10240x128xf32, #tpu.memory_space<vmem_shared>>
      tpu.enqueue_indirect_dma source(%dma_start3A_225 : memref<128x128xf32, #tpu.memory_space<vmem>>) target(%dma_start3A_231 : memref<10240x128xf32, #tpu.memory_space<vmem_shared>>) offsets(%dma_start3A_228 : memref<128xi32, #tpu.memory_space<vmem>>) semaphore(%arg14 : memref<!tpu.dma_semaphore, #tpu.memory_space<semaphore_mem>>) {add = true}
      %add3A_232 = arith.constant 2 : i32
      %add3A_233 = arith.addi %add3A_205, %add3A_232 : i32
      %lt3A = arith.constant 78 : i32
      %lt3A_234 = arith.cmpi slt, %add3A_233, %lt3A : i32
      %convert_element_type3A_235 = arith.extui %lt3A_234 : i1 to i32
      %cond3A_236 = arith.constant 0 : i32
      %cond3A_237 = arith.cmpi ne, %convert_element_type3A_235, %cond3A_236 : i32
      scf.if %cond3A_237 {
        %dma_wait3A_465 = arith.constant 0 : i32
        %dma_wait3A_466 = arith.constant 0 : i32
        %dma_wait3A_467 = arith.constant 1 : i32
        %dma_wait3A_468 = arith.constant 0 : i32
        %dma_wait3A_469 = arith.constant 0 : i32
        %dma_wait3A_470 = tpu.memref_slice %arg7[%dma_wait3A_465, %dma_wait3A_468, %dma_wait3A_469] : memref<2x128x128xf32, #tpu.memory_space<vmem>> -> memref<1x128x128xf32, #tpu.memory_space<vmem>>
        %dma_wait3A_471 = tpu.memref_squeeze %dma_wait3A_470 : memref<1x128x128xf32, #tpu.memory_space<vmem>> -> memref<128x128xf32, #tpu.memory_space<vmem>>
        %dma_wait3A_472 = arith.constant 0 : i32
        %dma_wait3A_473 = tpu.memref_slice %arg6[%dma_wait3A_466, %dma_wait3A_467, %dma_wait3A_472] : memref<3x2x128xi32, #tpu.memory_space<vmem>> -> memref<1x1x128xi32, #tpu.memory_space<vmem>>
        %dma_wait3A_474 = tpu.memref_squeeze %dma_wait3A_473 : memref<1x1x128xi32, #tpu.memory_space<vmem>> -> memref<128xi32, #tpu.memory_space<vmem>>
        %dma_wait3A_475 = arith.constant 0 : i32
        %dma_wait3A_476 = arith.constant 0 : i32
        %dma_wait3A_477 = tpu.memref_slice %arg10[%dma_wait3A_475, %dma_wait3A_476] : memref<10240x128xf32, #tpu.memory_space<vmem_shared>> -> memref<10240x128xf32, #tpu.memory_space<vmem_shared>>
        tpu.wait_indirect_dma semaphore(%arg14 : memref<!tpu.dma_semaphore, #tpu.memory_space<semaphore_mem>>) src(%dma_wait3A_471 : memref<128x128xf32, #tpu.memory_space<vmem>>) dst(%dma_wait3A_477 : memref<10240x128xf32, #tpu.memory_space<vmem_shared>>)
        %add3A_478 = arith.constant 2 : i32
        %add3A_479 = arith.addi %add3A_205, %add3A_478 : i32
        %add3A_480 = arith.addi %select_n3A, %add3A_479 : i32
        %mul3A_481 = arith.constant 128 : i32
        %mul3A_482 = arith.muli %add3A_480, %mul3A_481 : i32
        %multiple_of3A_483 = tpu.assume_multiple %mul3A_482, 128 : i32
        %dma_wait3A_484 = arith.constant 2 : i32
        %dma_wait3A_485 = arith.constant 0 : i32
        %dma_wait3A_486 = arith.constant 0 : i32
        %dma_wait3A_487 = tpu.memref_slice %arg6[%dma_wait3A_484, %dma_wait3A_485, %dma_wait3A_486] : memref<3x2x128xi32, #tpu.memory_space<vmem>> -> memref<1x2x128xi32, #tpu.memory_space<vmem>>
        %dma_wait3A_488 = tpu.memref_squeeze %dma_wait3A_487 : memref<1x2x128xi32, #tpu.memory_space<vmem>> -> memref<2x128xi32, #tpu.memory_space<vmem>>
        %dma_wait3A_489 = arith.constant 0 : i32
        %dma_wait3A_490 = tpu.memref_slice %arg2[%dma_wait3A_489, %multiple_of3A_483] : memref<2x320000xi32, #tpu.memory_space<hbm>> -> memref<2x128xi32, #tpu.memory_space<hbm>>
        %dma_wait3A_491 = arith.constant 0 : i32
        %dma_wait3A_492 = arith.constant 0 : i32
        %dma_wait3A_493 = tpu.memref_slice %arg6[%dma_wait3A_484, %dma_wait3A_491, %dma_wait3A_492] : memref<3x2x128xi32, #tpu.memory_space<vmem>> -> memref<1x2x128xi32, #tpu.memory_space<vmem>>
        %dma_wait3A_494 = tpu.memref_squeeze %dma_wait3A_493 : memref<1x2x128xi32, #tpu.memory_space<vmem>> -> memref<2x128xi32, #tpu.memory_space<vmem>>
        %dma_wait3A_495 = arith.constant 0 : i32
        %dma_wait3A_496 = tpu.memref_slice %arg2[%dma_wait3A_495, %multiple_of3A_483] : memref<2x320000xi32, #tpu.memory_space<hbm>> -> memref<2x128xi32, #tpu.memory_space<hbm>>
        tpu.wait_dma2 semaphore(%arg18 : memref<!tpu.dma_semaphore, #tpu.memory_space<semaphore_mem>>) src(%dma_wait3A_496 : memref<2x128xi32, #tpu.memory_space<hbm>>) dst(%dma_wait3A_494 : memref<2x128xi32, #tpu.memory_space<vmem>>)
        %dma_start3A_497 = arith.constant 2 : i32
        %dma_start3A_498 = arith.constant 0 : i32
        %dma_start3A_499 = arith.constant 0 : i32
        %dma_start3A_500 = arith.constant 0 : i32
        %dma_start3A_501 = arith.constant 0 : i32
        %dma_start3A_502 = tpu.memref_slice %arg7[%dma_start3A_499, %dma_start3A_500, %dma_start3A_501] : memref<2x128x128xf32, #tpu.memory_space<vmem>> -> memref<1x128x128xf32, #tpu.memory_space<vmem>>
        %dma_start3A_503 = tpu.memref_squeeze %dma_start3A_502 : memref<1x128x128xf32, #tpu.memory_space<vmem>> -> memref<128x128xf32, #tpu.memory_space<vmem>>
        %dma_start3A_504 = arith.constant 0 : i32
        %dma_start3A_505 = tpu.memref_slice %arg6[%dma_start3A_497, %dma_start3A_498, %dma_start3A_504] : memref<3x2x128xi32, #tpu.memory_space<vmem>> -> memref<1x1x128xi32, #tpu.memory_space<vmem>>
        %dma_start3A_506 = tpu.memref_squeeze %dma_start3A_505 : memref<1x1x128xi32, #tpu.memory_space<vmem>> -> memref<128xi32, #tpu.memory_space<vmem>>
        %dma_start3A_507 = arith.constant 0 : i32
        %dma_start3A_508 = arith.constant 0 : i32
        %dma_start3A_509 = tpu.memref_slice %arg3[%dma_start3A_507, %dma_start3A_508] : memref<10000x128xf32, #tpu.memory_space<hbm>> -> memref<10000x128xf32, #tpu.memory_space<hbm>>
        tpu.enqueue_indirect_dma source(%dma_start3A_509 : memref<10000x128xf32, #tpu.memory_space<hbm>>) target(%dma_start3A_503 : memref<128x128xf32, #tpu.memory_space<vmem>>) offsets(%dma_start3A_506 : memref<128xi32, #tpu.memory_space<vmem>>) semaphore(%arg12 : memref<!tpu.dma_semaphore, #tpu.memory_space<semaphore_mem>>)
      } else {
      }
      %add3A_238 = arith.constant 3 : i32
      %add3A_239 = arith.addi %add3A_205, %add3A_238 : i32
      %lt3A_240 = arith.constant 78 : i32
      %lt3A_241 = arith.cmpi slt, %add3A_239, %lt3A_240 : i32
      %convert_element_type3A_242 = arith.extui %lt3A_241 : i1 to i32
      %cond3A_243 = arith.constant 0 : i32
      %cond3A_244 = arith.cmpi ne, %convert_element_type3A_242, %cond3A_243 : i32
      scf.if %cond3A_244 {
        %add3A_465 = arith.constant 3 : i32
        %add3A_466 = arith.addi %add3A_205, %add3A_465 : i32
        %add3A_467 = arith.addi %select_n3A, %add3A_466 : i32
        %mul3A_468 = arith.constant 128 : i32
        %mul3A_469 = arith.muli %add3A_467, %mul3A_468 : i32
        %multiple_of3A_470 = tpu.assume_multiple %mul3A_469, 128 : i32
        %dma_start3A_471 = arith.constant 0 : i32
        %dma_start3A_472 = arith.constant 0 : i32
        %dma_start3A_473 = arith.constant 0 : i32
        %dma_start3A_474 = tpu.memref_slice %arg6[%dma_start3A_471, %dma_start3A_472, %dma_start3A_473] : memref<3x2x128xi32, #tpu.memory_space<vmem>> -> memref<1x2x128xi32, #tpu.memory_space<vmem>>
        %dma_start3A_475 = tpu.memref_squeeze %dma_start3A_474 : memref<1x2x128xi32, #tpu.memory_space<vmem>> -> memref<2x128xi32, #tpu.memory_space<vmem>>
        %dma_start3A_476 = arith.constant 0 : i32
        %dma_start3A_477 = tpu.memref_slice %arg2[%dma_start3A_476, %multiple_of3A_470] : memref<2x320000xi32, #tpu.memory_space<hbm>> -> memref<2x128xi32, #tpu.memory_space<hbm>>
        %dma_start3A_478 = arith.constant 0 : i32
        %dma_start3A_479 = arith.constant 0 : i32
        %dma_start3A_480 = tpu.memref_slice %arg6[%dma_start3A_471, %dma_start3A_478, %dma_start3A_479] : memref<3x2x128xi32, #tpu.memory_space<vmem>> -> memref<1x2x128xi32, #tpu.memory_space<vmem>>
        %dma_start3A_481 = tpu.memref_squeeze %dma_start3A_480 : memref<1x2x128xi32, #tpu.memory_space<vmem>> -> memref<2x128xi32, #tpu.memory_space<vmem>>
        %dma_start3A_482 = arith.constant 0 : i32
        %dma_start3A_483 = tpu.memref_slice %arg2[%dma_start3A_482, %multiple_of3A_470] : memref<2x320000xi32, #tpu.memory_space<hbm>> -> memref<2x128xi32, #tpu.memory_space<hbm>>
        tpu.enqueue_dma source(%dma_start3A_483 : memref<2x128xi32, #tpu.memory_space<hbm>>) target(%dma_start3A_481 : memref<2x128xi32, #tpu.memory_space<vmem>>) target_semaphore(%arg16 : memref<!tpu.dma_semaphore, #tpu.memory_space<semaphore_mem>>)
      } else {
      }
      %mul3A_245 = arith.constant 6 : i32
      %mul3A_246 = arith.muli %scan3A_201, %mul3A_245 : i32
      %add3A_247 = arith.constant 1 : i32
      %add3A_248 = arith.addi %mul3A_246, %add3A_247 : i32
      %dma_wait3A_249 = arith.constant 1 : i32
      %dma_wait3A_250 = arith.constant 0 : i32
      %dma_wait3A_251 = arith.constant 1 : i32
      %dma_wait3A_252 = arith.constant 0 : i32
      %dma_wait3A_253 = arith.constant 0 : i32
      %dma_wait3A_254 = tpu.memref_slice %arg7[%dma_wait3A_251, %dma_wait3A_252, %dma_wait3A_253] : memref<2x128x128xf32, #tpu.memory_space<vmem>> -> memref<1x128x128xf32, #tpu.memory_space<vmem>>
      %dma_wait3A_255 = tpu.memref_squeeze %dma_wait3A_254 : memref<1x128x128xf32, #tpu.memory_space<vmem>> -> memref<128x128xf32, #tpu.memory_space<vmem>>
      %dma_wait3A_256 = arith.constant 0 : i32
      %dma_wait3A_257 = tpu.memref_slice %arg6[%dma_wait3A_249, %dma_wait3A_250, %dma_wait3A_256] : memref<3x2x128xi32, #tpu.memory_space<vmem>> -> memref<1x1x128xi32, #tpu.memory_space<vmem>>
      %dma_wait3A_258 = tpu.memref_squeeze %dma_wait3A_257 : memref<1x1x128xi32, #tpu.memory_space<vmem>> -> memref<128xi32, #tpu.memory_space<vmem>>
      %dma_wait3A_259 = arith.constant 0 : i32
      %dma_wait3A_260 = arith.constant 0 : i32
      %dma_wait3A_261 = tpu.memref_slice %arg3[%dma_wait3A_259, %dma_wait3A_260] : memref<10000x128xf32, #tpu.memory_space<hbm>> -> memref<10000x128xf32, #tpu.memory_space<hbm>>
      tpu.wait_indirect_dma semaphore(%arg13 : memref<!tpu.dma_semaphore, #tpu.memory_space<semaphore_mem>>) src(%dma_wait3A_261 : memref<10000x128xf32, #tpu.memory_space<hbm>>) dst(%dma_wait3A_255 : memref<128x128xf32, #tpu.memory_space<vmem>>)
      %dma_start3A_262 = arith.constant 1 : i32
      %dma_start3A_263 = arith.constant 1 : i32
      %dma_start3A_264 = arith.constant 1 : i32
      %dma_start3A_265 = arith.constant 0 : i32
      %dma_start3A_266 = arith.constant 0 : i32
      %dma_start3A_267 = tpu.memref_slice %arg7[%dma_start3A_262, %dma_start3A_265, %dma_start3A_266] : memref<2x128x128xf32, #tpu.memory_space<vmem>> -> memref<1x128x128xf32, #tpu.memory_space<vmem>>
      %dma_start3A_268 = tpu.memref_squeeze %dma_start3A_267 : memref<1x128x128xf32, #tpu.memory_space<vmem>> -> memref<128x128xf32, #tpu.memory_space<vmem>>
      %dma_start3A_269 = arith.constant 0 : i32
      %dma_start3A_270 = tpu.memref_slice %arg6[%dma_start3A_263, %dma_start3A_264, %dma_start3A_269] : memref<3x2x128xi32, #tpu.memory_space<vmem>> -> memref<1x1x128xi32, #tpu.memory_space<vmem>>
      %dma_start3A_271 = tpu.memref_squeeze %dma_start3A_270 : memref<1x1x128xi32, #tpu.memory_space<vmem>> -> memref<128xi32, #tpu.memory_space<vmem>>
      %dma_start3A_272 = arith.constant 0 : i32
      %dma_start3A_273 = arith.constant 0 : i32
      %dma_start3A_274 = tpu.memref_slice %arg10[%dma_start3A_272, %dma_start3A_273] : memref<10240x128xf32, #tpu.memory_space<vmem_shared>> -> memref<10240x128xf32, #tpu.memory_space<vmem_shared>>
      tpu.enqueue_indirect_dma source(%dma_start3A_268 : memref<128x128xf32, #tpu.memory_space<vmem>>) target(%dma_start3A_274 : memref<10240x128xf32, #tpu.memory_space<vmem_shared>>) offsets(%dma_start3A_271 : memref<128xi32, #tpu.memory_space<vmem>>) semaphore(%arg15 : memref<!tpu.dma_semaphore, #tpu.memory_space<semaphore_mem>>) {add = true}
      %add3A_275 = arith.constant 2 : i32
      %add3A_276 = arith.addi %add3A_248, %add3A_275 : i32
      %lt3A_277 = arith.constant 78 : i32
      %lt3A_278 = arith.cmpi slt, %add3A_276, %lt3A_277 : i32
      %convert_element_type3A_279 = arith.extui %lt3A_278 : i1 to i32
      %cond3A_280 = arith.constant 0 : i32
      %cond3A_281 = arith.cmpi ne, %convert_element_type3A_279, %cond3A_280 : i32
      scf.if %cond3A_281 {
        %dma_wait3A_465 = arith.constant 1 : i32
        %dma_wait3A_466 = arith.constant 1 : i32
        %dma_wait3A_467 = arith.constant 1 : i32
        %dma_wait3A_468 = arith.constant 0 : i32
        %dma_wait3A_469 = arith.constant 0 : i32
        %dma_wait3A_470 = tpu.memref_slice %arg7[%dma_wait3A_465, %dma_wait3A_468, %dma_wait3A_469] : memref<2x128x128xf32, #tpu.memory_space<vmem>> -> memref<1x128x128xf32, #tpu.memory_space<vmem>>
        %dma_wait3A_471 = tpu.memref_squeeze %dma_wait3A_470 : memref<1x128x128xf32, #tpu.memory_space<vmem>> -> memref<128x128xf32, #tpu.memory_space<vmem>>
        %dma_wait3A_472 = arith.constant 0 : i32
        %dma_wait3A_473 = tpu.memref_slice %arg6[%dma_wait3A_466, %dma_wait3A_467, %dma_wait3A_472] : memref<3x2x128xi32, #tpu.memory_space<vmem>> -> memref<1x1x128xi32, #tpu.memory_space<vmem>>
        %dma_wait3A_474 = tpu.memref_squeeze %dma_wait3A_473 : memref<1x1x128xi32, #tpu.memory_space<vmem>> -> memref<128xi32, #tpu.memory_space<vmem>>
        %dma_wait3A_475 = arith.constant 0 : i32
        %dma_wait3A_476 = arith.constant 0 : i32
        %dma_wait3A_477 = tpu.memref_slice %arg10[%dma_wait3A_475, %dma_wait3A_476] : memref<10240x128xf32, #tpu.memory_space<vmem_shared>> -> memref<10240x128xf32, #tpu.memory_space<vmem_shared>>
        tpu.wait_indirect_dma semaphore(%arg15 : memref<!tpu.dma_semaphore, #tpu.memory_space<semaphore_mem>>) src(%dma_wait3A_471 : memref<128x128xf32, #tpu.memory_space<vmem>>) dst(%dma_wait3A_477 : memref<10240x128xf32, #tpu.memory_space<vmem_shared>>)
        %add3A_478 = arith.constant 2 : i32
        %add3A_479 = arith.addi %add3A_248, %add3A_478 : i32
        %add3A_480 = arith.addi %select_n3A, %add3A_479 : i32
        %mul3A_481 = arith.constant 128 : i32
        %mul3A_482 = arith.muli %add3A_480, %mul3A_481 : i32
        %multiple_of3A_483 = tpu.assume_multiple %mul3A_482, 128 : i32
        %dma_wait3A_484 = arith.constant 0 : i32
        %dma_wait3A_485 = arith.constant 0 : i32
        %dma_wait3A_486 = arith.constant 0 : i32
        %dma_wait3A_487 = tpu.memref_slice %arg6[%dma_wait3A_484, %dma_wait3A_485, %dma_wait3A_486] : memref<3x2x128xi32, #tpu.memory_space<vmem>> -> memref<1x2x128xi32, #tpu.memory_space<vmem>>
        %dma_wait3A_488 = tpu.memref_squeeze %dma_wait3A_487 : memref<1x2x128xi32, #tpu.memory_space<vmem>> -> memref<2x128xi32, #tpu.memory_space<vmem>>
        %dma_wait3A_489 = arith.constant 0 : i32
        %dma_wait3A_490 = tpu.memref_slice %arg2[%dma_wait3A_489, %multiple_of3A_483] : memref<2x320000xi32, #tpu.memory_space<hbm>> -> memref<2x128xi32, #tpu.memory_space<hbm>>
        %dma_wait3A_491 = arith.constant 0 : i32
        %dma_wait3A_492 = arith.constant 0 : i32
        %dma_wait3A_493 = tpu.memref_slice %arg6[%dma_wait3A_484, %dma_wait3A_491, %dma_wait3A_492] : memref<3x2x128xi32, #tpu.memory_space<vmem>> -> memref<1x2x128xi32, #tpu.memory_space<vmem>>
        %dma_wait3A_494 = tpu.memref_squeeze %dma_wait3A_493 : memref<1x2x128xi32, #tpu.memory_space<vmem>> -> memref<2x128xi32, #tpu.memory_space<vmem>>
        %dma_wait3A_495 = arith.constant 0 : i32
        %dma_wait3A_496 = tpu.memref_slice %arg2[%dma_wait3A_495, %multiple_of3A_483] : memref<2x320000xi32, #tpu.memory_space<hbm>> -> memref<2x128xi32, #tpu.memory_space<hbm>>
        tpu.wait_dma2 semaphore(%arg16 : memref<!tpu.dma_semaphore, #tpu.memory_space<semaphore_mem>>) src(%dma_wait3A_496 : memref<2x128xi32, #tpu.memory_space<hbm>>) dst(%dma_wait3A_494 : memref<2x128xi32, #tpu.memory_space<vmem>>)
        %dma_start3A_497 = arith.constant 0 : i32
        %dma_start3A_498 = arith.constant 0 : i32
        %dma_start3A_499 = arith.constant 1 : i32
        %dma_start3A_500 = arith.constant 0 : i32
        %dma_start3A_501 = arith.constant 0 : i32
        %dma_start3A_502 = tpu.memref_slice %arg7[%dma_start3A_499, %dma_start3A_500, %dma_start3A_501] : memref<2x128x128xf32, #tpu.memory_space<vmem>> -> memref<1x128x128xf32, #tpu.memory_space<vmem>>
        %dma_start3A_503 = tpu.memref_squeeze %dma_start3A_502 : memref<1x128x128xf32, #tpu.memory_space<vmem>> -> memref<128x128xf32, #tpu.memory_space<vmem>>
        %dma_start3A_504 = arith.constant 0 : i32
        %dma_start3A_505 = tpu.memref_slice %arg6[%dma_start3A_497, %dma_start3A_498, %dma_start3A_504] : memref<3x2x128xi32, #tpu.memory_space<vmem>> -> memref<1x1x128xi32, #tpu.memory_space<vmem>>
        %dma_start3A_506 = tpu.memref_squeeze %dma_start3A_505 : memref<1x1x128xi32, #tpu.memory_space<vmem>> -> memref<128xi32, #tpu.memory_space<vmem>>
        %dma_start3A_507 = arith.constant 0 : i32
        %dma_start3A_508 = arith.constant 0 : i32
        %dma_start3A_509 = tpu.memref_slice %arg3[%dma_start3A_507, %dma_start3A_508] : memref<10000x128xf32, #tpu.memory_space<hbm>> -> memref<10000x128xf32, #tpu.memory_space<hbm>>
        tpu.enqueue_indirect_dma source(%dma_start3A_509 : memref<10000x128xf32, #tpu.memory_space<hbm>>) target(%dma_start3A_503 : memref<128x128xf32, #tpu.memory_space<vmem>>) offsets(%dma_start3A_506 : memref<128xi32, #tpu.memory_space<vmem>>) semaphore(%arg13 : memref<!tpu.dma_semaphore, #tpu.memory_space<semaphore_mem>>)
      } else {
      }
      %add3A_282 = arith.constant 3 : i32
      %add3A_283 = arith.addi %add3A_248, %add3A_282 : i32
      %lt3A_284 = arith.constant 78 : i32
      %lt3A_285 = arith.cmpi slt, %add3A_283, %lt3A_284 : i32
      %convert_element_type3A_286 = arith.extui %lt3A_285 : i1 to i32
      %cond3A_287 = arith.constant 0 : i32
      %cond3A_288 = arith.cmpi ne, %convert_element_type3A_286, %cond3A_287 : i32
      scf.if %cond3A_288 {
        %add3A_465 = arith.constant 3 : i32
        %add3A_466 = arith.addi %add3A_248, %add3A_465 : i32
        %add3A_467 = arith.addi %select_n3A, %add3A_466 : i32
        %mul3A_468 = arith.constant 128 : i32
        %mul3A_469 = arith.muli %add3A_467, %mul3A_468 : i32
        %multiple_of3A_470 = tpu.assume_multiple %mul3A_469, 128 : i32
        %dma_start3A_471 = arith.constant 1 : i32
        %dma_start3A_472 = arith.constant 0 : i32
        %dma_start3A_473 = arith.constant 0 : i32
        %dma_start3A_474 = tpu.memref_slice %arg6[%dma_start3A_471, %dma_start3A_472, %dma_start3A_473] : memref<3x2x128xi32, #tpu.memory_space<vmem>> -> memref<1x2x128xi32, #tpu.memory_space<vmem>>
        %dma_start3A_475 = tpu.memref_squeeze %dma_start3A_474 : memref<1x2x128xi32, #tpu.memory_space<vmem>> -> memref<2x128xi32, #tpu.memory_space<vmem>>
        %dma_start3A_476 = arith.constant 0 : i32
        %dma_start3A_477 = tpu.memref_slice %arg2[%dma_start3A_476, %multiple_of3A_470] : memref<2x320000xi32, #tpu.memory_space<hbm>> -> memref<2x128xi32, #tpu.memory_space<hbm>>
        %dma_start3A_478 = arith.constant 0 : i32
        %dma_start3A_479 = arith.constant 0 : i32
        %dma_start3A_480 = tpu.memref_slice %arg6[%dma_start3A_471, %dma_start3A_478, %dma_start3A_479] : memref<3x2x128xi32, #tpu.memory_space<vmem>> -> memref<1x2x128xi32, #tpu.memory_space<vmem>>
        %dma_start3A_481 = tpu.memref_squeeze %dma_start3A_480 : memref<1x2x128xi32, #tpu.memory_space<vmem>> -> memref<2x128xi32, #tpu.memory_space<vmem>>
        %dma_start3A_482 = arith.constant 0 : i32
        %dma_start3A_483 = tpu.memref_slice %arg2[%dma_start3A_482, %multiple_of3A_470] : memref<2x320000xi32, #tpu.memory_space<hbm>> -> memref<2x128xi32, #tpu.memory_space<hbm>>
        tpu.enqueue_dma source(%dma_start3A_483 : memref<2x128xi32, #tpu.memory_space<hbm>>) target(%dma_start3A_481 : memref<2x128xi32, #tpu.memory_space<vmem>>) target_semaphore(%arg17 : memref<!tpu.dma_semaphore, #tpu.memory_space<semaphore_mem>>)
      } else {
      }
      %mul3A_289 = arith.constant 6 : i32
      %mul3A_290 = arith.muli %scan3A_201, %mul3A_289 : i32
      %add3A_291 = arith.constant 2 : i32
      %add3A_292 = arith.addi %mul3A_290, %add3A_291 : i32
      %dma_wait3A_293 = arith.constant 2 : i32
      %dma_wait3A_294 = arith.constant 0 : i32
      %dma_wait3A_295 = arith.constant 0 : i32
      %dma_wait3A_296 = arith.constant 0 : i32
      %dma_wait3A_297 = arith.constant 0 : i32
      %dma_wait3A_298 = tpu.memref_slice %arg7[%dma_wait3A_295, %dma_wait3A_296, %dma_wait3A_297] : memref<2x128x128xf32, #tpu.memory_space<vmem>> -> memref<1x128x128xf32, #tpu.memory_space<vmem>>
      %dma_wait3A_299 = tpu.memref_squeeze %dma_wait3A_298 : memref<1x128x128xf32, #tpu.memory_space<vmem>> -> memref<128x128xf32, #tpu.memory_space<vmem>>
      %dma_wait3A_300 = arith.constant 0 : i32
      %dma_wait3A_301 = tpu.memref_slice %arg6[%dma_wait3A_293, %dma_wait3A_294, %dma_wait3A_300] : memref<3x2x128xi32, #tpu.memory_space<vmem>> -> memref<1x1x128xi32, #tpu.memory_space<vmem>>
      %dma_wait3A_302 = tpu.memref_squeeze %dma_wait3A_301 : memref<1x1x128xi32, #tpu.memory_space<vmem>> -> memref<128xi32, #tpu.memory_space<vmem>>
      %dma_wait3A_303 = arith.constant 0 : i32
      %dma_wait3A_304 = arith.constant 0 : i32
      %dma_wait3A_305 = tpu.memref_slice %arg3[%dma_wait3A_303, %dma_wait3A_304] : memref<10000x128xf32, #tpu.memory_space<hbm>> -> memref<10000x128xf32, #tpu.memory_space<hbm>>
      tpu.wait_indirect_dma semaphore(%arg12 : memref<!tpu.dma_semaphore, #tpu.memory_space<semaphore_mem>>) src(%dma_wait3A_305 : memref<10000x128xf32, #tpu.memory_space<hbm>>) dst(%dma_wait3A_299 : memref<128x128xf32, #tpu.memory_space<vmem>>)
      %dma_start3A_306 = arith.constant 0 : i32
      %dma_start3A_307 = arith.constant 2 : i32
      %dma_start3A_308 = arith.constant 1 : i32
      %dma_start3A_309 = arith.constant 0 : i32
      %dma_start3A_310 = arith.constant 0 : i32
      %dma_start3A_311 = tpu.memref_slice %arg7[%dma_start3A_306, %dma_start3A_309, %dma_start3A_310] : memref<2x128x128xf32, #tpu.memory_space<vmem>> -> memref<1x128x128xf32, #tpu.memory_space<vmem>>
      %dma_start3A_312 = tpu.memref_squeeze %dma_start3A_311 : memref<1x128x128xf32, #tpu.memory_space<vmem>> -> memref<128x128xf32, #tpu.memory_space<vmem>>
      %dma_start3A_313 = arith.constant 0 : i32
      %dma_start3A_314 = tpu.memref_slice %arg6[%dma_start3A_307, %dma_start3A_308, %dma_start3A_313] : memref<3x2x128xi32, #tpu.memory_space<vmem>> -> memref<1x1x128xi32, #tpu.memory_space<vmem>>
      %dma_start3A_315 = tpu.memref_squeeze %dma_start3A_314 : memref<1x1x128xi32, #tpu.memory_space<vmem>> -> memref<128xi32, #tpu.memory_space<vmem>>
      %dma_start3A_316 = arith.constant 0 : i32
      %dma_start3A_317 = arith.constant 0 : i32
      %dma_start3A_318 = tpu.memref_slice %arg10[%dma_start3A_316, %dma_start3A_317] : memref<10240x128xf32, #tpu.memory_space<vmem_shared>> -> memref<10240x128xf32, #tpu.memory_space<vmem_shared>>
      tpu.enqueue_indirect_dma source(%dma_start3A_312 : memref<128x128xf32, #tpu.memory_space<vmem>>) target(%dma_start3A_318 : memref<10240x128xf32, #tpu.memory_space<vmem_shared>>) offsets(%dma_start3A_315 : memref<128xi32, #tpu.memory_space<vmem>>) semaphore(%arg14 : memref<!tpu.dma_semaphore, #tpu.memory_space<semaphore_mem>>) {add = true}
      %add3A_319 = arith.constant 2 : i32
      %add3A_320 = arith.addi %add3A_292, %add3A_319 : i32
      %lt3A_321 = arith.constant 78 : i32
      %lt3A_322 = arith.cmpi slt, %add3A_320, %lt3A_321 : i32
      %convert_element_type3A_323 = arith.extui %lt3A_322 : i1 to i32
      %cond3A_324 = arith.constant 0 : i32
      %cond3A_325 = arith.cmpi ne, %convert_element_type3A_323, %cond3A_324 : i32
      scf.if %cond3A_325 {
        %dma_wait3A_465 = arith.constant 0 : i32
        %dma_wait3A_466 = arith.constant 2 : i32
        %dma_wait3A_467 = arith.constant 1 : i32
        %dma_wait3A_468 = arith.constant 0 : i32
        %dma_wait3A_469 = arith.constant 0 : i32
        %dma_wait3A_470 = tpu.memref_slice %arg7[%dma_wait3A_465, %dma_wait3A_468, %dma_wait3A_469] : memref<2x128x128xf32, #tpu.memory_space<vmem>> -> memref<1x128x128xf32, #tpu.memory_space<vmem>>
        %dma_wait3A_471 = tpu.memref_squeeze %dma_wait3A_470 : memref<1x128x128xf32, #tpu.memory_space<vmem>> -> memref<128x128xf32, #tpu.memory_space<vmem>>
        %dma_wait3A_472 = arith.constant 0 : i32
        %dma_wait3A_473 = tpu.memref_slice %arg6[%dma_wait3A_466, %dma_wait3A_467, %dma_wait3A_472] : memref<3x2x128xi32, #tpu.memory_space<vmem>> -> memref<1x1x128xi32, #tpu.memory_space<vmem>>
        %dma_wait3A_474 = tpu.memref_squeeze %dma_wait3A_473 : memref<1x1x128xi32, #tpu.memory_space<vmem>> -> memref<128xi32, #tpu.memory_space<vmem>>
        %dma_wait3A_475 = arith.constant 0 : i32
        %dma_wait3A_476 = arith.constant 0 : i32
        %dma_wait3A_477 = tpu.memref_slice %arg10[%dma_wait3A_475, %dma_wait3A_476] : memref<10240x128xf32, #tpu.memory_space<vmem_shared>> -> memref<10240x128xf32, #tpu.memory_space<vmem_shared>>
        tpu.wait_indirect_dma semaphore(%arg14 : memref<!tpu.dma_semaphore, #tpu.memory_space<semaphore_mem>>) src(%dma_wait3A_471 : memref<128x128xf32, #tpu.memory_space<vmem>>) dst(%dma_wait3A_477 : memref<10240x128xf32, #tpu.memory_space<vmem_shared>>)
        %add3A_478 = arith.constant 2 : i32
        %add3A_479 = arith.addi %add3A_292, %add3A_478 : i32
        %add3A_480 = arith.addi %select_n3A, %add3A_479 : i32
        %mul3A_481 = arith.constant 128 : i32
        %mul3A_482 = arith.muli %add3A_480, %mul3A_481 : i32
        %multiple_of3A_483 = tpu.assume_multiple %mul3A_482, 128 : i32
        %dma_wait3A_484 = arith.constant 1 : i32
        %dma_wait3A_485 = arith.constant 0 : i32
        %dma_wait3A_486 = arith.constant 0 : i32
        %dma_wait3A_487 = tpu.memref_slice %arg6[%dma_wait3A_484, %dma_wait3A_485, %dma_wait3A_486] : memref<3x2x128xi32, #tpu.memory_space<vmem>> -> memref<1x2x128xi32, #tpu.memory_space<vmem>>
        %dma_wait3A_488 = tpu.memref_squeeze %dma_wait3A_487 : memref<1x2x128xi32, #tpu.memory_space<vmem>> -> memref<2x128xi32, #tpu.memory_space<vmem>>
        %dma_wait3A_489 = arith.constant 0 : i32
        %dma_wait3A_490 = tpu.memref_slice %arg2[%dma_wait3A_489, %multiple_of3A_483] : memref<2x320000xi32, #tpu.memory_space<hbm>> -> memref<2x128xi32, #tpu.memory_space<hbm>>
        %dma_wait3A_491 = arith.constant 0 : i32
        %dma_wait3A_492 = arith.constant 0 : i32
        %dma_wait3A_493 = tpu.memref_slice %arg6[%dma_wait3A_484, %dma_wait3A_491, %dma_wait3A_492] : memref<3x2x128xi32, #tpu.memory_space<vmem>> -> memref<1x2x128xi32, #tpu.memory_space<vmem>>
        %dma_wait3A_494 = tpu.memref_squeeze %dma_wait3A_493 : memref<1x2x128xi32, #tpu.memory_space<vmem>> -> memref<2x128xi32, #tpu.memory_space<vmem>>
        %dma_wait3A_495 = arith.constant 0 : i32
        %dma_wait3A_496 = tpu.memref_slice %arg2[%dma_wait3A_495, %multiple_of3A_483] : memref<2x320000xi32, #tpu.memory_space<hbm>> -> memref<2x128xi32, #tpu.memory_space<hbm>>
        tpu.wait_dma2 semaphore(%arg17 : memref<!tpu.dma_semaphore, #tpu.memory_space<semaphore_mem>>) src(%dma_wait3A_496 : memref<2x128xi32, #tpu.memory_space<hbm>>) dst(%dma_wait3A_494 : memref<2x128xi32, #tpu.memory_space<vmem>>)
        %dma_start3A_497 = arith.constant 1 : i32
        %dma_start3A_498 = arith.constant 0 : i32
        %dma_start3A_499 = arith.constant 0 : i32
        %dma_start3A_500 = arith.constant 0 : i32
        %dma_start3A_501 = arith.constant 0 : i32
        %dma_start3A_502 = tpu.memref_slice %arg7[%dma_start3A_499, %dma_start3A_500, %dma_start3A_501] : memref<2x128x128xf32, #tpu.memory_space<vmem>> -> memref<1x128x128xf32, #tpu.memory_space<vmem>>
        %dma_start3A_503 = tpu.memref_squeeze %dma_start3A_502 : memref<1x128x128xf32, #tpu.memory_space<vmem>> -> memref<128x128xf32, #tpu.memory_space<vmem>>
        %dma_start3A_504 = arith.constant 0 : i32
        %dma_start3A_505 = tpu.memref_slice %arg6[%dma_start3A_497, %dma_start3A_498, %dma_start3A_504] : memref<3x2x128xi32, #tpu.memory_space<vmem>> -> memref<1x1x128xi32, #tpu.memory_space<vmem>>
        %dma_start3A_506 = tpu.memref_squeeze %dma_start3A_505 : memref<1x1x128xi32, #tpu.memory_space<vmem>> -> memref<128xi32, #tpu.memory_space<vmem>>
        %dma_start3A_507 = arith.constant 0 : i32
        %dma_start3A_508 = arith.constant 0 : i32
        %dma_start3A_509 = tpu.memref_slice %arg3[%dma_start3A_507, %dma_start3A_508] : memref<10000x128xf32, #tpu.memory_space<hbm>> -> memref<10000x128xf32, #tpu.memory_space<hbm>>
        tpu.enqueue_indirect_dma source(%dma_start3A_509 : memref<10000x128xf32, #tpu.memory_space<hbm>>) target(%dma_start3A_503 : memref<128x128xf32, #tpu.memory_space<vmem>>) offsets(%dma_start3A_506 : memref<128xi32, #tpu.memory_space<vmem>>) semaphore(%arg12 : memref<!tpu.dma_semaphore, #tpu.memory_space<semaphore_mem>>)
      } else {
      }
      %add3A_326 = arith.constant 3 : i32
      %add3A_327 = arith.addi %add3A_292, %add3A_326 : i32
      %lt3A_328 = arith.constant 78 : i32
      %lt3A_329 = arith.cmpi slt, %add3A_327, %lt3A_328 : i32
      %convert_element_type3A_330 = arith.extui %lt3A_329 : i1 to i32
      %cond3A_331 = arith.constant 0 : i32
      %cond3A_332 = arith.cmpi ne, %convert_element_type3A_330, %cond3A_331 : i32
      scf.if %cond3A_332 {
        %add3A_465 = arith.constant 3 : i32
        %add3A_466 = arith.addi %add3A_292, %add3A_465 : i32
        %add3A_467 = arith.addi %select_n3A, %add3A_466 : i32
        %mul3A_468 = arith.constant 128 : i32
        %mul3A_469 = arith.muli %add3A_467, %mul3A_468 : i32
        %multiple_of3A_470 = tpu.assume_multiple %mul3A_469, 128 : i32
        %dma_start3A_471 = arith.constant 2 : i32
        %dma_start3A_472 = arith.constant 0 : i32
        %dma_start3A_473 = arith.constant 0 : i32
        %dma_start3A_474 = tpu.memref_slice %arg6[%dma_start3A_471, %dma_start3A_472, %dma_start3A_473] : memref<3x2x128xi32, #tpu.memory_space<vmem>> -> memref<1x2x128xi32, #tpu.memory_space<vmem>>
        %dma_start3A_475 = tpu.memref_squeeze %dma_start3A_474 : memref<1x2x128xi32, #tpu.memory_space<vmem>> -> memref<2x128xi32, #tpu.memory_space<vmem>>
        %dma_start3A_476 = arith.constant 0 : i32
        %dma_start3A_477 = tpu.memref_slice %arg2[%dma_start3A_476, %multiple_of3A_470] : memref<2x320000xi32, #tpu.memory_space<hbm>> -> memref<2x128xi32, #tpu.memory_space<hbm>>
        %dma_start3A_478 = arith.constant 0 : i32
        %dma_start3A_479 = arith.constant 0 : i32
        %dma_start3A_480 = tpu.memref_slice %arg6[%dma_start3A_471, %dma_start3A_478, %dma_start3A_479] : memref<3x2x128xi32, #tpu.memory_space<vmem>> -> memref<1x2x128xi32, #tpu.memory_space<vmem>>
        %dma_start3A_481 = tpu.memref_squeeze %dma_start3A_480 : memref<1x2x128xi32, #tpu.memory_space<vmem>> -> memref<2x128xi32, #tpu.memory_space<vmem>>
        %dma_start3A_482 = arith.constant 0 : i32
        %dma_start3A_483 = tpu.memref_slice %arg2[%dma_start3A_482, %multiple_of3A_470] : memref<2x320000xi32, #tpu.memory_space<hbm>> -> memref<2x128xi32, #tpu.memory_space<hbm>>
        tpu.enqueue_dma source(%dma_start3A_483 : memref<2x128xi32, #tpu.memory_space<hbm>>) target(%dma_start3A_481 : memref<2x128xi32, #tpu.memory_space<vmem>>) target_semaphore(%arg18 : memref<!tpu.dma_semaphore, #tpu.memory_space<semaphore_mem>>)
      } else {
      }
      %mul3A_333 = arith.constant 6 : i32
      %mul3A_334 = arith.muli %scan3A_201, %mul3A_333 : i32
      %add3A_335 = arith.constant 3 : i32
      %add3A_336 = arith.addi %mul3A_334, %add3A_335 : i32
      %dma_wait3A_337 = arith.constant 0 : i32
      %dma_wait3A_338 = arith.constant 0 : i32
      %dma_wait3A_339 = arith.constant 1 : i32
      %dma_wait3A_340 = arith.constant 0 : i32
      %dma_wait3A_341 = arith.constant 0 : i32
      %dma_wait3A_342 = tpu.memref_slice %arg7[%dma_wait3A_339, %dma_wait3A_340, %dma_wait3A_341] : memref<2x128x128xf32, #tpu.memory_space<vmem>> -> memref<1x128x128xf32, #tpu.memory_space<vmem>>
      %dma_wait3A_343 = tpu.memref_squeeze %dma_wait3A_342 : memref<1x128x128xf32, #tpu.memory_space<vmem>> -> memref<128x128xf32, #tpu.memory_space<vmem>>
      %dma_wait3A_344 = arith.constant 0 : i32
      %dma_wait3A_345 = tpu.memref_slice %arg6[%dma_wait3A_337, %dma_wait3A_338, %dma_wait3A_344] : memref<3x2x128xi32, #tpu.memory_space<vmem>> -> memref<1x1x128xi32, #tpu.memory_space<vmem>>
      %dma_wait3A_346 = tpu.memref_squeeze %dma_wait3A_345 : memref<1x1x128xi32, #tpu.memory_space<vmem>> -> memref<128xi32, #tpu.memory_space<vmem>>
      %dma_wait3A_347 = arith.constant 0 : i32
      %dma_wait3A_348 = arith.constant 0 : i32
      %dma_wait3A_349 = tpu.memref_slice %arg3[%dma_wait3A_347, %dma_wait3A_348] : memref<10000x128xf32, #tpu.memory_space<hbm>> -> memref<10000x128xf32, #tpu.memory_space<hbm>>
      tpu.wait_indirect_dma semaphore(%arg13 : memref<!tpu.dma_semaphore, #tpu.memory_space<semaphore_mem>>) src(%dma_wait3A_349 : memref<10000x128xf32, #tpu.memory_space<hbm>>) dst(%dma_wait3A_343 : memref<128x128xf32, #tpu.memory_space<vmem>>)
      %dma_start3A_350 = arith.constant 1 : i32
      %dma_start3A_351 = arith.constant 0 : i32
      %dma_start3A_352 = arith.constant 1 : i32
      %dma_start3A_353 = arith.constant 0 : i32
      %dma_start3A_354 = arith.constant 0 : i32
      %dma_start3A_355 = tpu.memref_slice %arg7[%dma_start3A_350, %dma_start3A_353, %dma_start3A_354] : memref<2x128x128xf32, #tpu.memory_space<vmem>> -> memref<1x128x128xf32, #tpu.memory_space<vmem>>
      %dma_start3A_356 = tpu.memref_squeeze %dma_start3A_355 : memref<1x128x128xf32, #tpu.memory_space<vmem>> -> memref<128x128xf32, #tpu.memory_space<vmem>>
      %dma_start3A_357 = arith.constant 0 : i32
      %dma_start3A_358 = tpu.memref_slice %arg6[%dma_start3A_351, %dma_start3A_352, %dma_start3A_357] : memref<3x2x128xi32, #tpu.memory_space<vmem>> -> memref<1x1x128xi32, #tpu.memory_space<vmem>>
      %dma_start3A_359 = tpu.memref_squeeze %dma_start3A_358 : memref<1x1x128xi32, #tpu.memory_space<vmem>> -> memref<128xi32, #tpu.memory_space<vmem>>
      %dma_start3A_360 = arith.constant 0 : i32
      %dma_start3A_361 = arith.constant 0 : i32
      %dma_start3A_362 = tpu.memref_slice %arg10[%dma_start3A_360, %dma_start3A_361] : memref<10240x128xf32, #tpu.memory_space<vmem_shared>> -> memref<10240x128xf32, #tpu.memory_space<vmem_shared>>
      tpu.enqueue_indirect_dma source(%dma_start3A_356 : memref<128x128xf32, #tpu.memory_space<vmem>>) target(%dma_start3A_362 : memref<10240x128xf32, #tpu.memory_space<vmem_shared>>) offsets(%dma_start3A_359 : memref<128xi32, #tpu.memory_space<vmem>>) semaphore(%arg15 : memref<!tpu.dma_semaphore, #tpu.memory_space<semaphore_mem>>) {add = true}
      %add3A_363 = arith.constant 2 : i32
      %add3A_364 = arith.addi %add3A_336, %add3A_363 : i32
      %lt3A_365 = arith.constant 78 : i32
      %lt3A_366 = arith.cmpi slt, %add3A_364, %lt3A_365 : i32
      %convert_element_type3A_367 = arith.extui %lt3A_366 : i1 to i32
      %cond3A_368 = arith.constant 0 : i32
      %cond3A_369 = arith.cmpi ne, %convert_element_type3A_367, %cond3A_368 : i32
      scf.if %cond3A_369 {
        %dma_wait3A_465 = arith.constant 1 : i32
        %dma_wait3A_466 = arith.constant 0 : i32
        %dma_wait3A_467 = arith.constant 1 : i32
        %dma_wait3A_468 = arith.constant 0 : i32
        %dma_wait3A_469 = arith.constant 0 : i32
        %dma_wait3A_470 = tpu.memref_slice %arg7[%dma_wait3A_465, %dma_wait3A_468, %dma_wait3A_469] : memref<2x128x128xf32, #tpu.memory_space<vmem>> -> memref<1x128x128xf32, #tpu.memory_space<vmem>>
        %dma_wait3A_471 = tpu.memref_squeeze %dma_wait3A_470 : memref<1x128x128xf32, #tpu.memory_space<vmem>> -> memref<128x128xf32, #tpu.memory_space<vmem>>
        %dma_wait3A_472 = arith.constant 0 : i32
        %dma_wait3A_473 = tpu.memref_slice %arg6[%dma_wait3A_466, %dma_wait3A_467, %dma_wait3A_472] : memref<3x2x128xi32, #tpu.memory_space<vmem>> -> memref<1x1x128xi32, #tpu.memory_space<vmem>>
        %dma_wait3A_474 = tpu.memref_squeeze %dma_wait3A_473 : memref<1x1x128xi32, #tpu.memory_space<vmem>> -> memref<128xi32, #tpu.memory_space<vmem>>
        %dma_wait3A_475 = arith.constant 0 : i32
        %dma_wait3A_476 = arith.constant 0 : i32
        %dma_wait3A_477 = tpu.memref_slice %arg10[%dma_wait3A_475, %dma_wait3A_476] : memref<10240x128xf32, #tpu.memory_space<vmem_shared>> -> memref<10240x128xf32, #tpu.memory_space<vmem_shared>>
        tpu.wait_indirect_dma semaphore(%arg15 : memref<!tpu.dma_semaphore, #tpu.memory_space<semaphore_mem>>) src(%dma_wait3A_471 : memref<128x128xf32, #tpu.memory_space<vmem>>) dst(%dma_wait3A_477 : memref<10240x128xf32, #tpu.memory_space<vmem_shared>>)
        %add3A_478 = arith.constant 2 : i32
        %add3A_479 = arith.addi %add3A_336, %add3A_478 : i32
        %add3A_480 = arith.addi %select_n3A, %add3A_479 : i32
        %mul3A_481 = arith.constant 128 : i32
        %mul3A_482 = arith.muli %add3A_480, %mul3A_481 : i32
        %multiple_of3A_483 = tpu.assume_multiple %mul3A_482, 128 : i32
        %dma_wait3A_484 = arith.constant 2 : i32
        %dma_wait3A_485 = arith.constant 0 : i32
        %dma_wait3A_486 = arith.constant 0 : i32
        %dma_wait3A_487 = tpu.memref_slice %arg6[%dma_wait3A_484, %dma_wait3A_485, %dma_wait3A_486] : memref<3x2x128xi32, #tpu.memory_space<vmem>> -> memref<1x2x128xi32, #tpu.memory_space<vmem>>
        %dma_wait3A_488 = tpu.memref_squeeze %dma_wait3A_487 : memref<1x2x128xi32, #tpu.memory_space<vmem>> -> memref<2x128xi32, #tpu.memory_space<vmem>>
        %dma_wait3A_489 = arith.constant 0 : i32
        %dma_wait3A_490 = tpu.memref_slice %arg2[%dma_wait3A_489, %multiple_of3A_483] : memref<2x320000xi32, #tpu.memory_space<hbm>> -> memref<2x128xi32, #tpu.memory_space<hbm>>
        %dma_wait3A_491 = arith.constant 0 : i32
        %dma_wait3A_492 = arith.constant 0 : i32
        %dma_wait3A_493 = tpu.memref_slice %arg6[%dma_wait3A_484, %dma_wait3A_491, %dma_wait3A_492] : memref<3x2x128xi32, #tpu.memory_space<vmem>> -> memref<1x2x128xi32, #tpu.memory_space<vmem>>
        %dma_wait3A_494 = tpu.memref_squeeze %dma_wait3A_493 : memref<1x2x128xi32, #tpu.memory_space<vmem>> -> memref<2x128xi32, #tpu.memory_space<vmem>>
        %dma_wait3A_495 = arith.constant 0 : i32
        %dma_wait3A_496 = tpu.memref_slice %arg2[%dma_wait3A_495, %multiple_of3A_483] : memref<2x320000xi32, #tpu.memory_space<hbm>> -> memref<2x128xi32, #tpu.memory_space<hbm>>
        tpu.wait_dma2 semaphore(%arg18 : memref<!tpu.dma_semaphore, #tpu.memory_space<semaphore_mem>>) src(%dma_wait3A_496 : memref<2x128xi32, #tpu.memory_space<hbm>>) dst(%dma_wait3A_494 : memref<2x128xi32, #tpu.memory_space<vmem>>)
        %dma_start3A_497 = arith.constant 2 : i32
        %dma_start3A_498 = arith.constant 0 : i32
        %dma_start3A_499 = arith.constant 1 : i32
        %dma_start3A_500 = arith.constant 0 : i32
        %dma_start3A_501 = arith.constant 0 : i32
        %dma_start3A_502 = tpu.memref_slice %arg7[%dma_start3A_499, %dma_start3A_500, %dma_start3A_501] : memref<2x128x128xf32, #tpu.memory_space<vmem>> -> memref<1x128x128xf32, #tpu.memory_space<vmem>>
        %dma_start3A_503 = tpu.memref_squeeze %dma_start3A_502 : memref<1x128x128xf32, #tpu.memory_space<vmem>> -> memref<128x128xf32, #tpu.memory_space<vmem>>
        %dma_start3A_504 = arith.constant 0 : i32
        %dma_start3A_505 = tpu.memref_slice %arg6[%dma_start3A_497, %dma_start3A_498, %dma_start3A_504] : memref<3x2x128xi32, #tpu.memory_space<vmem>> -> memref<1x1x128xi32, #tpu.memory_space<vmem>>
        %dma_start3A_506 = tpu.memref_squeeze %dma_start3A_505 : memref<1x1x128xi32, #tpu.memory_space<vmem>> -> memref<128xi32, #tpu.memory_space<vmem>>
        %dma_start3A_507 = arith.constant 0 : i32
        %dma_start3A_508 = arith.constant 0 : i32
        %dma_start3A_509 = tpu.memref_slice %arg3[%dma_start3A_507, %dma_start3A_508] : memref<10000x128xf32, #tpu.memory_space<hbm>> -> memref<10000x128xf32, #tpu.memory_space<hbm>>
        tpu.enqueue_indirect_dma source(%dma_start3A_509 : memref<10000x128xf32, #tpu.memory_space<hbm>>) target(%dma_start3A_503 : memref<128x128xf32, #tpu.memory_space<vmem>>) offsets(%dma_start3A_506 : memref<128xi32, #tpu.memory_space<vmem>>) semaphore(%arg13 : memref<!tpu.dma_semaphore, #tpu.memory_space<semaphore_mem>>)
      } else {
      }
      %add3A_370 = arith.constant 3 : i32
      %add3A_371 = arith.addi %add3A_336, %add3A_370 : i32
      %lt3A_372 = arith.constant 78 : i32
      %lt3A_373 = arith.cmpi slt, %add3A_371, %lt3A_372 : i32
      %convert_element_type3A_374 = arith.extui %lt3A_373 : i1 to i32
      %cond3A_375 = arith.constant 0 : i32
      %cond3A_376 = arith.cmpi ne, %convert_element_type3A_374, %cond3A_375 : i32
      scf.if %cond3A_376 {
        %add3A_465 = arith.constant 3 : i32
        %add3A_466 = arith.addi %add3A_336, %add3A_465 : i32
        %add3A_467 = arith.addi %select_n3A, %add3A_466 : i32
        %mul3A_468 = arith.constant 128 : i32
        %mul3A_469 = arith.muli %add3A_467, %mul3A_468 : i32
        %multiple_of3A_470 = tpu.assume_multiple %mul3A_469, 128 : i32
        %dma_start3A_471 = arith.constant 0 : i32
        %dma_start3A_472 = arith.constant 0 : i32
        %dma_start3A_473 = arith.constant 0 : i32
        %dma_start3A_474 = tpu.memref_slice %arg6[%dma_start3A_471, %dma_start3A_472, %dma_start3A_473] : memref<3x2x128xi32, #tpu.memory_space<vmem>> -> memref<1x2x128xi32, #tpu.memory_space<vmem>>
        %dma_start3A_475 = tpu.memref_squeeze %dma_start3A_474 : memref<1x2x128xi32, #tpu.memory_space<vmem>> -> memref<2x128xi32, #tpu.memory_space<vmem>>
        %dma_start3A_476 = arith.constant 0 : i32
        %dma_start3A_477 = tpu.memref_slice %arg2[%dma_start3A_476, %multiple_of3A_470] : memref<2x320000xi32, #tpu.memory_space<hbm>> -> memref<2x128xi32, #tpu.memory_space<hbm>>
        %dma_start3A_478 = arith.constant 0 : i32
        %dma_start3A_479 = arith.constant 0 : i32
        %dma_start3A_480 = tpu.memref_slice %arg6[%dma_start3A_471, %dma_start3A_478, %dma_start3A_479] : memref<3x2x128xi32, #tpu.memory_space<vmem>> -> memref<1x2x128xi32, #tpu.memory_space<vmem>>
        %dma_start3A_481 = tpu.memref_squeeze %dma_start3A_480 : memref<1x2x128xi32, #tpu.memory_space<vmem>> -> memref<2x128xi32, #tpu.memory_space<vmem>>
        %dma_start3A_482 = arith.constant 0 : i32
        %dma_start3A_483 = tpu.memref_slice %arg2[%dma_start3A_482, %multiple_of3A_470] : memref<2x320000xi32, #tpu.memory_space<hbm>> -> memref<2x128xi32, #tpu.memory_space<hbm>>
        tpu.enqueue_dma source(%dma_start3A_483 : memref<2x128xi32, #tpu.memory_space<hbm>>) target(%dma_start3A_481 : memref<2x128xi32, #tpu.memory_space<vmem>>) target_semaphore(%arg16 : memref<!tpu.dma_semaphore, #tpu.memory_space<semaphore_mem>>)
      } else {
      }
      %mul3A_377 = arith.constant 6 : i32
      %mul3A_378 = arith.muli %scan3A_201, %mul3A_377 : i32
      %add3A_379 = arith.constant 4 : i32
      %add3A_380 = arith.addi %mul3A_378, %add3A_379 : i32
      %dma_wait3A_381 = arith.constant 1 : i32
      %dma_wait3A_382 = arith.constant 0 : i32
      %dma_wait3A_383 = arith.constant 0 : i32
      %dma_wait3A_384 = arith.constant 0 : i32
      %dma_wait3A_385 = arith.constant 0 : i32
      %dma_wait3A_386 = tpu.memref_slice %arg7[%dma_wait3A_383, %dma_wait3A_384, %dma_wait3A_385] : memref<2x128x128xf32, #tpu.memory_space<vmem>> -> memref<1x128x128xf32, #tpu.memory_space<vmem>>
      %dma_wait3A_387 = tpu.memref_squeeze %dma_wait3A_386 : memref<1x128x128xf32, #tpu.memory_space<vmem>> -> memref<128x128xf32, #tpu.memory_space<vmem>>
      %dma_wait3A_388 = arith.constant 0 : i32
      %dma_wait3A_389 = tpu.memref_slice %arg6[%dma_wait3A_381, %dma_wait3A_382, %dma_wait3A_388] : memref<3x2x128xi32, #tpu.memory_space<vmem>> -> memref<1x1x128xi32, #tpu.memory_space<vmem>>
      %dma_wait3A_390 = tpu.memref_squeeze %dma_wait3A_389 : memref<1x1x128xi32, #tpu.memory_space<vmem>> -> memref<128xi32, #tpu.memory_space<vmem>>
      %dma_wait3A_391 = arith.constant 0 : i32
      %dma_wait3A_392 = arith.constant 0 : i32
      %dma_wait3A_393 = tpu.memref_slice %arg3[%dma_wait3A_391, %dma_wait3A_392] : memref<10000x128xf32, #tpu.memory_space<hbm>> -> memref<10000x128xf32, #tpu.memory_space<hbm>>
      tpu.wait_indirect_dma semaphore(%arg12 : memref<!tpu.dma_semaphore, #tpu.memory_space<semaphore_mem>>) src(%dma_wait3A_393 : memref<10000x128xf32, #tpu.memory_space<hbm>>) dst(%dma_wait3A_387 : memref<128x128xf32, #tpu.memory_space<vmem>>)
      %dma_start3A_394 = arith.constant 0 : i32
      %dma_start3A_395 = arith.constant 1 : i32
      %dma_start3A_396 = arith.constant 1 : i32
      %dma_start3A_397 = arith.constant 0 : i32
      %dma_start3A_398 = arith.constant 0 : i32
      %dma_start3A_399 = tpu.memref_slice %arg7[%dma_start3A_394, %dma_start3A_397, %dma_start3A_398] : memref<2x128x128xf32, #tpu.memory_space<vmem>> -> memref<1x128x128xf32, #tpu.memory_space<vmem>>
      %dma_start3A_400 = tpu.memref_squeeze %dma_start3A_399 : memref<1x128x128xf32, #tpu.memory_space<vmem>> -> memref<128x128xf32, #tpu.memory_space<vmem>>
      %dma_start3A_401 = arith.constant 0 : i32
      %dma_start3A_402 = tpu.memref_slice %arg6[%dma_start3A_395, %dma_start3A_396, %dma_start3A_401] : memref<3x2x128xi32, #tpu.memory_space<vmem>> -> memref<1x1x128xi32, #tpu.memory_space<vmem>>
      %dma_start3A_403 = tpu.memref_squeeze %dma_start3A_402 : memref<1x1x128xi32, #tpu.memory_space<vmem>> -> memref<128xi32, #tpu.memory_space<vmem>>
      %dma_start3A_404 = arith.constant 0 : i32
      %dma_start3A_405 = arith.constant 0 : i32
      %dma_start3A_406 = tpu.memref_slice %arg10[%dma_start3A_404, %dma_start3A_405] : memref<10240x128xf32, #tpu.memory_space<vmem_shared>> -> memref<10240x128xf32, #tpu.memory_space<vmem_shared>>
      tpu.enqueue_indirect_dma source(%dma_start3A_400 : memref<128x128xf32, #tpu.memory_space<vmem>>) target(%dma_start3A_406 : memref<10240x128xf32, #tpu.memory_space<vmem_shared>>) offsets(%dma_start3A_403 : memref<128xi32, #tpu.memory_space<vmem>>) semaphore(%arg14 : memref<!tpu.dma_semaphore, #tpu.memory_space<semaphore_mem>>) {add = true}
      %add3A_407 = arith.constant 2 : i32
      %add3A_408 = arith.addi %add3A_380, %add3A_407 : i32
      %lt3A_409 = arith.constant 78 : i32
      %lt3A_410 = arith.cmpi slt, %add3A_408, %lt3A_409 : i32
      %convert_element_type3A_411 = arith.extui %lt3A_410 : i1 to i32
      %cond3A_412 = arith.constant 0 : i32
      %cond3A_413 = arith.cmpi ne, %convert_element_type3A_411, %cond3A_412 : i32
      scf.if %cond3A_413 {
        %dma_wait3A_465 = arith.constant 0 : i32
        %dma_wait3A_466 = arith.constant 1 : i32
        %dma_wait3A_467 = arith.constant 1 : i32
        %dma_wait3A_468 = arith.constant 0 : i32
        %dma_wait3A_469 = arith.constant 0 : i32
        %dma_wait3A_470 = tpu.memref_slice %arg7[%dma_wait3A_465, %dma_wait3A_468, %dma_wait3A_469] : memref<2x128x128xf32, #tpu.memory_space<vmem>> -> memref<1x128x128xf32, #tpu.memory_space<vmem>>
        %dma_wait3A_471 = tpu.memref_squeeze %dma_wait3A_470 : memref<1x128x128xf32, #tpu.memory_space<vmem>> -> memref<128x128xf32, #tpu.memory_space<vmem>>
        %dma_wait3A_472 = arith.constant 0 : i32
        %dma_wait3A_473 = tpu.memref_slice %arg6[%dma_wait3A_466, %dma_wait3A_467, %dma_wait3A_472] : memref<3x2x128xi32, #tpu.memory_space<vmem>> -> memref<1x1x128xi32, #tpu.memory_space<vmem>>
        %dma_wait3A_474 = tpu.memref_squeeze %dma_wait3A_473 : memref<1x1x128xi32, #tpu.memory_space<vmem>> -> memref<128xi32, #tpu.memory_space<vmem>>
        %dma_wait3A_475 = arith.constant 0 : i32
        %dma_wait3A_476 = arith.constant 0 : i32
        %dma_wait3A_477 = tpu.memref_slice %arg10[%dma_wait3A_475, %dma_wait3A_476] : memref<10240x128xf32, #tpu.memory_space<vmem_shared>> -> memref<10240x128xf32, #tpu.memory_space<vmem_shared>>
        tpu.wait_indirect_dma semaphore(%arg14 : memref<!tpu.dma_semaphore, #tpu.memory_space<semaphore_mem>>) src(%dma_wait3A_471 : memref<128x128xf32, #tpu.memory_space<vmem>>) dst(%dma_wait3A_477 : memref<10240x128xf32, #tpu.memory_space<vmem_shared>>)
        %add3A_478 = arith.constant 2 : i32
        %add3A_479 = arith.addi %add3A_380, %add3A_478 : i32
        %add3A_480 = arith.addi %select_n3A, %add3A_479 : i32
        %mul3A_481 = arith.constant 128 : i32
        %mul3A_482 = arith.muli %add3A_480, %mul3A_481 : i32
        %multiple_of3A_483 = tpu.assume_multiple %mul3A_482, 128 : i32
        %dma_wait3A_484 = arith.constant 0 : i32
        %dma_wait3A_485 = arith.constant 0 : i32
        %dma_wait3A_486 = arith.constant 0 : i32
        %dma_wait3A_487 = tpu.memref_slice %arg6[%dma_wait3A_484, %dma_wait3A_485, %dma_wait3A_486] : memref<3x2x128xi32, #tpu.memory_space<vmem>> -> memref<1x2x128xi32, #tpu.memory_space<vmem>>
        %dma_wait3A_488 = tpu.memref_squeeze %dma_wait3A_487 : memref<1x2x128xi32, #tpu.memory_space<vmem>> -> memref<2x128xi32, #tpu.memory_space<vmem>>
        %dma_wait3A_489 = arith.constant 0 : i32
        %dma_wait3A_490 = tpu.memref_slice %arg2[%dma_wait3A_489, %multiple_of3A_483] : memref<2x320000xi32, #tpu.memory_space<hbm>> -> memref<2x128xi32, #tpu.memory_space<hbm>>
        %dma_wait3A_491 = arith.constant 0 : i32
        %dma_wait3A_492 = arith.constant 0 : i32
        %dma_wait3A_493 = tpu.memref_slice %arg6[%dma_wait3A_484, %dma_wait3A_491, %dma_wait3A_492] : memref<3x2x128xi32, #tpu.memory_space<vmem>> -> memref<1x2x128xi32, #tpu.memory_space<vmem>>
        %dma_wait3A_494 = tpu.memref_squeeze %dma_wait3A_493 : memref<1x2x128xi32, #tpu.memory_space<vmem>> -> memref<2x128xi32, #tpu.memory_space<vmem>>
        %dma_wait3A_495 = arith.constant 0 : i32
        %dma_wait3A_496 = tpu.memref_slice %arg2[%dma_wait3A_495, %multiple_of3A_483] : memref<2x320000xi32, #tpu.memory_space<hbm>> -> memref<2x128xi32, #tpu.memory_space<hbm>>
        tpu.wait_dma2 semaphore(%arg16 : memref<!tpu.dma_semaphore, #tpu.memory_space<semaphore_mem>>) src(%dma_wait3A_496 : memref<2x128xi32, #tpu.memory_space<hbm>>) dst(%dma_wait3A_494 : memref<2x128xi32, #tpu.memory_space<vmem>>)
        %dma_start3A_497 = arith.constant 0 : i32
        %dma_start3A_498 = arith.constant 0 : i32
        %dma_start3A_499 = arith.constant 0 : i32
        %dma_start3A_500 = arith.constant 0 : i32
        %dma_start3A_501 = arith.constant 0 : i32
        %dma_start3A_502 = tpu.memref_slice %arg7[%dma_start3A_499, %dma_start3A_500, %dma_start3A_501] : memref<2x128x128xf32, #tpu.memory_space<vmem>> -> memref<1x128x128xf32, #tpu.memory_space<vmem>>
        %dma_start3A_503 = tpu.memref_squeeze %dma_start3A_502 : memref<1x128x128xf32, #tpu.memory_space<vmem>> -> memref<128x128xf32, #tpu.memory_space<vmem>>
        %dma_start3A_504 = arith.constant 0 : i32
        %dma_start3A_505 = tpu.memref_slice %arg6[%dma_start3A_497, %dma_start3A_498, %dma_start3A_504] : memref<3x2x128xi32, #tpu.memory_space<vmem>> -> memref<1x1x128xi32, #tpu.memory_space<vmem>>
        %dma_start3A_506 = tpu.memref_squeeze %dma_start3A_505 : memref<1x1x128xi32, #tpu.memory_space<vmem>> -> memref<128xi32, #tpu.memory_space<vmem>>
        %dma_start3A_507 = arith.constant 0 : i32
        %dma_start3A_508 = arith.constant 0 : i32
        %dma_start3A_509 = tpu.memref_slice %arg3[%dma_start3A_507, %dma_start3A_508] : memref<10000x128xf32, #tpu.memory_space<hbm>> -> memref<10000x128xf32, #tpu.memory_space<hbm>>
        tpu.enqueue_indirect_dma source(%dma_start3A_509 : memref<10000x128xf32, #tpu.memory_space<hbm>>) target(%dma_start3A_503 : memref<128x128xf32, #tpu.memory_space<vmem>>) offsets(%dma_start3A_506 : memref<128xi32, #tpu.memory_space<vmem>>) semaphore(%arg12 : memref<!tpu.dma_semaphore, #tpu.memory_space<semaphore_mem>>)
      } else {
      }
      %add3A_414 = arith.constant 3 : i32
      %add3A_415 = arith.addi %add3A_380, %add3A_414 : i32
      %lt3A_416 = arith.constant 78 : i32
      %lt3A_417 = arith.cmpi slt, %add3A_415, %lt3A_416 : i32
      %convert_element_type3A_418 = arith.extui %lt3A_417 : i1 to i32
      %cond3A_419 = arith.constant 0 : i32
      %cond3A_420 = arith.cmpi ne, %convert_element_type3A_418, %cond3A_419 : i32
      scf.if %cond3A_420 {
        %add3A_465 = arith.constant 3 : i32
        %add3A_466 = arith.addi %add3A_380, %add3A_465 : i32
        %add3A_467 = arith.addi %select_n3A, %add3A_466 : i32
        %mul3A_468 = arith.constant 128 : i32
        %mul3A_469 = arith.muli %add3A_467, %mul3A_468 : i32
        %multiple_of3A_470 = tpu.assume_multiple %mul3A_469, 128 : i32
        %dma_start3A_471 = arith.constant 1 : i32
        %dma_start3A_472 = arith.constant 0 : i32
        %dma_start3A_473 = arith.constant 0 : i32
        %dma_start3A_474 = tpu.memref_slice %arg6[%dma_start3A_471, %dma_start3A_472, %dma_start3A_473] : memref<3x2x128xi32, #tpu.memory_space<vmem>> -> memref<1x2x128xi32, #tpu.memory_space<vmem>>
        %dma_start3A_475 = tpu.memref_squeeze %dma_start3A_474 : memref<1x2x128xi32, #tpu.memory_space<vmem>> -> memref<2x128xi32, #tpu.memory_space<vmem>>
        %dma_start3A_476 = arith.constant 0 : i32
        %dma_start3A_477 = tpu.memref_slice %arg2[%dma_start3A_476, %multiple_of3A_470] : memref<2x320000xi32, #tpu.memory_space<hbm>> -> memref<2x128xi32, #tpu.memory_space<hbm>>
        %dma_start3A_478 = arith.constant 0 : i32
        %dma_start3A_479 = arith.constant 0 : i32
        %dma_start3A_480 = tpu.memref_slice %arg6[%dma_start3A_471, %dma_start3A_478, %dma_start3A_479] : memref<3x2x128xi32, #tpu.memory_space<vmem>> -> memref<1x2x128xi32, #tpu.memory_space<vmem>>
        %dma_start3A_481 = tpu.memref_squeeze %dma_start3A_480 : memref<1x2x128xi32, #tpu.memory_space<vmem>> -> memref<2x128xi32, #tpu.memory_space<vmem>>
        %dma_start3A_482 = arith.constant 0 : i32
        %dma_start3A_483 = tpu.memref_slice %arg2[%dma_start3A_482, %multiple_of3A_470] : memref<2x320000xi32, #tpu.memory_space<hbm>> -> memref<2x128xi32, #tpu.memory_space<hbm>>
        tpu.enqueue_dma source(%dma_start3A_483 : memref<2x128xi32, #tpu.memory_space<hbm>>) target(%dma_start3A_481 : memref<2x128xi32, #tpu.memory_space<vmem>>) target_semaphore(%arg17 : memref<!tpu.dma_semaphore, #tpu.memory_space<semaphore_mem>>)
      } else {
      }
      %mul3A_421 = arith.constant 6 : i32
      %mul3A_422 = arith.muli %scan3A_201, %mul3A_421 : i32
      %add3A_423 = arith.constant 5 : i32
      %add3A_424 = arith.addi %mul3A_422, %add3A_423 : i32
      %dma_wait3A_425 = arith.constant 2 : i32
      %dma_wait3A_426 = arith.constant 0 : i32
      %dma_wait3A_427 = arith.constant 1 : i32
      %dma_wait3A_428 = arith.constant 0 : i32
      %dma_wait3A_429 = arith.constant 0 : i32
      %dma_wait3A_430 = tpu.memref_slice %arg7[%dma_wait3A_427, %dma_wait3A_428, %dma_wait3A_429] : memref<2x128x128xf32, #tpu.memory_space<vmem>> -> memref<1x128x128xf32, #tpu.memory_space<vmem>>
      %dma_wait3A_431 = tpu.memref_squeeze %dma_wait3A_430 : memref<1x128x128xf32, #tpu.memory_space<vmem>> -> memref<128x128xf32, #tpu.memory_space<vmem>>
      %dma_wait3A_432 = arith.constant 0 : i32
      %dma_wait3A_433 = tpu.memref_slice %arg6[%dma_wait3A_425, %dma_wait3A_426, %dma_wait3A_432] : memref<3x2x128xi32, #tpu.memory_space<vmem>> -> memref<1x1x128xi32, #tpu.memory_space<vmem>>
      %dma_wait3A_434 = tpu.memref_squeeze %dma_wait3A_433 : memref<1x1x128xi32, #tpu.memory_space<vmem>> -> memref<128xi32, #tpu.memory_space<vmem>>
      %dma_wait3A_435 = arith.constant 0 : i32
      %dma_wait3A_436 = arith.constant 0 : i32
      %dma_wait3A_437 = tpu.memref_slice %arg3[%dma_wait3A_435, %dma_wait3A_436] : memref<10000x128xf32, #tpu.memory_space<hbm>> -> memref<10000x128xf32, #tpu.memory_space<hbm>>
      tpu.wait_indirect_dma semaphore(%arg13 : memref<!tpu.dma_semaphore, #tpu.memory_space<semaphore_mem>>) src(%dma_wait3A_437 : memref<10000x128xf32, #tpu.memory_space<hbm>>) dst(%dma_wait3A_431 : memref<128x128xf32, #tpu.memory_space<vmem>>)
      %dma_start3A_438 = arith.constant 1 : i32
      %dma_start3A_439 = arith.constant 2 : i32
      %dma_start3A_440 = arith.constant 1 : i32
      %dma_start3A_441 = arith.constant 0 : i32
      %dma_start3A_442 = arith.constant 0 : i32
      %dma_start3A_443 = tpu.memref_slice %arg7[%dma_start3A_438, %dma_start3A_441, %dma_start3A_442] : memref<2x128x128xf32, #tpu.memory_space<vmem>> -> memref<1x128x128xf32, #tpu.memory_space<vmem>>
      %dma_start3A_444 = tpu.memref_squeeze %dma_start3A_443 : memref<1x128x128xf32, #tpu.memory_space<vmem>> -> memref<128x128xf32, #tpu.memory_space<vmem>>
      %dma_start3A_445 = arith.constant 0 : i32
      %dma_start3A_446 = tpu.memref_slice %arg6[%dma_start3A_439, %dma_start3A_440, %dma_start3A_445] : memref<3x2x128xi32, #tpu.memory_space<vmem>> -> memref<1x1x128xi32, #tpu.memory_space<vmem>>
      %dma_start3A_447 = tpu.memref_squeeze %dma_start3A_446 : memref<1x1x128xi32, #tpu.memory_space<vmem>> -> memref<128xi32, #tpu.memory_space<vmem>>
      %dma_start3A_448 = arith.constant 0 : i32
      %dma_start3A_449 = arith.constant 0 : i32
      %dma_start3A_450 = tpu.memref_slice %arg10[%dma_start3A_448, %dma_start3A_449] : memref<10240x128xf32, #tpu.memory_space<vmem_shared>> -> memref<10240x128xf32, #tpu.memory_space<vmem_shared>>
      tpu.enqueue_indirect_dma source(%dma_start3A_444 : memref<128x128xf32, #tpu.memory_space<vmem>>) target(%dma_start3A_450 : memref<10240x128xf32, #tpu.memory_space<vmem_shared>>) offsets(%dma_start3A_447 : memref<128xi32, #tpu.memory_space<vmem>>) semaphore(%arg15 : memref<!tpu.dma_semaphore, #tpu.memory_space<semaphore_mem>>) {add = true}
      %add3A_451 = arith.constant 2 : i32
      %add3A_452 = arith.addi %add3A_424, %add3A_451 : i32
      %lt3A_453 = arith.constant 78 : i32
      %lt3A_454 = arith.cmpi slt, %add3A_452, %lt3A_453 : i32
      %convert_element_type3A_455 = arith.extui %lt3A_454 : i1 to i32
      %cond3A_456 = arith.constant 0 : i32
      %cond3A_457 = arith.cmpi ne, %convert_element_type3A_455, %cond3A_456 : i32
      scf.if %cond3A_457 {
        %dma_wait3A_465 = arith.constant 1 : i32
        %dma_wait3A_466 = arith.constant 2 : i32
        %dma_wait3A_467 = arith.constant 1 : i32
        %dma_wait3A_468 = arith.constant 0 : i32
        %dma_wait3A_469 = arith.constant 0 : i32
        %dma_wait3A_470 = tpu.memref_slice %arg7[%dma_wait3A_465, %dma_wait3A_468, %dma_wait3A_469] : memref<2x128x128xf32, #tpu.memory_space<vmem>> -> memref<1x128x128xf32, #tpu.memory_space<vmem>>
        %dma_wait3A_471 = tpu.memref_squeeze %dma_wait3A_470 : memref<1x128x128xf32, #tpu.memory_space<vmem>> -> memref<128x128xf32, #tpu.memory_space<vmem>>
        %dma_wait3A_472 = arith.constant 0 : i32
        %dma_wait3A_473 = tpu.memref_slice %arg6[%dma_wait3A_466, %dma_wait3A_467, %dma_wait3A_472] : memref<3x2x128xi32, #tpu.memory_space<vmem>> -> memref<1x1x128xi32, #tpu.memory_space<vmem>>
        %dma_wait3A_474 = tpu.memref_squeeze %dma_wait3A_473 : memref<1x1x128xi32, #tpu.memory_space<vmem>> -> memref<128xi32, #tpu.memory_space<vmem>>
        %dma_wait3A_475 = arith.constant 0 : i32
        %dma_wait3A_476 = arith.constant 0 : i32
        %dma_wait3A_477 = tpu.memref_slice %arg10[%dma_wait3A_475, %dma_wait3A_476] : memref<10240x128xf32, #tpu.memory_space<vmem_shared>> -> memref<10240x128xf32, #tpu.memory_space<vmem_shared>>
        tpu.wait_indirect_dma semaphore(%arg15 : memref<!tpu.dma_semaphore, #tpu.memory_space<semaphore_mem>>) src(%dma_wait3A_471 : memref<128x128xf32, #tpu.memory_space<vmem>>) dst(%dma_wait3A_477 : memref<10240x128xf32, #tpu.memory_space<vmem_shared>>)
        %add3A_478 = arith.constant 2 : i32
        %add3A_479 = arith.addi %add3A_424, %add3A_478 : i32
        %add3A_480 = arith.addi %select_n3A, %add3A_479 : i32
        %mul3A_481 = arith.constant 128 : i32
        %mul3A_482 = arith.muli %add3A_480, %mul3A_481 : i32
        %multiple_of3A_483 = tpu.assume_multiple %mul3A_482, 128 : i32
        %dma_wait3A_484 = arith.constant 1 : i32
        %dma_wait3A_485 = arith.constant 0 : i32
        %dma_wait3A_486 = arith.constant 0 : i32
        %dma_wait3A_487 = tpu.memref_slice %arg6[%dma_wait3A_484, %dma_wait3A_485, %dma_wait3A_486] : memref<3x2x128xi32, #tpu.memory_space<vmem>> -> memref<1x2x128xi32, #tpu.memory_space<vmem>>
        %dma_wait3A_488 = tpu.memref_squeeze %dma_wait3A_487 : memref<1x2x128xi32, #tpu.memory_space<vmem>> -> memref<2x128xi32, #tpu.memory_space<vmem>>
        %dma_wait3A_489 = arith.constant 0 : i32
        %dma_wait3A_490 = tpu.memref_slice %arg2[%dma_wait3A_489, %multiple_of3A_483] : memref<2x320000xi32, #tpu.memory_space<hbm>> -> memref<2x128xi32, #tpu.memory_space<hbm>>
        %dma_wait3A_491 = arith.constant 0 : i32
        %dma_wait3A_492 = arith.constant 0 : i32
        %dma_wait3A_493 = tpu.memref_slice %arg6[%dma_wait3A_484, %dma_wait3A_491, %dma_wait3A_492] : memref<3x2x128xi32, #tpu.memory_space<vmem>> -> memref<1x2x128xi32, #tpu.memory_space<vmem>>
        %dma_wait3A_494 = tpu.memref_squeeze %dma_wait3A_493 : memref<1x2x128xi32, #tpu.memory_space<vmem>> -> memref<2x128xi32, #tpu.memory_space<vmem>>
        %dma_wait3A_495 = arith.constant 0 : i32
        %dma_wait3A_496 = tpu.memref_slice %arg2[%dma_wait3A_495, %multiple_of3A_483] : memref<2x320000xi32, #tpu.memory_space<hbm>> -> memref<2x128xi32, #tpu.memory_space<hbm>>
        tpu.wait_dma2 semaphore(%arg17 : memref<!tpu.dma_semaphore, #tpu.memory_space<semaphore_mem>>) src(%dma_wait3A_496 : memref<2x128xi32, #tpu.memory_space<hbm>>) dst(%dma_wait3A_494 : memref<2x128xi32, #tpu.memory_space<vmem>>)
        %dma_start3A_497 = arith.constant 1 : i32
        %dma_start3A_498 = arith.constant 0 : i32
        %dma_start3A_499 = arith.constant 1 : i32
        %dma_start3A_500 = arith.constant 0 : i32
        %dma_start3A_501 = arith.constant 0 : i32
        %dma_start3A_502 = tpu.memref_slice %arg7[%dma_start3A_499, %dma_start3A_500, %dma_start3A_501] : memref<2x128x128xf32, #tpu.memory_space<vmem>> -> memref<1x128x128xf32, #tpu.memory_space<vmem>>
        %dma_start3A_503 = tpu.memref_squeeze %dma_start3A_502 : memref<1x128x128xf32, #tpu.memory_space<vmem>> -> memref<128x128xf32, #tpu.memory_space<vmem>>
        %dma_start3A_504 = arith.constant 0 : i32
        %dma_start3A_505 = tpu.memref_slice %arg6[%dma_start3A_497, %dma_start3A_498, %dma_start3A_504] : memref<3x2x128xi32, #tpu.memory_space<vmem>> -> memref<1x1x128xi32, #tpu.memory_space<vmem>>
        %dma_start3A_506 = tpu.memref_squeeze %dma_start3A_505 : memref<1x1x128xi32, #tpu.memory_space<vmem>> -> memref<128xi32, #tpu.memory_space<vmem>>
        %dma_start3A_507 = arith.constant 0 : i32
        %dma_start3A_508 = arith.constant 0 : i32
        %dma_start3A_509 = tpu.memref_slice %arg3[%dma_start3A_507, %dma_start3A_508] : memref<10000x128xf32, #tpu.memory_space<hbm>> -> memref<10000x128xf32, #tpu.memory_space<hbm>>
        tpu.enqueue_indirect_dma source(%dma_start3A_509 : memref<10000x128xf32, #tpu.memory_space<hbm>>) target(%dma_start3A_503 : memref<128x128xf32, #tpu.memory_space<vmem>>) offsets(%dma_start3A_506 : memref<128xi32, #tpu.memory_space<vmem>>) semaphore(%arg13 : memref<!tpu.dma_semaphore, #tpu.memory_space<semaphore_mem>>)
      } else {
      }
      %add3A_458 = arith.constant 3 : i32
      %add3A_459 = arith.addi %add3A_424, %add3A_458 : i32
      %lt3A_460 = arith.constant 78 : i32
      %lt3A_461 = arith.cmpi slt, %add3A_459, %lt3A_460 : i32
      %convert_element_type3A_462 = arith.extui %lt3A_461 : i1 to i32
      %cond3A_463 = arith.constant 0 : i32
      %cond3A_464 = arith.cmpi ne, %convert_element_type3A_462, %cond3A_463 : i32
      scf.if %cond3A_464 {
        %add3A_465 = arith.constant 3 : i32
        %add3A_466 = arith.addi %add3A_424, %add3A_465 : i32
        %add3A_467 = arith.addi %select_n3A, %add3A_466 : i32
        %mul3A_468 = arith.constant 128 : i32
        %mul3A_469 = arith.muli %add3A_467, %mul3A_468 : i32
        %multiple_of3A_470 = tpu.assume_multiple %mul3A_469, 128 : i32
        %dma_start3A_471 = arith.constant 2 : i32
        %dma_start3A_472 = arith.constant 0 : i32
        %dma_start3A_473 = arith.constant 0 : i32
        %dma_start3A_474 = tpu.memref_slice %arg6[%dma_start3A_471, %dma_start3A_472, %dma_start3A_473] : memref<3x2x128xi32, #tpu.memory_space<vmem>> -> memref<1x2x128xi32, #tpu.memory_space<vmem>>
        %dma_start3A_475 = tpu.memref_squeeze %dma_start3A_474 : memref<1x2x128xi32, #tpu.memory_space<vmem>> -> memref<2x128xi32, #tpu.memory_space<vmem>>
        %dma_start3A_476 = arith.constant 0 : i32
        %dma_start3A_477 = tpu.memref_slice %arg2[%dma_start3A_476, %multiple_of3A_470] : memref<2x320000xi32, #tpu.memory_space<hbm>> -> memref<2x128xi32, #tpu.memory_space<hbm>>
        %dma_start3A_478 = arith.constant 0 : i32
        %dma_start3A_479 = arith.constant 0 : i32
        %dma_start3A_480 = tpu.memref_slice %arg6[%dma_start3A_471, %dma_start3A_478, %dma_start3A_479] : memref<3x2x128xi32, #tpu.memory_space<vmem>> -> memref<1x2x128xi32, #tpu.memory_space<vmem>>
        %dma_start3A_481 = tpu.memref_squeeze %dma_start3A_480 : memref<1x2x128xi32, #tpu.memory_space<vmem>> -> memref<2x128xi32, #tpu.memory_space<vmem>>
        %dma_start3A_482 = arith.constant 0 : i32
        %dma_start3A_483 = tpu.memref_slice %arg2[%dma_start3A_482, %multiple_of3A_470] : memref<2x320000xi32, #tpu.memory_space<hbm>> -> memref<2x128xi32, #tpu.memory_space<hbm>>
        tpu.enqueue_dma source(%dma_start3A_483 : memref<2x128xi32, #tpu.memory_space<hbm>>) target(%dma_start3A_481 : memref<2x128xi32, #tpu.memory_space<vmem>>) target_semaphore(%arg18 : memref<!tpu.dma_semaphore, #tpu.memory_space<semaphore_mem>>)
      } else {
      }
    }
    %scan3A_167 = arith.constant 13 : i32
    %dma_wait3A_168 = arith.constant 0 : i32
    %dma_wait3A_169 = arith.constant 1 : i32
    %dma_wait3A_170 = arith.constant 1 : i32
    %dma_wait3A_171 = arith.constant 0 : i32
    %dma_wait3A_172 = arith.constant 0 : i32
    %dma_wait3A_173 = tpu.memref_slice %arg7[%dma_wait3A_168, %dma_wait3A_171, %dma_wait3A_172] : memref<2x128x128xf32, #tpu.memory_space<vmem>> -> memref<1x128x128xf32, #tpu.memory_space<vmem>>
    %dma_wait3A_174 = tpu.memref_squeeze %dma_wait3A_173 : memref<1x128x128xf32, #tpu.memory_space<vmem>> -> memref<128x128xf32, #tpu.memory_space<vmem>>
    %dma_wait3A_175 = arith.constant 0 : i32
    %dma_wait3A_176 = tpu.memref_slice %arg6[%dma_wait3A_169, %dma_wait3A_170, %dma_wait3A_175] : memref<3x2x128xi32, #tpu.memory_space<vmem>> -> memref<1x1x128xi32, #tpu.memory_space<vmem>>
    %dma_wait3A_177 = tpu.memref_squeeze %dma_wait3A_176 : memref<1x1x128xi32, #tpu.memory_space<vmem>> -> memref<128xi32, #tpu.memory_space<vmem>>
    %dma_wait3A_178 = arith.constant 0 : i32
    %dma_wait3A_179 = arith.constant 0 : i32
    %dma_wait3A_180 = tpu.memref_slice %arg10[%dma_wait3A_178, %dma_wait3A_179] : memref<10240x128xf32, #tpu.memory_space<vmem_shared>> -> memref<10240x128xf32, #tpu.memory_space<vmem_shared>>
    tpu.wait_indirect_dma semaphore(%arg14 : memref<!tpu.dma_semaphore, #tpu.memory_space<semaphore_mem>>) src(%dma_wait3A_174 : memref<128x128xf32, #tpu.memory_space<vmem>>) dst(%dma_wait3A_180 : memref<10240x128xf32, #tpu.memory_space<vmem_shared>>)
    %dma_wait3A_181 = arith.constant 1 : i32
    %dma_wait3A_182 = arith.constant 2 : i32
    %dma_wait3A_183 = arith.constant 1 : i32
    %dma_wait3A_184 = arith.constant 0 : i32
    %dma_wait3A_185 = arith.constant 0 : i32
    %dma_wait3A_186 = tpu.memref_slice %arg7[%dma_wait3A_181, %dma_wait3A_184, %dma_wait3A_185] : memref<2x128x128xf32, #tpu.memory_space<vmem>> -> memref<1x128x128xf32, #tpu.memory_space<vmem>>
    %dma_wait3A_187 = tpu.memref_squeeze %dma_wait3A_186 : memref<1x128x128xf32, #tpu.memory_space<vmem>> -> memref<128x128xf32, #tpu.memory_space<vmem>>
    %dma_wait3A_188 = arith.constant 0 : i32
    %dma_wait3A_189 = tpu.memref_slice %arg6[%dma_wait3A_182, %dma_wait3A_183, %dma_wait3A_188] : memref<3x2x128xi32, #tpu.memory_space<vmem>> -> memref<1x1x128xi32, #tpu.memory_space<vmem>>
    %dma_wait3A_190 = tpu.memref_squeeze %dma_wait3A_189 : memref<1x1x128xi32, #tpu.memory_space<vmem>> -> memref<128xi32, #tpu.memory_space<vmem>>
    %dma_wait3A_191 = arith.constant 0 : i32
    %dma_wait3A_192 = arith.constant 0 : i32
    %dma_wait3A_193 = tpu.memref_slice %arg10[%dma_wait3A_191, %dma_wait3A_192] : memref<10240x128xf32, #tpu.memory_space<vmem_shared>> -> memref<10240x128xf32, #tpu.memory_space<vmem_shared>>
    tpu.wait_indirect_dma semaphore(%arg15 : memref<!tpu.dma_semaphore, #tpu.memory_space<semaphore_mem>>) src(%dma_wait3A_187 : memref<128x128xf32, #tpu.memory_space<vmem>>) dst(%dma_wait3A_193 : memref<10240x128xf32, #tpu.memory_space<vmem_shared>>)
    %gt3A = arith.constant 78 : i32
    %gt3A_194 = arith.cmpi sgt, %sub3A_49, %gt3A : i32
    %convert_element_type3A = arith.extui %gt3A_194 : i1 to i32
    %cond3A = arith.constant 0 : i32
    %cond3A_195 = arith.cmpi ne, %convert_element_type3A, %cond3A : i32
    scf.if %cond3A_195 {
      %add3A_201 = arith.constant 78 : i32
      %add3A_202 = arith.addi %select_n3A, %add3A_201 : i32
      %mul3A_203 = arith.constant 128 : i32
      %mul3A_204 = arith.muli %add3A_202, %mul3A_203 : i32
      %multiple_of3A_205 = tpu.assume_multiple %mul3A_204, 128 : i32
      %dma_start3A_206 = arith.constant 0 : i32
      %dma_start3A_207 = arith.constant 0 : i32
      %dma_start3A_208 = arith.constant 0 : i32
      %dma_start3A_209 = tpu.memref_slice %arg6[%dma_start3A_206, %dma_start3A_207, %dma_start3A_208] : memref<3x2x128xi32, #tpu.memory_space<vmem>> -> memref<1x2x128xi32, #tpu.memory_space<vmem>>
      %dma_start3A_210 = tpu.memref_squeeze %dma_start3A_209 : memref<1x2x128xi32, #tpu.memory_space<vmem>> -> memref<2x128xi32, #tpu.memory_space<vmem>>
      %dma_start3A_211 = arith.constant 0 : i32
      %dma_start3A_212 = tpu.memref_slice %arg2[%dma_start3A_211, %multiple_of3A_205] : memref<2x320000xi32, #tpu.memory_space<hbm>> -> memref<2x128xi32, #tpu.memory_space<hbm>>
      %dma_start3A_213 = arith.constant 0 : i32
      %dma_start3A_214 = arith.constant 0 : i32
      %dma_start3A_215 = tpu.memref_slice %arg6[%dma_start3A_206, %dma_start3A_213, %dma_start3A_214] : memref<3x2x128xi32, #tpu.memory_space<vmem>> -> memref<1x2x128xi32, #tpu.memory_space<vmem>>
      %dma_start3A_216 = tpu.memref_squeeze %dma_start3A_215 : memref<1x2x128xi32, #tpu.memory_space<vmem>> -> memref<2x128xi32, #tpu.memory_space<vmem>>
      %dma_start3A_217 = arith.constant 0 : i32
      %dma_start3A_218 = tpu.memref_slice %arg2[%dma_start3A_217, %multiple_of3A_205] : memref<2x320000xi32, #tpu.memory_space<hbm>> -> memref<2x128xi32, #tpu.memory_space<hbm>>
      tpu.enqueue_dma source(%dma_start3A_218 : memref<2x128xi32, #tpu.memory_space<hbm>>) target(%dma_start3A_216 : memref<2x128xi32, #tpu.memory_space<vmem>>) target_semaphore(%arg16 : memref<!tpu.dma_semaphore, #tpu.memory_space<semaphore_mem>>)
      %add3A_219 = arith.constant 78 : i32
      %add3A_220 = arith.addi %select_n3A, %add3A_219 : i32
      %mul3A_221 = arith.constant 128 : i32
      %mul3A_222 = arith.muli %add3A_220, %mul3A_221 : i32
      %multiple_of3A_223 = tpu.assume_multiple %mul3A_222, 128 : i32
      %dma_wait3A_224 = arith.constant 0 : i32
      %dma_wait3A_225 = arith.constant 0 : i32
      %dma_wait3A_226 = arith.constant 0 : i32
      %dma_wait3A_227 = tpu.memref_slice %arg6[%dma_wait3A_224, %dma_wait3A_225, %dma_wait3A_226] : memref<3x2x128xi32, #tpu.memory_space<vmem>> -> memref<1x2x128xi32, #tpu.memory_space<vmem>>
      %dma_wait3A_228 = tpu.memref_squeeze %dma_wait3A_227 : memref<1x2x128xi32, #tpu.memory_space<vmem>> -> memref<2x128xi32, #tpu.memory_space<vmem>>
      %dma_wait3A_229 = arith.constant 0 : i32
      %dma_wait3A_230 = tpu.memref_slice %arg2[%dma_wait3A_229, %multiple_of3A_223] : memref<2x320000xi32, #tpu.memory_space<hbm>> -> memref<2x128xi32, #tpu.memory_space<hbm>>
      %dma_wait3A_231 = arith.constant 0 : i32
      %dma_wait3A_232 = arith.constant 0 : i32
      %dma_wait3A_233 = tpu.memref_slice %arg6[%dma_wait3A_224, %dma_wait3A_231, %dma_wait3A_232] : memref<3x2x128xi32, #tpu.memory_space<vmem>> -> memref<1x2x128xi32, #tpu.memory_space<vmem>>
      %dma_wait3A_234 = tpu.memref_squeeze %dma_wait3A_233 : memref<1x2x128xi32, #tpu.memory_space<vmem>> -> memref<2x128xi32, #tpu.memory_space<vmem>>
      %dma_wait3A_235 = arith.constant 0 : i32
      %dma_wait3A_236 = tpu.memref_slice %arg2[%dma_wait3A_235, %multiple_of3A_223] : memref<2x320000xi32, #tpu.memory_space<hbm>> -> memref<2x128xi32, #tpu.memory_space<hbm>>
      tpu.wait_dma2 semaphore(%arg16 : memref<!tpu.dma_semaphore, #tpu.memory_space<semaphore_mem>>) src(%dma_wait3A_236 : memref<2x128xi32, #tpu.memory_space<hbm>>) dst(%dma_wait3A_234 : memref<2x128xi32, #tpu.memory_space<vmem>>)
      %dma_start3A_237 = arith.constant 0 : i32
      %dma_start3A_238 = arith.constant 0 : i32
      %dma_start3A_239 = arith.constant 0 : i32
      %dma_start3A_240 = arith.constant 0 : i32
      %dma_start3A_241 = arith.constant 0 : i32
      %dma_start3A_242 = tpu.memref_slice %arg7[%dma_start3A_239, %dma_start3A_240, %dma_start3A_241] : memref<2x128x128xf32, #tpu.memory_space<vmem>> -> memref<1x128x128xf32, #tpu.memory_space<vmem>>
      %dma_start3A_243 = tpu.memref_squeeze %dma_start3A_242 : memref<1x128x128xf32, #tpu.memory_space<vmem>> -> memref<128x128xf32, #tpu.memory_space<vmem>>
      %dma_start3A_244 = arith.constant 0 : i32
      %dma_start3A_245 = tpu.memref_slice %arg6[%dma_start3A_237, %dma_start3A_238, %dma_start3A_244] : memref<3x2x128xi32, #tpu.memory_space<vmem>> -> memref<1x1x128xi32, #tpu.memory_space<vmem>>
      %dma_start3A_246 = tpu.memref_squeeze %dma_start3A_245 : memref<1x1x128xi32, #tpu.memory_space<vmem>> -> memref<128xi32, #tpu.memory_space<vmem>>
      %dma_start3A_247 = arith.constant 0 : i32
      %dma_start3A_248 = arith.constant 0 : i32
      %dma_start3A_249 = tpu.memref_slice %arg3[%dma_start3A_247, %dma_start3A_248] : memref<10000x128xf32, #tpu.memory_space<hbm>> -> memref<10000x128xf32, #tpu.memory_space<hbm>>
      tpu.enqueue_indirect_dma source(%dma_start3A_249 : memref<10000x128xf32, #tpu.memory_space<hbm>>) target(%dma_start3A_243 : memref<128x128xf32, #tpu.memory_space<vmem>>) offsets(%dma_start3A_246 : memref<128xi32, #tpu.memory_space<vmem>>) semaphore(%arg12 : memref<!tpu.dma_semaphore, #tpu.memory_space<semaphore_mem>>)
      %dma_wait3A_250 = arith.constant 0 : i32
      %dma_wait3A_251 = arith.constant 0 : i32
      %dma_wait3A_252 = arith.constant 0 : i32
      %dma_wait3A_253 = arith.constant 0 : i32
      %dma_wait3A_254 = arith.constant 0 : i32
      %dma_wait3A_255 = tpu.memref_slice %arg7[%dma_wait3A_252, %dma_wait3A_253, %dma_wait3A_254] : memref<2x128x128xf32, #tpu.memory_space<vmem>> -> memref<1x128x128xf32, #tpu.memory_space<vmem>>
      %dma_wait3A_256 = tpu.memref_squeeze %dma_wait3A_255 : memref<1x128x128xf32, #tpu.memory_space<vmem>> -> memref<128x128xf32, #tpu.memory_space<vmem>>
      %dma_wait3A_257 = arith.constant 0 : i32
      %dma_wait3A_258 = tpu.memref_slice %arg6[%dma_wait3A_250, %dma_wait3A_251, %dma_wait3A_257] : memref<3x2x128xi32, #tpu.memory_space<vmem>> -> memref<1x1x128xi32, #tpu.memory_space<vmem>>
      %dma_wait3A_259 = tpu.memref_squeeze %dma_wait3A_258 : memref<1x1x128xi32, #tpu.memory_space<vmem>> -> memref<128xi32, #tpu.memory_space<vmem>>
      %dma_wait3A_260 = arith.constant 0 : i32
      %dma_wait3A_261 = arith.constant 0 : i32
      %dma_wait3A_262 = tpu.memref_slice %arg3[%dma_wait3A_260, %dma_wait3A_261] : memref<10000x128xf32, #tpu.memory_space<hbm>> -> memref<10000x128xf32, #tpu.memory_space<hbm>>
      tpu.wait_indirect_dma semaphore(%arg12 : memref<!tpu.dma_semaphore, #tpu.memory_space<semaphore_mem>>) src(%dma_wait3A_262 : memref<10000x128xf32, #tpu.memory_space<hbm>>) dst(%dma_wait3A_256 : memref<128x128xf32, #tpu.memory_space<vmem>>)
      %run_scoped3A = arith.constant 0 : i32
      %run_scoped3A_263 = arith.constant 0 : i32
      %run_scoped3A_264 = arith.constant 1 : i32
      "tpu.region"() ({
        %run_scoped3A_265 = tpu.sem_alloc : memref<!tpu.dma_semaphore, #tpu.memory_space<semaphore_mem>>
        %dma_start3A_266 = arith.constant 0 : i32
        %dma_start3A_267 = arith.constant 0 : i32
        %dma_start3A_268 = tpu.memref_slice %arg7[%run_scoped3A, %dma_start3A_266, %dma_start3A_267] : memref<2x128x128xf32, #tpu.memory_space<vmem>> -> memref<1x128x128xf32, #tpu.memory_space<vmem>>
        %dma_start3A_269 = tpu.memref_squeeze %dma_start3A_268 : memref<1x128x128xf32, #tpu.memory_space<vmem>> -> memref<128x128xf32, #tpu.memory_space<vmem>>
        %dma_start3A_270 = arith.constant 0 : i32
        %dma_start3A_271 = tpu.memref_slice %arg6[%run_scoped3A_263, %run_scoped3A_264, %dma_start3A_270] : memref<3x2x128xi32, #tpu.memory_space<vmem>> -> memref<1x1x128xi32, #tpu.memory_space<vmem>>
        %dma_start3A_272 = tpu.memref_squeeze %dma_start3A_271 : memref<1x1x128xi32, #tpu.memory_space<vmem>> -> memref<128xi32, #tpu.memory_space<vmem>>
        %dma_start3A_273 = arith.constant 0 : i32
        %dma_start3A_274 = arith.constant 0 : i32
        %dma_start3A_275 = tpu.memref_slice %arg10[%dma_start3A_273, %dma_start3A_274] : memref<10240x128xf32, #tpu.memory_space<vmem_shared>> -> memref<10240x128xf32, #tpu.memory_space<vmem_shared>>
        tpu.enqueue_indirect_dma source(%dma_start3A_269 : memref<128x128xf32, #tpu.memory_space<vmem>>) target(%dma_start3A_275 : memref<10240x128xf32, #tpu.memory_space<vmem_shared>>) offsets(%dma_start3A_272 : memref<128xi32, #tpu.memory_space<vmem>>) semaphore(%run_scoped3A_265 : memref<!tpu.dma_semaphore, #tpu.memory_space<semaphore_mem>>) {add = true}
        %dma_wait3A_276 = arith.constant 0 : i32
        %dma_wait3A_277 = arith.constant 0 : i32
        %dma_wait3A_278 = tpu.memref_slice %arg7[%run_scoped3A, %dma_wait3A_276, %dma_wait3A_277] : memref<2x128x128xf32, #tpu.memory_space<vmem>> -> memref<1x128x128xf32, #tpu.memory_space<vmem>>
        %dma_wait3A_279 = tpu.memref_squeeze %dma_wait3A_278 : memref<1x128x128xf32, #tpu.memory_space<vmem>> -> memref<128x128xf32, #tpu.memory_space<vmem>>
        %dma_wait3A_280 = arith.constant 0 : i32
        %dma_wait3A_281 = tpu.memref_slice %arg6[%run_scoped3A_263, %run_scoped3A_264, %dma_wait3A_280] : memref<3x2x128xi32, #tpu.memory_space<vmem>> -> memref<1x1x128xi32, #tpu.memory_space<vmem>>
        %dma_wait3A_282 = tpu.memref_squeeze %dma_wait3A_281 : memref<1x1x128xi32, #tpu.memory_space<vmem>> -> memref<128xi32, #tpu.memory_space<vmem>>
        %dma_wait3A_283 = arith.constant 0 : i32
        %dma_wait3A_284 = arith.constant 0 : i32
        %dma_wait3A_285 = tpu.memref_slice %arg10[%dma_wait3A_283, %dma_wait3A_284] : memref<10240x128xf32, #tpu.memory_space<vmem_shared>> -> memref<10240x128xf32, #tpu.memory_space<vmem_shared>>
        tpu.wait_indirect_dma semaphore(%run_scoped3A_265 : memref<!tpu.dma_semaphore, #tpu.memory_space<semaphore_mem>>) src(%dma_wait3A_279 : memref<128x128xf32, #tpu.memory_space<vmem>>) dst(%dma_wait3A_285 : memref<10240x128xf32, #tpu.memory_space<vmem_shared>>)
        tpu.yield
      }) : () -> ()
    } else {
    }
    %barrier3A_196 = arith.constant 0 : index
    tpu.barrier barrier_id(%barrier3A_196)
    %mul3A_197 = arith.constant 640 : i32
    %mul3A_198 = arith.muli %arg1, %mul3A_197 : i32
    %mul3A_199 = arith.constant 640 : i32
    %mul3A_200 = arith.muli %arg1, %mul3A_199 : i32
    "tpu.region"() ({
      %run_scoped3A = tpu.sem_alloc : memref<!tpu.dma_semaphore, #tpu.memory_space<semaphore_mem>>
      %dma_start3A_201 = arith.constant 0 : i32
      %dma_start3A_202 = tpu.memref_slice %arg5[%arg0, %mul3A_200, %dma_start3A_201] : memref<2x10240x128xf32, #tpu.memory_space<hbm>> -> memref<1x640x128xf32, #tpu.memory_space<hbm>>
      %dma_start3A_203 = tpu.memref_squeeze %dma_start3A_202 : memref<1x640x128xf32, #tpu.memory_space<hbm>> -> memref<640x128xf32, #tpu.memory_space<hbm>>
      %dma_start3A_204 = arith.constant 0 : i32
      %dma_start3A_205 = tpu.memref_slice %arg10[%mul3A_198, %dma_start3A_204] : memref<10240x128xf32, #tpu.memory_space<vmem_shared>> -> memref<640x128xf32, #tpu.memory_space<vmem_shared>>
      tpu.enqueue_dma source(%dma_start3A_205 : memref<640x128xf32, #tpu.memory_space<vmem_shared>>) target(%dma_start3A_203 : memref<640x128xf32, #tpu.memory_space<hbm>>) target_semaphore(%run_scoped3A : memref<!tpu.dma_semaphore, #tpu.memory_space<semaphore_mem>>)
      %dma_wait3A_206 = arith.constant 0 : i32
      %dma_wait3A_207 = tpu.memref_slice %arg5[%arg0, %mul3A_200, %dma_wait3A_206] : memref<2x10240x128xf32, #tpu.memory_space<hbm>> -> memref<1x640x128xf32, #tpu.memory_space<hbm>>
      %dma_wait3A_208 = tpu.memref_squeeze %dma_wait3A_207 : memref<1x640x128xf32, #tpu.memory_space<hbm>> -> memref<640x128xf32, #tpu.memory_space<hbm>>
      %dma_wait3A_209 = arith.constant 0 : i32
      %dma_wait3A_210 = tpu.memref_slice %arg10[%mul3A_198, %dma_wait3A_209] : memref<10240x128xf32, #tpu.memory_space<vmem_shared>> -> memref<640x128xf32, #tpu.memory_space<vmem_shared>>
      tpu.wait_dma2 semaphore(%run_scoped3A : memref<!tpu.dma_semaphore, #tpu.memory_space<semaphore_mem>>) src(%dma_wait3A_210 : memref<640x128xf32, #tpu.memory_space<vmem_shared>>) dst(%dma_wait3A_208 : memref<640x128xf32, #tpu.memory_space<hbm>>)
      tpu.yield
    }) : () -> ()
    return
  }
}

module attributes {stable_mosaic.version = 14 : i64} {
  func.func @_layer_body(%arg0: i32, %arg1: memref<2x1024x128xf32, #tpu.memory_space<vmem>>, %arg2: memref<1024x128xf32, #tpu.memory_space<vmem>>, %arg3: memref<2x8x128xf32, #tpu.memory_space<vmem>>, %arg4: memref<128x128xf32, #tpu.memory_space<vmem>>, %arg5: memref<1x128xf32, #tpu.memory_space<vmem>>, %arg6: memref<128x128xf32, #tpu.memory_space<vmem>>, %arg7: memref<1024x128xf32, #tpu.memory_space<vmem>>) attributes {dimension_semantics = [#tpu.dimension_semantics<arbitrary>], iteration_bounds = array<i64: 10>, scalar_prefetch = 0 : i64, scratch_operands = 0 : i64, tpu.core_type = #tpu.core_type<tc>, window_params = [{transform_indices = @transform_0, window_bounds = array<i64: 2, 1024, 128>}, {transform_indices = @transform_1, window_bounds = array<i64: 1024, 128>}, {transform_indices = @transform_2, window_bounds = array<i64: 2, 8, 128>}, {pipeline_mode = #tpu.pipeline_mode<synchronous>, transform_indices = @transform_3, window_bounds = array<i64: 128, 128>}, {pipeline_mode = #tpu.pipeline_mode<synchronous>, transform_indices = @transform_4, window_bounds = array<i64: 1, 128>}, {pipeline_mode = #tpu.pipeline_mode<synchronous>, transform_indices = @transform_5, window_bounds = array<i64: 128, 128>}, {transform_indices = @transform_6, window_bounds = array<i64: 1024, 128>}]} {
    %get3A = arith.constant 0 : index
    %get3A_0 = arith.constant 0 : index
    %get3A_1 = arith.constant 0 : index
    %get3A_2 = vector.load %arg3[%get3A, %get3A_0, %get3A_1] : memref<2x8x128xf32, #tpu.memory_space<vmem>>, vector<1x8x128xf32>
    %get3A_3 = vector.shape_cast %get3A_2 : vector<1x8x128xf32> to vector<8x128xf32>
    %get3A_4 = arith.constant 1 : index
    %get3A_5 = arith.constant 0 : index
    %get3A_6 = arith.constant 0 : index
    %get3A_7 = vector.load %arg3[%get3A_4, %get3A_5, %get3A_6] : memref<2x8x128xf32, #tpu.memory_space<vmem>>, vector<1x8x128xf32>
    %get3A_8 = vector.shape_cast %get3A_7 : vector<1x8x128xf32> to vector<8x128xf32>
    %add3A = arith.addf %get3A_3, %get3A_8 : vector<8x128xf32>
    %add3A_9 = arith.constant 1.000000e+00 : f32
    %add3A_10 = vector.broadcast %add3A_9 : f32 to vector<8x128xf32>
    %add3A_11 = arith.addf %add3A, %add3A_10 : vector<8x128xf32>
    %div3A = arith.constant 1.000000e+00 : f32
    %div3A_12 = vector.broadcast %div3A : f32 to vector<8x128xf32>
    %div3A_13 = arith.divf %div3A_12, %add3A_11 : vector<8x128xf32>
    %get3A_14 = arith.constant 0 : index
    %get3A_15 = arith.constant 0 : index
    %get3A_16 = vector.load %arg6[%get3A_14, %get3A_15] : memref<128x128xf32, #tpu.memory_space<vmem>>, vector<128x128xf32>
    %slice3A = vector.extract_strided_slice %div3A_13 {offsets = [0, 0], sizes = [1, 128], strides = [1, 1]} : vector<8x128xf32> to vector<1x128xf32>
    %dot_general3A = arith.constant dense<0.000000e+00> : vector<128x1xf32>
    %dot_general3A_17 = tpu.matmul %get3A_16, %slice3A, %dot_general3A {dimension_numbers = #tpu.dot_dimension_numbers<[1], [1], [0], [0], [0, 0, 1, 0], [], []>, transpose_lhs_hint = false} : vector<128x128xf32>, vector<1x128xf32>, vector<128x1xf32> -> vector<128x1xf32>
    %get3A_18 = arith.constant 0 : index
    %get3A_19 = arith.constant 0 : index
    %get3A_20 = vector.load %arg6[%get3A_18, %get3A_19] : memref<128x128xf32, #tpu.memory_space<vmem>>, vector<128x128xf32>
    %slice3A_21 = vector.extract_strided_slice %div3A_13 {offsets = [1, 0], sizes = [1, 128], strides = [1, 1]} : vector<8x128xf32> to vector<1x128xf32>
    %dot_general3A_22 = arith.constant dense<0.000000e+00> : vector<128x1xf32>
    %dot_general3A_23 = tpu.matmul %get3A_20, %slice3A_21, %dot_general3A_22 {dimension_numbers = #tpu.dot_dimension_numbers<[1], [1], [0], [0], [0, 0, 1, 0], [], []>, transpose_lhs_hint = false} : vector<128x128xf32>, vector<1x128xf32>, vector<128x1xf32> -> vector<128x1xf32>
    %get3A_24 = arith.constant 0 : index
    %get3A_25 = arith.constant 0 : index
    %get3A_26 = vector.load %arg6[%get3A_24, %get3A_25] : memref<128x128xf32, #tpu.memory_space<vmem>>, vector<128x128xf32>
    %slice3A_27 = vector.extract_strided_slice %div3A_13 {offsets = [2, 0], sizes = [1, 128], strides = [1, 1]} : vector<8x128xf32> to vector<1x128xf32>
    %dot_general3A_28 = arith.constant dense<0.000000e+00> : vector<128x1xf32>
    %dot_general3A_29 = tpu.matmul %get3A_26, %slice3A_27, %dot_general3A_28 {dimension_numbers = #tpu.dot_dimension_numbers<[1], [1], [0], [0], [0, 0, 1, 0], [], []>, transpose_lhs_hint = false} : vector<128x128xf32>, vector<1x128xf32>, vector<128x1xf32> -> vector<128x1xf32>
    %get3A_30 = arith.constant 0 : index
    %get3A_31 = arith.constant 0 : index
    %get3A_32 = vector.load %arg6[%get3A_30, %get3A_31] : memref<128x128xf32, #tpu.memory_space<vmem>>, vector<128x128xf32>
    %slice3A_33 = vector.extract_strided_slice %div3A_13 {offsets = [3, 0], sizes = [1, 128], strides = [1, 1]} : vector<8x128xf32> to vector<1x128xf32>
    %dot_general3A_34 = arith.constant dense<0.000000e+00> : vector<128x1xf32>
    %dot_general3A_35 = tpu.matmul %get3A_32, %slice3A_33, %dot_general3A_34 {dimension_numbers = #tpu.dot_dimension_numbers<[1], [1], [0], [0], [0, 0, 1, 0], [], []>, transpose_lhs_hint = false} : vector<128x128xf32>, vector<1x128xf32>, vector<128x1xf32> -> vector<128x1xf32>
    %get3A_36 = arith.constant 0 : index
    %get3A_37 = arith.constant 0 : index
    %get3A_38 = vector.load %arg6[%get3A_36, %get3A_37] : memref<128x128xf32, #tpu.memory_space<vmem>>, vector<128x128xf32>
    %slice3A_39 = vector.extract_strided_slice %div3A_13 {offsets = [4, 0], sizes = [1, 128], strides = [1, 1]} : vector<8x128xf32> to vector<1x128xf32>
    %dot_general3A_40 = arith.constant dense<0.000000e+00> : vector<128x1xf32>
    %dot_general3A_41 = tpu.matmul %get3A_38, %slice3A_39, %dot_general3A_40 {dimension_numbers = #tpu.dot_dimension_numbers<[1], [1], [0], [0], [0, 0, 1, 0], [], []>, transpose_lhs_hint = false} : vector<128x128xf32>, vector<1x128xf32>, vector<128x1xf32> -> vector<128x1xf32>
    %get3A_42 = arith.constant 0 : index
    %get3A_43 = arith.constant 0 : index
    %get3A_44 = vector.load %arg6[%get3A_42, %get3A_43] : memref<128x128xf32, #tpu.memory_space<vmem>>, vector<128x128xf32>
    %slice3A_45 = vector.extract_strided_slice %div3A_13 {offsets = [5, 0], sizes = [1, 128], strides = [1, 1]} : vector<8x128xf32> to vector<1x128xf32>
    %dot_general3A_46 = arith.constant dense<0.000000e+00> : vector<128x1xf32>
    %dot_general3A_47 = tpu.matmul %get3A_44, %slice3A_45, %dot_general3A_46 {dimension_numbers = #tpu.dot_dimension_numbers<[1], [1], [0], [0], [0, 0, 1, 0], [], []>, transpose_lhs_hint = false} : vector<128x128xf32>, vector<1x128xf32>, vector<128x1xf32> -> vector<128x1xf32>
    %get3A_48 = arith.constant 0 : index
    %get3A_49 = arith.constant 0 : index
    %get3A_50 = vector.load %arg6[%get3A_48, %get3A_49] : memref<128x128xf32, #tpu.memory_space<vmem>>, vector<128x128xf32>
    %slice3A_51 = vector.extract_strided_slice %div3A_13 {offsets = [6, 0], sizes = [1, 128], strides = [1, 1]} : vector<8x128xf32> to vector<1x128xf32>
    %dot_general3A_52 = arith.constant dense<0.000000e+00> : vector<128x1xf32>
    %dot_general3A_53 = tpu.matmul %get3A_50, %slice3A_51, %dot_general3A_52 {dimension_numbers = #tpu.dot_dimension_numbers<[1], [1], [0], [0], [0, 0, 1, 0], [], []>, transpose_lhs_hint = false} : vector<128x128xf32>, vector<1x128xf32>, vector<128x1xf32> -> vector<128x1xf32>
    %get3A_54 = arith.constant 0 : index
    %get3A_55 = arith.constant 0 : index
    %get3A_56 = vector.load %arg6[%get3A_54, %get3A_55] : memref<128x128xf32, #tpu.memory_space<vmem>>, vector<128x128xf32>
    %slice3A_57 = vector.extract_strided_slice %div3A_13 {offsets = [7, 0], sizes = [1, 128], strides = [1, 1]} : vector<8x128xf32> to vector<1x128xf32>
    %dot_general3A_58 = arith.constant dense<0.000000e+00> : vector<128x1xf32>
    %dot_general3A_59 = tpu.matmul %get3A_56, %slice3A_57, %dot_general3A_58 {dimension_numbers = #tpu.dot_dimension_numbers<[1], [1], [0], [0], [0, 0, 1, 0], [], []>, transpose_lhs_hint = false} : vector<128x128xf32>, vector<1x128xf32>, vector<128x1xf32> -> vector<128x1xf32>
    %concatenate3A = tpu.concatenate %dot_general3A_17, %dot_general3A_23, %dot_general3A_29, %dot_general3A_35, %dot_general3A_41, %dot_general3A_47, %dot_general3A_53, %dot_general3A_59 in 0 : vector<128x1xf32>, vector<128x1xf32>, vector<128x1xf32>, vector<128x1xf32>, vector<128x1xf32>, vector<128x1xf32>, vector<128x1xf32>, vector<128x1xf32> -> vector<1024x1xf32>
    %get3A_60 = arith.constant 0 : index
    %get3A_61 = arith.constant 0 : index
    %get3A_62 = arith.constant 0 : index
    %get3A_63 = vector.load %arg1[%get3A_60, %get3A_61, %get3A_62] : memref<2x1024x128xf32, #tpu.memory_space<vmem>>, vector<1x1024x128xf32>
    %get3A_64 = vector.shape_cast %get3A_63 : vector<1x1024x128xf32> to vector<1024x128xf32>
    %get3A_65 = arith.constant 1 : index
    %get3A_66 = arith.constant 0 : index
    %get3A_67 = arith.constant 0 : index
    %get3A_68 = vector.load %arg1[%get3A_65, %get3A_66, %get3A_67] : memref<2x1024x128xf32, #tpu.memory_space<vmem>>, vector<1x1024x128xf32>
    %get3A_69 = vector.shape_cast %get3A_68 : vector<1x1024x128xf32> to vector<1024x128xf32>
    %add3A_70 = arith.addf %get3A_64, %get3A_69 : vector<1024x128xf32>
    %get3A_71 = arith.constant 0 : index
    %get3A_72 = arith.constant 0 : index
    %get3A_73 = vector.load %arg2[%get3A_71, %get3A_72] : memref<1024x128xf32, #tpu.memory_space<vmem>>, vector<1024x128xf32>
    %add3A_74 = arith.addf %add3A_70, %get3A_73 : vector<1024x128xf32>
    %mul3A = vector.broadcast %concatenate3A : vector<1024x1xf32> to vector<1024x128xf32>
    %mul3A_75 = arith.mulf %add3A_74, %mul3A : vector<1024x128xf32>
    %get3A_76 = arith.constant 0 : index
    %get3A_77 = arith.constant 0 : index
    %get3A_78 = vector.load %arg4[%get3A_76, %get3A_77] : memref<128x128xf32, #tpu.memory_space<vmem>>, vector<128x128xf32>
    %dot_general3A_79 = arith.constant dense<0.000000e+00> : vector<1024x128xf32>
    %dot_general3A_80 = tpu.matmul %mul3A_75, %get3A_78, %dot_general3A_79 {dimension_numbers = #tpu.dot_dimension_numbers<[1], [0], [0], [1], [0, 0, 1, 1], [], []>, transpose_lhs_hint = false} : vector<1024x128xf32>, vector<128x128xf32>, vector<1024x128xf32> -> vector<1024x128xf32>
    %get3A_81 = arith.constant 0 : index
    %get3A_82 = arith.constant 0 : index
    %get3A_83 = vector.load %arg5[%get3A_81, %get3A_82] : memref<1x128xf32, #tpu.memory_space<vmem>>, vector<1x128xf32>
    %add3A_84 = vector.broadcast %get3A_83 : vector<1x128xf32> to vector<1024x128xf32>
    %add3A_85 = arith.addf %dot_general3A_80, %add3A_84 : vector<1024x128xf32>
    %max3A = arith.constant 0.000000e+00 : f32
    %max3A_86 = vector.broadcast %max3A : f32 to vector<1024x128xf32>
    %max3A_87 = arith.maximumf %add3A_85, %max3A_86 : vector<1024x128xf32>
    %swap3A = arith.constant 0 : index
    %swap3A_88 = arith.constant 0 : index
    %swap3A_89 = vector.load %arg7[%swap3A, %swap3A_88] : memref<1024x128xf32, #tpu.memory_space<vmem>>, vector<1024x128xf32>
    tpu.vector_store %arg7[%swap3A, %swap3A_88], %max3A_87 {strides = array<i32>} : memref<1024x128xf32, #tpu.memory_space<vmem>>, vector<1024x128xf32>,
    return
  }
  func.func @transform_0(%arg0: i32) -> (i32, i32, i32) {
    %c0_i32 = arith.constant 0 : i32
    %c0_i32_0 = arith.constant 0 : i32
    %c0_i32_1 = arith.constant 0 : i32
    return %c0_i32, %arg0, %c0_i32_0 : i32, i32, i32
  }
  func.func @transform_1(%arg0: i32) -> (i32, i32) {
    %c0_i32 = arith.constant 0 : i32
    %c0_i32_0 = arith.constant 0 : i32
    return %arg0, %c0_i32 : i32, i32
  }
  func.func @transform_2(%arg0: i32) -> (i32, i32, i32) {
    %c0_i32 = arith.constant 0 : i32
    %c0_i32_0 = arith.constant 0 : i32
    %c0_i32_1 = arith.constant 0 : i32
    return %c0_i32, %arg0, %c0_i32_0 : i32, i32, i32
  }
  func.func @transform_3(%arg0: i32) -> (i32, i32) {
    %c0_i32 = arith.constant 0 : i32
    %c0_i32_0 = arith.constant 0 : i32
    %c0_i32_1 = arith.constant 0 : i32
    return %c0_i32, %c0_i32_0 : i32, i32
  }
  func.func @transform_4(%arg0: i32) -> (i32, i32) {
    %c0_i32 = arith.constant 0 : i32
    %c0_i32_0 = arith.constant 0 : i32
    %c0_i32_1 = arith.constant 0 : i32
    return %c0_i32, %c0_i32_0 : i32, i32
  }
  func.func @transform_5(%arg0: i32) -> (i32, i32) {
    %c0_i32 = arith.constant 0 : i32
    %c0_i32_0 = arith.constant 0 : i32
    %c0_i32_1 = arith.constant 0 : i32
    return %c0_i32, %c0_i32_0 : i32, i32
  }
  func.func @transform_6(%arg0: i32) -> (i32, i32) {
    %c0_i32 = arith.constant 0 : i32
    %c0_i32_0 = arith.constant 0 : i32
    return %arg0, %c0_i32 : i32, i32
  }
}

module attributes {stable_mosaic.version = 14 : i64} {
  func.func @_pred_body(%arg0: i32, %arg1: memref<512x384xf32, #tpu.memory_space<vmem>>, %arg2: memref<384x32xf32, #tpu.memory_space<vmem>>, %arg3: memref<1x32xf32, #tpu.memory_space<vmem>>, %arg4: memref<1000x32xf32, #tpu.memory_space<vmem>>, %arg5: memref<1000x1xf32, #tpu.memory_space<vmem>>, %arg6: memref<1000x512xf32, #tpu.memory_space<vmem>>) attributes {dimension_semantics = [#tpu.dimension_semantics<arbitrary>], iteration_bounds = array<i64: 8>, scalar_prefetch = 0 : i64, scratch_operands = 0 : i64, tpu.core_type = #tpu.core_type<tc>, window_params = [{transform_indices = @transform_0, window_bounds = array<i64: 512, 384>}, {pipeline_mode = #tpu.pipeline_mode<synchronous>, transform_indices = @transform_1, window_bounds = array<i64: 384, 32>}, {pipeline_mode = #tpu.pipeline_mode<synchronous>, transform_indices = @transform_2, window_bounds = array<i64: 1, 32>}, {pipeline_mode = #tpu.pipeline_mode<synchronous>, transform_indices = @transform_3, window_bounds = array<i64: 1000, 32>}, {pipeline_mode = #tpu.pipeline_mode<synchronous>, transform_indices = @transform_4, window_bounds = array<i64: 1000, 1>}, {transform_indices = @transform_5, window_bounds = array<i64: 1000, 512>}]} {
    %get3A = arith.constant 0 : index
    %get3A_0 = arith.constant 0 : index
    %get3A_1 = vector.load %arg1[%get3A, %get3A_0] : memref<512x384xf32, #tpu.memory_space<vmem>>, vector<512x384xf32>
    %get3A_2 = arith.constant 0 : index
    %get3A_3 = arith.constant 0 : index
    %get3A_4 = vector.load %arg2[%get3A_2, %get3A_3] : memref<384x32xf32, #tpu.memory_space<vmem>>, vector<384x32xf32>
    %dot_general3A = arith.constant dense<0.000000e+00> : vector<512x32xf32>
    %dot_general3A_5 = tpu.matmul %get3A_1, %get3A_4, %dot_general3A {dimension_numbers = #tpu.dot_dimension_numbers<[1], [0], [0], [1], [0, 0, 1, 1], [], []>, transpose_lhs_hint = false} : vector<512x384xf32>, vector<384x32xf32>, vector<512x32xf32> -> vector<512x32xf32>
    %get3A_6 = arith.constant 0 : index
    %get3A_7 = arith.constant 0 : index
    %get3A_8 = vector.load %arg3[%get3A_6, %get3A_7] : memref<1x32xf32, #tpu.memory_space<vmem>>, vector<1x32xf32>
    %add3A = vector.broadcast %get3A_8 : vector<1x32xf32> to vector<512x32xf32>
    %add3A_9 = arith.addf %dot_general3A_5, %add3A : vector<512x32xf32>
    %max3A = arith.constant 0.000000e+00 : f32
    %max3A_10 = vector.broadcast %max3A : f32 to vector<512x32xf32>
    %max3A_11 = arith.maximumf %add3A_9, %max3A_10 : vector<512x32xf32>
    %get3A_12 = arith.constant 0 : index
    %get3A_13 = arith.constant 0 : index
    %get3A_14 = vector.load %arg4[%get3A_12, %get3A_13] : memref<1000x32xf32, #tpu.memory_space<vmem>>, vector<1000x32xf32>
    %dot_general3A_15 = arith.constant dense<0.000000e+00> : vector<1000x512xf32>
    %dot_general3A_16 = tpu.matmul %get3A_14, %max3A_11, %dot_general3A_15 {dimension_numbers = #tpu.dot_dimension_numbers<[1], [1], [0], [0], [0, 0, 1, 0], [], []>, transpose_lhs_hint = false} : vector<1000x32xf32>, vector<512x32xf32>, vector<1000x512xf32> -> vector<1000x512xf32>
    %get3A_17 = arith.constant 0 : index
    %get3A_18 = arith.constant 0 : index
    %get3A_19 = vector.load %arg5[%get3A_17, %get3A_18] : memref<1000x1xf32, #tpu.memory_space<vmem>>, vector<1000x1xf32>
    %add3A_20 = vector.broadcast %get3A_19 : vector<1000x1xf32> to vector<1000x512xf32>
    %add3A_21 = arith.addf %dot_general3A_16, %add3A_20 : vector<1000x512xf32>
    %swap3A = arith.constant 0 : index
    %swap3A_22 = arith.constant 0 : index
    %swap3A_23 = vector.load %arg6[%swap3A, %swap3A_22] : memref<1000x512xf32, #tpu.memory_space<vmem>>, vector<1000x512xf32>
    tpu.vector_store %arg6[%swap3A, %swap3A_22], %add3A_21 {strides = array<i32>} : memref<1000x512xf32, #tpu.memory_space<vmem>>, vector<1000x512xf32>,
    return
  }
  func.func @transform_0(%arg0: i32) -> (i32, i32) {
    %c0_i32 = arith.constant 0 : i32
    %c0_i32_0 = arith.constant 0 : i32
    return %arg0, %c0_i32 : i32, i32
  }
  func.func @transform_1(%arg0: i32) -> (i32, i32) {
    %c0_i32 = arith.constant 0 : i32
    %c0_i32_0 = arith.constant 0 : i32
    %c0_i32_1 = arith.constant 0 : i32
    return %c0_i32, %c0_i32_0 : i32, i32
  }
  func.func @transform_2(%arg0: i32) -> (i32, i32) {
    %c0_i32 = arith.constant 0 : i32
    %c0_i32_0 = arith.constant 0 : i32
    %c0_i32_1 = arith.constant 0 : i32
    return %c0_i32, %c0_i32_0 : i32, i32
  }
  func.func @transform_3(%arg0: i32) -> (i32, i32) {
    %c0_i32 = arith.constant 0 : i32
    %c0_i32_0 = arith.constant 0 : i32
    %c0_i32_1 = arith.constant 0 : i32
    return %c0_i32, %c0_i32_0 : i32, i32
  }
  func.func @transform_4(%arg0: i32) -> (i32, i32) {
    %c0_i32 = arith.constant 0 : i32
    %c0_i32_0 = arith.constant 0 : i32
    %c0_i32_1 = arith.constant 0 : i32
    return %c0_i32, %c0_i32_0 : i32, i32
  }
  func.func @transform_5(%arg0: i32) -> (i32, i32) {
    %c0_i32 = arith.constant 0 : i32
    %c0_i32_0 = arith.constant 0 : i32
    return %c0_i32, %arg0 : i32, i32
  }
}

module attributes {stable_mosaic.version = 14 : i64} {
  func.func @_layer_body(%arg0: i32, %arg1: memref<2x1024x128xf32, #tpu.memory_space<vmem>>, %arg2: memref<1024x128xf32, #tpu.memory_space<vmem>>, %arg3: memref<2x8x128xf32, #tpu.memory_space<vmem>>, %arg4: memref<128x128xf32, #tpu.memory_space<vmem>>, %arg5: memref<1x128xf32, #tpu.memory_space<vmem>>, %arg6: memref<128x128xf32, #tpu.memory_space<vmem>>, %arg7: memref<1024x128xf32, #tpu.memory_space<vmem>>) attributes {dimension_semantics = [#tpu.dimension_semantics<arbitrary>], iteration_bounds = array<i64: 10>, scalar_prefetch = 0 : i64, scratch_operands = 0 : i64, tpu.core_type = #tpu.core_type<tc>, window_params = [{transform_indices = @transform_0, window_bounds = array<i64: 2, 1024, 128>}, {transform_indices = @transform_1, window_bounds = array<i64: 1024, 128>}, {transform_indices = @transform_2, window_bounds = array<i64: 2, 8, 128>}, {pipeline_mode = #tpu.pipeline_mode<synchronous>, transform_indices = @transform_3, window_bounds = array<i64: 128, 128>}, {pipeline_mode = #tpu.pipeline_mode<synchronous>, transform_indices = @transform_4, window_bounds = array<i64: 1, 128>}, {pipeline_mode = #tpu.pipeline_mode<synchronous>, transform_indices = @transform_5, window_bounds = array<i64: 128, 128>}, {transform_indices = @transform_6, window_bounds = array<i64: 1024, 128>}]} {
    %get3A = arith.constant 0 : index
    %get3A_0 = arith.constant 0 : index
    %get3A_1 = arith.constant 0 : index
    %get3A_2 = vector.load %arg3[%get3A, %get3A_0, %get3A_1] : memref<2x8x128xf32, #tpu.memory_space<vmem>>, vector<1x8x128xf32>
    %get3A_3 = vector.shape_cast %get3A_2 : vector<1x8x128xf32> to vector<8x128xf32>
    %get3A_4 = arith.constant 1 : index
    %get3A_5 = arith.constant 0 : index
    %get3A_6 = arith.constant 0 : index
    %get3A_7 = vector.load %arg3[%get3A_4, %get3A_5, %get3A_6] : memref<2x8x128xf32, #tpu.memory_space<vmem>>, vector<1x8x128xf32>
    %get3A_8 = vector.shape_cast %get3A_7 : vector<1x8x128xf32> to vector<8x128xf32>
    %add3A = arith.addf %get3A_3, %get3A_8 : vector<8x128xf32>
    %add3A_9 = arith.constant 1.000000e+00 : f32
    %add3A_10 = vector.broadcast %add3A_9 : f32 to vector<8x128xf32>
    %add3A_11 = arith.addf %add3A, %add3A_10 : vector<8x128xf32>
    %div3A = arith.constant 1.000000e+00 : f32
    %div3A_12 = vector.broadcast %div3A : f32 to vector<8x128xf32>
    %div3A_13 = arith.divf %div3A_12, %add3A_11 : vector<8x128xf32>
    %get3A_14 = arith.constant 0 : index
    %get3A_15 = arith.constant 0 : index
    %get3A_16 = vector.load %arg6[%get3A_14, %get3A_15] : memref<128x128xf32, #tpu.memory_space<vmem>>, vector<128x128xf32>
    %slice3A = vector.extract_strided_slice %div3A_13 {offsets = [0, 0], sizes = [1, 128], strides = [1, 1]} : vector<8x128xf32> to vector<1x128xf32>
    %dot_general3A = arith.constant dense<0.000000e+00> : vector<128x1xf32>
    %dot_general3A_17 = tpu.matmul %get3A_16, %slice3A, %dot_general3A {dimension_numbers = #tpu.dot_dimension_numbers<[1], [1], [0], [0], [0, 0, 1, 0], [], []>, transpose_lhs_hint = false} : vector<128x128xf32>, vector<1x128xf32>, vector<128x1xf32> -> vector<128x1xf32>
    %get3A_18 = arith.constant 0 : index
    %get3A_19 = arith.constant 0 : index
    %get3A_20 = vector.load %arg6[%get3A_18, %get3A_19] : memref<128x128xf32, #tpu.memory_space<vmem>>, vector<128x128xf32>
    %slice3A_21 = vector.extract_strided_slice %div3A_13 {offsets = [1, 0], sizes = [1, 128], strides = [1, 1]} : vector<8x128xf32> to vector<1x128xf32>
    %dot_general3A_22 = arith.constant dense<0.000000e+00> : vector<128x1xf32>
    %dot_general3A_23 = tpu.matmul %get3A_20, %slice3A_21, %dot_general3A_22 {dimension_numbers = #tpu.dot_dimension_numbers<[1], [1], [0], [0], [0, 0, 1, 0], [], []>, transpose_lhs_hint = false} : vector<128x128xf32>, vector<1x128xf32>, vector<128x1xf32> -> vector<128x1xf32>
    %get3A_24 = arith.constant 0 : index
    %get3A_25 = arith.constant 0 : index
    %get3A_26 = vector.load %arg6[%get3A_24, %get3A_25] : memref<128x128xf32, #tpu.memory_space<vmem>>, vector<128x128xf32>
    %slice3A_27 = vector.extract_strided_slice %div3A_13 {offsets = [2, 0], sizes = [1, 128], strides = [1, 1]} : vector<8x128xf32> to vector<1x128xf32>
    %dot_general3A_28 = arith.constant dense<0.000000e+00> : vector<128x1xf32>
    %dot_general3A_29 = tpu.matmul %get3A_26, %slice3A_27, %dot_general3A_28 {dimension_numbers = #tpu.dot_dimension_numbers<[1], [1], [0], [0], [0, 0, 1, 0], [], []>, transpose_lhs_hint = false} : vector<128x128xf32>, vector<1x128xf32>, vector<128x1xf32> -> vector<128x1xf32>
    %get3A_30 = arith.constant 0 : index
    %get3A_31 = arith.constant 0 : index
    %get3A_32 = vector.load %arg6[%get3A_30, %get3A_31] : memref<128x128xf32, #tpu.memory_space<vmem>>, vector<128x128xf32>
    %slice3A_33 = vector.extract_strided_slice %div3A_13 {offsets = [3, 0], sizes = [1, 128], strides = [1, 1]} : vector<8x128xf32> to vector<1x128xf32>
    %dot_general3A_34 = arith.constant dense<0.000000e+00> : vector<128x1xf32>
    %dot_general3A_35 = tpu.matmul %get3A_32, %slice3A_33, %dot_general3A_34 {dimension_numbers = #tpu.dot_dimension_numbers<[1], [1], [0], [0], [0, 0, 1, 0], [], []>, transpose_lhs_hint = false} : vector<128x128xf32>, vector<1x128xf32>, vector<128x1xf32> -> vector<128x1xf32>
    %get3A_36 = arith.constant 0 : index
    %get3A_37 = arith.constant 0 : index
    %get3A_38 = vector.load %arg6[%get3A_36, %get3A_37] : memref<128x128xf32, #tpu.memory_space<vmem>>, vector<128x128xf32>
    %slice3A_39 = vector.extract_strided_slice %div3A_13 {offsets = [4, 0], sizes = [1, 128], strides = [1, 1]} : vector<8x128xf32> to vector<1x128xf32>
    %dot_general3A_40 = arith.constant dense<0.000000e+00> : vector<128x1xf32>
    %dot_general3A_41 = tpu.matmul %get3A_38, %slice3A_39, %dot_general3A_40 {dimension_numbers = #tpu.dot_dimension_numbers<[1], [1], [0], [0], [0, 0, 1, 0], [], []>, transpose_lhs_hint = false} : vector<128x128xf32>, vector<1x128xf32>, vector<128x1xf32> -> vector<128x1xf32>
    %get3A_42 = arith.constant 0 : index
    %get3A_43 = arith.constant 0 : index
    %get3A_44 = vector.load %arg6[%get3A_42, %get3A_43] : memref<128x128xf32, #tpu.memory_space<vmem>>, vector<128x128xf32>
    %slice3A_45 = vector.extract_strided_slice %div3A_13 {offsets = [5, 0], sizes = [1, 128], strides = [1, 1]} : vector<8x128xf32> to vector<1x128xf32>
    %dot_general3A_46 = arith.constant dense<0.000000e+00> : vector<128x1xf32>
    %dot_general3A_47 = tpu.matmul %get3A_44, %slice3A_45, %dot_general3A_46 {dimension_numbers = #tpu.dot_dimension_numbers<[1], [1], [0], [0], [0, 0, 1, 0], [], []>, transpose_lhs_hint = false} : vector<128x128xf32>, vector<1x128xf32>, vector<128x1xf32> -> vector<128x1xf32>
    %get3A_48 = arith.constant 0 : index
    %get3A_49 = arith.constant 0 : index
    %get3A_50 = vector.load %arg6[%get3A_48, %get3A_49] : memref<128x128xf32, #tpu.memory_space<vmem>>, vector<128x128xf32>
    %slice3A_51 = vector.extract_strided_slice %div3A_13 {offsets = [6, 0], sizes = [1, 128], strides = [1, 1]} : vector<8x128xf32> to vector<1x128xf32>
    %dot_general3A_52 = arith.constant dense<0.000000e+00> : vector<128x1xf32>
    %dot_general3A_53 = tpu.matmul %get3A_50, %slice3A_51, %dot_general3A_52 {dimension_numbers = #tpu.dot_dimension_numbers<[1], [1], [0], [0], [0, 0, 1, 0], [], []>, transpose_lhs_hint = false} : vector<128x128xf32>, vector<1x128xf32>, vector<128x1xf32> -> vector<128x1xf32>
    %get3A_54 = arith.constant 0 : index
    %get3A_55 = arith.constant 0 : index
    %get3A_56 = vector.load %arg6[%get3A_54, %get3A_55] : memref<128x128xf32, #tpu.memory_space<vmem>>, vector<128x128xf32>
    %slice3A_57 = vector.extract_strided_slice %div3A_13 {offsets = [7, 0], sizes = [1, 128], strides = [1, 1]} : vector<8x128xf32> to vector<1x128xf32>
    %dot_general3A_58 = arith.constant dense<0.000000e+00> : vector<128x1xf32>
    %dot_general3A_59 = tpu.matmul %get3A_56, %slice3A_57, %dot_general3A_58 {dimension_numbers = #tpu.dot_dimension_numbers<[1], [1], [0], [0], [0, 0, 1, 0], [], []>, transpose_lhs_hint = false} : vector<128x128xf32>, vector<1x128xf32>, vector<128x1xf32> -> vector<128x1xf32>
    %concatenate3A = tpu.concatenate %dot_general3A_17, %dot_general3A_23, %dot_general3A_29, %dot_general3A_35, %dot_general3A_41, %dot_general3A_47, %dot_general3A_53, %dot_general3A_59 in 0 : vector<128x1xf32>, vector<128x1xf32>, vector<128x1xf32>, vector<128x1xf32>, vector<128x1xf32>, vector<128x1xf32>, vector<128x1xf32>, vector<128x1xf32> -> vector<1024x1xf32>
    %get3A_60 = arith.constant 0 : index
    %get3A_61 = arith.constant 0 : index
    %get3A_62 = arith.constant 0 : index
    %get3A_63 = vector.load %arg1[%get3A_60, %get3A_61, %get3A_62] : memref<2x1024x128xf32, #tpu.memory_space<vmem>>, vector<1x1024x128xf32>
    %get3A_64 = vector.shape_cast %get3A_63 : vector<1x1024x128xf32> to vector<1024x128xf32>
    %get3A_65 = arith.constant 1 : index
    %get3A_66 = arith.constant 0 : index
    %get3A_67 = arith.constant 0 : index
    %get3A_68 = vector.load %arg1[%get3A_65, %get3A_66, %get3A_67] : memref<2x1024x128xf32, #tpu.memory_space<vmem>>, vector<1x1024x128xf32>
    %get3A_69 = vector.shape_cast %get3A_68 : vector<1x1024x128xf32> to vector<1024x128xf32>
    %add3A_70 = arith.addf %get3A_64, %get3A_69 : vector<1024x128xf32>
    %get3A_71 = arith.constant 0 : index
    %get3A_72 = arith.constant 0 : index
    %get3A_73 = vector.load %arg2[%get3A_71, %get3A_72] : memref<1024x128xf32, #tpu.memory_space<vmem>>, vector<1024x128xf32>
    %add3A_74 = arith.addf %add3A_70, %get3A_73 : vector<1024x128xf32>
    %mul3A = vector.broadcast %concatenate3A : vector<1024x1xf32> to vector<1024x128xf32>
    %mul3A_75 = arith.mulf %add3A_74, %mul3A : vector<1024x128xf32>
    %get3A_76 = arith.constant 0 : index
    %get3A_77 = arith.constant 0 : index
    %get3A_78 = vector.load %arg4[%get3A_76, %get3A_77] : memref<128x128xf32, #tpu.memory_space<vmem>>, vector<128x128xf32>
    %dot_general3A_79 = arith.constant dense<0.000000e+00> : vector<1024x128xf32>
    %dot_general3A_80 = tpu.matmul %mul3A_75, %get3A_78, %dot_general3A_79 {dimension_numbers = #tpu.dot_dimension_numbers<[1], [0], [0], [1], [0, 0, 1, 1], [], []>, transpose_lhs_hint = false} : vector<1024x128xf32>, vector<128x128xf32>, vector<1024x128xf32> -> vector<1024x128xf32>
    %get3A_81 = arith.constant 0 : index
    %get3A_82 = arith.constant 0 : index
    %get3A_83 = vector.load %arg5[%get3A_81, %get3A_82] : memref<1x128xf32, #tpu.memory_space<vmem>>, vector<1x128xf32>
    %add3A_84 = vector.broadcast %get3A_83 : vector<1x128xf32> to vector<1024x128xf32>
    %add3A_85 = arith.addf %dot_general3A_80, %add3A_84 : vector<1024x128xf32>
    %swap3A = arith.constant 0 : index
    %swap3A_86 = arith.constant 0 : index
    %swap3A_87 = vector.load %arg7[%swap3A, %swap3A_86] : memref<1024x128xf32, #tpu.memory_space<vmem>>, vector<1024x128xf32>
    tpu.vector_store %arg7[%swap3A, %swap3A_86], %add3A_85 {strides = array<i32>} : memref<1024x128xf32, #tpu.memory_space<vmem>>, vector<1024x128xf32>,
    return
  }
  func.func @transform_0(%arg0: i32) -> (i32, i32, i32) {
    %c0_i32 = arith.constant 0 : i32
    %c0_i32_0 = arith.constant 0 : i32
    %c0_i32_1 = arith.constant 0 : i32
    return %c0_i32, %arg0, %c0_i32_0 : i32, i32, i32
  }
  func.func @transform_1(%arg0: i32) -> (i32, i32) {
    %c0_i32 = arith.constant 0 : i32
    %c0_i32_0 = arith.constant 0 : i32
    return %arg0, %c0_i32 : i32, i32
  }
  func.func @transform_2(%arg0: i32) -> (i32, i32, i32) {
    %c0_i32 = arith.constant 0 : i32
    %c0_i32_0 = arith.constant 0 : i32
    %c0_i32_1 = arith.constant 0 : i32
    return %c0_i32, %arg0, %c0_i32_0 : i32, i32, i32
  }
  func.func @transform_3(%arg0: i32) -> (i32, i32) {
    %c0_i32 = arith.constant 0 : i32
    %c0_i32_0 = arith.constant 0 : i32
    %c0_i32_1 = arith.constant 0 : i32
    return %c0_i32, %c0_i32_0 : i32, i32
  }
  func.func @transform_4(%arg0: i32) -> (i32, i32) {
    %c0_i32 = arith.constant 0 : i32
    %c0_i32_0 = arith.constant 0 : i32
    %c0_i32_1 = arith.constant 0 : i32
    return %c0_i32, %c0_i32_0 : i32, i32
  }
  func.func @transform_5(%arg0: i32) -> (i32, i32) {
    %c0_i32 = arith.constant 0 : i32
    %c0_i32_0 = arith.constant 0 : i32
    %c0_i32_1 = arith.constant 0 : i32
    return %c0_i32, %c0_i32_0 : i32, i32
  }
  func.func @transform_6(%arg0: i32) -> (i32, i32) {
    %c0_i32 = arith.constant 0 : i32
    %c0_i32_0 = arith.constant 0 : i32
    return %arg0, %c0_i32 : i32, i32
  }
}

</mosaic_0001>

<sc_bundles>
// kernel: kernel.11.cloned.1.call-start
scs
__scs_entry_jumppad:
0x0: {  	(pc) =	sbr.rel $0x88, $3  }
0x1: {  	(tag) =	ssettag $0x0;
	lr =	simm.s32 $0x1  }
0x2: {  	[smem:$0x3F96] =	sst lr;
	_ =	strace $0xD0000000  }
0x3: {  	_ = 	snop  }
0x4: {  	_ = 	snop  }
0x5: {  	_ = 	snop  }
0x6: {  	_ = 	snop  }
0x7: {  	_ = 	snop  }
__scs_overlays_trampoline_lowered:
0x8: {  	[smem:$0x3FA5] =	sst s0  }
0x9: {  	[smem:$0x3FA6] =	sst s1  }
0xa: {  	[smem:$0x3FA7] =	sst s2  }
0xb: {  	[smem:$0x3FA8] =	sst s3  }
0xc: {  	[smem:$0x3FA9] =	sst s4  }
0xd: {  	[smem:$0x3FAA] =	sst s5  }
0xe: {  	[smem:$0x3FAB] =	sst s6  }
0xf: {  	[smem:$0x3FAC] =	sst s7  }
0x10: {  	[smem:$0x3FAD] =	sst s8  }
0x11: {  	[smem:$0x3FAE] =	sst s9;
	s0 =	simm.s32 @!p0 $0x0  }
0x12: {  	s1 =	sld [smem:$0x3F94];
	s0 =	simm.s32 @p0 $0x1  }
0x13: {  	[smem:$0x3FAF] =	sst s0;
	s0 =	simm.s32 @!p1 $0x0  }
0x14: {  	s2 =	sld [smem:$0x3F93];
	s0 =	simm.s32 @p1 $0x1  }
0x15: {  	[smem:$0x3FB0] =	sst s0;
	s0 =	simm.s32 @!p2 $0x0  }
0x16: {  	s3 =	sld [smem:$0x3FDB];
	s0 =	simm.s32 @p2 $0x1  }
0x17: {  	s4 =	simm.s32 $0x1BF5;
	[smem:$0x3FB2] =	sst s0  }
0x18: {  	s0 =	sld [smem:$0x3F95];
	_ =	swait.ge [sflag:s4], $0x0  }
0x19: {  	s7 =	sld [smem:$0x3F96]  }
0x1a: {  	s8 =	sadd.s32 $0xFFFFE003, lr  }
0x1b: {  	s9 =	sadd.s32 $0xFFFFFEF7, lr;
	s5 =	simm.s32 $0xFFFFFFFF;
	p2 =	slt.u32 s8, $0xFFFFF086  }
0x1c: {  	p1 =	slt.u32 s9, $0xF7A;
	s5 =	simm.s32 @!p2 $0x0  }
0x1d: {  	s5 =	simm.s32 @p1 $0x1;
	p0 =	seq.s32 s7, s2  }
0x1e: {  	s7 =	smul.u32 @!p0 $0xF7A, s2;
	p2 =	seq.s32 @!p0 s5, $0x0  }
0x1f: {  	s9 =	smul.u32 $0xF7A, s1;
	s8 =	simm.s32 @!p0 $0x1BF5;
	p2 =	por !p2, p0  }
0x20: {  	[sflag:s8] =	ssyncset.s32 @!p0 $0xFFFFF086;
	s6 =	sadd.s32 @!p0 s3, s7;
	s7 =	simm.s32 @!p0 $0x108  }
0x21: {  	s3 =	sadd.s32 s3, s9;
	s6 =	sadd.s32 @!p0 $0x88, s6;
	s7 =	simm.s32 @p2 $0x1082  }
0x22: {  	[simem:s7], [sflag:s8] =	dma.local @!p0 [hbm:s6], $0xF7A  }
0x23: {  	s9 =	sor.u32 $0xD0000000, s2;
	s6 =	simm.s32 $0x108;
	_ =	swait.ge @!p0 [sflag:s8], $0x0  }
0x24: {  	s3 =	sadd.s32 $0x88, s3;
	s6 =	simm.s32 @!p1 $0x1082;
	[sflag:s4] =	ssyncset.s32 $0xFFFFF086  }
0x25: {  	[simem:s6], [sflag:s4] =	dma.local [hbm:s3], $0xF7A  }
0x26: {  	[smem:$0x3F96] =	sst s1;
	(tag) =	ssettag s2;
	_ =	strace s9  }
0x27: {  	s1 =	sld [smem:$0x3FA6]  }
0x28: {  	s2 =	sld [smem:$0x3FA7]  }
0x29: {  	s4 =	sld [smem:$0x3FA9]  }
0x2a: {  	p0 =	seq.s32 s5, $0x0;
	s5 =	sld [smem:$0x3FAA]  }
0x2b: {  	s6 =	sld [smem:$0x3FAB]  }
0x2c: {  	s7 =	sld [smem:$0x3FAC]  }
0x2d: {  	s3 =	simm.s32 $0x108;
	s8 =	sld [smem:$0x3FAD]  }
0x2e: {  	s3 =	simm.s32 @!p0 $0x1082;
	s9 =	sld [smem:$0x3FAE]  }
0x2f: {  	lr =	sadd.s32 s0, s3;
	s0 =	sld [smem:$0x3FA5]  }
0x30: {  	s3 =	sld [smem:$0x3FA8]  }
0x31: {  	[smem:$0x3FB1] =	sst s10  }
0x32: {  	s10 =	sld [smem:$0x3FAF];
	_ =	sdelay $0x3  }
0x33: {  	p0 =	seq.s32 s10, $0x1;
	s10 =	sld [smem:$0x3FB1];
	_ =	sdelay $0x3  }
0x34: {  	[smem:$0x3FB1] =	sst s10  }
0x35: {  	s10 =	sld [smem:$0x3FB0];
	_ =	sdelay $0x3  }
0x36: {  	p1 =	seq.s32 s10, $0x1;
	s10 =	sld [smem:$0x3FB1];
	_ =	sdelay $0x3  }
0x37: {  	[smem:$0x3FB1] =	sst s10  }
0x38: {  	s10 =	sld [smem:$0x3FB2]  }
0x39: {  	_ = 	snop;
	(pc) =	sbr.ind lr, $3  }
0x3a: {  	_ = 	snop  }
0x3b: {  	_ = 	snop  }
0x3c: {  	p2 =	seq.s32 s10, $0x1;
	s10 =	sld [smem:$0x3FB1]  }
0x3d: {  	_ =	shalt  }
0x3e: {  	_ =	shalt  }
0x3f: {  	_ =	shalt  }
0x40: {  	_ =	shalt  }
0x41: {  	_ =	shalt  }
0x42: {  	_ =	shalt  }
0x43: {  	_ =	shalt  }
0x44: {  	_ =	shalt  }
0x45: {  	_ =	shalt  }
0x46: {  	_ =	shalt  }
0x47: {  	_ =	shalt  }
0x48: {  	_ =	shalt  }
0x49: {  	_ =	shalt  }
0x4a: {  	_ =	shalt  }
0x4b: {  	_ =	shalt  }
0x4c: {  	_ =	shalt  }
0x4d: {  	_ =	shalt  }
0x4e: {  	_ =	shalt  }
0x4f: {  	_ =	shalt  }
0x50: {  	_ =	shalt  }
0x51: {  	_ =	shalt  }
0x52: {  	_ =	shalt  }
0x53: {  	_ =	shalt  }
0x54: {  	_ =	shalt  }
0x55: {  	_ =	shalt  }
0x56: {  	_ =	shalt  }
0x57: {  	_ =	shalt  }
0x58: {  	_ =	shalt  }
0x59: {  	_ =	shalt  }
0x5a: {  	_ =	shalt  }
0x5b: {  	_ =	shalt  }
0x5c: {  	_ =	shalt  }
0x5d: {  	_ =	shalt  }
0x5e: {  	_ =	shalt  }
0x5f: {  	_ =	shalt  }
0x60: {  	_ =	shalt  }
0x61: {  	_ =	shalt  }
0x62: {  	_ =	shalt  }
0x63: {  	_ =	shalt  }
0x64: {  	_ =	shalt  }
0x65: {  	_ =	shalt  }
0x66: {  	_ =	shalt  }
0x67: {  	_ =	shalt  }
0x68: {  	_ =	shalt  }
0x69: {  	_ =	shalt  }
0x6a: {  	_ =	shalt  }
0x6b: {  	_ =	shalt  }
0x6c: {  	_ =	shalt  }
0x6d: {  	_ =	shalt  }
0x6e: {  	_ =	shalt  }
0x6f: {  	_ =	shalt  }
0x70: {  	_ =	shalt  }
0x71: {  	_ =	shalt  }
0x72: {  	_ =	shalt  }
0x73: {  	_ =	shalt  }
0x74: {  	_ =	shalt  }
0x75: {  	_ =	shalt  }
0x76: {  	_ =	shalt  }
0x77: {  	_ =	shalt  }
0x78: {  	_ =	shalt  }
0x79: {  	_ =	shalt  }
0x7a: {  	_ =	shalt  }
0x7b: {  	_ =	shalt  }
0x7c: {  	_ =	shalt  }
0x7d: {  	_ =	shalt  }
0x7e: {  	_ =	shalt  }
0x7f: {  	_ =	shalt  }
0x80: {  	_ =	shalt  }
0x81: {  	_ =	shalt  }
0x82: {  	_ =	shalt  }
0x83: {  	_ =	shalt  }
0x84: {  	_ =	shalt  }
0x85: {  	_ =	shalt  }
0x86: {  	_ =	shalt  }
0x87: {  	_ =	shalt  }
.Lfunc_end0:
.L_simem_size_0:
called_computation.1_lowered:
.L_overlay_start_0:
0x88: {  	s2 =	sld [smem:$0x3FD9]  }
0x89: {  	s3 =	sld [smem:$0x3FFE];
	_ =	sdelay $0x1  }
0x8a: {  	s1 =	srdreg.scid  }
0x8b: {  	s0 =	sand.u32 $0x1, s1  }
0x8c: {  	s17 =	sshll.u32 s0, $0xA;
	s2 =	sadd.s32 s3, s2  }
0x8d: {  	s2 =	sadd.s32 s2, s17  }
0x8e: {  	[smem:$0x3FBD] =	sst s2  }
0x8f: {  	_ = 	snop  }
0x90: {  	s2 =	sld [smem:$0x3FC9]  }
0x91: {  	s18 =	sld [smem:$0x3FD0];
	(tm) =	ssettm $0x1  }
0x92: {  	s4 =	sld [smem:$0x3FFB];
	_ =	sdelay $0x3  }
0x93: {  	_ =	strace s4  }
0x94: {  	s4 =	sld [smem:$0x3FFC];
	_ =	sdelay $0x3  }
0x95: {  	_ =	strace s4  }
0x96: {  	s4 =	sld [smem:$0x3FFD];
	_ =	sdelay $0x3  }
0x97: {  	_ =	strace s4  }
0x98: {  	_ =	strace $0x8FFFFFFF  }
0x99: {  	s19 =	sld [smem:$0x3FDB];
	_ =	sdelay $0x1  }
0x9a: {  	s5 =	simm.s32 $_scs_section_size  }
0x9b: {  	s6 =	simm.s32 $_size__tile_overlayer_lowered;
	s7 =	simm.s32 $_tile_overlayer_lowered  }
0x9c: {  	s22 =	simm.s32 $0x1BFF;
	s21 =	sshll.u32 s7, $0x1;
	s4 =	sadd.s32 s5, s19  }
0x9d: {  	s8 =	simm.s32 $0x0;
	s20 =	sshll.u32 s6, $0x1;
	s6 =	sadd.s32 s21, s4  }
0x9e: {  	[timem:s8], [sflag:s22] =	dma.local [hbm:s6], s20  }
0x9f: {  	_ =	swait.ge [sflag:s22], s20  }
0xa0: {  	s5 =	ssub.s32 $0x0, s20;
	[sflag:s22] =	ssyncset.done $0x0  }
0xa1: {  	[sflag:s22] =	ssyncadd.s32 s5;
	_ =	sdelay $0x1  }
0xa2: {  	s23 =	simm.s32 $0x1B8B  }
0xa3: {  	_ =	swait.ge [sflag:s23], $0x1  }
0xa4: {  	[sflag:s23] =	ssyncset.done $0x0  }
0xa5: {  	s25 =	simm.s32 $0x1B8E;
	s24 =	sld [smem:$0x3FFE];
	[sflag:s23] =	ssyncadd.s32 $0xFFFFFFFF  }
0xa6: {  	s26 =	simm.s32 $execute0_lowered;
	[smem:$0x3FD2] =	sst s25  }
0xa7: {  	s6 =	sshll.u32 s26, $0x1;
	_ =	strace $0x80000049;
	[dreg:$0x1] =	wrdreg $0xFFFFFFFF  }
0xa8: {  	s28 =	simm.s32 $_size_execute0_lowered;
	s4 =	sadd.s32 s4, s6;
	[dreg:$0x0] =	wrdreg $0x0  }
0xa9: {  	s6 =	sshll.u32 s28, $0x1;
	[dreg:$0x2] =	wrdreg s4  }
0xaa: {  	[dreg:$0x3] =	wrdreg s6  }
0xab: {  	[dreg:$0x4] =	wrdreg $0xC0  }
0xac: {  	_ =	task [dreg:s8], $0x5FFFF  }
0xad: {  	[dreg:$0x1] =	wrdreg $0xFFFFFFFF  }
0xae: {  	[dreg:$0x0] =	wrdreg $0x60  }
0xaf: {  	[dreg:$0x2] =	wrdreg s2  }
0xb0: {  	[dreg:$0x3] =	wrdreg s24  }
0xb1: {  	[dreg:$0x4] =	wrdreg s18  }
0xb2: {  	[dreg:$0x5] =	wrdreg $0x83000  }
0xb3: {  	[dreg:$0x6] =	wrdreg $0x9  }
0xb4: {  	_ =	task.clear_ibuf [dreg:s8], $0x7FFFF;
	_ =	strace $0x90000049  }
0xb5: {  	s29 =	simm.s32 $0x9;
	_ =	strace $0x8000004B  }
0xb6: {  	_ =	swait.ge [sflag:s29], $0x1  }
0xb7: {  	[sflag:s29] =	ssyncadd.s32 $0xFFFFFFFF  }
0xb8: {  	_ =	strace $0x9000004B  }
0xb9: {  	_ =	sfence  }
0xba: {  	s30 =	sld [smem:$0x0];
	_ =	sdelay $0x2  }
0xbb: {  	s31 =	sshll.u32 s1, $0xD;
	s1 =	sshrl.u32 s1, $0x2  }
0xbc: {  	s3 =	sand.u32 $0x4000, s31;
	s1 =	sadd.s32 s1, s30  }
0xbd: {  	s0 =	sor.u32 s3, s0;
	s1 =	sshll.u32 s1, $0x11  }
0xbe: {  	s0 =	sor.u32 s1, s0  }
0xbf: {  	s0 =	sadd.s32 $0x8F2B, s0  }
0xc0: {  	[sflag:s0] =	ssyncadd.remote.s32 $0x1  }
0xc1: {  	_ =	sfence.sel $0xFFFF  }
0xc2: {  	[dreg:$0x0] =	wrdreg $0xFFFFFFFF;
	(pc) =	sbr.abs _section_cstart, $3  }
0xc3: {  	[dreg:$0x1] =	wrdreg $0xFFFFFFFF  }
0xc4: {  	_ =	task.clear_ibuf [dreg:s8], $0x2FFFF;
	_ =	strace $0x9FFFFFFF  }
0xc5: {  	(tm) =	ssettm $0x7FFFFFFF  }
tec
execute0_lowered:
.L_overlay_start_1:
0x0: {  	(tag) =	ssettag $0x1  }
0x1: {  	s0 =	rddreg [dreg:$0x0]  }
0x2: {  	s3 =	rddreg [dreg:$0x1]  }
0x3: {  	s11 =	rddreg [dreg:$0x2]  }
0x4: {  	s1 =	rddreg [dreg:$0x3];
	s2 =	simm.s32 $0x0  }
0x5: {  	s4 =	srdreg.scid;
	s5 =	stileid.u32;
	s17 =	simm.s32 $0x200  }
0x6: {  	s28 =	simm.s32 $0x180;
	s29 =	simm.s32 $0x4;
	s30 =	simm.s32 $0x280  }
0x7: {  	s31 =	simm.s32 $0x0;
	[smem:$0x7FF] =	sst s2;
	s10 =	smul.u32 $0x50000, s5  }
0x8: {  	s7 =	sand.u32 $0x1, s4;
	s4 =	sadd.s32 $0x6C00, s3;
	s26 =	smul.u32 $0x271, s5  }
0x9: {  	s3 =	sadd.s32 $0x3A00, s3;
	s21 =	sshll.u32 s5, $0x6;
	s16 =	smul.u32 $0x14000, s5  }
0xa: {  	_ =	strace $0x8000004A;
	s6 =	ssub.s32 $0x2, s7;
	s12 =	smul.u32 $0x140000, s7  }
0xb: {  	s9 =	sshll.u32 s7, $0x4;
	[dreg:$0x5] =	wrdreg s3;
	s13 =	smul.u32 $0x2710, s7  }
0xc: {  	s8 =	sshrl.u32 s6, $0x1;
	s19 =	sor.u32 s5, s9;
	s20 =	sshrl.u32 s10, $0x2  }
0xd: {  	s18 =	ssub.s32 s6, s8;
	s22 =	smul.u32 $0x271, s19;
	s14 =	sadd.s32 s20, s1  }
0xe: {  	s6 =	sor.u32 $0x1C08, s21;
	s10 =	sadd.s32 s26, s13;
	s12 =	sadd.s32 s16, s12  }
0xf: {  	s16 =	simm.s32 $0x100;
	s19 =	simm.s32 $0x80;
	s20 =	simm.s32 $0x300  }
0x10: {  	s21 =	simm.s32 $0x6;
	s26 =	simm.s32 $0x2;
	s13 =	sshll.u32 s10, $0x2  }
0x11: {  	s12 =	sshrl.u32 s12, $0x3;
	s14 =	sshrl.u32 s14, $0x3;
	s23 =	sshrl.u32 s22, $0x3  }
0x12: {  	s24 =	sshll.u32 s22, $0x2;
	s25 =	sadd.s32 $0x271, s22;
	s13 =	sand.u32 $0x1FFE0, s13  }
0x13: {  	s11 =	sadd.s32 s11, s12;
	s12 =	smax.u32 s18, $0x1;
	s18 =	simm.s32 $0x5  }
.Ltmp0:
0x14: {  	s22 =	simm.s32 $0x4300;
	s9 =	sand.u32 $0x1FFE0, s24;
	(pc) =	sbr.rel .LBB2_1-.Ltmp0, $4  }
0x15: {  	s15 =	sshrl.u32 s25, $0x3;
	s13 =	sadd.s32 s13, s0;
	s24 =	simm.s32 $0x3  }
0x16: {  	s7 =	sadd.s32 s0, s9;
	s25 =	ssub.s32 s15, s23;
	s15 =	simm.s32 $0x8  }
0x17: {  	s23 =	simm.s32 $0x1;
	s8 =	sadd.s32 $0x20, s7;
	s9 =	sadd.s32 $0x40, s7  }
0x18: {  	s10 =	sadd.s32 $0x9C0, s7;
	p0 =	slt.s32 s25, $0x4F;
	s25 =	simm.s32 $0x7  }
.LBB2_4:
0x19: {  	_ =	swait.ge [sflag:s23], $0x4000  }
0x1a: {  	[sflag:s23] =	ssyncset.done $0x0  }
0x1b: {  	[sflag:s23] =	ssyncadd.s32 $0xFFFFC000  }
0x1c: {  	[spmem:s1] =	stream.indirect.scatter.add.f32 [tilespmem:s20], [sflag:$0x3], $0x80, s28, s19, $0xb8;
	[tilespmem:$0x1C300] =	vst v63  }
0x1d: {  	_ =	swait.ge [sflag:s26], $0x4000  }
0x1e: {  	[sflag:s26] =	ssyncset.done $0x0  }
0x1f: {  	[sflag:s26] =	ssyncadd.s32 $0xFFFFC000  }
0x20: {  	[spmem:s1] =	stream.indirect.scatter.add.f32 [tilespmem:s22], [sflag:$0x4], $0x80, s30, s19, $0xb8;
	[tilespmem:$0x1C300] =	vst v63  }
0x21: {  	_ =	swait.ge [sflag:s24], $0x4000  }
0x22: {  	[sflag:s24] =	ssyncset.done $0x0  }
0x23: {  	[sflag:s24] =	ssyncadd.s32 $0xFFFFC000  }
0x24: {  	_ =	swait.ge [sflag:s29], $0x4000  }
0x25: {  	[sflag:s29] =	ssyncset.done $0x0  }
0x26: {  	s0 =	simm.s32 @!p0 $0x0;
	s3 =	simm.s32 @!p0 $0x5;
	[sflag:s29] =	ssyncadd.s32 $0xFFFFC000  }
0x27: {  	[tilespmem:s0], [sflag:$0x5] =	stream.linear.gather @!p0 [hbm4b:s10+s0], $0x100, $0x38;
	[tilespmem:$0x1C300] =	vst v63  }
0x28: {  	_ =	swait.ge @!p0 [sflag:s3], $0x100  }
0x29: {  	[sflag:s3] =	ssyncset.done @!p0 $0x0  }
0x2a: {  	s5 =	simm.s32 @!p0 $0x300;
	[sflag:s3] =	ssyncadd.s32 @!p0 $0xFFFFFF00;
	s3 =	simm.s32 @!p0 $0x80  }
0x2b: {  	[tilespmem:s5], [sflag:$0x1] =	stream.indirect.gather @!p0 [hbm4b:s4+s3], $0x80, s0, s3, $0xb8;
	[tilespmem:$0x1C300] =	vst v63  }
0x2c: {  	s0 =	simm.s32 @!p0 $0x1  }
0x2d: {  	_ =	swait.ge @!p0 [sflag:s0], $0x4000  }
0x2e: {  	[sflag:s0] =	ssyncset.done @!p0 $0x0  }
0x2f: {  	[sflag:s0] =	ssyncadd.s32 @!p0 $0xFFFFC000;
	s0 =	simm.s32 @!p0 $0x8  }
0x30: {  	[spmem:s1] =	stream.indirect.scatter.add.f32 @!p0 [tilespmem:s5], [sflag:$0x8], $0x80, s3, s3, $0xb8;
	[tilespmem:$0x1C300] =	vst v63  }
0x31: {  	_ =	swait.ge @!p0 [sflag:s0], $0x4000  }
0x32: {  	s31 =	sadd.s32 $0x1, s31;
	[sflag:s0] =	ssyncset.done @!p0 $0x0  }
0x33: {  	p1 =	sne.s32 s31, s12;
	[sflag:s0] =	ssyncadd.s32 @!p0 $0xFFFFC000  }
.Ltmp1:
0x34: {  	[bflag:$0x0] =	sbarrier.arrive $0xFFFF;
	(pc) =	sbr.rel @!p1 .LBB2_5-.Ltmp1, $4  }
0x35: {  	[hbm:s11], [sflag:s6] =	dma.local [spmem:s14], $0x2800  }
0x36: {  	_ =	swait.ge [sflag:s15], $0x2800  }
0x37: {  	[sflag:s15] =	ssyncset.done $0x0  }
0x38: {  	[sflag:s15] =	ssyncadd.s32 $0xFFFFD800  }
.LBB2_1:
0x39: {  	s0 =	rddreg [dreg:$0x5]  }
0x3a: {  	[spmem:s14], [sflag:s6] =	dma.local [hbm:s0], $0x2800  }
0x3b: {  	_ =	swait.ge [sflag:s15], $0x2800  }
0x3c: {  	[sflag:s15] =	ssyncset.done $0x0  }
0x3d: {  	[sflag:s15] =	ssyncadd.s32 $0xFFFFD800  }
0x3e: {  	[bflag:$0x0] =	sbarrier.arrive $0xFFFF  }
0x3f: {  	[tilespmem:s2], [sflag:$0x5] =	stream.linear.gather [hbm4b:s7+s2], $0x100, $0x38;
	[tilespmem:$0x1C300] =	vst v63  }
0x40: {  	_ = 	snop  }
0x41: {  	[tilespmem:s16], [sflag:$0x6] =	stream.linear.gather [hbm4b:s8+s2], $0x100, $0x38;
	[tilespmem:$0x1C300] =	vst v63  }
0x42: {  	_ = 	snop  }
0x43: {  	[tilespmem:s17], [sflag:$0x7] =	stream.linear.gather [hbm4b:s9+s2], $0x100, $0x38;
	[tilespmem:$0x1C300] =	vst v63  }
0x44: {  	_ =	swait.ge [sflag:s18], $0x100  }
0x45: {  	[sflag:s18] =	ssyncset.done $0x0  }
0x46: {  	[sflag:s18] =	ssyncadd.s32 $0xFFFFFF00  }
0x47: {  	[tilespmem:s20], [sflag:$0x1] =	stream.indirect.gather [hbm4b:s4+s19], $0x80, s2, s19, $0xb8;
	[tilespmem:$0x1C300] =	vst v63  }
0x48: {  	_ =	swait.ge [sflag:s21], $0x100  }
0x49: {  	[sflag:s21] =	ssyncset.done $0x0  }
0x4a: {  	s0 =	simm.s32 $0x0;
	[sflag:s21] =	ssyncadd.s32 $0xFFFFFF00  }
0x4b: {  	[tilespmem:s22], [sflag:$0x2] =	stream.indirect.gather [hbm4b:s4+s19], $0x80, s16, s19, $0xb8;
	[tilespmem:$0x1C300] =	vst v63  }
.LBB2_2:
0x4c: {  	_ =	swait.ge [sflag:s23], $0x4000  }
0x4d: {  	[sflag:s23] =	ssyncset.done $0x0  }
0x4e: {  	[sflag:s23] =	ssyncadd.s32 $0xFFFFC000  }
0x4f: {  	[spmem:s1] =	stream.indirect.scatter.add.f32 [tilespmem:s20], [sflag:$0x3], $0x80, s19, s19, $0xb8;
	[tilespmem:$0x1C300] =	vst v63  }
0x50: {  	_ =	swait.ge [sflag:s24], $0x4000  }
0x51: {  	[sflag:s24] =	ssyncset.done $0x0  }
0x52: {  	[sflag:s24] =	ssyncadd.s32 $0xFFFFC000  }
0x53: {  	_ =	swait.ge [sflag:s25], $0x100  }
0x54: {  	[sflag:s25] =	ssyncset.done $0x0  }
0x55: {  	s3 =	sadd.s32 s0, s13;
	[sflag:s25] =	ssyncadd.s32 $0xFFFFFF00  }
0x56: {  	[tilespmem:s20], [sflag:$0x1] =	stream.indirect.gather [hbm4b:s4+s19], $0x80, s17, s19, $0xb8;
	[tilespmem:$0x1C300] =	vst v63  }
0x57: {  	s5 =	sadd.s32 $0x60, s3  }
0x58: {  	[tilespmem:s2], [sflag:$0x5] =	stream.linear.gather [hbm4b:s5+s2], $0x100, $0x38;
	[tilespmem:$0x1C300] =	vst v63  }
0x59: {  	_ =	swait.ge [sflag:s26], $0x4000  }
0x5a: {  	[sflag:s26] =	ssyncset.done $0x0  }
0x5b: {  	[sflag:s26] =	ssyncadd.s32 $0xFFFFC000  }
0x5c: {  	[spmem:s1] =	stream.indirect.scatter.add.f32 [tilespmem:s22], [sflag:$0x4], $0x80, s28, s19, $0xb8;
	[tilespmem:$0x1C300] =	vst v63  }
0x5d: {  	_ =	swait.ge [sflag:s29], $0x4000  }
0x5e: {  	[sflag:s29] =	ssyncset.done $0x0  }
0x5f: {  	[sflag:s29] =	ssyncadd.s32 $0xFFFFC000  }
0x60: {  	_ =	swait.ge [sflag:s18], $0x100  }
0x61: {  	[sflag:s18] =	ssyncset.done $0x0  }
0x62: {  	[sflag:s18] =	ssyncadd.s32 $0xFFFFFF00  }
0x63: {  	[tilespmem:s22], [sflag:$0x2] =	stream.indirect.gather [hbm4b:s4+s19], $0x80, s2, s19, $0xb8;
	[tilespmem:$0x1C300] =	vst v63  }
0x64: {  	s5 =	sadd.s32 $0x80, s3  }
0x65: {  	[tilespmem:s16], [sflag:$0x6] =	stream.linear.gather [hbm4b:s5+s2], $0x100, $0x38;
	[tilespmem:$0x1C300] =	vst v63  }
0x66: {  	_ =	swait.ge [sflag:s23], $0x4000  }
0x67: {  	[sflag:s23] =	ssyncset.done $0x0  }
0x68: {  	[sflag:s23] =	ssyncadd.s32 $0xFFFFC000  }
0x69: {  	[spmem:s1] =	stream.indirect.scatter.add.f32 [tilespmem:s20], [sflag:$0x3], $0x80, s30, s19, $0xb8;
	[tilespmem:$0x1C300] =	vst v63  }
0x6a: {  	_ =	swait.ge [sflag:s24], $0x4000  }
0x6b: {  	[sflag:s24] =	ssyncset.done $0x0  }
0x6c: {  	[sflag:s24] =	ssyncadd.s32 $0xFFFFC000  }
0x6d: {  	_ =	swait.ge [sflag:s21], $0x100  }
0x6e: {  	[sflag:s21] =	ssyncset.done $0x0  }
0x6f: {  	[sflag:s21] =	ssyncadd.s32 $0xFFFFFF00  }
0x70: {  	[tilespmem:s20], [sflag:$0x1] =	stream.indirect.gather [hbm4b:s4+s19], $0x80, s16, s19, $0xb8;
	[tilespmem:$0x1C300] =	vst v63  }
0x71: {  	s5 =	sadd.s32 $0xA0, s3  }
0x72: {  	[tilespmem:s17], [sflag:$0x7] =	stream.linear.gather [hbm4b:s5+s2], $0x100, $0x38;
	[tilespmem:$0x1C300] =	vst v63  }
0x73: {  	_ =	swait.ge [sflag:s26], $0x4000  }
0x74: {  	[sflag:s26] =	ssyncset.done $0x0  }
0x75: {  	[sflag:s26] =	ssyncadd.s32 $0xFFFFC000  }
0x76: {  	[spmem:s1] =	stream.indirect.scatter.add.f32 [tilespmem:s22], [sflag:$0x4], $0x80, s19, s19, $0xb8;
	[tilespmem:$0x1C300] =	vst v63  }
0x77: {  	_ =	swait.ge [sflag:s29], $0x4000  }
0x78: {  	p1 =	seq.s32 s0, $0x900;
	[sflag:s29] =	ssyncset.done $0x0  }
.Ltmp2:
0x79: {  	[sflag:s29] =	ssyncadd.s32 $0xFFFFC000;
	(pc) =	sbr.rel @p1 .LBB2_4-.Ltmp2, $4  }
0x7a: {  	_ =	swait.ge [sflag:s25], $0x100  }
0x7b: {  	[sflag:s25] =	ssyncset.done $0x0  }
0x7c: {  	[sflag:s25] =	ssyncadd.s32 $0xFFFFFF00  }
0x7d: {  	[tilespmem:s22], [sflag:$0x2] =	stream.indirect.gather [hbm4b:s4+s19], $0x80, s17, s19, $0xb8;
	[tilespmem:$0x1C300] =	vst v63  }
0x7e: {  	s5 =	sadd.s32 $0xC0, s3  }
0x7f: {  	[tilespmem:s2], [sflag:$0x5] =	stream.linear.gather [hbm4b:s5+s2], $0x100, $0x38;
	[tilespmem:$0x1C300] =	vst v63  }
0x80: {  	_ =	swait.ge [sflag:s23], $0x4000  }
0x81: {  	[sflag:s23] =	ssyncset.done $0x0  }
0x82: {  	[sflag:s23] =	ssyncadd.s32 $0xFFFFC000  }
0x83: {  	[spmem:s1] =	stream.indirect.scatter.add.f32 [tilespmem:s20], [sflag:$0x3], $0x80, s28, s19, $0xb8;
	[tilespmem:$0x1C300] =	vst v63  }
0x84: {  	_ =	swait.ge [sflag:s24], $0x4000  }
0x85: {  	[sflag:s24] =	ssyncset.done $0x0  }
0x86: {  	[sflag:s24] =	ssyncadd.s32 $0xFFFFC000  }
0x87: {  	_ =	swait.ge [sflag:s18], $0x100  }
0x88: {  	[sflag:s18] =	ssyncset.done $0x0  }
0x89: {  	[sflag:s18] =	ssyncadd.s32 $0xFFFFFF00  }
0x8a: {  	[tilespmem:s20], [sflag:$0x1] =	stream.indirect.gather [hbm4b:s4+s19], $0x80, s2, s19, $0xb8;
	[tilespmem:$0x1C300] =	vst v63  }
0x8b: {  	s5 =	sadd.s32 $0xE0, s3  }
0x8c: {  	[tilespmem:s16], [sflag:$0x6] =	stream.linear.gather [hbm4b:s5+s2], $0x100, $0x38;
	[tilespmem:$0x1C300] =	vst v63  }
0x8d: {  	_ =	swait.ge [sflag:s26], $0x4000  }
0x8e: {  	[sflag:s26] =	ssyncset.done $0x0  }
0x8f: {  	[sflag:s26] =	ssyncadd.s32 $0xFFFFC000  }
0x90: {  	[spmem:s1] =	stream.indirect.scatter.add.f32 [tilespmem:s22], [sflag:$0x4], $0x80, s30, s19, $0xb8;
	[tilespmem:$0x1C300] =	vst v63  }
0x91: {  	_ =	swait.ge [sflag:s29], $0x4000  }
0x92: {  	[sflag:s29] =	ssyncset.done $0x0  }
0x93: {  	[sflag:s29] =	ssyncadd.s32 $0xFFFFC000  }
0x94: {  	_ =	swait.ge [sflag:s21], $0x100  }
.Ltmp3:
0x95: {  	[sflag:s21] =	ssyncset.done $0x0;
	(pc) =	sbr.rel .LBB2_2-.Ltmp3, $4  }
0x96: {  	[sflag:s21] =	ssyncadd.s32 $0xFFFFFF00  }
0x97: {  	[tilespmem:s22], [sflag:$0x2] =	stream.indirect.gather [hbm4b:s4+s19], $0x80, s16, s19, $0xb8;
	[tilespmem:$0x1C300] =	vst v63  }
0x98: {  	s0 =	sadd.s32 $0xC0, s0;
	s5 =	sadd.s32 $0x100, s3  }
0x99: {  	[tilespmem:s17], [sflag:$0x7] =	stream.linear.gather [hbm4b:s5+s2], $0x100, $0x38;
	[tilespmem:$0x1C300] =	vst v63  }
.LBB2_5:
0x9a: {  	_ =	sfence.sel $0x180000  }
0x9b: {  	[bflag:$0x0] =	sbarrier.arrive $0xFFFF  }
0x9c: {  	_ =	strace $0x9000004A  }
0x9d: {  	s0 =	stileid.u32;
	[bflag:$0x2] =	sbarrier.arrive $0xFFFF  }
0x9e: {  	p0 =	sne.s32 s0, $0x0;
	s0 =	rddreg [dreg:$0x4]  }
0x9f: {  	s0 =	sadd.s32 @!p0 $0x100000, s0  }
0xa0: {  	[sflag:s0] =	ssyncadd.tile.s32 @!p0 $0x1;
	_ =	shalt  }
.Lfunc_end2:
_tile_overlayer_lowered:
.L_overlay_start_2:
0xa1: {  	(tag) =	ssettag $0x2  }
0xa2: {  	s0 =	rddreg [dreg:$0x0];
	s2 =	stileid.u32  }
0xa3: {  	s1 =	rddreg [dreg:$0x1];
	p0 =	sne.s32 s2, $0x0  }
0xa4: {  	s3 =	rddreg [dreg:$0x2];
	[bflag:$0x3] =	sbarrier.arrive $0xFFFF;
	s2 =	simm.s32 @!p0 $0x1C08  }
0xa5: {  	[timem:s3], [sflag:s2] =	dma.local @!p0 [hbm:s0], s1  }
0xa6: {  	s0 =	simm.s32 @!p0 $0x8  }
0xa7: {  	_ =	swait.ge @!p0 [sflag:s0], s1  }
0xa8: {  	s1 =	ssub.s32 @!p0 $0x0, s1;
	[sflag:s0] =	ssyncset.done @!p0 $0x0  }
0xa9: {  	[sflag:s0] =	ssyncadd.s32 @!p0 s1  }
0xaa: {  	[bflag:$0x3] =	sbarrier.arrive $0xFFFF  }
0xab: {  	_ =	shalt  }

// kernel: kernel.14.cloned.1.call-start
scs
__scs_entry_jumppad:
0x0: {  	(pc) =	sbr.rel $0x88, $3  }
0x1: {  	(tag) =	ssettag $0x0;
	lr =	simm.s32 $0x1  }
0x2: {  	[smem:$0x3F96] =	sst lr;
	_ =	strace $0xD0000000  }
0x3: {  	_ = 	snop  }
0x4: {  	_ = 	snop  }
0x5: {  	_ = 	snop  }
0x6: {  	_ = 	snop  }
0x7: {  	_ = 	snop  }
__scs_overlays_trampoline_lowered:
0x8: {  	[smem:$0x3FA5] =	sst s0  }
0x9: {  	[smem:$0x3FA6] =	sst s1  }
0xa: {  	[smem:$0x3FA7] =	sst s2  }
0xb: {  	[smem:$0x3FA8] =	sst s3  }
0xc: {  	[smem:$0x3FA9] =	sst s4  }
0xd: {  	[smem:$0x3FAA] =	sst s5  }
0xe: {  	[smem:$0x3FAB] =	sst s6  }
0xf: {  	[smem:$0x3FAC] =	sst s7  }
0x10: {  	[smem:$0x3FAD] =	sst s8  }
0x11: {  	[smem:$0x3FAE] =	sst s9;
	s0 =	simm.s32 @!p0 $0x0  }
0x12: {  	s1 =	sld [smem:$0x3F94];
	s0 =	simm.s32 @p0 $0x1  }
0x13: {  	[smem:$0x3FAF] =	sst s0;
	s0 =	simm.s32 @!p1 $0x0  }
0x14: {  	s2 =	sld [smem:$0x3F93];
	s0 =	simm.s32 @p1 $0x1  }
0x15: {  	[smem:$0x3FB0] =	sst s0;
	s0 =	simm.s32 @!p2 $0x0  }
0x16: {  	s3 =	sld [smem:$0x3FDB];
	s0 =	simm.s32 @p2 $0x1  }
0x17: {  	s4 =	simm.s32 $0x1BF5;
	[smem:$0x3FB2] =	sst s0  }
0x18: {  	s0 =	sld [smem:$0x3F95];
	_ =	swait.ge [sflag:s4], $0x0  }
0x19: {  	s7 =	sld [smem:$0x3F96]  }
0x1a: {  	s8 =	sadd.s32 $0xFFFFE003, lr  }
0x1b: {  	s9 =	sadd.s32 $0xFFFFFEF7, lr;
	s5 =	simm.s32 $0xFFFFFFFF;
	p2 =	slt.u32 s8, $0xFFFFF086  }
0x1c: {  	p1 =	slt.u32 s9, $0xF7A;
	s5 =	simm.s32 @!p2 $0x0  }
0x1d: {  	s5 =	simm.s32 @p1 $0x1;
	p0 =	seq.s32 s7, s2  }
0x1e: {  	s7 =	smul.u32 @!p0 $0xF7A, s2;
	p2 =	seq.s32 @!p0 s5, $0x0  }
0x1f: {  	s9 =	smul.u32 $0xF7A, s1;
	s8 =	simm.s32 @!p0 $0x1BF5;
	p2 =	por !p2, p0  }
0x20: {  	[sflag:s8] =	ssyncset.s32 @!p0 $0xFFFFF086;
	s6 =	sadd.s32 @!p0 s3, s7;
	s7 =	simm.s32 @!p0 $0x108  }
0x21: {  	s3 =	sadd.s32 s3, s9;
	s6 =	sadd.s32 @!p0 $0x88, s6;
	s7 =	simm.s32 @p2 $0x1082  }
0x22: {  	[simem:s7], [sflag:s8] =	dma.local @!p0 [hbm:s6], $0xF7A  }
0x23: {  	s9 =	sor.u32 $0xD0000000, s2;
	s6 =	simm.s32 $0x108;
	_ =	swait.ge @!p0 [sflag:s8], $0x0  }
0x24: {  	s3 =	sadd.s32 $0x88, s3;
	s6 =	simm.s32 @!p1 $0x1082;
	[sflag:s4] =	ssyncset.s32 $0xFFFFF086  }
0x25: {  	[simem:s6], [sflag:s4] =	dma.local [hbm:s3], $0xF7A  }
0x26: {  	[smem:$0x3F96] =	sst s1;
	(tag) =	ssettag s2;
	_ =	strace s9  }
0x27: {  	s1 =	sld [smem:$0x3FA6]  }
0x28: {  	s2 =	sld [smem:$0x3FA7]  }
0x29: {  	s4 =	sld [smem:$0x3FA9]  }
0x2a: {  	p0 =	seq.s32 s5, $0x0;
	s5 =	sld [smem:$0x3FAA]  }
0x2b: {  	s6 =	sld [smem:$0x3FAB]  }
0x2c: {  	s7 =	sld [smem:$0x3FAC]  }
0x2d: {  	s3 =	simm.s32 $0x108;
	s8 =	sld [smem:$0x3FAD]  }
0x2e: {  	s3 =	simm.s32 @!p0 $0x1082;
	s9 =	sld [smem:$0x3FAE]  }
0x2f: {  	lr =	sadd.s32 s0, s3;
	s0 =	sld [smem:$0x3FA5]  }
0x30: {  	s3 =	sld [smem:$0x3FA8]  }
0x31: {  	[smem:$0x3FB1] =	sst s10  }
0x32: {  	s10 =	sld [smem:$0x3FAF];
	_ =	sdelay $0x3  }
0x33: {  	p0 =	seq.s32 s10, $0x1;
	s10 =	sld [smem:$0x3FB1];
	_ =	sdelay $0x3  }
0x34: {  	[smem:$0x3FB1] =	sst s10  }
0x35: {  	s10 =	sld [smem:$0x3FB0];
	_ =	sdelay $0x3  }
0x36: {  	p1 =	seq.s32 s10, $0x1;
	s10 =	sld [smem:$0x3FB1];
	_ =	sdelay $0x3  }
0x37: {  	[smem:$0x3FB1] =	sst s10  }
0x38: {  	s10 =	sld [smem:$0x3FB2]  }
0x39: {  	_ = 	snop;
	(pc) =	sbr.ind lr, $3  }
0x3a: {  	_ = 	snop  }
0x3b: {  	_ = 	snop  }
0x3c: {  	p2 =	seq.s32 s10, $0x1;
	s10 =	sld [smem:$0x3FB1]  }
0x3d: {  	_ =	shalt  }
0x3e: {  	_ =	shalt  }
0x3f: {  	_ =	shalt  }
0x40: {  	_ =	shalt  }
0x41: {  	_ =	shalt  }
0x42: {  	_ =	shalt  }
0x43: {  	_ =	shalt  }
0x44: {  	_ =	shalt  }
0x45: {  	_ =	shalt  }
0x46: {  	_ =	shalt  }
0x47: {  	_ =	shalt  }
0x48: {  	_ =	shalt  }
0x49: {  	_ =	shalt  }
0x4a: {  	_ =	shalt  }
0x4b: {  	_ =	shalt  }
0x4c: {  	_ =	shalt  }
0x4d: {  	_ =	shalt  }
0x4e: {  	_ =	shalt  }
0x4f: {  	_ =	shalt  }
0x50: {  	_ =	shalt  }
0x51: {  	_ =	shalt  }
0x52: {  	_ =	shalt  }
0x53: {  	_ =	shalt  }
0x54: {  	_ =	shalt  }
0x55: {  	_ =	shalt  }
0x56: {  	_ =	shalt  }
0x57: {  	_ =	shalt  }
0x58: {  	_ =	shalt  }
0x59: {  	_ =	shalt  }
0x5a: {  	_ =	shalt  }
0x5b: {  	_ =	shalt  }
0x5c: {  	_ =	shalt  }
0x5d: {  	_ =	shalt  }
0x5e: {  	_ =	shalt  }
0x5f: {  	_ =	shalt  }
0x60: {  	_ =	shalt  }
0x61: {  	_ =	shalt  }
0x62: {  	_ =	shalt  }
0x63: {  	_ =	shalt  }
0x64: {  	_ =	shalt  }
0x65: {  	_ =	shalt  }
0x66: {  	_ =	shalt  }
0x67: {  	_ =	shalt  }
0x68: {  	_ =	shalt  }
0x69: {  	_ =	shalt  }
0x6a: {  	_ =	shalt  }
0x6b: {  	_ =	shalt  }
0x6c: {  	_ =	shalt  }
0x6d: {  	_ =	shalt  }
0x6e: {  	_ =	shalt  }
0x6f: {  	_ =	shalt  }
0x70: {  	_ =	shalt  }
0x71: {  	_ =	shalt  }
0x72: {  	_ =	shalt  }
0x73: {  	_ =	shalt  }
0x74: {  	_ =	shalt  }
0x75: {  	_ =	shalt  }
0x76: {  	_ =	shalt  }
0x77: {  	_ =	shalt  }
0x78: {  	_ =	shalt  }
0x79: {  	_ =	shalt  }
0x7a: {  	_ =	shalt  }
0x7b: {  	_ =	shalt  }
0x7c: {  	_ =	shalt  }
0x7d: {  	_ =	shalt  }
0x7e: {  	_ =	shalt  }
0x7f: {  	_ =	shalt  }
0x80: {  	_ =	shalt  }
0x81: {  	_ =	shalt  }
0x82: {  	_ =	shalt  }
0x83: {  	_ =	shalt  }
0x84: {  	_ =	shalt  }
0x85: {  	_ =	shalt  }
0x86: {  	_ =	shalt  }
0x87: {  	_ =	shalt  }
.Lfunc_end0:
.L_simem_size_0:
called_computation.2_lowered:
.L_overlay_start_0:
0x88: {  	s2 =	sld [smem:$0x3FD9]  }
0x89: {  	s3 =	sld [smem:$0x3FFE];
	_ =	sdelay $0x1  }
0x8a: {  	s1 =	srdreg.scid  }
0x8b: {  	s0 =	sand.u32 $0x1, s1  }
0x8c: {  	s17 =	sshll.u32 s0, $0xA;
	s2 =	sadd.s32 s3, s2  }
0x8d: {  	s2 =	sadd.s32 s2, s17  }
0x8e: {  	[smem:$0x3FBD] =	sst s2  }
0x8f: {  	_ = 	snop  }
0x90: {  	s2 =	sld [smem:$0x3FD0];
	(tm) =	ssettm $0x1  }
0x91: {  	s18 =	sld [smem:$0x3FFB];
	_ =	sdelay $0x3  }
0x92: {  	_ =	strace s18  }
0x93: {  	s3 =	sld [smem:$0x3FFC];
	_ =	sdelay $0x3  }
0x94: {  	_ =	strace s3  }
0x95: {  	s3 =	sld [smem:$0x3FFD];
	_ =	sdelay $0x3  }
0x96: {  	_ =	strace s3  }
0x97: {  	_ =	strace $0x8FFFFFFF  }
0x98: {  	s19 =	sld [smem:$0x3FDB];
	_ =	sdelay $0x1  }
0x99: {  	s4 =	simm.s32 $_scs_section_size  }
0x9a: {  	s5 =	simm.s32 $_size__tile_overlayer_lowered;
	s6 =	simm.s32 $_tile_overlayer_lowered  }
0x9b: {  	s22 =	simm.s32 $0x1BFF;
	s21 =	sshll.u32 s6, $0x1;
	s3 =	sadd.s32 s4, s19  }
0x9c: {  	s7 =	simm.s32 $0x0;
	s20 =	sshll.u32 s5, $0x1;
	s5 =	sadd.s32 s21, s3  }
0x9d: {  	[timem:s7], [sflag:s22] =	dma.local [hbm:s5], s20  }
0x9e: {  	_ =	swait.ge [sflag:s22], s20  }
0x9f: {  	s4 =	ssub.s32 $0x0, s20;
	[sflag:s22] =	ssyncset.done $0x0  }
0xa0: {  	[sflag:s22] =	ssyncadd.s32 s4;
	_ =	sdelay $0x1  }
0xa1: {  	s23 =	simm.s32 $0x1B8B  }
0xa2: {  	_ =	swait.ge [sflag:s23], $0x1  }
0xa3: {  	[sflag:s23] =	ssyncset.done $0x0  }
0xa4: {  	s25 =	simm.s32 $0x1B8E;
	s24 =	sld [smem:$0x3FFE];
	[sflag:s23] =	ssyncadd.s32 $0xFFFFFFFF  }
0xa5: {  	s26 =	simm.s32 $execute0_lowered;
	[smem:$0x3FD2] =	sst s25  }
0xa6: {  	s5 =	sshll.u32 s26, $0x1;
	_ =	strace $0x8000004C;
	[dreg:$0x1] =	wrdreg $0xFFFFFFFF  }
0xa7: {  	s28 =	simm.s32 $_size_execute0_lowered;
	s3 =	sadd.s32 s3, s5;
	[dreg:$0x0] =	wrdreg $0x0  }
0xa8: {  	s5 =	sshll.u32 s28, $0x1;
	[dreg:$0x2] =	wrdreg s3  }
0xa9: {  	[dreg:$0x3] =	wrdreg s5  }
0xaa: {  	[dreg:$0x4] =	wrdreg $0xC0  }
0xab: {  	_ =	task [dreg:s7], $0x5FFFF  }
0xac: {  	[dreg:$0x1] =	wrdreg $0xFFFFFFFF  }
0xad: {  	[dreg:$0x0] =	wrdreg $0x60  }
0xae: {  	[dreg:$0x2] =	wrdreg s24  }
0xaf: {  	[dreg:$0x3] =	wrdreg s2  }
0xb0: {  	[dreg:$0x4] =	wrdreg $0x9  }
0xb1: {  	_ =	task.clear_ibuf [dreg:s7], $0x5FFFF;
	_ =	strace $0x9000004C  }
0xb2: {  	s29 =	simm.s32 $0x9;
	_ =	strace $0x8000004E  }
0xb3: {  	_ =	swait.ge [sflag:s29], $0x1  }
0xb4: {  	[sflag:s29] =	ssyncadd.s32 $0xFFFFFFFF  }
0xb5: {  	_ =	strace $0x9000004E  }
0xb6: {  	_ =	sfence  }
0xb7: {  	s30 =	sld [smem:$0x0];
	_ =	sdelay $0x2  }
0xb8: {  	s31 =	sshll.u32 s1, $0xD;
	s1 =	sshrl.u32 s1, $0x2  }
0xb9: {  	s3 =	sand.u32 $0x4000, s31;
	s1 =	sadd.s32 s1, s30  }
0xba: {  	s0 =	sor.u32 s3, s0;
	s1 =	sshll.u32 s1, $0x11  }
0xbb: {  	s0 =	sor.u32 s1, s0  }
0xbc: {  	s0 =	sadd.s32 $0x8F2B, s0  }
0xbd: {  	[sflag:s0] =	ssyncadd.remote.s32 $0x1  }
0xbe: {  	_ =	sfence.sel $0xFFFF  }
0xbf: {  	[dreg:$0x0] =	wrdreg $0xFFFFFFFF;
	(pc) =	sbr.abs _section_cstart, $3  }
0xc0: {  	[dreg:$0x1] =	wrdreg $0xFFFFFFFF  }
0xc1: {  	_ =	task.clear_ibuf [dreg:s7], $0x2FFFF;
	_ =	strace $0x9FFFFFFF  }
0xc2: {  	(tm) =	ssettm $0x7FFFFFFF  }
0xc3: {  	_ =	shalt  }
tec
execute0_lowered:
.L_overlay_start_1:
0x0: {  	(tag) =	ssettag $0x1  }
0x1: {  	s0 =	srdreg.scid  }
0x2: {  	s15 =	sand.u32 $0x1, s0  }
0x3: {  	s5 =	rddreg [dreg:$0x0];
	s0 =	stileid.u32;
	s1 =	sshll.u32 s15, $0x4  }
0x4: {  	s14 =	rddreg [dreg:$0x1];
	s2 =	simm.s32 $0x0;
	s8 =	sor.u32 s0, s1  }
0x5: {  	[smem:$0x7FF] =	sst s2;
	s3 =	smul.u32 $0x30, s8  }
0x6: {  	s13 =	sadd.s32 $0x2DE00, s5;
	s1 =	rddreg [dreg:$0x2]  }
0x7: {  	_ =	strace $0x8000004D;
	s7 =	smul.u32 $0x60, s8;
	s4 =	sand.u32 $0x1F0, s3  }
0x8: {  	s3 =	sadd.s32 s13, s3;
	s6 =	smul.u32 $0xC00, s4;
	s4 =	simm.s32 $0x2  }
0x9: {  	[tilespmem:s2], [sflag:$0x2] =	stream.linear.gather [hbm4b:s3+s2], $0x80, $0x38;
	[tilespmem:$0x4080] =	vst v63  }
0xa: {  	s7 =	sand.u32 $0xC00, s7;
	_ =	swait.ge [sflag:s4], $0x80  }
0xb: {  	s5 =	sadd.s32 $0x3A00, s5;
	s9 =	sor.u32 s7, s6;
	[sflag:s4] =	ssyncset.done $0x0  }
0xc: {  	s6 =	simm.s32 $0x80;
	s7 =	simm.s32 $0x1;
	[sflag:s4] =	ssyncadd.s32 $0xFFFFFF80  }
0xd: {  	[tilespmem:s6], [sflag:$0x1] =	stream.indirect.gather [hbm4b:s5+s6], $0x80, s2, s6, $0xb8;
	[tilespmem:$0x4080] =	vst v63  }
0xe: {  	s10 =	simm.s32 $0xC00;
	_ =	swait.ge [sflag:s7], $0x4000  }
0xf: {  	s16 =	smul.u32 $0x3, s8;
	s9 =	sshrl.u32 s9, $0x3;
	[sflag:s7] =	ssyncset.done $0x0  }
0x10: {  	s8 =	sadd.s32 s14, s9;
	s9 =	simm.s32 $0x400;
	[sflag:s7] =	ssyncadd.s32 $0xFFFFC000  }
0x11: {  	[hbm4b:s8+s9] =	stream.strided.scatter [tilespmem:s6], [sflag:$0x2], $0x4000, s10, s9, $0x38;
	[tilespmem:$0x4080] =	vst v63  }
0x12: {  	s12 =	sadd.s32 $0x1, s16;
	_ =	swait.ge [sflag:s4], $0x4000  }
0x13: {  	s17 =	sshll.u32 s12, $0x4;
	[sflag:s4] =	ssyncset.done $0x0  }
0x14: {  	s11 =	sadd.s32 s13, s17;
	[sflag:s4] =	ssyncadd.s32 $0xFFFFC000  }
0x15: {  	[tilespmem:s2], [sflag:$0x2] =	stream.linear.gather [hbm4b:s11+s2], $0x80, $0x38;
	[tilespmem:$0x4080] =	vst v63  }
0x16: {  	_ =	swait.ge [sflag:s4], $0x80  }
0x17: {  	s12 =	sshll.u32 s12, $0x5;
	s17 =	sand.u32 $0x1F0, s17;
	[sflag:s4] =	ssyncset.done $0x0  }
0x18: {  	s12 =	sand.u32 $0x1C00, s12;
	s17 =	smul.u32 $0xC00, s17;
	[sflag:s4] =	ssyncadd.s32 $0xFFFFFF80  }
0x19: {  	[tilespmem:s6], [sflag:$0x1] =	stream.indirect.gather [hbm4b:s5+s6], $0x80, s2, s6, $0xb8;
	[tilespmem:$0x4080] =	vst v63  }
0x1a: {  	s12 =	sor.u32 s12, s17;
	_ =	swait.ge [sflag:s7], $0x4000  }
0x1b: {  	s12 =	sshrl.u32 s12, $0x3;
	[sflag:s7] =	ssyncset.done $0x0  }
0x1c: {  	s12 =	sadd.s32 s14, s12;
	[sflag:s7] =	ssyncadd.s32 $0xFFFFC000  }
0x1d: {  	[hbm4b:s12+s9] =	stream.strided.scatter [tilespmem:s6], [sflag:$0x2], $0x4000, s10, s9, $0x38;
	[tilespmem:$0x4080] =	vst v63  }
0x1e: {  	s15 =	ssub.s32 $0x2, s15;
	s16 =	sadd.s32 $0x2, s16;
	_ =	swait.ge [sflag:s4], $0x4000  }
0x1f: {  	s31 =	sshrl.u32 s15, $0x1;
	s30 =	sshll.u32 s16, $0x4;
	[sflag:s4] =	ssyncset.done $0x0  }
0x20: {  	s15 =	ssub.s32 s15, s31;
	s13 =	sadd.s32 s13, s30;
	[sflag:s4] =	ssyncadd.s32 $0xFFFFC000  }
0x21: {  	[tilespmem:s2], [sflag:$0x2] =	stream.linear.gather [hbm4b:s13+s2], $0x80, $0x38;
	[tilespmem:$0x4080] =	vst v63  }
0x22: {  	s15 =	smax.u32 s15, $0x1;
	_ =	swait.ge [sflag:s4], $0x80  }
0x23: {  	s16 =	sshll.u32 s16, $0x5;
	s17 =	sand.u32 $0x1F0, s30;
	[sflag:s4] =	ssyncset.done $0x0  }
0x24: {  	s16 =	sand.u32 $0x1C00, s16;
	s17 =	smul.u32 $0xC00, s17;
	[sflag:s4] =	ssyncadd.s32 $0xFFFFFF80  }
0x25: {  	[tilespmem:s6], [sflag:$0x1] =	stream.indirect.gather [hbm4b:s5+s6], $0x80, s2, s6, $0xb8;
	[tilespmem:$0x4080] =	vst v63  }
0x26: {  	p0 =	sne.s32 s15, $0x1;
	s16 =	sor.u32 s16, s17;
	_ =	swait.ge [sflag:s7], $0x4000  }
.Ltmp0:
0x27: {  	s16 =	sshrl.u32 s16, $0x3;
	[sflag:s7] =	ssyncset.done $0x0;
	(pc) =	sbr.rel @!p0 .LBB2_2-.Ltmp0, $4  }
0x28: {  	s14 =	sadd.s32 s14, s16;
	[sflag:s7] =	ssyncadd.s32 $0xFFFFC000  }
0x29: {  	[hbm4b:s14+s9] =	stream.strided.scatter [tilespmem:s6], [sflag:$0x2], $0x4000, s10, s9, $0x38;
	[tilespmem:$0x4080] =	vst v63  }
0x2a: {  	_ =	swait.ge [sflag:s4], $0x4000  }
0x2b: {  	s15 =	sadd.s32 $0xFFFFFFFF, s15;
	[sflag:s4] =	ssyncset.done $0x0  }
.LBB2_1:
0x2c: {  	p0 =	sne.s32 s15, $0x1;
	s15 =	sadd.s32 $0xFFFFFFFF, s15;
	[sflag:s4] =	ssyncadd.s32 $0xFFFFC000  }
0x2d: {  	[tilespmem:s2], [sflag:$0x2] =	stream.linear.gather [hbm4b:s3+s2], $0x80, $0x38;
	[tilespmem:$0x4080] =	vst v63  }
0x2e: {  	_ =	swait.ge [sflag:s4], $0x80  }
0x2f: {  	[sflag:s4] =	ssyncset.done $0x0  }
0x30: {  	[sflag:s4] =	ssyncadd.s32 $0xFFFFFF80  }
0x31: {  	[tilespmem:s6], [sflag:$0x1] =	stream.indirect.gather [hbm4b:s5+s6], $0x80, s2, s6, $0xb8;
	[tilespmem:$0x4080] =	vst v63  }
0x32: {  	_ =	swait.ge [sflag:s7], $0x4000  }
0x33: {  	[sflag:s7] =	ssyncset.done $0x0  }
0x34: {  	[sflag:s7] =	ssyncadd.s32 $0xFFFFC000  }
0x35: {  	[hbm4b:s8+s9] =	stream.strided.scatter [tilespmem:s6], [sflag:$0x2], $0x4000, s10, s9, $0x38;
	[tilespmem:$0x4080] =	vst v63  }
0x36: {  	_ =	swait.ge [sflag:s4], $0x4000  }
0x37: {  	[sflag:s4] =	ssyncset.done $0x0  }
0x38: {  	[sflag:s4] =	ssyncadd.s32 $0xFFFFC000  }
0x39: {  	[tilespmem:s2], [sflag:$0x2] =	stream.linear.gather [hbm4b:s11+s2], $0x80, $0x38;
	[tilespmem:$0x4080] =	vst v63  }
0x3a: {  	_ =	swait.ge [sflag:s4], $0x80  }
0x3b: {  	[sflag:s4] =	ssyncset.done $0x0  }
0x3c: {  	[sflag:s4] =	ssyncadd.s32 $0xFFFFFF80  }
0x3d: {  	[tilespmem:s6], [sflag:$0x1] =	stream.indirect.gather [hbm4b:s5+s6], $0x80, s2, s6, $0xb8;
	[tilespmem:$0x4080] =	vst v63  }
0x3e: {  	_ =	swait.ge [sflag:s7], $0x4000  }
0x3f: {  	[sflag:s7] =	ssyncset.done $0x0  }
0x40: {  	[sflag:s7] =	ssyncadd.s32 $0xFFFFC000  }
0x41: {  	[hbm4b:s12+s9] =	stream.strided.scatter [tilespmem:s6], [sflag:$0x2], $0x4000, s10, s9, $0x38;
	[tilespmem:$0x4080] =	vst v63  }
0x42: {  	_ =	swait.ge [sflag:s4], $0x4000  }
0x43: {  	[sflag:s4] =	ssyncset.done $0x0  }
0x44: {  	[sflag:s4] =	ssyncadd.s32 $0xFFFFC000  }
0x45: {  	[tilespmem:s2], [sflag:$0x2] =	stream.linear.gather [hbm4b:s13+s2], $0x80, $0x38;
	[tilespmem:$0x4080] =	vst v63  }
0x46: {  	_ =	swait.ge [sflag:s4], $0x80  }
0x47: {  	[sflag:s4] =	ssyncset.done $0x0  }
0x48: {  	[sflag:s4] =	ssyncadd.s32 $0xFFFFFF80  }
0x49: {  	[tilespmem:s6], [sflag:$0x1] =	stream.indirect.gather [hbm4b:s5+s6], $0x80, s2, s6, $0xb8;
	[tilespmem:$0x4080] =	vst v63  }
0x4a: {  	_ =	swait.ge [sflag:s7], $0x4000  }
.Ltmp1:
0x4b: {  	[sflag:s7] =	ssyncset.done $0x0;
	(pc) =	sbr.rel @p0 .LBB2_1-.Ltmp1, $4  }
0x4c: {  	[sflag:s7] =	ssyncadd.s32 $0xFFFFC000  }
0x4d: {  	[hbm4b:s14+s9] =	stream.strided.scatter [tilespmem:s6], [sflag:$0x2], $0x4000, s10, s9, $0x38;
	[tilespmem:$0x4080] =	vst v63  }
0x4e: {  	_ =	swait.ge [sflag:s4], $0x4000  }
0x4f: {  	[sflag:s4] =	ssyncset.done $0x0  }
.LBB2_2:
0x50: {  	[sflag:s4] =	ssyncadd.s32 $0xFFFFC000  }
0x51: {  	_ =	sfence.sel $0x180000  }
0x52: {  	[bflag:$0x0] =	sbarrier.arrive $0xFFFF  }
0x53: {  	p0 =	sne.s32 s0, $0x0;
	_ =	strace $0x9000004D  }
0x54: {  	s0 =	sadd.s32 @!p0 $0x100000, s1;
	[bflag:$0x2] =	sbarrier.arrive $0xFFFF  }
0x55: {  	[sflag:s0] =	ssyncadd.tile.s32 @!p0 $0x1;
	_ =	shalt  }
.Lfunc_end2:
_tile_overlayer_lowered:
.L_overlay_start_2:
0x56: {  	(tag) =	ssettag $0x2  }
0x57: {  	s0 =	rddreg [dreg:$0x0];
	s2 =	stileid.u32  }
0x58: {  	s1 =	rddreg [dreg:$0x1];
	p0 =	sne.s32 s2, $0x0  }
0x59: {  	s3 =	rddreg [dreg:$0x2];
	[bflag:$0x3] =	sbarrier.arrive $0xFFFF;
	s2 =	simm.s32 @!p0 $0x1C02  }
0x5a: {  	[timem:s3], [sflag:s2] =	dma.local @!p0 [hbm:s0], s1  }
0x5b: {  	s0 =	simm.s32 @!p0 $0x2  }
0x5c: {  	_ =	swait.ge @!p0 [sflag:s0], s1  }
0x5d: {  	s1 =	ssub.s32 @!p0 $0x0, s1;
	[sflag:s0] =	ssyncset.done @!p0 $0x0  }
0x5e: {  	[sflag:s0] =	ssyncadd.s32 @!p0 s1  }
0x5f: {  	[bflag:$0x3] =	sbarrier.arrive $0xFFFF  }
0x60: {  	_ =	shalt  }

// kernel: kernel.8.cloned.1.call-start
scs
__scs_entry_jumppad:
0x0: {  	(pc) =	sbr.rel $0x88, $3  }
0x1: {  	(tag) =	ssettag $0x0;
	lr =	simm.s32 $0x1  }
0x2: {  	[smem:$0x3F96] =	sst lr;
	_ =	strace $0xD0000000  }
0x3: {  	_ = 	snop  }
0x4: {  	_ = 	snop  }
0x5: {  	_ = 	snop  }
0x6: {  	_ = 	snop  }
0x7: {  	_ = 	snop  }
__scs_overlays_trampoline_lowered:
0x8: {  	[smem:$0x3FA5] =	sst s0  }
0x9: {  	[smem:$0x3FA6] =	sst s1  }
0xa: {  	[smem:$0x3FA7] =	sst s2  }
0xb: {  	[smem:$0x3FA8] =	sst s3  }
0xc: {  	[smem:$0x3FA9] =	sst s4  }
0xd: {  	[smem:$0x3FAA] =	sst s5  }
0xe: {  	[smem:$0x3FAB] =	sst s6  }
0xf: {  	[smem:$0x3FAC] =	sst s7  }
0x10: {  	[smem:$0x3FAD] =	sst s8  }
0x11: {  	[smem:$0x3FAE] =	sst s9;
	s0 =	simm.s32 @!p0 $0x0  }
0x12: {  	s1 =	sld [smem:$0x3F94];
	s0 =	simm.s32 @p0 $0x1  }
0x13: {  	[smem:$0x3FAF] =	sst s0;
	s0 =	simm.s32 @!p1 $0x0  }
0x14: {  	s2 =	sld [smem:$0x3F93];
	s0 =	simm.s32 @p1 $0x1  }
0x15: {  	[smem:$0x3FB0] =	sst s0;
	s0 =	simm.s32 @!p2 $0x0  }
0x16: {  	s3 =	sld [smem:$0x3FDB];
	s0 =	simm.s32 @p2 $0x1  }
0x17: {  	s4 =	simm.s32 $0x1BF5;
	[smem:$0x3FB2] =	sst s0  }
0x18: {  	s0 =	sld [smem:$0x3F95];
	_ =	swait.ge [sflag:s4], $0x0  }
0x19: {  	s7 =	sld [smem:$0x3F96]  }
0x1a: {  	s8 =	sadd.s32 $0xFFFFE003, lr  }
0x1b: {  	s9 =	sadd.s32 $0xFFFFFEF7, lr;
	s5 =	simm.s32 $0xFFFFFFFF;
	p2 =	slt.u32 s8, $0xFFFFF086  }
0x1c: {  	p1 =	slt.u32 s9, $0xF7A;
	s5 =	simm.s32 @!p2 $0x0  }
0x1d: {  	s5 =	simm.s32 @p1 $0x1;
	p0 =	seq.s32 s7, s2  }
0x1e: {  	s7 =	smul.u32 @!p0 $0xF7A, s2;
	p2 =	seq.s32 @!p0 s5, $0x0  }
0x1f: {  	s9 =	smul.u32 $0xF7A, s1;
	s8 =	simm.s32 @!p0 $0x1BF5;
	p2 =	por !p2, p0  }
0x20: {  	[sflag:s8] =	ssyncset.s32 @!p0 $0xFFFFF086;
	s6 =	sadd.s32 @!p0 s3, s7;
	s7 =	simm.s32 @!p0 $0x108  }
0x21: {  	s3 =	sadd.s32 s3, s9;
	s6 =	sadd.s32 @!p0 $0x88, s6;
	s7 =	simm.s32 @p2 $0x1082  }
0x22: {  	[simem:s7], [sflag:s8] =	dma.local @!p0 [hbm:s6], $0xF7A  }
0x23: {  	s9 =	sor.u32 $0xD0000000, s2;
	s6 =	simm.s32 $0x108;
	_ =	swait.ge @!p0 [sflag:s8], $0x0  }
0x24: {  	s3 =	sadd.s32 $0x88, s3;
	s6 =	simm.s32 @!p1 $0x1082;
	[sflag:s4] =	ssyncset.s32 $0xFFFFF086  }
0x25: {  	[simem:s6], [sflag:s4] =	dma.local [hbm:s3], $0xF7A  }
0x26: {  	[smem:$0x3F96] =	sst s1;
	(tag) =	ssettag s2;
	_ =	strace s9  }
0x27: {  	s1 =	sld [smem:$0x3FA6]  }
0x28: {  	s2 =	sld [smem:$0x3FA7]  }
0x29: {  	s4 =	sld [smem:$0x3FA9]  }
0x2a: {  	p0 =	seq.s32 s5, $0x0;
	s5 =	sld [smem:$0x3FAA]  }
0x2b: {  	s6 =	sld [smem:$0x3FAB]  }
0x2c: {  	s7 =	sld [smem:$0x3FAC]  }
0x2d: {  	s3 =	simm.s32 $0x108;
	s8 =	sld [smem:$0x3FAD]  }
0x2e: {  	s3 =	simm.s32 @!p0 $0x1082;
	s9 =	sld [smem:$0x3FAE]  }
0x2f: {  	lr =	sadd.s32 s0, s3;
	s0 =	sld [smem:$0x3FA5]  }
0x30: {  	s3 =	sld [smem:$0x3FA8]  }
0x31: {  	[smem:$0x3FB1] =	sst s10  }
0x32: {  	s10 =	sld [smem:$0x3FAF];
	_ =	sdelay $0x3  }
0x33: {  	p0 =	seq.s32 s10, $0x1;
	s10 =	sld [smem:$0x3FB1];
	_ =	sdelay $0x3  }
0x34: {  	[smem:$0x3FB1] =	sst s10  }
0x35: {  	s10 =	sld [smem:$0x3FB0];
	_ =	sdelay $0x3  }
0x36: {  	p1 =	seq.s32 s10, $0x1;
	s10 =	sld [smem:$0x3FB1];
	_ =	sdelay $0x3  }
0x37: {  	[smem:$0x3FB1] =	sst s10  }
0x38: {  	s10 =	sld [smem:$0x3FB2]  }
0x39: {  	_ = 	snop;
	(pc) =	sbr.ind lr, $3  }
0x3a: {  	_ = 	snop  }
0x3b: {  	_ = 	snop  }
0x3c: {  	p2 =	seq.s32 s10, $0x1;
	s10 =	sld [smem:$0x3FB1]  }
0x3d: {  	_ =	shalt  }
0x3e: {  	_ =	shalt  }
0x3f: {  	_ =	shalt  }
0x40: {  	_ =	shalt  }
0x41: {  	_ =	shalt  }
0x42: {  	_ =	shalt  }
0x43: {  	_ =	shalt  }
0x44: {  	_ =	shalt  }
0x45: {  	_ =	shalt  }
0x46: {  	_ =	shalt  }
0x47: {  	_ =	shalt  }
0x48: {  	_ =	shalt  }
0x49: {  	_ =	shalt  }
0x4a: {  	_ =	shalt  }
0x4b: {  	_ =	shalt  }
0x4c: {  	_ =	shalt  }
0x4d: {  	_ =	shalt  }
0x4e: {  	_ =	shalt  }
0x4f: {  	_ =	shalt  }
0x50: {  	_ =	shalt  }
0x51: {  	_ =	shalt  }
0x52: {  	_ =	shalt  }
0x53: {  	_ =	shalt  }
0x54: {  	_ =	shalt  }
0x55: {  	_ =	shalt  }
0x56: {  	_ =	shalt  }
0x57: {  	_ =	shalt  }
0x58: {  	_ =	shalt  }
0x59: {  	_ =	shalt  }
0x5a: {  	_ =	shalt  }
0x5b: {  	_ =	shalt  }
0x5c: {  	_ =	shalt  }
0x5d: {  	_ =	shalt  }
0x5e: {  	_ =	shalt  }
0x5f: {  	_ =	shalt  }
0x60: {  	_ =	shalt  }
0x61: {  	_ =	shalt  }
0x62: {  	_ =	shalt  }
0x63: {  	_ =	shalt  }
0x64: {  	_ =	shalt  }
0x65: {  	_ =	shalt  }
0x66: {  	_ =	shalt  }
0x67: {  	_ =	shalt  }
0x68: {  	_ =	shalt  }
0x69: {  	_ =	shalt  }
0x6a: {  	_ =	shalt  }
0x6b: {  	_ =	shalt  }
0x6c: {  	_ =	shalt  }
0x6d: {  	_ =	shalt  }
0x6e: {  	_ =	shalt  }
0x6f: {  	_ =	shalt  }
0x70: {  	_ =	shalt  }
0x71: {  	_ =	shalt  }
0x72: {  	_ =	shalt  }
0x73: {  	_ =	shalt  }
0x74: {  	_ =	shalt  }
0x75: {  	_ =	shalt  }
0x76: {  	_ =	shalt  }
0x77: {  	_ =	shalt  }
0x78: {  	_ =	shalt  }
0x79: {  	_ =	shalt  }
0x7a: {  	_ =	shalt  }
0x7b: {  	_ =	shalt  }
0x7c: {  	_ =	shalt  }
0x7d: {  	_ =	shalt  }
0x7e: {  	_ =	shalt  }
0x7f: {  	_ =	shalt  }
0x80: {  	_ =	shalt  }
0x81: {  	_ =	shalt  }
0x82: {  	_ =	shalt  }
0x83: {  	_ =	shalt  }
0x84: {  	_ =	shalt  }
0x85: {  	_ =	shalt  }
0x86: {  	_ =	shalt  }
0x87: {  	_ =	shalt  }
.Lfunc_end0:
.L_simem_size_0:
called_computation_lowered:
.L_overlay_start_0:
0x88: {  	s2 =	sld [smem:$0x3FD9]  }
0x89: {  	s3 =	sld [smem:$0x3FFE];
	_ =	sdelay $0x1  }
0x8a: {  	s1 =	srdreg.scid  }
0x8b: {  	s0 =	sand.u32 $0x1, s1  }
0x8c: {  	s17 =	sshll.u32 s0, $0xA;
	s2 =	sadd.s32 s3, s2  }
0x8d: {  	s2 =	sadd.s32 s2, s17  }
0x8e: {  	[smem:$0x3FBD] =	sst s2  }
0x8f: {  	_ = 	snop  }
0x90: {  	s2 =	sld [smem:$0x3FC9]  }
0x91: {  	s18 =	sld [smem:$0x3FC8]  }
0x92: {  	s4 =	sld [smem:$0x3FD0];
	(tm) =	ssettm $0x1  }
0x93: {  	s5 =	sld [smem:$0x3FFB];
	_ =	sdelay $0x3  }
0x94: {  	_ =	strace s5  }
0x95: {  	s5 =	sld [smem:$0x3FFC];
	_ =	sdelay $0x3  }
0x96: {  	_ =	strace s5  }
0x97: {  	s5 =	sld [smem:$0x3FFD];
	_ =	sdelay $0x3  }
0x98: {  	_ =	strace s5  }
0x99: {  	_ =	strace $0x8FFFFFFF  }
0x9a: {  	s19 =	sld [smem:$0x3FDB];
	_ =	sdelay $0x1  }
0x9b: {  	s6 =	simm.s32 $_scs_section_size  }
0x9c: {  	s7 =	simm.s32 $_size__tile_overlayer_lowered;
	s8 =	simm.s32 $_tile_overlayer_lowered  }
0x9d: {  	s22 =	simm.s32 $0x1BFF;
	s21 =	sshll.u32 s8, $0x1;
	s5 =	sadd.s32 s6, s19  }
0x9e: {  	s9 =	simm.s32 $0x0;
	s20 =	sshll.u32 s7, $0x1;
	s7 =	sadd.s32 s21, s5  }
0x9f: {  	[timem:s9], [sflag:s22] =	dma.local [hbm:s7], s20  }
0xa0: {  	_ =	swait.ge [sflag:s22], s20  }
0xa1: {  	s6 =	ssub.s32 $0x0, s20;
	[sflag:s22] =	ssyncset.done $0x0  }
0xa2: {  	[sflag:s22] =	ssyncadd.s32 s6;
	_ =	sdelay $0x1  }
0xa3: {  	s23 =	simm.s32 $0x1B8B  }
0xa4: {  	_ =	swait.ge [sflag:s23], $0x1  }
0xa5: {  	[sflag:s23] =	ssyncset.done $0x0  }
0xa6: {  	s25 =	simm.s32 $0x1B8E;
	s24 =	sld [smem:$0x3FFE];
	[sflag:s23] =	ssyncadd.s32 $0xFFFFFFFF  }
0xa7: {  	s26 =	simm.s32 $execute0_lowered;
	[smem:$0x3FD2] =	sst s25  }
0xa8: {  	s7 =	sshll.u32 s26, $0x1;
	_ =	strace $0x80000046;
	[dreg:$0x1] =	wrdreg $0xFFFFFFFF  }
0xa9: {  	s28 =	simm.s32 $_size_execute0_lowered;
	s5 =	sadd.s32 s5, s7;
	[dreg:$0x0] =	wrdreg $0x0  }
0xaa: {  	s7 =	sshll.u32 s28, $0x1;
	[dreg:$0x2] =	wrdreg s5  }
0xab: {  	[dreg:$0x3] =	wrdreg s7  }
0xac: {  	[dreg:$0x4] =	wrdreg $0xC0  }
0xad: {  	_ =	task [dreg:s9], $0x5FFFF  }
0xae: {  	[dreg:$0x1] =	wrdreg $0xFFFFFFFF  }
0xaf: {  	[dreg:$0x0] =	wrdreg $0x60  }
0xb0: {  	[dreg:$0x2] =	wrdreg s2  }
0xb1: {  	[dreg:$0x3] =	wrdreg s18  }
0xb2: {  	[dreg:$0x4] =	wrdreg s24  }
0xb3: {  	[dreg:$0x5] =	wrdreg s4  }
0xb4: {  	[dreg:$0x6] =	wrdreg $0x86000  }
0xb5: {  	[dreg:$0x7] =	wrdreg $0x1C6000  }
0xb6: {  	[dreg:$0x8] =	wrdreg $0x9  }
0xb7: {  	_ =	task.clear_ibuf [dreg:s9], $0x9FFFF;
	_ =	strace $0x90000046  }
0xb8: {  	s29 =	simm.s32 $0x9;
	_ =	strace $0x80000048  }
0xb9: {  	_ =	swait.ge [sflag:s29], $0x1  }
0xba: {  	[sflag:s29] =	ssyncadd.s32 $0xFFFFFFFF  }
0xbb: {  	_ =	strace $0x90000048  }
0xbc: {  	_ =	sfence  }
0xbd: {  	s30 =	sld [smem:$0x0];
	_ =	sdelay $0x2  }
0xbe: {  	s31 =	sshll.u32 s1, $0xD;
	s1 =	sshrl.u32 s1, $0x2  }
0xbf: {  	s3 =	sand.u32 $0x4000, s31;
	s1 =	sadd.s32 s1, s30  }
0xc0: {  	s0 =	sor.u32 s3, s0;
	s1 =	sshll.u32 s1, $0x11  }
0xc1: {  	s0 =	sor.u32 s1, s0  }
0xc2: {  	s0 =	sadd.s32 $0x8F2B, s0  }
0xc3: {  	[sflag:s0] =	ssyncadd.remote.s32 $0x1  }
0xc4: {  	_ =	sfence.sel $0xFFFF  }
0xc5: {  	[dreg:$0x0] =	wrdreg $0xFFFFFFFF;
	(pc) =	sbr.abs _section_cstart, $3  }
0xc6: {  	[dreg:$0x1] =	wrdreg $0xFFFFFFFF  }
0xc7: {  	_ =	task.clear_ibuf [dreg:s9], $0x2FFFF;
	_ =	strace $0x9FFFFFFF  }
0xc8: {  	(tm) =	ssettm $0x7FFFFFFF  }
0xc9: {  	_ =	shalt  }
tec
execute0_lowered:
.L_overlay_start_1:
0x0: {  	(tag) =	ssettag $0x1  }
0x1: {  	s1 =	rddreg [dreg:$0x0]  }
0x2: {  	s0 =	rddreg [dreg:$0x1]  }
0x3: {  	s2 =	rddreg [dreg:$0x2]  }
0x4: {  	s6 =	rddreg [dreg:$0x3]  }
0x5: {  	s3 =	rddreg [dreg:$0x4]  }
0x6: {  	s5 =	srdreg.scid;
	s17 =	stileid.u32  }
0x7: {  	s4 =	rddreg [dreg:$0x5];
	s28 =	simm.s32 $0x8300;
	s29 =	simm.s32 $0x1  }
0x8: {  	s30 =	simm.s32 $0x180;
	s31 =	simm.s32 $0x3;
	s8 =	smul.u32 $0x280, s17  }
0x9: {  	s9 =	sand.u32 $0x1, s5;
	s5 =	simm.s32 $0x0;
	s11 =	smul.u32 $0x50000, s17  }
0xa: {  	s10 =	sadd.s32 $0x3A00, s2;
	s18 =	sshll.u32 s17, $0x6;
	s21 =	smul.u32 $0x271, s17  }
0xb: {  	s7 =	smul.u32 $0x2800, s9;
	[smem:$0x7FF] =	sst s5;
	s14 =	ssub.s32 $0x2, s9  }
0xc: {  	s12 =	sshll.u32 s9, $0x4;
	s18 =	sor.u32 $0x1C0B, s18;
	s19 =	smul.u32 $0x140000, s9  }
0xd: {  	s9 =	smul.u32 $0x2710, s9;
	_ =	strace $0x80000047;
	[dreg:$0x7] =	wrdreg s10  }
0xe: {  	s15 =	sshrl.u32 s14, $0x1;
	s16 =	sor.u32 s17, s12;
	s11 =	sshrl.u32 s11, $0x2  }
0xf: {  	[dreg:$0x8] =	wrdreg s18;
	s7 =	sadd.s32 s8, s7;
	s10 =	ssub.s32 s14, s15  }
0x10: {  	s11 =	sadd.s32 s11, s3;
	s13 =	smul.u32 $0x271, s16;
	s8 =	sadd.s32 s8, s4  }
0x11: {  	s16 =	smul.u32 $0x14000, s17;
	s9 =	sadd.s32 s21, s9;
	s21 =	simm.s32 $0x200  }
0x12: {  	s17 =	simm.s32 $0x0;
	s7 =	sshrl.u32 s7, $0x3;
	s24 =	sshll.u32 s9, $0x2  }
0x13: {  	s25 =	smax.u32 s10, $0x1;
	s9 =	sshrl.u32 s11, $0x3;
	s10 =	simm.s32 $0x280  }
0x14: {  	s11 =	simm.s32 $0x4;
	[dreg:$0x9] =	wrdreg s8;
	s2 =	sadd.s32 s7, s2  }
0x15: {  	s14 =	sshrl.u32 s13, $0x3;
	s15 =	sshll.u32 s13, $0x2;
	s13 =	sadd.s32 $0x271, s13  }
0x16: {  	s12 =	sadd.s32 s16, s19;
	[dreg:$0x10] =	wrdreg s25;
	s26 =	sand.u32 $0x1FFE0, s24  }
0x17: {  	s24 =	simm.s32 $0x300;
	s25 =	simm.s32 $0x6;
	[dreg:$0x11] =	wrdreg s9  }
0x18: {  	s15 =	sand.u32 $0x1FFE0, s15;
	s13 =	sshrl.u32 s13, $0x3;
	s12 =	sshrl.u32 s12, $0x3  }
0x19: {  	s2 =	sadd.s32 $0x6200, s2;
	s16 =	sadd.s32 s26, s1;
	s26 =	simm.s32 $0x4300  }
0x1a: {  	s20 =	sadd.s32 s1, s15;
	s13 =	ssub.s32 s13, s14;
	s6 =	sadd.s32 s6, s12  }
0x1b: {  	[dreg:$0xf] =	wrdreg s2;
	s14 =	simm.s32 $0xB;
	s15 =	simm.s32 $0x8380  }
0x1c: {  	s2 =	simm.s32 $0x7;
	s1 =	simm.s32 $0x8;
	s12 =	simm.s32 $0x9  }
.Ltmp0:
0x1d: {  	s22 =	sadd.s32 $0x20, s20;
	[dreg:$0xa] =	wrdreg s20;
	(pc) =	sbr.rel .LBB2_1-.Ltmp0, $4  }
0x1e: {  	s23 =	sadd.s32 $0x40, s20;
	s7 =	sadd.s32 $0x9C0, s20;
	[dreg:$0xe] =	wrdreg s6  }
0x1f: {  	s20 =	simm.s32 $0x100;
	p0 =	slt.s32 s13, $0x4F;
	[dreg:$0xb] =	wrdreg s22  }
0x20: {  	s6 =	simm.s32 $0x2;
	s13 =	simm.s32 $0xA;
	[dreg:$0xc] =	wrdreg s23  }
0x21: {  	v0 =	vimm.f32 $0.0e+00;
	v1 =	vimm.f32 $1.000000000e+00;
	[dreg:$0xd] =	wrdreg s7;
	s22 =	simm.s32 $0x5;
	s23 =	simm.s32 $0x80  }
.LBB2_4:
0x22: {  	_ =	swait.ge [sflag:s31], $0x4000  }
0x23: {  	[sflag:s31] =	ssyncset.done $0x0  }
0x24: {  	[sflag:s31] =	ssyncadd.s32 $0xFFFFC000  }
0x25: {  	_ =	swait.ge [sflag:s11], $0x4000  }
0x26: {  	[sflag:s11] =	ssyncset.done $0x0  }
0x27: {  	[sflag:s11] =	ssyncadd.s32 $0xFFFFC000  }
0x28: {  	_ =	swait.ge [sflag:s1], $0x80  }
0x29: {  	[sflag:s1] =	ssyncset.done $0x0  }
0x2a: {  	[sflag:s1] =	ssyncadd.s32 $0xFFFFFF80  }
0x2b: {  	_ =	swait.ge [sflag:s12], $0x80  }
0x2c: {  	[sflag:s12] =	ssyncset.done $0x0  }
0x2d: {  	[sflag:s12] =	ssyncadd.s32 $0xFFFFFF80  }
0x2e: {  	_ =	swait.ge [sflag:s13], $0x80  }
0x2f: {  	[sflag:s13] =	ssyncset.done $0x0  }
0x30: {  	s7 =	simm.s32 @!p0 $0x0;
	s8 =	rddreg [dreg:$0xd];
	[sflag:s13] =	ssyncadd.s32 $0xFFFFFF80  }
0x31: {  	[tilespmem:s7], [sflag:$0x5] =	stream.linear.gather @!p0 [hbm4b:s8+s7], $0x100, $0x38;
	[tilespmem:$0x1C880] =	vst v63  }
0x32: {  	s8 =	simm.s32 @!p0 $0x5  }
0x33: {  	_ =	swait.ge @!p0 [sflag:s8], $0x100  }
0x34: {  	[sflag:s8] =	ssyncset.done @!p0 $0x0  }
0x35: {  	s9 =	simm.s32 @!p0 $0x300;
	[sflag:s8] =	ssyncadd.s32 @!p0 $0xFFFFFF00;
	s8 =	simm.s32 @!p0 $0x80  }
0x36: {  	[tilespmem:s9], [sflag:$0x1] =	stream.indirect.gather @!p0 [hbm4b:s0+s8], $0x80, s7, s8, $0xb8;
	[tilespmem:$0x1C880] =	vst v63  }
0x37: {  	s7 =	simm.s32 @!p0 $0x1  }
0x38: {  	_ =	swait.ge @!p0 [sflag:s7], $0x4000  }
0x39: {  	[sflag:s7] =	ssyncset.done @!p0 $0x0  }
0x3a: {  	[sflag:s7] =	ssyncadd.s32 @!p0 $0xFFFFC000;
	s7 =	simm.s32 @!p0 $0xB  }
0x3b: {  	[spmem:s3] =	stream.indirect.scatter.add.f32 @!p0 [tilespmem:s9], [sflag:$0xB], $0x80, s8, s8, $0xb8;
	[tilespmem:$0x1C880] =	vst v63  }
0x3c: {  	_ =	swait.ge @!p0 [sflag:s7], $0x4000  }
0x3d: {  	[sflag:s7] =	ssyncset.done @!p0 $0x0  }
0x3e: {  	s9 =	simm.s32 @!p0 $0x8300;
	[sflag:s7] =	ssyncadd.s32 @!p0 $0xFFFFC000  }
0x3f: {  	[spmem:s4] =	stream.indirect.scatter.add.f32 @!p0 [tilespmem:s9], [sflag:$0xB], $0x1, s8, s8, $0xb8;
	[tilespmem:$0x1C880] =	vst v63  }
0x40: {  	_ =	swait.ge @!p0 [sflag:s7], $0x80  }
0x41: {  	[sflag:s7] =	ssyncset.done @!p0 $0x0  }
0x42: {  	[sflag:s7] =	ssyncadd.s32 @!p0 $0xFFFFFF80  }
0x43: {  	[bflag:$0x0] =	sbarrier.arrive $0xFFFF  }
0x44: {  	s18 =	rddreg [dreg:$0x8]  }
0x45: {  	s15 =	rddreg [dreg:$0xe]  }
0x46: {  	s14 =	simm.s32 $0xB;
	s9 =	rddreg [dreg:$0x11]  }
0x47: {  	[hbm:s15], [sflag:s18] =	dma.local [spmem:s9], $0x2800  }
0x48: {  	_ =	swait.ge [sflag:s14], $0x2800  }
0x49: {  	[sflag:s14] =	ssyncset.done $0x0  }
0x4a: {  	s15 =	simm.s32 $0x8380;
	s8 =	rddreg [dreg:$0x9];
	[sflag:s14] =	ssyncadd.s32 $0xFFFFD800  }
0x4b: {  	[tilespmem:s15], [sflag:$0xB] =	stream.linear.gather [spmem:s8], $0x280, $0x38;
	[tilespmem:$0x1C880] =	vst v63  }
0x4c: {  	_ =	swait.ge [sflag:s14], $0x280  }
0x4d: {  	[sflag:s14] =	ssyncset.done $0x0  }
0x4e: {  	s17 =	rddreg [dreg:$0xf];
	[sflag:s14] =	ssyncadd.s32 $0xFFFFFD80  }
0x4f: {  	[hbm4b:s17+s5] =	stream.linear.scatter [tilespmem:s15], [sflag:$0xB], $0x280, $0x38;
	[tilespmem:$0x1C880] =	vst v63  }
0x50: {  	_ =	swait.ge [sflag:s14], $0x280  }
0x51: {  	s17 =	rddreg [dreg:$0x12]  }
0x52: {  	s19 =	rddreg [dreg:$0x10];
	s17 =	sadd.s32 $0x1, s17  }
0x53: {  	p1 =	sne.s32 s17, s19  }
.Ltmp1:
0x54: {  	_ = 	snop;
	(pc) =	sbr.rel @!p1 .LBB2_5-.Ltmp1, $3  }
0x55: {  	_ =	sdelay $0x1  }
0x56: {  	[sflag:s14] =	ssyncset.done $0x0  }
0x57: {  	[sflag:s14] =	ssyncadd.s32 $0xFFFFFD80  }
.LBB2_1:
0x58: {  	[dreg:$0x12] =	wrdreg s17  }
0x59: {  	s7 =	rddreg [dreg:$0x7]  }
0x5a: {  	[spmem:s9], [sflag:s18] =	dma.local [hbm:s7], $0x2800  }
0x5b: {  	_ =	swait.ge [sflag:s14], $0x2800  }
0x5c: {  	[sflag:s14] =	ssyncset.done $0x0  }
0x5d: {  	[sflag:s14] =	ssyncadd.s32 $0xFFFFD800  }
0x5e: {  	[tilespmem:$0x8380] =	vst v0  }
0x5f: {  	[tilespmem:$0x8390] =	vst v0  }
0x60: {  	[tilespmem:$0x83A0] =	vst v0  }
0x61: {  	[tilespmem:$0x83B0] =	vst v0  }
0x62: {  	[tilespmem:$0x83C0] =	vst v0  }
0x63: {  	[tilespmem:$0x83D0] =	vst v0  }
0x64: {  	[tilespmem:$0x83E0] =	vst v0  }
0x65: {  	[tilespmem:$0x83F0] =	vst v0  }
0x66: {  	[tilespmem:$0x8400] =	vst v0  }
0x67: {  	[tilespmem:$0x8410] =	vst v0  }
0x68: {  	[tilespmem:$0x8420] =	vst v0  }
0x69: {  	[tilespmem:$0x8430] =	vst v0  }
0x6a: {  	[tilespmem:$0x8440] =	vst v0  }
0x6b: {  	[tilespmem:$0x8450] =	vst v0  }
0x6c: {  	[tilespmem:$0x8460] =	vst v0  }
0x6d: {  	[tilespmem:$0x8470] =	vst v0  }
0x6e: {  	[tilespmem:$0x8480] =	vst v0  }
0x6f: {  	[tilespmem:$0x8490] =	vst v0  }
0x70: {  	[tilespmem:$0x84A0] =	vst v0  }
0x71: {  	[tilespmem:$0x84B0] =	vst v0  }
0x72: {  	[tilespmem:$0x84C0] =	vst v0  }
0x73: {  	[tilespmem:$0x84D0] =	vst v0  }
0x74: {  	[tilespmem:$0x84E0] =	vst v0  }
0x75: {  	[tilespmem:$0x84F0] =	vst v0  }
0x76: {  	[tilespmem:$0x8500] =	vst v0  }
0x77: {  	[tilespmem:$0x8510] =	vst v0  }
0x78: {  	[tilespmem:$0x8520] =	vst v0  }
0x79: {  	[tilespmem:$0x8530] =	vst v0  }
0x7a: {  	[tilespmem:$0x8540] =	vst v0  }
0x7b: {  	[tilespmem:$0x8550] =	vst v0  }
0x7c: {  	[tilespmem:$0x8560] =	vst v0  }
0x7d: {  	[tilespmem:$0x8570] =	vst v0  }
0x7e: {  	[tilespmem:$0x8580] =	vst v0  }
0x7f: {  	[tilespmem:$0x8590] =	vst v0  }
0x80: {  	[tilespmem:$0x85A0] =	vst v0  }
0x81: {  	[tilespmem:$0x85B0] =	vst v0  }
0x82: {  	[tilespmem:$0x85C0] =	vst v0  }
0x83: {  	[tilespmem:$0x85D0] =	vst v0  }
0x84: {  	[tilespmem:$0x85E0] =	vst v0  }
0x85: {  	[tilespmem:$0x85F0] =	vst v0  }
0x86: {  	[spmem:s8] =	stream.linear.scatter [tilespmem:s15], [sflag:$0xB], $0x280, $0x38;
	[tilespmem:$0x1C880] =	vst v63  }
0x87: {  	_ =	swait.ge [sflag:s14], $0x280  }
0x88: {  	[sflag:s14] =	ssyncset.done $0x0  }
0x89: {  	[sflag:s14] =	ssyncadd.s32 $0xFFFFFD80  }
0x8a: {  	[tilespmem:$0x8300] =	vst v1  }
0x8b: {  	[tilespmem:$0x8310] =	vst v1  }
0x8c: {  	[tilespmem:$0x8320] =	vst v1  }
0x8d: {  	[tilespmem:$0x8330] =	vst v1  }
0x8e: {  	[tilespmem:$0x8340] =	vst v1  }
0x8f: {  	[tilespmem:$0x8350] =	vst v1  }
0x90: {  	[tilespmem:$0x8360] =	vst v1  }
0x91: {  	[tilespmem:$0x8370] =	vst v1  }
0x92: {  	[bflag:$0x0] =	sbarrier.arrive $0xFFFF  }
0x93: {  	s17 =	rddreg [dreg:$0xa]  }
0x94: {  	[tilespmem:s5], [sflag:$0x5] =	stream.linear.gather [hbm4b:s17+s5], $0x100, $0x38;
	[tilespmem:$0x1C880] =	vst v63  }
0x95: {  	s18 =	rddreg [dreg:$0xb]  }
0x96: {  	[tilespmem:s20], [sflag:$0x6] =	stream.linear.gather [hbm4b:s18+s5], $0x100, $0x38;
	[tilespmem:$0x1C880] =	vst v63  }
0x97: {  	s19 =	rddreg [dreg:$0xc]  }
0x98: {  	[tilespmem:s21], [sflag:$0x7] =	stream.linear.gather [hbm4b:s19+s5], $0x100, $0x38;
	[tilespmem:$0x1C880] =	vst v63  }
0x99: {  	_ =	swait.ge [sflag:s22], $0x100  }
0x9a: {  	[sflag:s22] =	ssyncset.done $0x0  }
0x9b: {  	[sflag:s22] =	ssyncadd.s32 $0xFFFFFF00  }
0x9c: {  	[tilespmem:s24], [sflag:$0x1] =	stream.indirect.gather [hbm4b:s0+s23], $0x80, s5, s23, $0xb8;
	[tilespmem:$0x1C880] =	vst v63  }
0x9d: {  	_ =	swait.ge [sflag:s25], $0x100  }
0x9e: {  	[sflag:s25] =	ssyncset.done $0x0  }
0x9f: {  	[sflag:s25] =	ssyncadd.s32 $0xFFFFFF00  }
0xa0: {  	[tilespmem:s26], [sflag:$0x2] =	stream.indirect.gather [hbm4b:s0+s23], $0x80, s20, s23, $0xb8;
	[tilespmem:$0x1C880] =	vst v63  }
0xa1: {  	s15 =	simm.s32 $0x0  }
0xa2: {  	[spmem:s4] =	stream.indirect.scatter.add.f32 [tilespmem:s28], [sflag:$0x8], $0x1, s23, s23, $0xb8;
	[tilespmem:$0x1C880] =	vst v63  }
.LBB2_2:
0xa3: {  	_ =	swait.ge [sflag:s29], $0x4000  }
0xa4: {  	[sflag:s29] =	ssyncset.done $0x0  }
0xa5: {  	[sflag:s29] =	ssyncadd.s32 $0xFFFFC000  }
0xa6: {  	[spmem:s3] =	stream.indirect.scatter.add.f32 [tilespmem:s24], [sflag:$0x3], $0x80, s23, s23, $0xb8;
	[tilespmem:$0x1C880] =	vst v63  }
0xa7: {  	_ = 	snop  }
0xa8: {  	[spmem:s4] =	stream.indirect.scatter.add.f32 [tilespmem:s28], [sflag:$0x9], $0x1, s30, s23, $0xb8;
	[tilespmem:$0x1C880] =	vst v63  }
0xa9: {  	_ =	swait.ge [sflag:s31], $0x4000  }
0xaa: {  	[sflag:s31] =	ssyncset.done $0x0  }
0xab: {  	[sflag:s31] =	ssyncadd.s32 $0xFFFFC000  }
0xac: {  	_ =	swait.ge [sflag:s2], $0x100  }
0xad: {  	[sflag:s2] =	ssyncset.done $0x0  }
0xae: {  	[sflag:s2] =	ssyncadd.s32 $0xFFFFFF00  }
0xaf: {  	[tilespmem:s24], [sflag:$0x1] =	stream.indirect.gather [hbm4b:s0+s23], $0x80, s21, s23, $0xb8;
	[tilespmem:$0x1C880] =	vst v63  }
0xb0: {  	_ =	swait.ge [sflag:s1], $0x80  }
0xb1: {  	s9 =	sadd.s32 s15, s16;
	[sflag:s1] =	ssyncset.done $0x0  }
0xb2: {  	s19 =	sadd.s32 $0x60, s9;
	[sflag:s1] =	ssyncadd.s32 $0xFFFFFF80  }
0xb3: {  	[tilespmem:s5], [sflag:$0x5] =	stream.linear.gather [hbm4b:s19+s5], $0x100, $0x38;
	[tilespmem:$0x1C880] =	vst v63  }
0xb4: {  	_ =	swait.ge [sflag:s6], $0x4000  }
0xb5: {  	[sflag:s6] =	ssyncset.done $0x0  }
0xb6: {  	[sflag:s6] =	ssyncadd.s32 $0xFFFFC000  }
0xb7: {  	[spmem:s3] =	stream.indirect.scatter.add.f32 [tilespmem:s26], [sflag:$0x4], $0x80, s30, s23, $0xb8;
	[tilespmem:$0x1C880] =	vst v63  }
0xb8: {  	_ = 	snop  }
0xb9: {  	[spmem:s4] =	stream.indirect.scatter.add.f32 [tilespmem:s28], [sflag:$0xA], $0x1, s10, s23, $0xb8;
	[tilespmem:$0x1C880] =	vst v63  }
0xba: {  	_ =	swait.ge [sflag:s11], $0x4000  }
0xbb: {  	[sflag:s11] =	ssyncset.done $0x0  }
0xbc: {  	[sflag:s11] =	ssyncadd.s32 $0xFFFFC000  }
0xbd: {  	_ =	swait.ge [sflag:s22], $0x100  }
0xbe: {  	[sflag:s22] =	ssyncset.done $0x0  }
0xbf: {  	[sflag:s22] =	ssyncadd.s32 $0xFFFFFF00  }
0xc0: {  	[tilespmem:s26], [sflag:$0x2] =	stream.indirect.gather [hbm4b:s0+s23], $0x80, s5, s23, $0xb8;
	[tilespmem:$0x1C880] =	vst v63  }
0xc1: {  	_ =	swait.ge [sflag:s12], $0x80  }
0xc2: {  	[sflag:s12] =	ssyncset.done $0x0  }
0xc3: {  	s17 =	sadd.s32 $0x80, s9;
	[sflag:s12] =	ssyncadd.s32 $0xFFFFFF80  }
0xc4: {  	[tilespmem:s20], [sflag:$0x6] =	stream.linear.gather [hbm4b:s17+s5], $0x100, $0x38;
	[tilespmem:$0x1C880] =	vst v63  }
0xc5: {  	_ =	swait.ge [sflag:s29], $0x4000  }
0xc6: {  	[sflag:s29] =	ssyncset.done $0x0  }
0xc7: {  	[sflag:s29] =	ssyncadd.s32 $0xFFFFC000  }
0xc8: {  	[spmem:s3] =	stream.indirect.scatter.add.f32 [tilespmem:s24], [sflag:$0x3], $0x80, s10, s23, $0xb8;
	[tilespmem:$0x1C880] =	vst v63  }
0xc9: {  	_ = 	snop  }
0xca: {  	[spmem:s4] =	stream.indirect.scatter.add.f32 [tilespmem:s28], [sflag:$0x8], $0x1, s23, s23, $0xb8;
	[tilespmem:$0x1C880] =	vst v63  }
0xcb: {  	_ =	swait.ge [sflag:s31], $0x4000  }
0xcc: {  	[sflag:s31] =	ssyncset.done $0x0  }
0xcd: {  	[sflag:s31] =	ssyncadd.s32 $0xFFFFC000  }
0xce: {  	_ =	swait.ge [sflag:s25], $0x100  }
0xcf: {  	[sflag:s25] =	ssyncset.done $0x0  }
0xd0: {  	[sflag:s25] =	ssyncadd.s32 $0xFFFFFF00  }
0xd1: {  	[tilespmem:s24], [sflag:$0x1] =	stream.indirect.gather [hbm4b:s0+s23], $0x80, s20, s23, $0xb8;
	[tilespmem:$0x1C880] =	vst v63  }
0xd2: {  	_ =	swait.ge [sflag:s13], $0x80  }
0xd3: {  	[sflag:s13] =	ssyncset.done $0x0  }
0xd4: {  	s18 =	sadd.s32 $0xA0, s9;
	[sflag:s13] =	ssyncadd.s32 $0xFFFFFF80  }
0xd5: {  	[tilespmem:s21], [sflag:$0x7] =	stream.linear.gather [hbm4b:s18+s5], $0x100, $0x38;
	[tilespmem:$0x1C880] =	vst v63  }
0xd6: {  	_ =	swait.ge [sflag:s6], $0x4000  }
0xd7: {  	[sflag:s6] =	ssyncset.done $0x0  }
0xd8: {  	[sflag:s6] =	ssyncadd.s32 $0xFFFFC000  }
0xd9: {  	[spmem:s3] =	stream.indirect.scatter.add.f32 [tilespmem:s26], [sflag:$0x4], $0x80, s23, s23, $0xb8;
	[tilespmem:$0x1C880] =	vst v63  }
0xda: {  	_ = 	snop  }
0xdb: {  	[spmem:s4] =	stream.indirect.scatter.add.f32 [tilespmem:s28], [sflag:$0x9], $0x1, s30, s23, $0xb8;
	[tilespmem:$0x1C880] =	vst v63  }
0xdc: {  	_ =	swait.ge [sflag:s11], $0x4000  }
0xdd: {  	[sflag:s11] =	ssyncset.done $0x0  }
0xde: {  	[sflag:s11] =	ssyncadd.s32 $0xFFFFC000  }
0xdf: {  	_ =	swait.ge [sflag:s2], $0x100  }
0xe0: {  	p1 =	sne.s32 s15, $0x900;
	[sflag:s2] =	ssyncset.done $0x0  }
0xe1: {  	s19 =	simm.s32 @p1 $0x8;
	[sflag:s2] =	ssyncadd.s32 $0xFFFFFF00  }
0xe2: {  	[tilespmem:s26], [sflag:$0x2] =	stream.indirect.gather [hbm4b:s0+s23], $0x80, s21, s23, $0xb8;
	[tilespmem:$0x1C880] =	vst v63  }
0xe3: {  	_ =	swait.ge @p1 [sflag:s19], $0x80  }
0xe4: {  	s7 =	sadd.s32 @p1 s15, s16;
	[sflag:s19] =	ssyncset.done @p1 $0x0  }
0xe5: {  	s8 =	simm.s32 @p1 $0x0;
	[sflag:s19] =	ssyncadd.s32 @p1 $0xFFFFFF80;
	s19 =	sadd.s32 @p1 $0xC0, s7  }
0xe6: {  	[tilespmem:s8], [sflag:$0x5] =	stream.linear.gather @p1 [hbm4b:s19+s8], $0x100, $0x38;
	[tilespmem:$0x1C880] =	vst v63  }
0xe7: {  	s19 =	simm.s32 @p1 $0x1  }
0xe8: {  	_ =	swait.ge @p1 [sflag:s19], $0x4000  }
0xe9: {  	s17 =	simm.s32 @p1 $0x180;
	[sflag:s19] =	ssyncset.done @p1 $0x0  }
0xea: {  	s18 =	simm.s32 @p1 $0x300;
	[sflag:s19] =	ssyncadd.s32 @p1 $0xFFFFC000;
	s19 =	simm.s32 @p1 $0x80  }
0xeb: {  	[spmem:s3] =	stream.indirect.scatter.add.f32 @p1 [tilespmem:s18], [sflag:$0x3], $0x80, s17, s19, $0xb8;
	[tilespmem:$0x1C880] =	vst v63  }
0xec: {  	s14 =	simm.s32 @p1 $0x8300;
	s17 =	simm.s32 @p1 $0x280  }
0xed: {  	[spmem:s4] =	stream.indirect.scatter.add.f32 @p1 [tilespmem:s14], [sflag:$0xA], $0x1, s17, s19, $0xb8;
	[tilespmem:$0x1C880] =	vst v63  }
0xee: {  	s14 =	simm.s32 @p1 $0x3  }
0xef: {  	_ =	swait.ge @p1 [sflag:s14], $0x4000  }
0xf0: {  	[sflag:s14] =	ssyncset.done @p1 $0x0  }
0xf1: {  	[sflag:s14] =	ssyncadd.s32 @p1 $0xFFFFC000;
	s14 =	simm.s32 @p1 $0x5  }
0xf2: {  	_ =	swait.ge @p1 [sflag:s14], $0x100  }
0xf3: {  	[sflag:s14] =	ssyncset.done @p1 $0x0  }
0xf4: {  	[sflag:s14] =	ssyncadd.s32 @p1 $0xFFFFFF00;
	s14 =	simm.s32 @p1 $0x9  }
0xf5: {  	[tilespmem:s18], [sflag:$0x1] =	stream.indirect.gather @p1 [hbm4b:s0+s19], $0x80, s8, s19, $0xb8;
	[tilespmem:$0x1C880] =	vst v63  }
0xf6: {  	_ =	swait.ge @p1 [sflag:s14], $0x80  }
0xf7: {  	[sflag:s14] =	ssyncset.done @p1 $0x0  }
0xf8: {  	s7 =	sadd.s32 @p1 $0xE0, s7;
	[sflag:s14] =	ssyncadd.s32 @p1 $0xFFFFFF80;
	s14 =	simm.s32 @p1 $0x100  }
0xf9: {  	[tilespmem:s14], [sflag:$0x6] =	stream.linear.gather @p1 [hbm4b:s7+s8], $0x100, $0x38;
	[tilespmem:$0x1C880] =	vst v63  }
0xfa: {  	s7 =	simm.s32 @!p1 $0x1  }
0xfb: {  	_ =	swait.ge @!p1 [sflag:s7], $0x4000  }
0xfc: {  	s8 =	simm.s32 @!p1 $0x180;
	[sflag:s7] =	ssyncset.done @!p1 $0x0  }
0xfd: {  	s14 =	simm.s32 @!p1 $0x300;
	[sflag:s7] =	ssyncadd.s32 @!p1 $0xFFFFC000;
	s7 =	simm.s32 @!p1 $0x80  }
0xfe: {  	[spmem:s3] =	stream.indirect.scatter.add.f32 @!p1 [tilespmem:s14], [sflag:$0x3], $0x80, s8, s7, $0xb8;
	[tilespmem:$0x1C880] =	vst v63  }
0xff: {  	s8 =	simm.s32 @!p1 $0x280;
	s14 =	simm.s32 @!p1 $0x8300  }
0x100: {  	[spmem:s4] =	stream.indirect.scatter.add.f32 @!p1 [tilespmem:s14], [sflag:$0xA], $0x1, s8, s7, $0xb8;
	[tilespmem:$0x1C880] =	vst v63  }
0x101: {  	p1 =	seq.s32 s15, $0x900  }
.Ltmp2:
0x102: {  	_ = 	snop;
	(pc) =	sbr.rel @p1 .LBB2_4-.Ltmp2, $4  }
0x103: {  	_ =	swait.ge [sflag:s6], $0x4000  }
0x104: {  	[sflag:s6] =	ssyncset.done $0x0  }
0x105: {  	[sflag:s6] =	ssyncadd.s32 $0xFFFFC000  }
0x106: {  	[spmem:s3] =	stream.indirect.scatter.add.f32 [tilespmem:s26], [sflag:$0x4], $0x80, s10, s23, $0xb8;
	[tilespmem:$0x1C880] =	vst v63  }
0x107: {  	[spmem:s4] =	stream.indirect.scatter.add.f32 [tilespmem:s28], [sflag:$0x8], $0x1, s23, s23, $0xb8;
	[tilespmem:$0x1C880] =	vst v63  }
0x108: {  	_ =	swait.ge [sflag:s11], $0x4000  }
0x109: {  	[sflag:s11] =	ssyncset.done $0x0  }
0x10a: {  	[sflag:s11] =	ssyncadd.s32 $0xFFFFC000  }
0x10b: {  	_ =	swait.ge [sflag:s25], $0x100  }
0x10c: {  	[sflag:s25] =	ssyncset.done $0x0  }
0x10d: {  	[sflag:s25] =	ssyncadd.s32 $0xFFFFFF00  }
0x10e: {  	[tilespmem:s26], [sflag:$0x2] =	stream.indirect.gather [hbm4b:s0+s23], $0x80, s20, s23, $0xb8;
	[tilespmem:$0x1C880] =	vst v63  }
.Ltmp3:
0x10f: {  	_ = 	snop;
	(pc) =	sbr.rel .LBB2_2-.Ltmp3, $4  }
0x110: {  	_ =	swait.ge [sflag:s13], $0x80  }
0x111: {  	[sflag:s13] =	ssyncset.done $0x0  }
0x112: {  	s7 =	sadd.s32 $0x100, s9;
	s15 =	sadd.s32 $0xC0, s15;
	[sflag:s13] =	ssyncadd.s32 $0xFFFFFF80  }
0x113: {  	[tilespmem:s21], [sflag:$0x7] =	stream.linear.gather [hbm4b:s7+s5], $0x100, $0x38;
	[tilespmem:$0x1C880] =	vst v63  }
.LBB2_5:
0x114: {  	_ =	sfence.sel $0x180000  }
0x115: {  	[bflag:$0x0] =	sbarrier.arrive $0xFFFF  }
0x116: {  	_ =	strace $0x90000047  }
0x117: {  	s0 =	stileid.u32;
	[bflag:$0x2] =	sbarrier.arrive $0xFFFF  }
0x118: {  	p0 =	sne.s32 s0, $0x0;
	s0 =	rddreg [dreg:$0x6]  }
0x119: {  	s0 =	sadd.s32 @!p0 $0x100000, s0  }
0x11a: {  	[sflag:s0] =	ssyncadd.tile.s32 @!p0 $0x1;
	_ =	shalt  }
.Lfunc_end2:
_tile_overlayer_lowered:
.L_overlay_start_2:
0x11b: {  	(tag) =	ssettag $0x2  }
0x11c: {  	s0 =	rddreg [dreg:$0x0];
	s2 =	stileid.u32  }
0x11d: {  	s1 =	rddreg [dreg:$0x1];
	p0 =	sne.s32 s2, $0x0  }
0x11e: {  	s3 =	rddreg [dreg:$0x2];
	[bflag:$0x3] =	sbarrier.arrive $0xFFFF;
	s2 =	simm.s32 @!p0 $0x1C0B  }
0x11f: {  	[timem:s3], [sflag:s2] =	dma.local @!p0 [hbm:s0], s1  }
0x120: {  	s0 =	simm.s32 @!p0 $0xB  }
0x121: {  	_ =	swait.ge @!p0 [sflag:s0], s1  }
0x122: {  	s1 =	ssub.s32 @!p0 $0x0, s1;
	[sflag:s0] =	ssyncset.done @!p0 $0x0  }
0x123: {  	[sflag:s0] =	ssyncadd.s32 @!p0 s1  }
0x124: {  	[bflag:$0x3] =	sbarrier.arrive $0xFFFF  }
0x125: {  	_ =	shalt  }

</sc_bundles>
